<compile_context>
chip_gen: v7x
topology: tpu7x:2x2x1
jax: 0.10.2.dev20260603
libtpu: 0.0.44.dev20260713+nightly
codegen_flags: <defaults>
</compile_context>

<pallas_src>
import functools

import jax
import jax.numpy as jnp
from jax import lax
from jax.experimental import pallas as pl
from jax.experimental.pallas import tpu as pltpu
from jax.experimental.pallas import tpu_sc as plsc

D_MODEL = 64
EPS = 1e-05

NUM_CORES = 2
NUM_SUBCORES = 16
NUM_WORKERS = NUM_CORES * NUM_SUBCORES

_DN = lax.GatherDimensionNumbers(
    offset_dims=(), collapsed_slice_dims=(0,), start_index_map=(0,))


def _lane_perm(x, idx):
    return lax.gather(x, idx[:, None], _DN, slice_sizes=(1,),
                      mode=lax.GatherScatterMode.PROMISE_IN_BOUNDS)


def _lane_allsum(x):
    lanes = lax.iota(jnp.int32, 16)
    for sh in (8, 4, 2, 1):
        x = x + _lane_perm(x, lanes ^ sh)
    return x


def _transpose16(regs, lanes):
    out = list(regs)
    s = 1
    while s < 16:
        nxt = list(out)
        m = (lanes & s) != 0
        down = (lanes - s) & 15
        up = (lanes + s) & 15
        for i in range(16):
            if i & s:
                continue
            a, b = out[i], out[i + s]
            nxt[i] = jnp.where(m, _lane_perm(b, down), a)
            nxt[i + s] = jnp.where(m, b, _lane_perm(a, up))
        out = nxt
        s *= 2
    return out


def _repack_table(emb_t, tail_emb, vocab):
    n_blk = vocab // 128 + (1 if vocab % 128 else 0)
    n_main = n_blk - 1
    per_w = (n_blk + NUM_WORKERS - 1) // NUM_WORKERS
    mesh = plsc.VectorSubcoreMesh(core_axis_name="c", subcore_axis_name="s")

    @functools.partial(
        pl.kernel,
        mesh=mesh,
        out_type=jax.ShapeDtypeStruct((vocab, 128), jnp.float32),
        scratch_types=[
            pltpu.VMEM((2, D_MODEL, 128), jnp.float32),
            pltpu.VMEM((2, 128, 128), jnp.float32),
            pltpu.VMEM((D_MODEL, 64), jnp.float32),
            pltpu.VMEM((D_MODEL, 128), jnp.float32),
            pltpu.SemaphoreType.DMA,
            pltpu.SemaphoreType.DMA,
        ],
        compiler_params=pltpu.CompilerParams(needs_layout_passes=False),
    )
    def body(emb_hbm, tail_hbm, out_hbm, in_v, tr_v, tail_v, tail_o,
             isem, osem):
        wid = lax.axis_index("s") * NUM_CORES + lax.axis_index("c")
        lanes = lax.iota(jnp.int32, 16)

        def in_copy(blk, buf):
            v0 = pl.multiple_of(blk * 128, 128)
            return pltpu.make_async_copy(
                emb_hbm.at[:, pl.ds(v0, 128)], in_v.at[buf], isem)

        def out_copy(blk, buf):
            v0 = pl.multiple_of(blk * 128, 128)
            return pltpu.make_async_copy(
                tr_v.at[buf], out_hbm.at[pl.ds(v0, 128)], osem)

        def transpose_block(buf, n_vt):
            def vt_step(vt, c1):
                for ct in range(4):
                    regs = [in_v[buf, ct * 16 + i, pl.ds(vt * 16, 16)]
                            for i in range(16)]
                    tr = _transpose16(regs, lanes)
                    for i in range(16):
                        tr_v[buf, vt * 16 + i, pl.ds(ct * 16, 16)] = tr[i]
                return c1
            lax.fori_loop(0, n_vt, vt_step, 0)

        @pl.when(wid < n_main)
        def _():
            in_copy(wid, 0).start()

        def step(t, carry):
            blk = wid + t * NUM_WORKERS
            buf = t % 2

            @pl.when(blk < n_main)
            def _():
                nxt = blk + NUM_WORKERS

                @pl.when(nxt < n_main)
                def _():
                    in_copy(nxt, (t + 1) % 2).start()
                in_copy(blk, buf).wait()

                @pl.when(t >= 2)
                def _():
                    out_copy(blk - 2 * NUM_WORKERS, buf).wait()
                transpose_block(buf, 8)
                out_copy(blk, buf).start()

            @pl.when(blk == n_blk - 1)
            def _():
                v0 = pl.multiple_of((n_blk - 1) * 128, 128)
                pltpu.sync_copy(tail_hbm, tail_v)

                def tail_row(i, c1):
                    for k in range(4):
                        tail_o[i, pl.ds(16 * k, 16)] = (
                            tail_v[i, pl.ds(16 * k, 16)])
                    return c1
                lax.fori_loop(0, 64, tail_row, 0)
                pltpu.sync_copy(tail_o, out_hbm.at[pl.ds(v0, 64)])
            return carry

        lax.fori_loop(0, per_w, step, 0)

        n_mine = (n_main - wid + NUM_WORKERS - 1) // NUM_WORKERS

        @pl.when(n_mine >= 1)
        def _():
            t_last = n_mine - 1
            out_copy(wid + t_last * NUM_WORKERS, t_last % 2).wait()

        @pl.when(n_mine >= 2)
        def _():
            t_prev = n_mine - 2
            out_copy(wid + t_prev * NUM_WORKERS, t_prev % 2).wait()

    return body(emb_t, tail_emb)


CHUNK2 = 128
NG = CHUNK2 // 128


def _gather_logmap(idx2d, pad_tab, n_rows):
    per_w = n_rows // NUM_WORKERS
    steps = per_w // CHUNK2
    mesh = plsc.VectorSubcoreMesh(core_axis_name="c", subcore_axis_name="s")

    @functools.partial(
        pl.kernel,
        mesh=mesh,
        out_type=jax.ShapeDtypeStruct((n_rows, D_MODEL), jnp.float32),
        scratch_types=[
            pltpu.VMEM((4, NG, 128), jnp.int32),
            pltpu.VMEM((4, CHUNK2, 128), jnp.float32),
            pltpu.VMEM((2, CHUNK2, D_MODEL), jnp.float32),
            pltpu.SemaphoreType.DMA,
            pltpu.SemaphoreType.DMA,
            pltpu.SemaphoreType.DMA,
        ],
        compiler_params=pltpu.CompilerParams(needs_layout_passes=False),
    )
    def body(idx_hbm, tab_hbm, out_hbm, idx_v, rows_v, obuf_v,
             isem, gsem, osem):
        wid = lax.axis_index("s") * NUM_CORES + lax.axis_index("c")
        row_base = wid * per_w
        irow_base = row_base // 128

        def idx_copy(g):
            off = pl.multiple_of(irow_base + g * NG, NG)
            return pltpu.make_async_copy(
                idx_hbm.at[pl.ds(off, NG)], idx_v.at[g % 4], isem)

        def gather_copy(g, b):
            return pltpu.make_async_copy(
                tab_hbm.at[idx_v.at[g % 4, b]],
                rows_v.at[g % 4, pl.ds(b * 128, 128)], gsem)

        def gather_wait(g, b):
            return pltpu.make_async_copy(
                tab_hbm.at[pl.ds(0, 128)],
                rows_v.at[g % 4, pl.ds(b * 128, 128)], gsem)

        def out_copy(g, buf):
            off = pl.multiple_of(row_base + g * CHUNK2, CHUNK2)
            return pltpu.make_async_copy(
                obuf_v.at[buf], out_hbm.at[pl.ds(off, CHUNK2)], osem)

        idx_copy(0).start()
        idx_copy(1).start()
        idx_copy(2).start()
        for j in range(2):
            idx_copy(j).wait()
            for b in range(NG):
                gather_copy(j, b).start()

        def step(g, carry):
            buf = g % 2

            @pl.when(g + 2 < steps)
            def _():
                idx_copy(g + 2).wait()
                for b in range(NG):
                    gather_copy(g + 2, b).start()

            for b in range(NG):
                gather_wait(g, b).wait()

            @pl.when(g + 3 < steps)
            def _():
                idx_copy(g + 3).start()

            rview = rows_v.at[g % 4]
            oview = obuf_v.at[buf]

            def row_fix(i, c):
                q = [rview[i, pl.ds(16 * k, 16)] for k in range(4)]
                s = (q[0] * q[0] + q[1] * q[1]) + (q[2] * q[2] + q[3] * q[3])
                nsv = _lane_allsum(s)
                scale = 2.0 / ((1.0 + EPS) - nsv)
                for k in range(4):
                    oview[i, pl.ds(16 * k, 16)] = q[k] * scale
                return c

            lax.fori_loop(0, CHUNK2, row_fix, 0, unroll=16)

            @pl.when(g >= 2)
            def _():
                out_copy(g - 2, buf).wait()
            out_copy(g, buf).start()
            return carry

        lax.fori_loop(0, steps, step, 0)
        out_copy(steps - 2, (steps - 2) % 2).wait()
        out_copy(steps - 1, (steps - 1) % 2).wait()

    return body(idx2d, pad_tab)


def kernel(token_ids, embeddings):
    bsz, seq = token_ids.shape
    vocab, d = embeddings.shape
    n_rows = bsz * seq
    n_full = (vocab // 128) * 128
    pad_tab = _repack_table(embeddings.T, embeddings[n_full:, :], vocab)
    idx2d = token_ids.reshape(n_rows // 128, 128).astype(jnp.int32)
    out = _gather_logmap(idx2d, pad_tab, n_rows)
    return out.reshape(bsz, seq, d)

# --- scband reference (transcript-rebuilt; emitter-appended) ---
"""Pipeline reference for scband-hyperbolic-embedding-28707561407110 (READ-ONLY COPY).

The authoritative reference and input builder live on the scoring server;
editing this copy changes nothing except your own understanding.
"""

import jax, jax.numpy as jnp
import numpy as np

VOCAB_SIZE = 1000000
D_MODEL = 64
EPS = 1e-05

def setup_inputs(seed: int = 0) -> dict:
    key = jax.random.key(seed)
    k_ids, k_emb = jax.random.split(key)
    token_ids = jax.random.randint(k_ids, (4096, 200), 0, VOCAB_SIZE, dtype=jnp.int64 if jax.config.jax_enable_x64 else jnp.int32)
    embeddings = jax.random.normal(k_emb, (VOCAB_SIZE, D_MODEL), dtype=jnp.float32) * 0.01
    return {"token_ids": token_ids, "embeddings": embeddings}

def poincare_to_tangent(x, eps=EPS):
    norm_sq = jnp.sum(x * x, axis=-1, keepdims=True)
    scale = 2.0 / (1.0 - norm_sq + eps)
    return x * scale

def reference(token_ids, embeddings):
    # Embedding lookup (gather)
    x = jnp.take(embeddings, token_ids, axis=0)
    # Logarithmic map at origin: project Poincare disk -> tangent space
    x_tangent = poincare_to_tangent(x, eps=EPS)
    return x_tangent

if __name__ == "__main__":
    import jax
    _d = setup_inputs()
    print(jax.jit(kernel)(*tuple(_d.values())))

</pallas_src>

<mosaic_0001>
#map = affine_map<(d0, d1) -> (0, 0)>
module attributes {stable_mosaic.version = 14 : i64} {
  func.func @body(%arg0: i32, %arg1: i32, %arg2: memref<64x1000000xf32, #tpu.memory_space<hbm>>, %arg3: memref<64x64xf32, #tpu.memory_space<hbm>>, %arg4: memref<1000000x128xf32, #tpu.memory_space<hbm>>, %arg5: memref<2x64x128xf32, #tpu.memory_space<vmem>>, %arg6: memref<2x128x128xf32, #tpu.memory_space<vmem>>, %arg7: memref<64x64xf32, #tpu.memory_space<vmem>>, %arg8: memref<64x128xf32, #tpu.memory_space<vmem>>, %arg9: memref<!tpu.dma_semaphore, #tpu.memory_space<semaphore_mem>>, %arg10: memref<!tpu.dma_semaphore, #tpu.memory_space<semaphore_mem>>) attributes {dimension_semantics = [#tpu.dimension_semantics<core_parallel>, #tpu.dimension_semantics<subcore_parallel>], iteration_bounds = array<i64: 2, 16>, scalar_prefetch = 0 : i64, scratch_operands = 6 : i64, tpu.core_type = #tpu.core_type<sc_vector_subcore>, window_params = [{transform_indices = #map}, {transform_indices = #map}, {transform_indices = #map}]} {
    %mul3A = arith.constant 2 : i32
    %mul3A_0 = arith.muli %arg1, %mul3A : i32
    %add3A = arith.addi %mul3A_0, %arg0 : i32
    %iota3A = tpu.iota {dimensions = array<i32: 0>} : vector<16xi32>
    %lt3A = arith.constant 7812 : i32
    %lt3A_1 = arith.cmpi slt, %add3A, %lt3A : i32
    %convert_element_type3A = arith.extui %lt3A_1 : i1 to i32
    %cond3A = arith.constant 0 : i32
    %cond3A_2 = arith.cmpi ne, %convert_element_type3A, %cond3A : i32
    scf.if %cond3A_2 {
      %mul3A_39 = arith.constant 128 : i32
      %mul3A_40 = arith.muli %add3A, %mul3A_39 : i32
      %multiple_of3A = tpu.assume_multiple %mul3A_40, 128 : i32
      %dma_start3A = arith.constant 0 : i32
      %dma_start3A_41 = arith.constant 0 : i32
      %dma_start3A_42 = arith.constant 0 : i32
      %dma_start3A_43 = tpu.memref_slice %arg5[%dma_start3A, %dma_start3A_41, %dma_start3A_42] : memref<2x64x128xf32, #tpu.memory_space<vmem>> -> memref<1x64x128xf32, #tpu.memory_space<vmem>>
      %dma_start3A_44 = tpu.memref_squeeze %dma_start3A_43 : memref<1x64x128xf32, #tpu.memory_space<vmem>> -> memref<64x128xf32, #tpu.memory_space<vmem>>
      %dma_start3A_45 = arith.constant 0 : i32
      %dma_start3A_46 = tpu.memref_slice %arg2[%dma_start3A_45, %multiple_of3A] : memref<64x1000000xf32, #tpu.memory_space<hbm>> -> memref<64x128xf32, #tpu.memory_space<hbm>>
      %dma_start3A_47 = arith.constant 0 : i32
      %dma_start3A_48 = arith.constant 0 : i32
      %dma_start3A_49 = tpu.memref_slice %arg5[%dma_start3A, %dma_start3A_47, %dma_start3A_48] : memref<2x64x128xf32, #tpu.memory_space<vmem>> -> memref<1x64x128xf32, #tpu.memory_space<vmem>>
      %dma_start3A_50 = tpu.memref_squeeze %dma_start3A_49 : memref<1x64x128xf32, #tpu.memory_space<vmem>> -> memref<64x128xf32, #tpu.memory_space<vmem>>
      %dma_start3A_51 = arith.constant 0 : i32
      %dma_start3A_52 = tpu.memref_slice %arg2[%dma_start3A_51, %multiple_of3A] : memref<64x1000000xf32, #tpu.memory_space<hbm>> -> memref<64x128xf32, #tpu.memory_space<hbm>>
      tpu.enqueue_dma source(%dma_start3A_52 : memref<64x128xf32, #tpu.memory_space<hbm>>) target(%dma_start3A_50 : memref<64x128xf32, #tpu.memory_space<vmem>>) target_semaphore(%arg9 : memref<!tpu.dma_semaphore, #tpu.memory_space<semaphore_mem>>)
    } else {
    }
    %scan3A = arith.constant 0 : i32
    %scan3A_3 = arith.constant 0 : i32
    %scan3A_4 = arith.constant 245 : i32
    %scan3A_5 = arith.addi %scan3A_3, %scan3A_4 : i32
    %scan3A_6 = arith.constant 1 : i32
    scf.for %scan3A_39 = %scan3A_3 to %scan3A_5 step %scan3A_6  : i32 {
      %mul3A_40 = arith.constant 32 : i32
      %mul3A_41 = arith.muli %scan3A_39, %mul3A_40 : i32
      %add3A_42 = arith.addi %add3A, %mul3A_41 : i32
      %jit3A_43 = arith.constant 2 : i32
      %eq3A = arith.constant 0 : i32
      %eq3A_44 = arith.cmpi eq, %jit3A_43, %eq3A : i32
      %jit3A_45 = arith.constant 1 : i32
      %select_n3A_46 = arith.select %eq3A_44, %jit3A_45, %jit3A_43 : i32
      %rem3A_47 = arith.remsi %scan3A_39, %select_n3A_46 : i32
      %ne3A_48 = arith.constant 0 : i32
      %ne3A_49 = arith.cmpi ne, %rem3A_47, %ne3A_48 : i32
      %lt3A_50 = arith.constant 0 : i32
      %lt3A_51 = arith.cmpi slt, %rem3A_47, %lt3A_50 : i32
      %lt3A_52 = arith.constant 0 : i32
      %lt3A_53 = arith.cmpi slt, %select_n3A_46, %lt3A_52 : i32
      %ne3A_54 = arith.xori %lt3A_51, %lt3A_53 : i1
      %and3A_55 = arith.andi %ne3A_54, %ne3A_49 : i1
      %add3A_56 = arith.addi %rem3A_47, %select_n3A_46 : i32
      %select_n3A_57 = arith.select %and3A_55, %add3A_56, %rem3A_47 : i32
      %lt3A_58 = arith.constant 7812 : i32
      %lt3A_59 = arith.cmpi slt, %add3A_42, %lt3A_58 : i32
      %convert_element_type3A_60 = arith.extui %lt3A_59 : i1 to i32
      %cond3A_61 = arith.constant 0 : i32
      %cond3A_62 = arith.cmpi ne, %convert_element_type3A_60, %cond3A_61 : i32
      scf.if %cond3A_62 {
        %add3A_68 = arith.constant 32 : i32
        %add3A_69 = arith.addi %add3A_42, %add3A_68 : i32
        %lt3A_70 = arith.constant 7812 : i32
        %lt3A_71 = arith.cmpi slt, %add3A_69, %lt3A_70 : i32
        %convert_element_type3A_72 = arith.extui %lt3A_71 : i1 to i32
        %cond3A_73 = arith.constant 0 : i32
        %cond3A_74 = arith.cmpi ne, %convert_element_type3A_72, %cond3A_73 : i32
        scf.if %cond3A_74 {
          %add3A_113 = arith.constant 1 : i32
          %add3A_114 = arith.addi %scan3A_39, %add3A_113 : i32
          %jit3A_115 = arith.constant 2 : i32
          %eq3A_116 = arith.constant 0 : i32
          %eq3A_117 = arith.cmpi eq, %jit3A_115, %eq3A_116 : i32
          %jit3A_118 = arith.constant 1 : i32
          %select_n3A_119 = arith.select %eq3A_117, %jit3A_118, %jit3A_115 : i32
          %rem3A_120 = arith.remsi %add3A_114, %select_n3A_119 : i32
          %ne3A_121 = arith.constant 0 : i32
          %ne3A_122 = arith.cmpi ne, %rem3A_120, %ne3A_121 : i32
          %lt3A_123 = arith.constant 0 : i32
          %lt3A_124 = arith.cmpi slt, %rem3A_120, %lt3A_123 : i32
          %lt3A_125 = arith.constant 0 : i32
          %lt3A_126 = arith.cmpi slt, %select_n3A_119, %lt3A_125 : i32
          %ne3A_127 = arith.xori %lt3A_124, %lt3A_126 : i1
          %and3A_128 = arith.andi %ne3A_127, %ne3A_122 : i1
          %add3A_129 = arith.addi %rem3A_120, %select_n3A_119 : i32
          %select_n3A_130 = arith.select %and3A_128, %add3A_129, %rem3A_120 : i32
          %mul3A_131 = arith.constant 128 : i32
          %mul3A_132 = arith.muli %add3A_69, %mul3A_131 : i32
          %multiple_of3A_133 = tpu.assume_multiple %mul3A_132, 128 : i32
          %dma_start3A_134 = arith.constant 0 : i32
          %dma_start3A_135 = arith.constant 0 : i32
          %dma_start3A_136 = tpu.memref_slice %arg5[%select_n3A_130, %dma_start3A_134, %dma_start3A_135] : memref<2x64x128xf32, #tpu.memory_space<vmem>> -> memref<1x64x128xf32, #tpu.memory_space<vmem>>
          %dma_start3A_137 = tpu.memref_squeeze %dma_start3A_136 : memref<1x64x128xf32, #tpu.memory_space<vmem>> -> memref<64x128xf32, #tpu.memory_space<vmem>>
          %dma_start3A_138 = arith.constant 0 : i32
          %dma_start3A_139 = tpu.memref_slice %arg2[%dma_start3A_138, %multiple_of3A_133] : memref<64x1000000xf32, #tpu.memory_space<hbm>> -> memref<64x128xf32, #tpu.memory_space<hbm>>
          %dma_start3A_140 = arith.constant 0 : i32
          %dma_start3A_141 = arith.constant 0 : i32
          %dma_start3A_142 = tpu.memref_slice %arg5[%select_n3A_130, %dma_start3A_140, %dma_start3A_141] : memref<2x64x128xf32, #tpu.memory_space<vmem>> -> memref<1x64x128xf32, #tpu.memory_space<vmem>>
          %dma_start3A_143 = tpu.memref_squeeze %dma_start3A_142 : memref<1x64x128xf32, #tpu.memory_space<vmem>> -> memref<64x128xf32, #tpu.memory_space<vmem>>
          %dma_start3A_144 = arith.constant 0 : i32
          %dma_start3A_145 = tpu.memref_slice %arg2[%dma_start3A_144, %multiple_of3A_133] : memref<64x1000000xf32, #tpu.memory_space<hbm>> -> memref<64x128xf32, #tpu.memory_space<hbm>>
          tpu.enqueue_dma source(%dma_start3A_145 : memref<64x128xf32, #tpu.memory_space<hbm>>) target(%dma_start3A_143 : memref<64x128xf32, #tpu.memory_space<vmem>>) target_semaphore(%arg9 : memref<!tpu.dma_semaphore, #tpu.memory_space<semaphore_mem>>)
        } else {
        }
        %mul3A_75 = arith.constant 128 : i32
        %mul3A_76 = arith.muli %add3A_42, %mul3A_75 : i32
        %multiple_of3A = tpu.assume_multiple %mul3A_76, 128 : i32
        %dma_wait3A = arith.constant 0 : i32
        %dma_wait3A_77 = arith.constant 0 : i32
        %dma_wait3A_78 = tpu.memref_slice %arg5[%select_n3A_57, %dma_wait3A, %dma_wait3A_77] : memref<2x64x128xf32, #tpu.memory_space<vmem>> -> memref<1x64x128xf32, #tpu.memory_space<vmem>>
        %dma_wait3A_79 = tpu.memref_squeeze %dma_wait3A_78 : memref<1x64x128xf32, #tpu.memory_space<vmem>> -> memref<64x128xf32, #tpu.memory_space<vmem>>
        %dma_wait3A_80 = arith.constant 0 : i32
        %dma_wait3A_81 = tpu.memref_slice %arg2[%dma_wait3A_80, %multiple_of3A] : memref<64x1000000xf32, #tpu.memory_space<hbm>> -> memref<64x128xf32, #tpu.memory_space<hbm>>
        %dma_wait3A_82 = arith.constant 0 : i32
        %dma_wait3A_83 = arith.constant 0 : i32
        %dma_wait3A_84 = tpu.memref_slice %arg5[%select_n3A_57, %dma_wait3A_82, %dma_wait3A_83] : memref<2x64x128xf32, #tpu.memory_space<vmem>> -> memref<1x64x128xf32, #tpu.memory_space<vmem>>
        %dma_wait3A_85 = tpu.memref_squeeze %dma_wait3A_84 : memref<1x64x128xf32, #tpu.memory_space<vmem>> -> memref<64x128xf32, #tpu.memory_space<vmem>>
        %dma_wait3A_86 = arith.constant 0 : i32
        %dma_wait3A_87 = tpu.memref_slice %arg2[%dma_wait3A_86, %multiple_of3A] : memref<64x1000000xf32, #tpu.memory_space<hbm>> -> memref<64x128xf32, #tpu.memory_space<hbm>>
        tpu.wait_dma2 semaphore(%arg9 : memref<!tpu.dma_semaphore, #tpu.memory_space<semaphore_mem>>) src(%dma_wait3A_87 : memref<64x128xf32, #tpu.memory_space<hbm>>) dst(%dma_wait3A_85 : memref<64x128xf32, #tpu.memory_space<vmem>>)
        %ge3A_88 = arith.constant 2 : i32
        %ge3A_89 = arith.cmpi sge, %scan3A_39, %ge3A_88 : i32
        %convert_element_type3A_90 = arith.extui %ge3A_89 : i1 to i32
        %cond3A_91 = arith.constant 0 : i32
        %cond3A_92 = arith.cmpi ne, %convert_element_type3A_90, %cond3A_91 : i32
        scf.if %cond3A_92 {
          %sub3A_113 = arith.constant 64 : i32
          %sub3A_114 = arith.subi %add3A_42, %sub3A_113 : i32
          %mul3A_115 = arith.constant 128 : i32
          %mul3A_116 = arith.muli %sub3A_114, %mul3A_115 : i32
          %multiple_of3A_117 = tpu.assume_multiple %mul3A_116, 128 : i32
          %dma_wait3A_118 = arith.constant 0 : i32
          %dma_wait3A_119 = arith.constant 0 : i32
          %dma_wait3A_120 = tpu.memref_slice %arg6[%select_n3A_57, %dma_wait3A_118, %dma_wait3A_119] : memref<2x128x128xf32, #tpu.memory_space<vmem>> -> memref<1x128x128xf32, #tpu.memory_space<vmem>>
          %dma_wait3A_121 = tpu.memref_squeeze %dma_wait3A_120 : memref<1x128x128xf32, #tpu.memory_space<vmem>> -> memref<128x128xf32, #tpu.memory_space<vmem>>
          %dma_wait3A_122 = arith.constant 0 : i32
          %dma_wait3A_123 = tpu.memref_slice %arg4[%multiple_of3A_117, %dma_wait3A_122] : memref<1000000x128xf32, #tpu.memory_space<hbm>> -> memref<128x128xf32, #tpu.memory_space<hbm>>
          %dma_wait3A_124 = arith.constant 0 : i32
          %dma_wait3A_125 = tpu.memref_slice %arg4[%multiple_of3A_117, %dma_wait3A_124] : memref<1000000x128xf32, #tpu.memory_space<hbm>> -> memref<128x128xf32, #tpu.memory_space<hbm>>
          %dma_wait3A_126 = arith.constant 0 : i32
          %dma_wait3A_127 = arith.constant 0 : i32
          %dma_wait3A_128 = tpu.memref_slice %arg6[%select_n3A_57, %dma_wait3A_126, %dma_wait3A_127] : memref<2x128x128xf32, #tpu.memory_space<vmem>> -> memref<1x128x128xf32, #tpu.memory_space<vmem>>
          %dma_wait3A_129 = tpu.memref_squeeze %dma_wait3A_128 : memref<1x128x128xf32, #tpu.memory_space<vmem>> -> memref<128x128xf32, #tpu.memory_space<vmem>>
          tpu.wait_dma2 semaphore(%arg10 : memref<!tpu.dma_semaphore, #tpu.memory_space<semaphore_mem>>) src(%dma_wait3A_129 : memref<128x128xf32, #tpu.memory_space<vmem>>) dst(%dma_wait3A_125 : memref<128x128xf32, #tpu.memory_space<hbm>>)
        } else {
        }
        %scan3A_93 = arith.constant 0 : i32
        %scan3A_94 = arith.constant 0 : i32
        %scan3A_95 = arith.constant 8 : i32
        %scan3A_96 = arith.addi %scan3A_94, %scan3A_95 : i32
        %scan3A_97 = arith.constant 1 : i32
        scf.for %scan3A_113 = %scan3A_94 to %scan3A_96 step %scan3A_97  : i32 {
          %mul3A_114 = arith.constant 16 : i32
          %mul3A_115 = arith.muli %scan3A_113, %mul3A_114 : i32
          %get3A = arith.constant 0 : i32
          %get3A_116 = arith.index_cast %select_n3A_57 : i32 to index
          %get3A_117 = arith.index_cast %get3A : i32 to index
          %get3A_118 = arith.index_cast %mul3A_115 : i32 to index
          %get3A_119 = tpu.vector_load %arg5[%get3A_116, %get3A_117, %get3A_118] {strides = array<i32>} : memref<2x64x128xf32, #tpu.memory_space<vmem>>, vector<16xf32>,
          %mul3A_120 = arith.constant 16 : i32
          %mul3A_121 = arith.muli %scan3A_113, %mul3A_120 : i32
          %get3A_122 = arith.constant 1 : i32
          %get3A_123 = arith.index_cast %select_n3A_57 : i32 to index
          %get3A_124 = arith.index_cast %get3A_122 : i32 to index
          %get3A_125 = arith.index_cast %mul3A_121 : i32 to index
          %get3A_126 = tpu.vector_load %arg5[%get3A_123, %get3A_124, %get3A_125] {strides = array<i32>} : memref<2x64x128xf32, #tpu.memory_space<vmem>>, vector<16xf32>,
          %mul3A_127 = arith.constant 16 : i32
          %mul3A_128 = arith.muli %scan3A_113, %mul3A_127 : i32
          %get3A_129 = arith.constant 2 : i32
          %get3A_130 = arith.index_cast %select_n3A_57 : i32 to index
          %get3A_131 = arith.index_cast %get3A_129 : i32 to index
          %get3A_132 = arith.index_cast %mul3A_128 : i32 to index
          %get3A_133 = tpu.vector_load %arg5[%get3A_130, %get3A_131, %get3A_132] {strides = array<i32>} : memref<2x64x128xf32, #tpu.memory_space<vmem>>, vector<16xf32>,
          %mul3A_134 = arith.constant 16 : i32
          %mul3A_135 = arith.muli %scan3A_113, %mul3A_134 : i32
          %get3A_136 = arith.constant 3 : i32
          %get3A_137 = arith.index_cast %select_n3A_57 : i32 to index
          %get3A_138 = arith.index_cast %get3A_136 : i32 to index
          %get3A_139 = arith.index_cast %mul3A_135 : i32 to index
          %get3A_140 = tpu.vector_load %arg5[%get3A_137, %get3A_138, %get3A_139] {strides = array<i32>} : memref<2x64x128xf32, #tpu.memory_space<vmem>>, vector<16xf32>,
          %mul3A_141 = arith.constant 16 : i32
          %mul3A_142 = arith.muli %scan3A_113, %mul3A_141 : i32
          %get3A_143 = arith.constant 4 : i32
          %get3A_144 = arith.index_cast %select_n3A_57 : i32 to index
          %get3A_145 = arith.index_cast %get3A_143 : i32 to index
          %get3A_146 = arith.index_cast %mul3A_142 : i32 to index
          %get3A_147 = tpu.vector_load %arg5[%get3A_144, %get3A_145, %get3A_146] {strides = array<i32>} : memref<2x64x128xf32, #tpu.memory_space<vmem>>, vector<16xf32>,
          %mul3A_148 = arith.constant 16 : i32
          %mul3A_149 = arith.muli %scan3A_113, %mul3A_148 : i32
          %get3A_150 = arith.constant 5 : i32
          %get3A_151 = arith.index_cast %select_n3A_57 : i32 to index
          %get3A_152 = arith.index_cast %get3A_150 : i32 to index
          %get3A_153 = arith.index_cast %mul3A_149 : i32 to index
          %get3A_154 = tpu.vector_load %arg5[%get3A_151, %get3A_152, %get3A_153] {strides = array<i32>} : memref<2x64x128xf32, #tpu.memory_space<vmem>>, vector<16xf32>,
          %mul3A_155 = arith.constant 16 : i32
          %mul3A_156 = arith.muli %scan3A_113, %mul3A_155 : i32
          %get3A_157 = arith.constant 6 : i32
          %get3A_158 = arith.index_cast %select_n3A_57 : i32 to index
          %get3A_159 = arith.index_cast %get3A_157 : i32 to index
          %get3A_160 = arith.index_cast %mul3A_156 : i32 to index
          %get3A_161 = tpu.vector_load %arg5[%get3A_158, %get3A_159, %get3A_160] {strides = array<i32>} : memref<2x64x128xf32, #tpu.memory_space<vmem>>, vector<16xf32>,
          %mul3A_162 = arith.constant 16 : i32
          %mul3A_163 = arith.muli %scan3A_113, %mul3A_162 : i32
          %get3A_164 = arith.constant 7 : i32
          %get3A_165 = arith.index_cast %select_n3A_57 : i32 to index
          %get3A_166 = arith.index_cast %get3A_164 : i32 to index
          %get3A_167 = arith.index_cast %mul3A_163 : i32 to index
          %get3A_168 = tpu.vector_load %arg5[%get3A_165, %get3A_166, %get3A_167] {strides = array<i32>} : memref<2x64x128xf32, #tpu.memory_space<vmem>>, vector<16xf32>,
          %mul3A_169 = arith.constant 16 : i32
          %mul3A_170 = arith.muli %scan3A_113, %mul3A_169 : i32
          %get3A_171 = arith.constant 8 : i32
          %get3A_172 = arith.index_cast %select_n3A_57 : i32 to index
          %get3A_173 = arith.index_cast %get3A_171 : i32 to index
          %get3A_174 = arith.index_cast %mul3A_170 : i32 to index
          %get3A_175 = tpu.vector_load %arg5[%get3A_172, %get3A_173, %get3A_174] {strides = array<i32>} : memref<2x64x128xf32, #tpu.memory_space<vmem>>, vector<16xf32>,
          %mul3A_176 = arith.constant 16 : i32
          %mul3A_177 = arith.muli %scan3A_113, %mul3A_176 : i32
          %get3A_178 = arith.constant 9 : i32
          %get3A_179 = arith.index_cast %select_n3A_57 : i32 to index
          %get3A_180 = arith.index_cast %get3A_178 : i32 to index
          %get3A_181 = arith.index_cast %mul3A_177 : i32 to index
          %get3A_182 = tpu.vector_load %arg5[%get3A_179, %get3A_180, %get3A_181] {strides = array<i32>} : memref<2x64x128xf32, #tpu.memory_space<vmem>>, vector<16xf32>,
          %mul3A_183 = arith.constant 16 : i32
          %mul3A_184 = arith.muli %scan3A_113, %mul3A_183 : i32
          %get3A_185 = arith.constant 10 : i32
          %get3A_186 = arith.index_cast %select_n3A_57 : i32 to index
          %get3A_187 = arith.index_cast %get3A_185 : i32 to index
          %get3A_188 = arith.index_cast %mul3A_184 : i32 to index
          %get3A_189 = tpu.vector_load %arg5[%get3A_186, %get3A_187, %get3A_188] {strides = array<i32>} : memref<2x64x128xf32, #tpu.memory_space<vmem>>, vector<16xf32>,
          %mul3A_190 = arith.constant 16 : i32
          %mul3A_191 = arith.muli %scan3A_113, %mul3A_190 : i32
          %get3A_192 = arith.constant 11 : i32
          %get3A_193 = arith.index_cast %select_n3A_57 : i32 to index
          %get3A_194 = arith.index_cast %get3A_192 : i32 to index
          %get3A_195 = arith.index_cast %mul3A_191 : i32 to index
          %get3A_196 = tpu.vector_load %arg5[%get3A_193, %get3A_194, %get3A_195] {strides = array<i32>} : memref<2x64x128xf32, #tpu.memory_space<vmem>>, vector<16xf32>,
          %mul3A_197 = arith.constant 16 : i32
          %mul3A_198 = arith.muli %scan3A_113, %mul3A_197 : i32
          %get3A_199 = arith.constant 12 : i32
          %get3A_200 = arith.index_cast %select_n3A_57 : i32 to index
          %get3A_201 = arith.index_cast %get3A_199 : i32 to index
          %get3A_202 = arith.index_cast %mul3A_198 : i32 to index
          %get3A_203 = tpu.vector_load %arg5[%get3A_200, %get3A_201, %get3A_202] {strides = array<i32>} : memref<2x64x128xf32, #tpu.memory_space<vmem>>, vector<16xf32>,
          %mul3A_204 = arith.constant 16 : i32
          %mul3A_205 = arith.muli %scan3A_113, %mul3A_204 : i32
          %get3A_206 = arith.constant 13 : i32
          %get3A_207 = arith.index_cast %select_n3A_57 : i32 to index
          %get3A_208 = arith.index_cast %get3A_206 : i32 to index
          %get3A_209 = arith.index_cast %mul3A_205 : i32 to index
          %get3A_210 = tpu.vector_load %arg5[%get3A_207, %get3A_208, %get3A_209] {strides = array<i32>} : memref<2x64x128xf32, #tpu.memory_space<vmem>>, vector<16xf32>,
          %mul3A_211 = arith.constant 16 : i32
          %mul3A_212 = arith.muli %scan3A_113, %mul3A_211 : i32
          %get3A_213 = arith.constant 14 : i32
          %get3A_214 = arith.index_cast %select_n3A_57 : i32 to index
          %get3A_215 = arith.index_cast %get3A_213 : i32 to index
          %get3A_216 = arith.index_cast %mul3A_212 : i32 to index
          %get3A_217 = tpu.vector_load %arg5[%get3A_214, %get3A_215, %get3A_216] {strides = array<i32>} : memref<2x64x128xf32, #tpu.memory_space<vmem>>, vector<16xf32>,
          %mul3A_218 = arith.constant 16 : i32
          %mul3A_219 = arith.muli %scan3A_113, %mul3A_218 : i32
          %get3A_220 = arith.constant 15 : i32
          %get3A_221 = arith.index_cast %select_n3A_57 : i32 to index
          %get3A_222 = arith.index_cast %get3A_220 : i32 to index
          %get3A_223 = arith.index_cast %mul3A_219 : i32 to index
          %get3A_224 = tpu.vector_load %arg5[%get3A_221, %get3A_222, %get3A_223] {strides = array<i32>} : memref<2x64x128xf32, #tpu.memory_space<vmem>>, vector<16xf32>,
          %and3A_225 = arith.constant 1 : i32
          %and3A_226 = vector.broadcast %and3A_225 : i32 to vector<16xi32>
          %and3A_227 = arith.andi %iota3A, %and3A_226 : vector<16xi32>
          %ne3A_228 = arith.constant 0 : i32
          %ne3A_229 = vector.broadcast %ne3A_228 : i32 to vector<16xi32>
          %ne3A_230 = arith.cmpi ne, %and3A_227, %ne3A_229 : vector<16xi32>
          %sub3A_231 = arith.constant 1 : i32
          %sub3A_232 = vector.broadcast %sub3A_231 : i32 to vector<16xi32>
          %sub3A_233 = arith.subi %iota3A, %sub3A_232 : vector<16xi32>
          %and3A_234 = arith.constant 15 : i32
          %and3A_235 = vector.broadcast %and3A_234 : i32 to vector<16xi32>
          %and3A_236 = arith.andi %sub3A_233, %and3A_235 : vector<16xi32>
          %add3A_237 = arith.constant 1 : i32
          %add3A_238 = vector.broadcast %add3A_237 : i32 to vector<16xi32>
          %add3A_239 = arith.addi %iota3A, %add3A_238 : vector<16xi32>
          %and3A_240 = arith.constant 15 : i32
          %and3A_241 = vector.broadcast %and3A_240 : i32 to vector<16xi32>
          %and3A_242 = arith.andi %add3A_239, %and3A_241 : vector<16xi32>
          %broadcast_in_dim3A = vector.shape_cast %and3A_236 : vector<16xi32> to vector<16x1xi32>
          %gather3A = vector.shape_cast %broadcast_in_dim3A : vector<16x1xi32> to vector<16xi32>
          %gather3A_243 = tpu.dynamic_gather %get3A_126[%gather3A] in [0] : vector<16xf32>, vector<16xi32> -> vector<16xf32>
          %select_n3A_244 = arith.select %ne3A_230, %gather3A_243, %get3A_119 : vector<16xi1>, vector<16xf32>
          %broadcast_in_dim3A_245 = vector.shape_cast %and3A_242 : vector<16xi32> to vector<16x1xi32>
          %gather3A_246 = vector.shape_cast %broadcast_in_dim3A_245 : vector<16x1xi32> to vector<16xi32>
          %gather3A_247 = tpu.dynamic_gather %get3A_119[%gather3A_246] in [0] : vector<16xf32>, vector<16xi32> -> vector<16xf32>
          %select_n3A_248 = arith.select %ne3A_230, %get3A_126, %gather3A_247 : vector<16xi1>, vector<16xf32>
          %broadcast_in_dim3A_249 = vector.shape_cast %and3A_236 : vector<16xi32> to vector<16x1xi32>
          %gather3A_250 = vector.shape_cast %broadcast_in_dim3A_249 : vector<16x1xi32> to vector<16xi32>
          %gather3A_251 = tpu.dynamic_gather %get3A_140[%gather3A_250] in [0] : vector<16xf32>, vector<16xi32> -> vector<16xf32>
          %select_n3A_252 = arith.select %ne3A_230, %gather3A_251, %get3A_133 : vector<16xi1>, vector<16xf32>
          %broadcast_in_dim3A_253 = vector.shape_cast %and3A_242 : vector<16xi32> to vector<16x1xi32>
          %gather3A_254 = vector.shape_cast %broadcast_in_dim3A_253 : vector<16x1xi32> to vector<16xi32>
          %gather3A_255 = tpu.dynamic_gather %get3A_133[%gather3A_254] in [0] : vector<16xf32>, vector<16xi32> -> vector<16xf32>
          %select_n3A_256 = arith.select %ne3A_230, %get3A_140, %gather3A_255 : vector<16xi1>, vector<16xf32>
          %broadcast_in_dim3A_257 = vector.shape_cast %and3A_236 : vector<16xi32> to vector<16x1xi32>
          %gather3A_258 = vector.shape_cast %broadcast_in_dim3A_257 : vector<16x1xi32> to vector<16xi32>
          %gather3A_259 = tpu.dynamic_gather %get3A_154[%gather3A_258] in [0] : vector<16xf32>, vector<16xi32> -> vector<16xf32>
          %select_n3A_260 = arith.select %ne3A_230, %gather3A_259, %get3A_147 : vector<16xi1>, vector<16xf32>
          %broadcast_in_dim3A_261 = vector.shape_cast %and3A_242 : vector<16xi32> to vector<16x1xi32>
          %gather3A_262 = vector.shape_cast %broadcast_in_dim3A_261 : vector<16x1xi32> to vector<16xi32>
          %gather3A_263 = tpu.dynamic_gather %get3A_147[%gather3A_262] in [0] : vector<16xf32>, vector<16xi32> -> vector<16xf32>
          %select_n3A_264 = arith.select %ne3A_230, %get3A_154, %gather3A_263 : vector<16xi1>, vector<16xf32>
          %broadcast_in_dim3A_265 = vector.shape_cast %and3A_236 : vector<16xi32> to vector<16x1xi32>
          %gather3A_266 = vector.shape_cast %broadcast_in_dim3A_265 : vector<16x1xi32> to vector<16xi32>
          %gather3A_267 = tpu.dynamic_gather %get3A_168[%gather3A_266] in [0] : vector<16xf32>, vector<16xi32> -> vector<16xf32>
          %select_n3A_268 = arith.select %ne3A_230, %gather3A_267, %get3A_161 : vector<16xi1>, vector<16xf32>
          %broadcast_in_dim3A_269 = vector.shape_cast %and3A_242 : vector<16xi32> to vector<16x1xi32>
          %gather3A_270 = vector.shape_cast %broadcast_in_dim3A_269 : vector<16x1xi32> to vector<16xi32>
          %gather3A_271 = tpu.dynamic_gather %get3A_161[%gather3A_270] in [0] : vector<16xf32>, vector<16xi32> -> vector<16xf32>
          %select_n3A_272 = arith.select %ne3A_230, %get3A_168, %gather3A_271 : vector<16xi1>, vector<16xf32>
          %broadcast_in_dim3A_273 = vector.shape_cast %and3A_236 : vector<16xi32> to vector<16x1xi32>
          %gather3A_274 = vector.shape_cast %broadcast_in_dim3A_273 : vector<16x1xi32> to vector<16xi32>
          %gather3A_275 = tpu.dynamic_gather %get3A_182[%gather3A_274] in [0] : vector<16xf32>, vector<16xi32> -> vector<16xf32>
          %select_n3A_276 = arith.select %ne3A_230, %gather3A_275, %get3A_175 : vector<16xi1>, vector<16xf32>
          %broadcast_in_dim3A_277 = vector.shape_cast %and3A_242 : vector<16xi32> to vector<16x1xi32>
          %gather3A_278 = vector.shape_cast %broadcast_in_dim3A_277 : vector<16x1xi32> to vector<16xi32>
          %gather3A_279 = tpu.dynamic_gather %get3A_175[%gather3A_278] in [0] : vector<16xf32>, vector<16xi32> -> vector<16xf32>
          %select_n3A_280 = arith.select %ne3A_230, %get3A_182, %gather3A_279 : vector<16xi1>, vector<16xf32>
          %broadcast_in_dim3A_281 = vector.shape_cast %and3A_236 : vector<16xi32> to vector<16x1xi32>
          %gather3A_282 = vector.shape_cast %broadcast_in_dim3A_281 : vector<16x1xi32> to vector<16xi32>
          %gather3A_283 = tpu.dynamic_gather %get3A_196[%gather3A_282] in [0] : vector<16xf32>, vector<16xi32> -> vector<16xf32>
          %select_n3A_284 = arith.select %ne3A_230, %gather3A_283, %get3A_189 : vector<16xi1>, vector<16xf32>
          %broadcast_in_dim3A_285 = vector.shape_cast %and3A_242 : vector<16xi32> to vector<16x1xi32>
          %gather3A_286 = vector.shape_cast %broadcast_in_dim3A_285 : vector<16x1xi32> to vector<16xi32>
          %gather3A_287 = tpu.dynamic_gather %get3A_189[%gather3A_286] in [0] : vector<16xf32>, vector<16xi32> -> vector<16xf32>
          %select_n3A_288 = arith.select %ne3A_230, %get3A_196, %gather3A_287 : vector<16xi1>, vector<16xf32>
          %broadcast_in_dim3A_289 = vector.shape_cast %and3A_236 : vector<16xi32> to vector<16x1xi32>
          %gather3A_290 = vector.shape_cast %broadcast_in_dim3A_289 : vector<16x1xi32> to vector<16xi32>
          %gather3A_291 = tpu.dynamic_gather %get3A_210[%gather3A_290] in [0] : vector<16xf32>, vector<16xi32> -> vector<16xf32>
          %select_n3A_292 = arith.select %ne3A_230, %gather3A_291, %get3A_203 : vector<16xi1>, vector<16xf32>
          %broadcast_in_dim3A_293 = vector.shape_cast %and3A_242 : vector<16xi32> to vector<16x1xi32>
          %gather3A_294 = vector.shape_cast %broadcast_in_dim3A_293 : vector<16x1xi32> to vector<16xi32>
          %gather3A_295 = tpu.dynamic_gather %get3A_203[%gather3A_294] in [0] : vector<16xf32>, vector<16xi32> -> vector<16xf32>
          %select_n3A_296 = arith.select %ne3A_230, %get3A_210, %gather3A_295 : vector<16xi1>, vector<16xf32>
          %broadcast_in_dim3A_297 = vector.shape_cast %and3A_236 : vector<16xi32> to vector<16x1xi32>
          %gather3A_298 = vector.shape_cast %broadcast_in_dim3A_297 : vector<16x1xi32> to vector<16xi32>
          %gather3A_299 = tpu.dynamic_gather %get3A_224[%gather3A_298] in [0] : vector<16xf32>, vector<16xi32> -> vector<16xf32>
          %select_n3A_300 = arith.select %ne3A_230, %gather3A_299, %get3A_217 : vector<16xi1>, vector<16xf32>
          %broadcast_in_dim3A_301 = vector.shape_cast %and3A_242 : vector<16xi32> to vector<16x1xi32>
          %gather3A_302 = vector.shape_cast %broadcast_in_dim3A_301 : vector<16x1xi32> to vector<16xi32>
          %gather3A_303 = tpu.dynamic_gather %get3A_217[%gather3A_302] in [0] : vector<16xf32>, vector<16xi32> -> vector<16xf32>
          %select_n3A_304 = arith.select %ne3A_230, %get3A_224, %gather3A_303 : vector<16xi1>, vector<16xf32>
          %and3A_305 = arith.constant 2 : i32
          %and3A_306 = vector.broadcast %and3A_305 : i32 to vector<16xi32>
          %and3A_307 = arith.andi %iota3A, %and3A_306 : vector<16xi32>
          %ne3A_308 = arith.constant 0 : i32
          %ne3A_309 = vector.broadcast %ne3A_308 : i32 to vector<16xi32>
          %ne3A_310 = arith.cmpi ne, %and3A_307, %ne3A_309 : vector<16xi32>
          %sub3A_311 = arith.constant 2 : i32
          %sub3A_312 = vector.broadcast %sub3A_311 : i32 to vector<16xi32>
          %sub3A_313 = arith.subi %iota3A, %sub3A_312 : vector<16xi32>
          %and3A_314 = arith.constant 15 : i32
          %and3A_315 = vector.broadcast %and3A_314 : i32 to vector<16xi32>
          %and3A_316 = arith.andi %sub3A_313, %and3A_315 : vector<16xi32>
          %add3A_317 = arith.constant 2 : i32
          %add3A_318 = vector.broadcast %add3A_317 : i32 to vector<16xi32>
          %add3A_319 = arith.addi %iota3A, %add3A_318 : vector<16xi32>
          %and3A_320 = arith.constant 15 : i32
          %and3A_321 = vector.broadcast %and3A_320 : i32 to vector<16xi32>
          %and3A_322 = arith.andi %add3A_319, %and3A_321 : vector<16xi32>
          %broadcast_in_dim3A_323 = vector.shape_cast %and3A_316 : vector<16xi32> to vector<16x1xi32>
          %gather3A_324 = vector.shape_cast %broadcast_in_dim3A_323 : vector<16x1xi32> to vector<16xi32>
          %gather3A_325 = tpu.dynamic_gather %select_n3A_252[%gather3A_324] in [0] : vector<16xf32>, vector<16xi32> -> vector<16xf32>
          %select_n3A_326 = arith.select %ne3A_310, %gather3A_325, %select_n3A_244 : vector<16xi1>, vector<16xf32>
          %broadcast_in_dim3A_327 = vector.shape_cast %and3A_322 : vector<16xi32> to vector<16x1xi32>
          %gather3A_328 = vector.shape_cast %broadcast_in_dim3A_327 : vector<16x1xi32> to vector<16xi32>
          %gather3A_329 = tpu.dynamic_gather %select_n3A_244[%gather3A_328] in [0] : vector<16xf32>, vector<16xi32> -> vector<16xf32>
          %select_n3A_330 = arith.select %ne3A_310, %select_n3A_252, %gather3A_329 : vector<16xi1>, vector<16xf32>
          %broadcast_in_dim3A_331 = vector.shape_cast %and3A_316 : vector<16xi32> to vector<16x1xi32>
          %gather3A_332 = vector.shape_cast %broadcast_in_dim3A_331 : vector<16x1xi32> to vector<16xi32>
          %gather3A_333 = tpu.dynamic_gather %select_n3A_256[%gather3A_332] in [0] : vector<16xf32>, vector<16xi32> -> vector<16xf32>
          %select_n3A_334 = arith.select %ne3A_310, %gather3A_333, %select_n3A_248 : vector<16xi1>, vector<16xf32>
          %broadcast_in_dim3A_335 = vector.shape_cast %and3A_322 : vector<16xi32> to vector<16x1xi32>
          %gather3A_336 = vector.shape_cast %broadcast_in_dim3A_335 : vector<16x1xi32> to vector<16xi32>
          %gather3A_337 = tpu.dynamic_gather %select_n3A_248[%gather3A_336] in [0] : vector<16xf32>, vector<16xi32> -> vector<16xf32>
          %select_n3A_338 = arith.select %ne3A_310, %select_n3A_256, %gather3A_337 : vector<16xi1>, vector<16xf32>
          %broadcast_in_dim3A_339 = vector.shape_cast %and3A_316 : vector<16xi32> to vector<16x1xi32>
          %gather3A_340 = vector.shape_cast %broadcast_in_dim3A_339 : vector<16x1xi32> to vector<16xi32>
          %gather3A_341 = tpu.dynamic_gather %select_n3A_268[%gather3A_340] in [0] : vector<16xf32>, vector<16xi32> -> vector<16xf32>
          %select_n3A_342 = arith.select %ne3A_310, %gather3A_341, %select_n3A_260 : vector<16xi1>, vector<16xf32>
          %broadcast_in_dim3A_343 = vector.shape_cast %and3A_322 : vector<16xi32> to vector<16x1xi32>
          %gather3A_344 = vector.shape_cast %broadcast_in_dim3A_343 : vector<16x1xi32> to vector<16xi32>
          %gather3A_345 = tpu.dynamic_gather %select_n3A_260[%gather3A_344] in [0] : vector<16xf32>, vector<16xi32> -> vector<16xf32>
          %select_n3A_346 = arith.select %ne3A_310, %select_n3A_268, %gather3A_345 : vector<16xi1>, vector<16xf32>
          %broadcast_in_dim3A_347 = vector.shape_cast %and3A_316 : vector<16xi32> to vector<16x1xi32>
          %gather3A_348 = vector.shape_cast %broadcast_in_dim3A_347 : vector<16x1xi32> to vector<16xi32>
          %gather3A_349 = tpu.dynamic_gather %select_n3A_272[%gather3A_348] in [0] : vector<16xf32>, vector<16xi32> -> vector<16xf32>
          %select_n3A_350 = arith.select %ne3A_310, %gather3A_349, %select_n3A_264 : vector<16xi1>, vector<16xf32>
          %broadcast_in_dim3A_351 = vector.shape_cast %and3A_322 : vector<16xi32> to vector<16x1xi32>
          %gather3A_352 = vector.shape_cast %broadcast_in_dim3A_351 : vector<16x1xi32> to vector<16xi32>
          %gather3A_353 = tpu.dynamic_gather %select_n3A_264[%gather3A_352] in [0] : vector<16xf32>, vector<16xi32> -> vector<16xf32>
          %select_n3A_354 = arith.select %ne3A_310, %select_n3A_272, %gather3A_353 : vector<16xi1>, vector<16xf32>
          %broadcast_in_dim3A_355 = vector.shape_cast %and3A_316 : vector<16xi32> to vector<16x1xi32>
          %gather3A_356 = vector.shape_cast %broadcast_in_dim3A_355 : vector<16x1xi32> to vector<16xi32>
          %gather3A_357 = tpu.dynamic_gather %select_n3A_284[%gather3A_356] in [0] : vector<16xf32>, vector<16xi32> -> vector<16xf32>
          %select_n3A_358 = arith.select %ne3A_310, %gather3A_357, %select_n3A_276 : vector<16xi1>, vector<16xf32>
          %broadcast_in_dim3A_359 = vector.shape_cast %and3A_322 : vector<16xi32> to vector<16x1xi32>
          %gather3A_360 = vector.shape_cast %broadcast_in_dim3A_359 : vector<16x1xi32> to vector<16xi32>
          %gather3A_361 = tpu.dynamic_gather %select_n3A_276[%gather3A_360] in [0] : vector<16xf32>, vector<16xi32> -> vector<16xf32>
          %select_n3A_362 = arith.select %ne3A_310, %select_n3A_284, %gather3A_361 : vector<16xi1>, vector<16xf32>
          %broadcast_in_dim3A_363 = vector.shape_cast %and3A_316 : vector<16xi32> to vector<16x1xi32>
          %gather3A_364 = vector.shape_cast %broadcast_in_dim3A_363 : vector<16x1xi32> to vector<16xi32>
          %gather3A_365 = tpu.dynamic_gather %select_n3A_288[%gather3A_364] in [0] : vector<16xf32>, vector<16xi32> -> vector<16xf32>
          %select_n3A_366 = arith.select %ne3A_310, %gather3A_365, %select_n3A_280 : vector<16xi1>, vector<16xf32>
          %broadcast_in_dim3A_367 = vector.shape_cast %and3A_322 : vector<16xi32> to vector<16x1xi32>
          %gather3A_368 = vector.shape_cast %broadcast_in_dim3A_367 : vector<16x1xi32> to vector<16xi32>
          %gather3A_369 = tpu.dynamic_gather %select_n3A_280[%gather3A_368] in [0] : vector<16xf32>, vector<16xi32> -> vector<16xf32>
          %select_n3A_370 = arith.select %ne3A_310, %select_n3A_288, %gather3A_369 : vector<16xi1>, vector<16xf32>
          %broadcast_in_dim3A_371 = vector.shape_cast %and3A_316 : vector<16xi32> to vector<16x1xi32>
          %gather3A_372 = vector.shape_cast %broadcast_in_dim3A_371 : vector<16x1xi32> to vector<16xi32>
          %gather3A_373 = tpu.dynamic_gather %select_n3A_300[%gather3A_372] in [0] : vector<16xf32>, vector<16xi32> -> vector<16xf32>
          %select_n3A_374 = arith.select %ne3A_310, %gather3A_373, %select_n3A_292 : vector<16xi1>, vector<16xf32>
          %broadcast_in_dim3A_375 = vector.shape_cast %and3A_322 : vector<16xi32> to vector<16x1xi32>
          %gather3A_376 = vector.shape_cast %broadcast_in_dim3A_375 : vector<16x1xi32> to vector<16xi32>
          %gather3A_377 = tpu.dynamic_gather %select_n3A_292[%gather3A_376] in [0] : vector<16xf32>, vector<16xi32> -> vector<16xf32>
          %select_n3A_378 = arith.select %ne3A_310, %select_n3A_300, %gather3A_377 : vector<16xi1>, vector<16xf32>
          %broadcast_in_dim3A_379 = vector.shape_cast %and3A_316 : vector<16xi32> to vector<16x1xi32>
          %gather3A_380 = vector.shape_cast %broadcast_in_dim3A_379 : vector<16x1xi32> to vector<16xi32>
          %gather3A_381 = tpu.dynamic_gather %select_n3A_304[%gather3A_380] in [0] : vector<16xf32>, vector<16xi32> -> vector<16xf32>
          %select_n3A_382 = arith.select %ne3A_310, %gather3A_381, %select_n3A_296 : vector<16xi1>, vector<16xf32>
          %broadcast_in_dim3A_383 = vector.shape_cast %and3A_322 : vector<16xi32> to vector<16x1xi32>
          %gather3A_384 = vector.shape_cast %broadcast_in_dim3A_383 : vector<16x1xi32> to vector<16xi32>
          %gather3A_385 = tpu.dynamic_gather %select_n3A_296[%gather3A_384] in [0] : vector<16xf32>, vector<16xi32> -> vector<16xf32>
          %select_n3A_386 = arith.select %ne3A_310, %select_n3A_304, %gather3A_385 : vector<16xi1>, vector<16xf32>
          %and3A_387 = arith.constant 4 : i32
          %and3A_388 = vector.broadcast %and3A_387 : i32 to vector<16xi32>
          %and3A_389 = arith.andi %iota3A, %and3A_388 : vector<16xi32>
          %ne3A_390 = arith.constant 0 : i32
          %ne3A_391 = vector.broadcast %ne3A_390 : i32 to vector<16xi32>
          %ne3A_392 = arith.cmpi ne, %and3A_389, %ne3A_391 : vector<16xi32>
          %sub3A_393 = arith.constant 4 : i32
          %sub3A_394 = vector.broadcast %sub3A_393 : i32 to vector<16xi32>
          %sub3A_395 = arith.subi %iota3A, %sub3A_394 : vector<16xi32>
          %and3A_396 = arith.constant 15 : i32
          %and3A_397 = vector.broadcast %and3A_396 : i32 to vector<16xi32>
          %and3A_398 = arith.andi %sub3A_395, %and3A_397 : vector<16xi32>
          %add3A_399 = arith.constant 4 : i32
          %add3A_400 = vector.broadcast %add3A_399 : i32 to vector<16xi32>
          %add3A_401 = arith.addi %iota3A, %add3A_400 : vector<16xi32>
          %and3A_402 = arith.constant 15 : i32
          %and3A_403 = vector.broadcast %and3A_402 : i32 to vector<16xi32>
          %and3A_404 = arith.andi %add3A_401, %and3A_403 : vector<16xi32>
          %broadcast_in_dim3A_405 = vector.shape_cast %and3A_398 : vector<16xi32> to vector<16x1xi32>
          %gather3A_406 = vector.shape_cast %broadcast_in_dim3A_405 : vector<16x1xi32> to vector<16xi32>
          %gather3A_407 = tpu.dynamic_gather %select_n3A_342[%gather3A_406] in [0] : vector<16xf32>, vector<16xi32> -> vector<16xf32>
          %select_n3A_408 = arith.select %ne3A_392, %gather3A_407, %select_n3A_326 : vector<16xi1>, vector<16xf32>
          %broadcast_in_dim3A_409 = vector.shape_cast %and3A_404 : vector<16xi32> to vector<16x1xi32>
          %gather3A_410 = vector.shape_cast %broadcast_in_dim3A_409 : vector<16x1xi32> to vector<16xi32>
          %gather3A_411 = tpu.dynamic_gather %select_n3A_326[%gather3A_410] in [0] : vector<16xf32>, vector<16xi32> -> vector<16xf32>
          %select_n3A_412 = arith.select %ne3A_392, %select_n3A_342, %gather3A_411 : vector<16xi1>, vector<16xf32>
          %broadcast_in_dim3A_413 = vector.shape_cast %and3A_398 : vector<16xi32> to vector<16x1xi32>
          %gather3A_414 = vector.shape_cast %broadcast_in_dim3A_413 : vector<16x1xi32> to vector<16xi32>
          %gather3A_415 = tpu.dynamic_gather %select_n3A_350[%gather3A_414] in [0] : vector<16xf32>, vector<16xi32> -> vector<16xf32>
          %select_n3A_416 = arith.select %ne3A_392, %gather3A_415, %select_n3A_334 : vector<16xi1>, vector<16xf32>
          %broadcast_in_dim3A_417 = vector.shape_cast %and3A_404 : vector<16xi32> to vector<16x1xi32>
          %gather3A_418 = vector.shape_cast %broadcast_in_dim3A_417 : vector<16x1xi32> to vector<16xi32>
          %gather3A_419 = tpu.dynamic_gather %select_n3A_334[%gather3A_418] in [0] : vector<16xf32>, vector<16xi32> -> vector<16xf32>
          %select_n3A_420 = arith.select %ne3A_392, %select_n3A_350, %gather3A_419 : vector<16xi1>, vector<16xf32>
          %broadcast_in_dim3A_421 = vector.shape_cast %and3A_398 : vector<16xi32> to vector<16x1xi32>
          %gather3A_422 = vector.shape_cast %broadcast_in_dim3A_421 : vector<16x1xi32> to vector<16xi32>
          %gather3A_423 = tpu.dynamic_gather %select_n3A_346[%gather3A_422] in [0] : vector<16xf32>, vector<16xi32> -> vector<16xf32>
          %select_n3A_424 = arith.select %ne3A_392, %gather3A_423, %select_n3A_330 : vector<16xi1>, vector<16xf32>
          %broadcast_in_dim3A_425 = vector.shape_cast %and3A_404 : vector<16xi32> to vector<16x1xi32>
          %gather3A_426 = vector.shape_cast %broadcast_in_dim3A_425 : vector<16x1xi32> to vector<16xi32>
          %gather3A_427 = tpu.dynamic_gather %select_n3A_330[%gather3A_426] in [0] : vector<16xf32>, vector<16xi32> -> vector<16xf32>
          %select_n3A_428 = arith.select %ne3A_392, %select_n3A_346, %gather3A_427 : vector<16xi1>, vector<16xf32>
          %broadcast_in_dim3A_429 = vector.shape_cast %and3A_398 : vector<16xi32> to vector<16x1xi32>
          %gather3A_430 = vector.shape_cast %broadcast_in_dim3A_429 : vector<16x1xi32> to vector<16xi32>
          %gather3A_431 = tpu.dynamic_gather %select_n3A_354[%gather3A_430] in [0] : vector<16xf32>, vector<16xi32> -> vector<16xf32>
          %select_n3A_432 = arith.select %ne3A_392, %gather3A_431, %select_n3A_338 : vector<16xi1>, vector<16xf32>
          %broadcast_in_dim3A_433 = vector.shape_cast %and3A_404 : vector<16xi32> to vector<16x1xi32>
          %gather3A_434 = vector.shape_cast %broadcast_in_dim3A_433 : vector<16x1xi32> to vector<16xi32>
          %gather3A_435 = tpu.dynamic_gather %select_n3A_338[%gather3A_434] in [0] : vector<16xf32>, vector<16xi32> -> vector<16xf32>
          %select_n3A_436 = arith.select %ne3A_392, %select_n3A_354, %gather3A_435 : vector<16xi1>, vector<16xf32>
          %broadcast_in_dim3A_437 = vector.shape_cast %and3A_398 : vector<16xi32> to vector<16x1xi32>
          %gather3A_438 = vector.shape_cast %broadcast_in_dim3A_437 : vector<16x1xi32> to vector<16xi32>
          %gather3A_439 = tpu.dynamic_gather %select_n3A_374[%gather3A_438] in [0] : vector<16xf32>, vector<16xi32> -> vector<16xf32>
          %select_n3A_440 = arith.select %ne3A_392, %gather3A_439, %select_n3A_358 : vector<16xi1>, vector<16xf32>
          %broadcast_in_dim3A_441 = vector.shape_cast %and3A_404 : vector<16xi32> to vector<16x1xi32>
          %gather3A_442 = vector.shape_cast %broadcast_in_dim3A_441 : vector<16x1xi32> to vector<16xi32>
          %gather3A_443 = tpu.dynamic_gather %select_n3A_358[%gather3A_442] in [0] : vector<16xf32>, vector<16xi32> -> vector<16xf32>
          %select_n3A_444 = arith.select %ne3A_392, %select_n3A_374, %gather3A_443 : vector<16xi1>, vector<16xf32>
          %broadcast_in_dim3A_445 = vector.shape_cast %and3A_398 : vector<16xi32> to vector<16x1xi32>
          %gather3A_446 = vector.shape_cast %broadcast_in_dim3A_445 : vector<16x1xi32> to vector<16xi32>
          %gather3A_447 = tpu.dynamic_gather %select_n3A_382[%gather3A_446] in [0] : vector<16xf32>, vector<16xi32> -> vector<16xf32>
          %select_n3A_448 = arith.select %ne3A_392, %gather3A_447, %select_n3A_366 : vector<16xi1>, vector<16xf32>
          %broadcast_in_dim3A_449 = vector.shape_cast %and3A_404 : vector<16xi32> to vector<16x1xi32>
          %gather3A_450 = vector.shape_cast %broadcast_in_dim3A_449 : vector<16x1xi32> to vector<16xi32>
          %gather3A_451 = tpu.dynamic_gather %select_n3A_366[%gather3A_450] in [0] : vector<16xf32>, vector<16xi32> -> vector<16xf32>
          %select_n3A_452 = arith.select %ne3A_392, %select_n3A_382, %gather3A_451 : vector<16xi1>, vector<16xf32>
          %broadcast_in_dim3A_453 = vector.shape_cast %and3A_398 : vector<16xi32> to vector<16x1xi32>
          %gather3A_454 = vector.shape_cast %broadcast_in_dim3A_453 : vector<16x1xi32> to vector<16xi32>
          %gather3A_455 = tpu.dynamic_gather %select_n3A_378[%gather3A_454] in [0] : vector<16xf32>, vector<16xi32> -> vector<16xf32>
          %select_n3A_456 = arith.select %ne3A_392, %gather3A_455, %select_n3A_362 : vector<16xi1>, vector<16xf32>
          %broadcast_in_dim3A_457 = vector.shape_cast %and3A_404 : vector<16xi32> to vector<16x1xi32>
          %gather3A_458 = vector.shape_cast %broadcast_in_dim3A_457 : vector<16x1xi32> to vector<16xi32>
          %gather3A_459 = tpu.dynamic_gather %select_n3A_362[%gather3A_458] in [0] : vector<16xf32>, vector<16xi32> -> vector<16xf32>
          %select_n3A_460 = arith.select %ne3A_392, %select_n3A_378, %gather3A_459 : vector<16xi1>, vector<16xf32>
          %broadcast_in_dim3A_461 = vector.shape_cast %and3A_398 : vector<16xi32> to vector<16x1xi32>
          %gather3A_462 = vector.shape_cast %broadcast_in_dim3A_461 : vector<16x1xi32> to vector<16xi32>
          %gather3A_463 = tpu.dynamic_gather %select_n3A_386[%gather3A_462] in [0] : vector<16xf32>, vector<16xi32> -> vector<16xf32>
          %select_n3A_464 = arith.select %ne3A_392, %gather3A_463, %select_n3A_370 : vector<16xi1>, vector<16xf32>
          %broadcast_in_dim3A_465 = vector.shape_cast %and3A_404 : vector<16xi32> to vector<16x1xi32>
          %gather3A_466 = vector.shape_cast %broadcast_in_dim3A_465 : vector<16x1xi32> to vector<16xi32>
          %gather3A_467 = tpu.dynamic_gather %select_n3A_370[%gather3A_466] in [0] : vector<16xf32>, vector<16xi32> -> vector<16xf32>
          %select_n3A_468 = arith.select %ne3A_392, %select_n3A_386, %gather3A_467 : vector<16xi1>, vector<16xf32>
          %and3A_469 = arith.constant 8 : i32
          %and3A_470 = vector.broadcast %and3A_469 : i32 to vector<16xi32>
          %and3A_471 = arith.andi %iota3A, %and3A_470 : vector<16xi32>
          %ne3A_472 = arith.constant 0 : i32
          %ne3A_473 = vector.broadcast %ne3A_472 : i32 to vector<16xi32>
          %ne3A_474 = arith.cmpi ne, %and3A_471, %ne3A_473 : vector<16xi32>
          %sub3A_475 = arith.constant 8 : i32
          %sub3A_476 = vector.broadcast %sub3A_475 : i32 to vector<16xi32>
          %sub3A_477 = arith.subi %iota3A, %sub3A_476 : vector<16xi32>
          %and3A_478 = arith.constant 15 : i32
          %and3A_479 = vector.broadcast %and3A_478 : i32 to vector<16xi32>
          %and3A_480 = arith.andi %sub3A_477, %and3A_479 : vector<16xi32>
          %add3A_481 = arith.constant 8 : i32
          %add3A_482 = vector.broadcast %add3A_481 : i32 to vector<16xi32>
          %add3A_483 = arith.addi %iota3A, %add3A_482 : vector<16xi32>
          %and3A_484 = arith.constant 15 : i32
          %and3A_485 = vector.broadcast %and3A_484 : i32 to vector<16xi32>
          %and3A_486 = arith.andi %add3A_483, %and3A_485 : vector<16xi32>
          %broadcast_in_dim3A_487 = vector.shape_cast %and3A_480 : vector<16xi32> to vector<16x1xi32>
          %gather3A_488 = vector.shape_cast %broadcast_in_dim3A_487 : vector<16x1xi32> to vector<16xi32>
          %gather3A_489 = tpu.dynamic_gather %select_n3A_440[%gather3A_488] in [0] : vector<16xf32>, vector<16xi32> -> vector<16xf32>
          %select_n3A_490 = arith.select %ne3A_474, %gather3A_489, %select_n3A_408 : vector<16xi1>, vector<16xf32>
          %broadcast_in_dim3A_491 = vector.shape_cast %and3A_486 : vector<16xi32> to vector<16x1xi32>
          %gather3A_492 = vector.shape_cast %broadcast_in_dim3A_491 : vector<16x1xi32> to vector<16xi32>
          %gather3A_493 = tpu.dynamic_gather %select_n3A_408[%gather3A_492] in [0] : vector<16xf32>, vector<16xi32> -> vector<16xf32>
          %select_n3A_494 = arith.select %ne3A_474, %select_n3A_440, %gather3A_493 : vector<16xi1>, vector<16xf32>
          %broadcast_in_dim3A_495 = vector.shape_cast %and3A_480 : vector<16xi32> to vector<16x1xi32>
          %gather3A_496 = vector.shape_cast %broadcast_in_dim3A_495 : vector<16x1xi32> to vector<16xi32>
          %gather3A_497 = tpu.dynamic_gather %select_n3A_448[%gather3A_496] in [0] : vector<16xf32>, vector<16xi32> -> vector<16xf32>
          %select_n3A_498 = arith.select %ne3A_474, %gather3A_497, %select_n3A_416 : vector<16xi1>, vector<16xf32>
          %broadcast_in_dim3A_499 = vector.shape_cast %and3A_486 : vector<16xi32> to vector<16x1xi32>
          %gather3A_500 = vector.shape_cast %broadcast_in_dim3A_499 : vector<16x1xi32> to vector<16xi32>
          %gather3A_501 = tpu.dynamic_gather %select_n3A_416[%gather3A_500] in [0] : vector<16xf32>, vector<16xi32> -> vector<16xf32>
          %select_n3A_502 = arith.select %ne3A_474, %select_n3A_448, %gather3A_501 : vector<16xi1>, vector<16xf32>
          %broadcast_in_dim3A_503 = vector.shape_cast %and3A_480 : vector<16xi32> to vector<16x1xi32>
          %gather3A_504 = vector.shape_cast %broadcast_in_dim3A_503 : vector<16x1xi32> to vector<16xi32>
          %gather3A_505 = tpu.dynamic_gather %select_n3A_456[%gather3A_504] in [0] : vector<16xf32>, vector<16xi32> -> vector<16xf32>
          %select_n3A_506 = arith.select %ne3A_474, %gather3A_505, %select_n3A_424 : vector<16xi1>, vector<16xf32>
          %broadcast_in_dim3A_507 = vector.shape_cast %and3A_486 : vector<16xi32> to vector<16x1xi32>
          %gather3A_508 = vector.shape_cast %broadcast_in_dim3A_507 : vector<16x1xi32> to vector<16xi32>
          %gather3A_509 = tpu.dynamic_gather %select_n3A_424[%gather3A_508] in [0] : vector<16xf32>, vector<16xi32> -> vector<16xf32>
          %select_n3A_510 = arith.select %ne3A_474, %select_n3A_456, %gather3A_509 : vector<16xi1>, vector<16xf32>
          %broadcast_in_dim3A_511 = vector.shape_cast %and3A_480 : vector<16xi32> to vector<16x1xi32>
          %gather3A_512 = vector.shape_cast %broadcast_in_dim3A_511 : vector<16x1xi32> to vector<16xi32>
          %gather3A_513 = tpu.dynamic_gather %select_n3A_464[%gather3A_512] in [0] : vector<16xf32>, vector<16xi32> -> vector<16xf32>
          %select_n3A_514 = arith.select %ne3A_474, %gather3A_513, %select_n3A_432 : vector<16xi1>, vector<16xf32>
          %broadcast_in_dim3A_515 = vector.shape_cast %and3A_486 : vector<16xi32> to vector<16x1xi32>
          %gather3A_516 = vector.shape_cast %broadcast_in_dim3A_515 : vector<16x1xi32> to vector<16xi32>
          %gather3A_517 = tpu.dynamic_gather %select_n3A_432[%gather3A_516] in [0] : vector<16xf32>, vector<16xi32> -> vector<16xf32>
          %select_n3A_518 = arith.select %ne3A_474, %select_n3A_464, %gather3A_517 : vector<16xi1>, vector<16xf32>
          %broadcast_in_dim3A_519 = vector.shape_cast %and3A_480 : vector<16xi32> to vector<16x1xi32>
          %gather3A_520 = vector.shape_cast %broadcast_in_dim3A_519 : vector<16x1xi32> to vector<16xi32>
          %gather3A_521 = tpu.dynamic_gather %select_n3A_444[%gather3A_520] in [0] : vector<16xf32>, vector<16xi32> -> vector<16xf32>
          %select_n3A_522 = arith.select %ne3A_474, %gather3A_521, %select_n3A_412 : vector<16xi1>, vector<16xf32>
          %broadcast_in_dim3A_523 = vector.shape_cast %and3A_486 : vector<16xi32> to vector<16x1xi32>
          %gather3A_524 = vector.shape_cast %broadcast_in_dim3A_523 : vector<16x1xi32> to vector<16xi32>
          %gather3A_525 = tpu.dynamic_gather %select_n3A_412[%gather3A_524] in [0] : vector<16xf32>, vector<16xi32> -> vector<16xf32>
          %select_n3A_526 = arith.select %ne3A_474, %select_n3A_444, %gather3A_525 : vector<16xi1>, vector<16xf32>
          %broadcast_in_dim3A_527 = vector.shape_cast %and3A_480 : vector<16xi32> to vector<16x1xi32>
          %gather3A_528 = vector.shape_cast %broadcast_in_dim3A_527 : vector<16x1xi32> to vector<16xi32>
          %gather3A_529 = tpu.dynamic_gather %select_n3A_452[%gather3A_528] in [0] : vector<16xf32>, vector<16xi32> -> vector<16xf32>
          %select_n3A_530 = arith.select %ne3A_474, %gather3A_529, %select_n3A_420 : vector<16xi1>, vector<16xf32>
          %broadcast_in_dim3A_531 = vector.shape_cast %and3A_486 : vector<16xi32> to vector<16x1xi32>
          %gather3A_532 = vector.shape_cast %broadcast_in_dim3A_531 : vector<16x1xi32> to vector<16xi32>
          %gather3A_533 = tpu.dynamic_gather %select_n3A_420[%gather3A_532] in [0] : vector<16xf32>, vector<16xi32> -> vector<16xf32>
          %select_n3A_534 = arith.select %ne3A_474, %select_n3A_452, %gather3A_533 : vector<16xi1>, vector<16xf32>
          %broadcast_in_dim3A_535 = vector.shape_cast %and3A_480 : vector<16xi32> to vector<16x1xi32>
          %gather3A_536 = vector.shape_cast %broadcast_in_dim3A_535 : vector<16x1xi32> to vector<16xi32>
          %gather3A_537 = tpu.dynamic_gather %select_n3A_460[%gather3A_536] in [0] : vector<16xf32>, vector<16xi32> -> vector<16xf32>
          %select_n3A_538 = arith.select %ne3A_474, %gather3A_537, %select_n3A_428 : vector<16xi1>, vector<16xf32>
          %broadcast_in_dim3A_539 = vector.shape_cast %and3A_486 : vector<16xi32> to vector<16x1xi32>
          %gather3A_540 = vector.shape_cast %broadcast_in_dim3A_539 : vector<16x1xi32> to vector<16xi32>
          %gather3A_541 = tpu.dynamic_gather %select_n3A_428[%gather3A_540] in [0] : vector<16xf32>, vector<16xi32> -> vector<16xf32>
          %select_n3A_542 = arith.select %ne3A_474, %select_n3A_460, %gather3A_541 : vector<16xi1>, vector<16xf32>
          %broadcast_in_dim3A_543 = vector.shape_cast %and3A_480 : vector<16xi32> to vector<16x1xi32>
          %gather3A_544 = vector.shape_cast %broadcast_in_dim3A_543 : vector<16x1xi32> to vector<16xi32>
          %gather3A_545 = tpu.dynamic_gather %select_n3A_468[%gather3A_544] in [0] : vector<16xf32>, vector<16xi32> -> vector<16xf32>
          %select_n3A_546 = arith.select %ne3A_474, %gather3A_545, %select_n3A_436 : vector<16xi1>, vector<16xf32>
          %broadcast_in_dim3A_547 = vector.shape_cast %and3A_486 : vector<16xi32> to vector<16x1xi32>
          %gather3A_548 = vector.shape_cast %broadcast_in_dim3A_547 : vector<16x1xi32> to vector<16xi32>
          %gather3A_549 = tpu.dynamic_gather %select_n3A_436[%gather3A_548] in [0] : vector<16xf32>, vector<16xi32> -> vector<16xf32>
          %select_n3A_550 = arith.select %ne3A_474, %select_n3A_468, %gather3A_549 : vector<16xi1>, vector<16xf32>
          %mul3A_551 = arith.constant 16 : i32
          %mul3A_552 = arith.muli %scan3A_113, %mul3A_551 : i32
          %add3A_553 = arith.constant 0 : i32
          %add3A_554 = arith.addi %mul3A_552, %add3A_553 : i32
          %swap3A = arith.index_cast %select_n3A_57 : i32 to index
          %swap3A_555 = arith.index_cast %add3A_554 : i32 to index
          %swap3A_556 = arith.constant 0 : index
          %swap3A_557 = tpu.vector_load %arg6[%swap3A, %swap3A_555, %swap3A_556] {strides = array<i32>} : memref<2x128x128xf32, #tpu.memory_space<vmem>>, vector<16xf32>,
          tpu.vector_store %arg6[%swap3A, %swap3A_555, %swap3A_556], %select_n3A_490 {strides = array<i32>} : memref<2x128x128xf32, #tpu.memory_space<vmem>>, vector<16xf32>,
          %mul3A_558 = arith.constant 16 : i32
          %mul3A_559 = arith.muli %scan3A_113, %mul3A_558 : i32
          %add3A_560 = arith.constant 1 : i32
          %add3A_561 = arith.addi %mul3A_559, %add3A_560 : i32
          %swap3A_562 = arith.index_cast %select_n3A_57 : i32 to index
          %swap3A_563 = arith.index_cast %add3A_561 : i32 to index
          %swap3A_564 = arith.constant 0 : index
          %swap3A_565 = tpu.vector_load %arg6[%swap3A_562, %swap3A_563, %swap3A_564] {strides = array<i32>} : memref<2x128x128xf32, #tpu.memory_space<vmem>>, vector<16xf32>,
          tpu.vector_store %arg6[%swap3A_562, %swap3A_563, %swap3A_564], %select_n3A_498 {strides = array<i32>} : memref<2x128x128xf32, #tpu.memory_space<vmem>>, vector<16xf32>,
          %mul3A_566 = arith.constant 16 : i32
          %mul3A_567 = arith.muli %scan3A_113, %mul3A_566 : i32
          %add3A_568 = arith.constant 2 : i32
          %add3A_569 = arith.addi %mul3A_567, %add3A_568 : i32
          %swap3A_570 = arith.index_cast %select_n3A_57 : i32 to index
          %swap3A_571 = arith.index_cast %add3A_569 : i32 to index
          %swap3A_572 = arith.constant 0 : index
          %swap3A_573 = tpu.vector_load %arg6[%swap3A_570, %swap3A_571, %swap3A_572] {strides = array<i32>} : memref<2x128x128xf32, #tpu.memory_space<vmem>>, vector<16xf32>,
          tpu.vector_store %arg6[%swap3A_570, %swap3A_571, %swap3A_572], %select_n3A_506 {strides = array<i32>} : memref<2x128x128xf32, #tpu.memory_space<vmem>>, vector<16xf32>,
          %mul3A_574 = arith.constant 16 : i32
          %mul3A_575 = arith.muli %scan3A_113, %mul3A_574 : i32
          %add3A_576 = arith.constant 3 : i32
          %add3A_577 = arith.addi %mul3A_575, %add3A_576 : i32
          %swap3A_578 = arith.index_cast %select_n3A_57 : i32 to index
          %swap3A_579 = arith.index_cast %add3A_577 : i32 to index
          %swap3A_580 = arith.constant 0 : index
          %swap3A_581 = tpu.vector_load %arg6[%swap3A_578, %swap3A_579, %swap3A_580] {strides = array<i32>} : memref<2x128x128xf32, #tpu.memory_space<vmem>>, vector<16xf32>,
          tpu.vector_store %arg6[%swap3A_578, %swap3A_579, %swap3A_580], %select_n3A_514 {strides = array<i32>} : memref<2x128x128xf32, #tpu.memory_space<vmem>>, vector<16xf32>,
          %mul3A_582 = arith.constant 16 : i32
          %mul3A_583 = arith.muli %scan3A_113, %mul3A_582 : i32
          %add3A_584 = arith.constant 4 : i32
          %add3A_585 = arith.addi %mul3A_583, %add3A_584 : i32
          %swap3A_586 = arith.index_cast %select_n3A_57 : i32 to index
          %swap3A_587 = arith.index_cast %add3A_585 : i32 to index
          %swap3A_588 = arith.constant 0 : index
          %swap3A_589 = tpu.vector_load %arg6[%swap3A_586, %swap3A_587, %swap3A_588] {strides = array<i32>} : memref<2x128x128xf32, #tpu.memory_space<vmem>>, vector<16xf32>,
          tpu.vector_store %arg6[%swap3A_586, %swap3A_587, %swap3A_588], %select_n3A_522 {strides = array<i32>} : memref<2x128x128xf32, #tpu.memory_space<vmem>>, vector<16xf32>,
          %mul3A_590 = arith.constant 16 : i32
          %mul3A_591 = arith.muli %scan3A_113, %mul3A_590 : i32
          %add3A_592 = arith.constant 5 : i32
          %add3A_593 = arith.addi %mul3A_591, %add3A_592 : i32
          %swap3A_594 = arith.index_cast %select_n3A_57 : i32 to index
          %swap3A_595 = arith.index_cast %add3A_593 : i32 to index
          %swap3A_596 = arith.constant 0 : index
          %swap3A_597 = tpu.vector_load %arg6[%swap3A_594, %swap3A_595, %swap3A_596] {strides = array<i32>} : memref<2x128x128xf32, #tpu.memory_space<vmem>>, vector<16xf32>,
          tpu.vector_store %arg6[%swap3A_594, %swap3A_595, %swap3A_596], %select_n3A_530 {strides = array<i32>} : memref<2x128x128xf32, #tpu.memory_space<vmem>>, vector<16xf32>,
          %mul3A_598 = arith.constant 16 : i32
          %mul3A_599 = arith.muli %scan3A_113, %mul3A_598 : i32
          %add3A_600 = arith.constant 6 : i32
          %add3A_601 = arith.addi %mul3A_599, %add3A_600 : i32
          %swap3A_602 = arith.index_cast %select_n3A_57 : i32 to index
          %swap3A_603 = arith.index_cast %add3A_601 : i32 to index
          %swap3A_604 = arith.constant 0 : index
          %swap3A_605 = tpu.vector_load %arg6[%swap3A_602, %swap3A_603, %swap3A_604] {strides = array<i32>} : memref<2x128x128xf32, #tpu.memory_space<vmem>>, vector<16xf32>,
          tpu.vector_store %arg6[%swap3A_602, %swap3A_603, %swap3A_604], %select_n3A_538 {strides = array<i32>} : memref<2x128x128xf32, #tpu.memory_space<vmem>>, vector<16xf32>,
          %mul3A_606 = arith.constant 16 : i32
          %mul3A_607 = arith.muli %scan3A_113, %mul3A_606 : i32
          %add3A_608 = arith.constant 7 : i32
          %add3A_609 = arith.addi %mul3A_607, %add3A_608 : i32
          %swap3A_610 = arith.index_cast %select_n3A_57 : i32 to index
          %swap3A_611 = arith.index_cast %add3A_609 : i32 to index
          %swap3A_612 = arith.constant 0 : index
          %swap3A_613 = tpu.vector_load %arg6[%swap3A_610, %swap3A_611, %swap3A_612] {strides = array<i32>} : memref<2x128x128xf32, #tpu.memory_space<vmem>>, vector<16xf32>,
          tpu.vector_store %arg6[%swap3A_610, %swap3A_611, %swap3A_612], %select_n3A_546 {strides = array<i32>} : memref<2x128x128xf32, #tpu.memory_space<vmem>>, vector<16xf32>,
          %mul3A_614 = arith.constant 16 : i32
          %mul3A_615 = arith.muli %scan3A_113, %mul3A_614 : i32
          %add3A_616 = arith.constant 8 : i32
          %add3A_617 = arith.addi %mul3A_615, %add3A_616 : i32
          %swap3A_618 = arith.index_cast %select_n3A_57 : i32 to index
          %swap3A_619 = arith.index_cast %add3A_617 : i32 to index
          %swap3A_620 = arith.constant 0 : index
          %swap3A_621 = tpu.vector_load %arg6[%swap3A_618, %swap3A_619, %swap3A_620] {strides = array<i32>} : memref<2x128x128xf32, #tpu.memory_space<vmem>>, vector<16xf32>,
          tpu.vector_store %arg6[%swap3A_618, %swap3A_619, %swap3A_620], %select_n3A_494 {strides = array<i32>} : memref<2x128x128xf32, #tpu.memory_space<vmem>>, vector<16xf32>,
          %mul3A_622 = arith.constant 16 : i32
          %mul3A_623 = arith.muli %scan3A_113, %mul3A_622 : i32
          %add3A_624 = arith.constant 9 : i32
          %add3A_625 = arith.addi %mul3A_623, %add3A_624 : i32
          %swap3A_626 = arith.index_cast %select_n3A_57 : i32 to index
          %swap3A_627 = arith.index_cast %add3A_625 : i32 to index
          %swap3A_628 = arith.constant 0 : index
          %swap3A_629 = tpu.vector_load %arg6[%swap3A_626, %swap3A_627, %swap3A_628] {strides = array<i32>} : memref<2x128x128xf32, #tpu.memory_space<vmem>>, vector<16xf32>,
          tpu.vector_store %arg6[%swap3A_626, %swap3A_627, %swap3A_628], %select_n3A_502 {strides = array<i32>} : memref<2x128x128xf32, #tpu.memory_space<vmem>>, vector<16xf32>,
          %mul3A_630 = arith.constant 16 : i32
          %mul3A_631 = arith.muli %scan3A_113, %mul3A_630 : i32
          %add3A_632 = arith.constant 10 : i32
          %add3A_633 = arith.addi %mul3A_631, %add3A_632 : i32
          %swap3A_634 = arith.index_cast %select_n3A_57 : i32 to index
          %swap3A_635 = arith.index_cast %add3A_633 : i32 to index
          %swap3A_636 = arith.constant 0 : index
          %swap3A_637 = tpu.vector_load %arg6[%swap3A_634, %swap3A_635, %swap3A_636] {strides = array<i32>} : memref<2x128x128xf32, #tpu.memory_space<vmem>>, vector<16xf32>,
          tpu.vector_store %arg6[%swap3A_634, %swap3A_635, %swap3A_636], %select_n3A_510 {strides = array<i32>} : memref<2x128x128xf32, #tpu.memory_space<vmem>>, vector<16xf32>,
          %mul3A_638 = arith.constant 16 : i32
          %mul3A_639 = arith.muli %scan3A_113, %mul3A_638 : i32
          %add3A_640 = arith.constant 11 : i32
          %add3A_641 = arith.addi %mul3A_639, %add3A_640 : i32
          %swap3A_642 = arith.index_cast %select_n3A_57 : i32 to index
          %swap3A_643 = arith.index_cast %add3A_641 : i32 to index
          %swap3A_644 = arith.constant 0 : index
          %swap3A_645 = tpu.vector_load %arg6[%swap3A_642, %swap3A_643, %swap3A_644] {strides = array<i32>} : memref<2x128x128xf32, #tpu.memory_space<vmem>>, vector<16xf32>,
          tpu.vector_store %arg6[%swap3A_642, %swap3A_643, %swap3A_644], %select_n3A_518 {strides = array<i32>} : memref<2x128x128xf32, #tpu.memory_space<vmem>>, vector<16xf32>,
          %mul3A_646 = arith.constant 16 : i32
          %mul3A_647 = arith.muli %scan3A_113, %mul3A_646 : i32
          %add3A_648 = arith.constant 12 : i32
          %add3A_649 = arith.addi %mul3A_647, %add3A_648 : i32
          %swap3A_650 = arith.index_cast %select_n3A_57 : i32 to index
          %swap3A_651 = arith.index_cast %add3A_649 : i32 to index
          %swap3A_652 = arith.constant 0 : index
          %swap3A_653 = tpu.vector_load %arg6[%swap3A_650, %swap3A_651, %swap3A_652] {strides = array<i32>} : memref<2x128x128xf32, #tpu.memory_space<vmem>>, vector<16xf32>,
          tpu.vector_store %arg6[%swap3A_650, %swap3A_651, %swap3A_652], %select_n3A_526 {strides = array<i32>} : memref<2x128x128xf32, #tpu.memory_space<vmem>>, vector<16xf32>,
          %mul3A_654 = arith.constant 16 : i32
          %mul3A_655 = arith.muli %scan3A_113, %mul3A_654 : i32
          %add3A_656 = arith.constant 13 : i32
          %add3A_657 = arith.addi %mul3A_655, %add3A_656 : i32
          %swap3A_658 = arith.index_cast %select_n3A_57 : i32 to index
          %swap3A_659 = arith.index_cast %add3A_657 : i32 to index
          %swap3A_660 = arith.constant 0 : index
          %swap3A_661 = tpu.vector_load %arg6[%swap3A_658, %swap3A_659, %swap3A_660] {strides = array<i32>} : memref<2x128x128xf32, #tpu.memory_space<vmem>>, vector<16xf32>,
          tpu.vector_store %arg6[%swap3A_658, %swap3A_659, %swap3A_660], %select_n3A_534 {strides = array<i32>} : memref<2x128x128xf32, #tpu.memory_space<vmem>>, vector<16xf32>,
          %mul3A_662 = arith.constant 16 : i32
          %mul3A_663 = arith.muli %scan3A_113, %mul3A_662 : i32
          %add3A_664 = arith.constant 14 : i32
          %add3A_665 = arith.addi %mul3A_663, %add3A_664 : i32
          %swap3A_666 = arith.index_cast %select_n3A_57 : i32 to index
          %swap3A_667 = arith.index_cast %add3A_665 : i32 to index
          %swap3A_668 = arith.constant 0 : index
          %swap3A_669 = tpu.vector_load %arg6[%swap3A_666, %swap3A_667, %swap3A_668] {strides = array<i32>} : memref<2x128x128xf32, #tpu.memory_space<vmem>>, vector<16xf32>,
          tpu.vector_store %arg6[%swap3A_666, %swap3A_667, %swap3A_668], %select_n3A_542 {strides = array<i32>} : memref<2x128x128xf32, #tpu.memory_space<vmem>>, vector<16xf32>,
          %mul3A_670 = arith.constant 16 : i32
          %mul3A_671 = arith.muli %scan3A_113, %mul3A_670 : i32
          %add3A_672 = arith.constant 15 : i32
          %add3A_673 = arith.addi %mul3A_671, %add3A_672 : i32
          %swap3A_674 = arith.index_cast %select_n3A_57 : i32 to index
          %swap3A_675 = arith.index_cast %add3A_673 : i32 to index
          %swap3A_676 = arith.constant 0 : index
          %swap3A_677 = tpu.vector_load %arg6[%swap3A_674, %swap3A_675, %swap3A_676] {strides = array<i32>} : memref<2x128x128xf32, #tpu.memory_space<vmem>>, vector<16xf32>,
          tpu.vector_store %arg6[%swap3A_674, %swap3A_675, %swap3A_676], %select_n3A_550 {strides = array<i32>} : memref<2x128x128xf32, #tpu.memory_space<vmem>>, vector<16xf32>,
          %mul3A_678 = arith.constant 16 : i32
          %mul3A_679 = arith.muli %scan3A_113, %mul3A_678 : i32
          %get3A_680 = arith.constant 16 : i32
          %get3A_681 = arith.index_cast %select_n3A_57 : i32 to index
          %get3A_682 = arith.index_cast %get3A_680 : i32 to index
          %get3A_683 = arith.index_cast %mul3A_679 : i32 to index
          %get3A_684 = tpu.vector_load %arg5[%get3A_681, %get3A_682, %get3A_683] {strides = array<i32>} : memref<2x64x128xf32, #tpu.memory_space<vmem>>, vector<16xf32>,
          %mul3A_685 = arith.constant 16 : i32
          %mul3A_686 = arith.muli %scan3A_113, %mul3A_685 : i32
          %get3A_687 = arith.constant 17 : i32
          %get3A_688 = arith.index_cast %select_n3A_57 : i32 to index
          %get3A_689 = arith.index_cast %get3A_687 : i32 to index
          %get3A_690 = arith.index_cast %mul3A_686 : i32 to index
          %get3A_691 = tpu.vector_load %arg5[%get3A_688, %get3A_689, %get3A_690] {strides = array<i32>} : memref<2x64x128xf32, #tpu.memory_space<vmem>>, vector<16xf32>,
          %mul3A_692 = arith.constant 16 : i32
          %mul3A_693 = arith.muli %scan3A_113, %mul3A_692 : i32
          %get3A_694 = arith.constant 18 : i32
          %get3A_695 = arith.index_cast %select_n3A_57 : i32 to index
          %get3A_696 = arith.index_cast %get3A_694 : i32 to index
          %get3A_697 = arith.index_cast %mul3A_693 : i32 to index
          %get3A_698 = tpu.vector_load %arg5[%get3A_695, %get3A_696, %get3A_697] {strides = array<i32>} : memref<2x64x128xf32, #tpu.memory_space<vmem>>, vector<16xf32>,
          %mul3A_699 = arith.constant 16 : i32
          %mul3A_700 = arith.muli %scan3A_113, %mul3A_699 : i32
          %get3A_701 = arith.constant 19 : i32
          %get3A_702 = arith.index_cast %select_n3A_57 : i32 to index
          %get3A_703 = arith.index_cast %get3A_701 : i32 to index
          %get3A_704 = arith.index_cast %mul3A_700 : i32 to index
          %get3A_705 = tpu.vector_load %arg5[%get3A_702, %get3A_703, %get3A_704] {strides = array<i32>} : memref<2x64x128xf32, #tpu.memory_space<vmem>>, vector<16xf32>,
          %mul3A_706 = arith.constant 16 : i32
          %mul3A_707 = arith.muli %scan3A_113, %mul3A_706 : i32
          %get3A_708 = arith.constant 20 : i32
          %get3A_709 = arith.index_cast %select_n3A_57 : i32 to index
          %get3A_710 = arith.index_cast %get3A_708 : i32 to index
          %get3A_711 = arith.index_cast %mul3A_707 : i32 to index
          %get3A_712 = tpu.vector_load %arg5[%get3A_709, %get3A_710, %get3A_711] {strides = array<i32>} : memref<2x64x128xf32, #tpu.memory_space<vmem>>, vector<16xf32>,
          %mul3A_713 = arith.constant 16 : i32
          %mul3A_714 = arith.muli %scan3A_113, %mul3A_713 : i32
          %get3A_715 = arith.constant 21 : i32
          %get3A_716 = arith.index_cast %select_n3A_57 : i32 to index
          %get3A_717 = arith.index_cast %get3A_715 : i32 to index
          %get3A_718 = arith.index_cast %mul3A_714 : i32 to index
          %get3A_719 = tpu.vector_load %arg5[%get3A_716, %get3A_717, %get3A_718] {strides = array<i32>} : memref<2x64x128xf32, #tpu.memory_space<vmem>>, vector<16xf32>,
          %mul3A_720 = arith.constant 16 : i32
          %mul3A_721 = arith.muli %scan3A_113, %mul3A_720 : i32
          %get3A_722 = arith.constant 22 : i32
          %get3A_723 = arith.index_cast %select_n3A_57 : i32 to index
          %get3A_724 = arith.index_cast %get3A_722 : i32 to index
          %get3A_725 = arith.index_cast %mul3A_721 : i32 to index
          %get3A_726 = tpu.vector_load %arg5[%get3A_723, %get3A_724, %get3A_725] {strides = array<i32>} : memref<2x64x128xf32, #tpu.memory_space<vmem>>, vector<16xf32>,
          %mul3A_727 = arith.constant 16 : i32
          %mul3A_728 = arith.muli %scan3A_113, %mul3A_727 : i32
          %get3A_729 = arith.constant 23 : i32
          %get3A_730 = arith.index_cast %select_n3A_57 : i32 to index
          %get3A_731 = arith.index_cast %get3A_729 : i32 to index
          %get3A_732 = arith.index_cast %mul3A_728 : i32 to index
          %get3A_733 = tpu.vector_load %arg5[%get3A_730, %get3A_731, %get3A_732] {strides = array<i32>} : memref<2x64x128xf32, #tpu.memory_space<vmem>>, vector<16xf32>,
          %mul3A_734 = arith.constant 16 : i32
          %mul3A_735 = arith.muli %scan3A_113, %mul3A_734 : i32
          %get3A_736 = arith.constant 24 : i32
          %get3A_737 = arith.index_cast %select_n3A_57 : i32 to index
          %get3A_738 = arith.index_cast %get3A_736 : i32 to index
          %get3A_739 = arith.index_cast %mul3A_735 : i32 to index
          %get3A_740 = tpu.vector_load %arg5[%get3A_737, %get3A_738, %get3A_739] {strides = array<i32>} : memref<2x64x128xf32, #tpu.memory_space<vmem>>, vector<16xf32>,
          %mul3A_741 = arith.constant 16 : i32
          %mul3A_742 = arith.muli %scan3A_113, %mul3A_741 : i32
          %get3A_743 = arith.constant 25 : i32
          %get3A_744 = arith.index_cast %select_n3A_57 : i32 to index
          %get3A_745 = arith.index_cast %get3A_743 : i32 to index
          %get3A_746 = arith.index_cast %mul3A_742 : i32 to index
          %get3A_747 = tpu.vector_load %arg5[%get3A_744, %get3A_745, %get3A_746] {strides = array<i32>} : memref<2x64x128xf32, #tpu.memory_space<vmem>>, vector<16xf32>,
          %mul3A_748 = arith.constant 16 : i32
          %mul3A_749 = arith.muli %scan3A_113, %mul3A_748 : i32
          %get3A_750 = arith.constant 26 : i32
          %get3A_751 = arith.index_cast %select_n3A_57 : i32 to index
          %get3A_752 = arith.index_cast %get3A_750 : i32 to index
          %get3A_753 = arith.index_cast %mul3A_749 : i32 to index
          %get3A_754 = tpu.vector_load %arg5[%get3A_751, %get3A_752, %get3A_753] {strides = array<i32>} : memref<2x64x128xf32, #tpu.memory_space<vmem>>, vector<16xf32>,
          %mul3A_755 = arith.constant 16 : i32
          %mul3A_756 = arith.muli %scan3A_113, %mul3A_755 : i32
          %get3A_757 = arith.constant 27 : i32
          %get3A_758 = arith.index_cast %select_n3A_57 : i32 to index
          %get3A_759 = arith.index_cast %get3A_757 : i32 to index
          %get3A_760 = arith.index_cast %mul3A_756 : i32 to index
          %get3A_761 = tpu.vector_load %arg5[%get3A_758, %get3A_759, %get3A_760] {strides = array<i32>} : memref<2x64x128xf32, #tpu.memory_space<vmem>>, vector<16xf32>,
          %mul3A_762 = arith.constant 16 : i32
          %mul3A_763 = arith.muli %scan3A_113, %mul3A_762 : i32
          %get3A_764 = arith.constant 28 : i32
          %get3A_765 = arith.index_cast %select_n3A_57 : i32 to index
          %get3A_766 = arith.index_cast %get3A_764 : i32 to index
          %get3A_767 = arith.index_cast %mul3A_763 : i32 to index
          %get3A_768 = tpu.vector_load %arg5[%get3A_765, %get3A_766, %get3A_767] {strides = array<i32>} : memref<2x64x128xf32, #tpu.memory_space<vmem>>, vector<16xf32>,
          %mul3A_769 = arith.constant 16 : i32
          %mul3A_770 = arith.muli %scan3A_113, %mul3A_769 : i32
          %get3A_771 = arith.constant 29 : i32
          %get3A_772 = arith.index_cast %select_n3A_57 : i32 to index
          %get3A_773 = arith.index_cast %get3A_771 : i32 to index
          %get3A_774 = arith.index_cast %mul3A_770 : i32 to index
          %get3A_775 = tpu.vector_load %arg5[%get3A_772, %get3A_773, %get3A_774] {strides = array<i32>} : memref<2x64x128xf32, #tpu.memory_space<vmem>>, vector<16xf32>,
          %mul3A_776 = arith.constant 16 : i32
          %mul3A_777 = arith.muli %scan3A_113, %mul3A_776 : i32
          %get3A_778 = arith.constant 30 : i32
          %get3A_779 = arith.index_cast %select_n3A_57 : i32 to index
          %get3A_780 = arith.index_cast %get3A_778 : i32 to index
          %get3A_781 = arith.index_cast %mul3A_777 : i32 to index
          %get3A_782 = tpu.vector_load %arg5[%get3A_779, %get3A_780, %get3A_781] {strides = array<i32>} : memref<2x64x128xf32, #tpu.memory_space<vmem>>, vector<16xf32>,
          %mul3A_783 = arith.constant 16 : i32
          %mul3A_784 = arith.muli %scan3A_113, %mul3A_783 : i32
          %get3A_785 = arith.constant 31 : i32
          %get3A_786 = arith.index_cast %select_n3A_57 : i32 to index
          %get3A_787 = arith.index_cast %get3A_785 : i32 to index
          %get3A_788 = arith.index_cast %mul3A_784 : i32 to index
          %get3A_789 = tpu.vector_load %arg5[%get3A_786, %get3A_787, %get3A_788] {strides = array<i32>} : memref<2x64x128xf32, #tpu.memory_space<vmem>>, vector<16xf32>,
          %and3A_790 = arith.constant 1 : i32
          %and3A_791 = vector.broadcast %and3A_790 : i32 to vector<16xi32>
          %and3A_792 = arith.andi %iota3A, %and3A_791 : vector<16xi32>
          %ne3A_793 = arith.constant 0 : i32
          %ne3A_794 = vector.broadcast %ne3A_793 : i32 to vector<16xi32>
          %ne3A_795 = arith.cmpi ne, %and3A_792, %ne3A_794 : vector<16xi32>
          %sub3A_796 = arith.constant 1 : i32
          %sub3A_797 = vector.broadcast %sub3A_796 : i32 to vector<16xi32>
          %sub3A_798 = arith.subi %iota3A, %sub3A_797 : vector<16xi32>
          %and3A_799 = arith.constant 15 : i32
          %and3A_800 = vector.broadcast %and3A_799 : i32 to vector<16xi32>
          %and3A_801 = arith.andi %sub3A_798, %and3A_800 : vector<16xi32>
          %add3A_802 = arith.constant 1 : i32
          %add3A_803 = vector.broadcast %add3A_802 : i32 to vector<16xi32>
          %add3A_804 = arith.addi %iota3A, %add3A_803 : vector<16xi32>
          %and3A_805 = arith.constant 15 : i32
          %and3A_806 = vector.broadcast %and3A_805 : i32 to vector<16xi32>
          %and3A_807 = arith.andi %add3A_804, %and3A_806 : vector<16xi32>
          %broadcast_in_dim3A_808 = vector.shape_cast %and3A_801 : vector<16xi32> to vector<16x1xi32>
          %gather3A_809 = vector.shape_cast %broadcast_in_dim3A_808 : vector<16x1xi32> to vector<16xi32>
          %gather3A_810 = tpu.dynamic_gather %get3A_691[%gather3A_809] in [0] : vector<16xf32>, vector<16xi32> -> vector<16xf32>
          %select_n3A_811 = arith.select %ne3A_795, %gather3A_810, %get3A_684 : vector<16xi1>, vector<16xf32>
          %broadcast_in_dim3A_812 = vector.shape_cast %and3A_807 : vector<16xi32> to vector<16x1xi32>
          %gather3A_813 = vector.shape_cast %broadcast_in_dim3A_812 : vector<16x1xi32> to vector<16xi32>
          %gather3A_814 = tpu.dynamic_gather %get3A_684[%gather3A_813] in [0] : vector<16xf32>, vector<16xi32> -> vector<16xf32>
          %select_n3A_815 = arith.select %ne3A_795, %get3A_691, %gather3A_814 : vector<16xi1>, vector<16xf32>
          %broadcast_in_dim3A_816 = vector.shape_cast %and3A_801 : vector<16xi32> to vector<16x1xi32>
          %gather3A_817 = vector.shape_cast %broadcast_in_dim3A_816 : vector<16x1xi32> to vector<16xi32>
          %gather3A_818 = tpu.dynamic_gather %get3A_705[%gather3A_817] in [0] : vector<16xf32>, vector<16xi32> -> vector<16xf32>
          %select_n3A_819 = arith.select %ne3A_795, %gather3A_818, %get3A_698 : vector<16xi1>, vector<16xf32>
          %broadcast_in_dim3A_820 = vector.shape_cast %and3A_807 : vector<16xi32> to vector<16x1xi32>
          %gather3A_821 = vector.shape_cast %broadcast_in_dim3A_820 : vector<16x1xi32> to vector<16xi32>
          %gather3A_822 = tpu.dynamic_gather %get3A_698[%gather3A_821] in [0] : vector<16xf32>, vector<16xi32> -> vector<16xf32>
          %select_n3A_823 = arith.select %ne3A_795, %get3A_705, %gather3A_822 : vector<16xi1>, vector<16xf32>
          %broadcast_in_dim3A_824 = vector.shape_cast %and3A_801 : vector<16xi32> to vector<16x1xi32>
          %gather3A_825 = vector.shape_cast %broadcast_in_dim3A_824 : vector<16x1xi32> to vector<16xi32>
          %gather3A_826 = tpu.dynamic_gather %get3A_719[%gather3A_825] in [0] : vector<16xf32>, vector<16xi32> -> vector<16xf32>
          %select_n3A_827 = arith.select %ne3A_795, %gather3A_826, %get3A_712 : vector<16xi1>, vector<16xf32>
          %broadcast_in_dim3A_828 = vector.shape_cast %and3A_807 : vector<16xi32> to vector<16x1xi32>
          %gather3A_829 = vector.shape_cast %broadcast_in_dim3A_828 : vector<16x1xi32> to vector<16xi32>
          %gather3A_830 = tpu.dynamic_gather %get3A_712[%gather3A_829] in [0] : vector<16xf32>, vector<16xi32> -> vector<16xf32>
          %select_n3A_831 = arith.select %ne3A_795, %get3A_719, %gather3A_830 : vector<16xi1>, vector<16xf32>
          %broadcast_in_dim3A_832 = vector.shape_cast %and3A_801 : vector<16xi32> to vector<16x1xi32>
          %gather3A_833 = vector.shape_cast %broadcast_in_dim3A_832 : vector<16x1xi32> to vector<16xi32>
          %gather3A_834 = tpu.dynamic_gather %get3A_733[%gather3A_833] in [0] : vector<16xf32>, vector<16xi32> -> vector<16xf32>
          %select_n3A_835 = arith.select %ne3A_795, %gather3A_834, %get3A_726 : vector<16xi1>, vector<16xf32>
          %broadcast_in_dim3A_836 = vector.shape_cast %and3A_807 : vector<16xi32> to vector<16x1xi32>
          %gather3A_837 = vector.shape_cast %broadcast_in_dim3A_836 : vector<16x1xi32> to vector<16xi32>
          %gather3A_838 = tpu.dynamic_gather %get3A_726[%gather3A_837] in [0] : vector<16xf32>, vector<16xi32> -> vector<16xf32>
          %select_n3A_839 = arith.select %ne3A_795, %get3A_733, %gather3A_838 : vector<16xi1>, vector<16xf32>
          %broadcast_in_dim3A_840 = vector.shape_cast %and3A_801 : vector<16xi32> to vector<16x1xi32>
          %gather3A_841 = vector.shape_cast %broadcast_in_dim3A_840 : vector<16x1xi32> to vector<16xi32>
          %gather3A_842 = tpu.dynamic_gather %get3A_747[%gather3A_841] in [0] : vector<16xf32>, vector<16xi32> -> vector<16xf32>
          %select_n3A_843 = arith.select %ne3A_795, %gather3A_842, %get3A_740 : vector<16xi1>, vector<16xf32>
          %broadcast_in_dim3A_844 = vector.shape_cast %and3A_807 : vector<16xi32> to vector<16x1xi32>
          %gather3A_845 = vector.shape_cast %broadcast_in_dim3A_844 : vector<16x1xi32> to vector<16xi32>
          %gather3A_846 = tpu.dynamic_gather %get3A_740[%gather3A_845] in [0] : vector<16xf32>, vector<16xi32> -> vector<16xf32>
          %select_n3A_847 = arith.select %ne3A_795, %get3A_747, %gather3A_846 : vector<16xi1>, vector<16xf32>
          %broadcast_in_dim3A_848 = vector.shape_cast %and3A_801 : vector<16xi32> to vector<16x1xi32>
          %gather3A_849 = vector.shape_cast %broadcast_in_dim3A_848 : vector<16x1xi32> to vector<16xi32>
          %gather3A_850 = tpu.dynamic_gather %get3A_761[%gather3A_849] in [0] : vector<16xf32>, vector<16xi32> -> vector<16xf32>
          %select_n3A_851 = arith.select %ne3A_795, %gather3A_850, %get3A_754 : vector<16xi1>, vector<16xf32>
          %broadcast_in_dim3A_852 = vector.shape_cast %and3A_807 : vector<16xi32> to vector<16x1xi32>
          %gather3A_853 = vector.shape_cast %broadcast_in_dim3A_852 : vector<16x1xi32> to vector<16xi32>
          %gather3A_854 = tpu.dynamic_gather %get3A_754[%gather3A_853] in [0] : vector<16xf32>, vector<16xi32> -> vector<16xf32>
          %select_n3A_855 = arith.select %ne3A_795, %get3A_761, %gather3A_854 : vector<16xi1>, vector<16xf32>
          %broadcast_in_dim3A_856 = vector.shape_cast %and3A_801 : vector<16xi32> to vector<16x1xi32>
          %gather3A_857 = vector.shape_cast %broadcast_in_dim3A_856 : vector<16x1xi32> to vector<16xi32>
          %gather3A_858 = tpu.dynamic_gather %get3A_775[%gather3A_857] in [0] : vector<16xf32>, vector<16xi32> -> vector<16xf32>
          %select_n3A_859 = arith.select %ne3A_795, %gather3A_858, %get3A_768 : vector<16xi1>, vector<16xf32>
          %broadcast_in_dim3A_860 = vector.shape_cast %and3A_807 : vector<16xi32> to vector<16x1xi32>
          %gather3A_861 = vector.shape_cast %broadcast_in_dim3A_860 : vector<16x1xi32> to vector<16xi32>
          %gather3A_862 = tpu.dynamic_gather %get3A_768[%gather3A_861] in [0] : vector<16xf32>, vector<16xi32> -> vector<16xf32>
          %select_n3A_863 = arith.select %ne3A_795, %get3A_775, %gather3A_862 : vector<16xi1>, vector<16xf32>
          %broadcast_in_dim3A_864 = vector.shape_cast %and3A_801 : vector<16xi32> to vector<16x1xi32>
          %gather3A_865 = vector.shape_cast %broadcast_in_dim3A_864 : vector<16x1xi32> to vector<16xi32>
          %gather3A_866 = tpu.dynamic_gather %get3A_789[%gather3A_865] in [0] : vector<16xf32>, vector<16xi32> -> vector<16xf32>
          %select_n3A_867 = arith.select %ne3A_795, %gather3A_866, %get3A_782 : vector<16xi1>, vector<16xf32>
          %broadcast_in_dim3A_868 = vector.shape_cast %and3A_807 : vector<16xi32> to vector<16x1xi32>
          %gather3A_869 = vector.shape_cast %broadcast_in_dim3A_868 : vector<16x1xi32> to vector<16xi32>
          %gather3A_870 = tpu.dynamic_gather %get3A_782[%gather3A_869] in [0] : vector<16xf32>, vector<16xi32> -> vector<16xf32>
          %select_n3A_871 = arith.select %ne3A_795, %get3A_789, %gather3A_870 : vector<16xi1>, vector<16xf32>
          %and3A_872 = arith.constant 2 : i32
          %and3A_873 = vector.broadcast %and3A_872 : i32 to vector<16xi32>
          %and3A_874 = arith.andi %iota3A, %and3A_873 : vector<16xi32>
          %ne3A_875 = arith.constant 0 : i32
          %ne3A_876 = vector.broadcast %ne3A_875 : i32 to vector<16xi32>
          %ne3A_877 = arith.cmpi ne, %and3A_874, %ne3A_876 : vector<16xi32>
          %sub3A_878 = arith.constant 2 : i32
          %sub3A_879 = vector.broadcast %sub3A_878 : i32 to vector<16xi32>
          %sub3A_880 = arith.subi %iota3A, %sub3A_879 : vector<16xi32>
          %and3A_881 = arith.constant 15 : i32
          %and3A_882 = vector.broadcast %and3A_881 : i32 to vector<16xi32>
          %and3A_883 = arith.andi %sub3A_880, %and3A_882 : vector<16xi32>
          %add3A_884 = arith.constant 2 : i32
          %add3A_885 = vector.broadcast %add3A_884 : i32 to vector<16xi32>
          %add3A_886 = arith.addi %iota3A, %add3A_885 : vector<16xi32>
          %and3A_887 = arith.constant 15 : i32
          %and3A_888 = vector.broadcast %and3A_887 : i32 to vector<16xi32>
          %and3A_889 = arith.andi %add3A_886, %and3A_888 : vector<16xi32>
          %broadcast_in_dim3A_890 = vector.shape_cast %and3A_883 : vector<16xi32> to vector<16x1xi32>
          %gather3A_891 = vector.shape_cast %broadcast_in_dim3A_890 : vector<16x1xi32> to vector<16xi32>
          %gather3A_892 = tpu.dynamic_gather %select_n3A_819[%gather3A_891] in [0] : vector<16xf32>, vector<16xi32> -> vector<16xf32>
          %select_n3A_893 = arith.select %ne3A_877, %gather3A_892, %select_n3A_811 : vector<16xi1>, vector<16xf32>
          %broadcast_in_dim3A_894 = vector.shape_cast %and3A_889 : vector<16xi32> to vector<16x1xi32>
          %gather3A_895 = vector.shape_cast %broadcast_in_dim3A_894 : vector<16x1xi32> to vector<16xi32>
          %gather3A_896 = tpu.dynamic_gather %select_n3A_811[%gather3A_895] in [0] : vector<16xf32>, vector<16xi32> -> vector<16xf32>
          %select_n3A_897 = arith.select %ne3A_877, %select_n3A_819, %gather3A_896 : vector<16xi1>, vector<16xf32>
          %broadcast_in_dim3A_898 = vector.shape_cast %and3A_883 : vector<16xi32> to vector<16x1xi32>
          %gather3A_899 = vector.shape_cast %broadcast_in_dim3A_898 : vector<16x1xi32> to vector<16xi32>
          %gather3A_900 = tpu.dynamic_gather %select_n3A_823[%gather3A_899] in [0] : vector<16xf32>, vector<16xi32> -> vector<16xf32>
          %select_n3A_901 = arith.select %ne3A_877, %gather3A_900, %select_n3A_815 : vector<16xi1>, vector<16xf32>
          %broadcast_in_dim3A_902 = vector.shape_cast %and3A_889 : vector<16xi32> to vector<16x1xi32>
          %gather3A_903 = vector.shape_cast %broadcast_in_dim3A_902 : vector<16x1xi32> to vector<16xi32>
          %gather3A_904 = tpu.dynamic_gather %select_n3A_815[%gather3A_903] in [0] : vector<16xf32>, vector<16xi32> -> vector<16xf32>
          %select_n3A_905 = arith.select %ne3A_877, %select_n3A_823, %gather3A_904 : vector<16xi1>, vector<16xf32>
          %broadcast_in_dim3A_906 = vector.shape_cast %and3A_883 : vector<16xi32> to vector<16x1xi32>
          %gather3A_907 = vector.shape_cast %broadcast_in_dim3A_906 : vector<16x1xi32> to vector<16xi32>
          %gather3A_908 = tpu.dynamic_gather %select_n3A_835[%gather3A_907] in [0] : vector<16xf32>, vector<16xi32> -> vector<16xf32>
          %select_n3A_909 = arith.select %ne3A_877, %gather3A_908, %select_n3A_827 : vector<16xi1>, vector<16xf32>
          %broadcast_in_dim3A_910 = vector.shape_cast %and3A_889 : vector<16xi32> to vector<16x1xi32>
          %gather3A_911 = vector.shape_cast %broadcast_in_dim3A_910 : vector<16x1xi32> to vector<16xi32>
          %gather3A_912 = tpu.dynamic_gather %select_n3A_827[%gather3A_911] in [0] : vector<16xf32>, vector<16xi32> -> vector<16xf32>
          %select_n3A_913 = arith.select %ne3A_877, %select_n3A_835, %gather3A_912 : vector<16xi1>, vector<16xf32>
          %broadcast_in_dim3A_914 = vector.shape_cast %and3A_883 : vector<16xi32> to vector<16x1xi32>
          %gather3A_915 = vector.shape_cast %broadcast_in_dim3A_914 : vector<16x1xi32> to vector<16xi32>
          %gather3A_916 = tpu.dynamic_gather %select_n3A_839[%gather3A_915] in [0] : vector<16xf32>, vector<16xi32> -> vector<16xf32>
          %select_n3A_917 = arith.select %ne3A_877, %gather3A_916, %select_n3A_831 : vector<16xi1>, vector<16xf32>
          %broadcast_in_dim3A_918 = vector.shape_cast %and3A_889 : vector<16xi32> to vector<16x1xi32>
          %gather3A_919 = vector.shape_cast %broadcast_in_dim3A_918 : vector<16x1xi32> to vector<16xi32>
          %gather3A_920 = tpu.dynamic_gather %select_n3A_831[%gather3A_919] in [0] : vector<16xf32>, vector<16xi32> -> vector<16xf32>
          %select_n3A_921 = arith.select %ne3A_877, %select_n3A_839, %gather3A_920 : vector<16xi1>, vector<16xf32>
          %broadcast_in_dim3A_922 = vector.shape_cast %and3A_883 : vector<16xi32> to vector<16x1xi32>
          %gather3A_923 = vector.shape_cast %broadcast_in_dim3A_922 : vector<16x1xi32> to vector<16xi32>
          %gather3A_924 = tpu.dynamic_gather %select_n3A_851[%gather3A_923] in [0] : vector<16xf32>, vector<16xi32> -> vector<16xf32>
          %select_n3A_925 = arith.select %ne3A_877, %gather3A_924, %select_n3A_843 : vector<16xi1>, vector<16xf32>
          %broadcast_in_dim3A_926 = vector.shape_cast %and3A_889 : vector<16xi32> to vector<16x1xi32>
          %gather3A_927 = vector.shape_cast %broadcast_in_dim3A_926 : vector<16x1xi32> to vector<16xi32>
          %gather3A_928 = tpu.dynamic_gather %select_n3A_843[%gather3A_927] in [0] : vector<16xf32>, vector<16xi32> -> vector<16xf32>
          %select_n3A_929 = arith.select %ne3A_877, %select_n3A_851, %gather3A_928 : vector<16xi1>, vector<16xf32>
          %broadcast_in_dim3A_930 = vector.shape_cast %and3A_883 : vector<16xi32> to vector<16x1xi32>
          %gather3A_931 = vector.shape_cast %broadcast_in_dim3A_930 : vector<16x1xi32> to vector<16xi32>
          %gather3A_932 = tpu.dynamic_gather %select_n3A_855[%gather3A_931] in [0] : vector<16xf32>, vector<16xi32> -> vector<16xf32>
          %select_n3A_933 = arith.select %ne3A_877, %gather3A_932, %select_n3A_847 : vector<16xi1>, vector<16xf32>
          %broadcast_in_dim3A_934 = vector.shape_cast %and3A_889 : vector<16xi32> to vector<16x1xi32>
          %gather3A_935 = vector.shape_cast %broadcast_in_dim3A_934 : vector<16x1xi32> to vector<16xi32>
          %gather3A_936 = tpu.dynamic_gather %select_n3A_847[%gather3A_935] in [0] : vector<16xf32>, vector<16xi32> -> vector<16xf32>
          %select_n3A_937 = arith.select %ne3A_877, %select_n3A_855, %gather3A_936 : vector<16xi1>, vector<16xf32>
          %broadcast_in_dim3A_938 = vector.shape_cast %and3A_883 : vector<16xi32> to vector<16x1xi32>
          %gather3A_939 = vector.shape_cast %broadcast_in_dim3A_938 : vector<16x1xi32> to vector<16xi32>
          %gather3A_940 = tpu.dynamic_gather %select_n3A_867[%gather3A_939] in [0] : vector<16xf32>, vector<16xi32> -> vector<16xf32>
          %select_n3A_941 = arith.select %ne3A_877, %gather3A_940, %select_n3A_859 : vector<16xi1>, vector<16xf32>
          %broadcast_in_dim3A_942 = vector.shape_cast %and3A_889 : vector<16xi32> to vector<16x1xi32>
          %gather3A_943 = vector.shape_cast %broadcast_in_dim3A_942 : vector<16x1xi32> to vector<16xi32>
          %gather3A_944 = tpu.dynamic_gather %select_n3A_859[%gather3A_943] in [0] : vector<16xf32>, vector<16xi32> -> vector<16xf32>
          %select_n3A_945 = arith.select %ne3A_877, %select_n3A_867, %gather3A_944 : vector<16xi1>, vector<16xf32>
          %broadcast_in_dim3A_946 = vector.shape_cast %and3A_883 : vector<16xi32> to vector<16x1xi32>
          %gather3A_947 = vector.shape_cast %broadcast_in_dim3A_946 : vector<16x1xi32> to vector<16xi32>
          %gather3A_948 = tpu.dynamic_gather %select_n3A_871[%gather3A_947] in [0] : vector<16xf32>, vector<16xi32> -> vector<16xf32>
          %select_n3A_949 = arith.select %ne3A_877, %gather3A_948, %select_n3A_863 : vector<16xi1>, vector<16xf32>
          %broadcast_in_dim3A_950 = vector.shape_cast %and3A_889 : vector<16xi32> to vector<16x1xi32>
          %gather3A_951 = vector.shape_cast %broadcast_in_dim3A_950 : vector<16x1xi32> to vector<16xi32>
          %gather3A_952 = tpu.dynamic_gather %select_n3A_863[%gather3A_951] in [0] : vector<16xf32>, vector<16xi32> -> vector<16xf32>
          %select_n3A_953 = arith.select %ne3A_877, %select_n3A_871, %gather3A_952 : vector<16xi1>, vector<16xf32>
          %and3A_954 = arith.constant 4 : i32
          %and3A_955 = vector.broadcast %and3A_954 : i32 to vector<16xi32>
          %and3A_956 = arith.andi %iota3A, %and3A_955 : vector<16xi32>
          %ne3A_957 = arith.constant 0 : i32
          %ne3A_958 = vector.broadcast %ne3A_957 : i32 to vector<16xi32>
          %ne3A_959 = arith.cmpi ne, %and3A_956, %ne3A_958 : vector<16xi32>
          %sub3A_960 = arith.constant 4 : i32
          %sub3A_961 = vector.broadcast %sub3A_960 : i32 to vector<16xi32>
          %sub3A_962 = arith.subi %iota3A, %sub3A_961 : vector<16xi32>
          %and3A_963 = arith.constant 15 : i32
          %and3A_964 = vector.broadcast %and3A_963 : i32 to vector<16xi32>
          %and3A_965 = arith.andi %sub3A_962, %and3A_964 : vector<16xi32>
          %add3A_966 = arith.constant 4 : i32
          %add3A_967 = vector.broadcast %add3A_966 : i32 to vector<16xi32>
          %add3A_968 = arith.addi %iota3A, %add3A_967 : vector<16xi32>
          %and3A_969 = arith.constant 15 : i32
          %and3A_970 = vector.broadcast %and3A_969 : i32 to vector<16xi32>
          %and3A_971 = arith.andi %add3A_968, %and3A_970 : vector<16xi32>
          %broadcast_in_dim3A_972 = vector.shape_cast %and3A_965 : vector<16xi32> to vector<16x1xi32>
          %gather3A_973 = vector.shape_cast %broadcast_in_dim3A_972 : vector<16x1xi32> to vector<16xi32>
          %gather3A_974 = tpu.dynamic_gather %select_n3A_909[%gather3A_973] in [0] : vector<16xf32>, vector<16xi32> -> vector<16xf32>
          %select_n3A_975 = arith.select %ne3A_959, %gather3A_974, %select_n3A_893 : vector<16xi1>, vector<16xf32>
          %broadcast_in_dim3A_976 = vector.shape_cast %and3A_971 : vector<16xi32> to vector<16x1xi32>
          %gather3A_977 = vector.shape_cast %broadcast_in_dim3A_976 : vector<16x1xi32> to vector<16xi32>
          %gather3A_978 = tpu.dynamic_gather %select_n3A_893[%gather3A_977] in [0] : vector<16xf32>, vector<16xi32> -> vector<16xf32>
          %select_n3A_979 = arith.select %ne3A_959, %select_n3A_909, %gather3A_978 : vector<16xi1>, vector<16xf32>
          %broadcast_in_dim3A_980 = vector.shape_cast %and3A_965 : vector<16xi32> to vector<16x1xi32>
          %gather3A_981 = vector.shape_cast %broadcast_in_dim3A_980 : vector<16x1xi32> to vector<16xi32>
          %gather3A_982 = tpu.dynamic_gather %select_n3A_917[%gather3A_981] in [0] : vector<16xf32>, vector<16xi32> -> vector<16xf32>
          %select_n3A_983 = arith.select %ne3A_959, %gather3A_982, %select_n3A_901 : vector<16xi1>, vector<16xf32>
          %broadcast_in_dim3A_984 = vector.shape_cast %and3A_971 : vector<16xi32> to vector<16x1xi32>
          %gather3A_985 = vector.shape_cast %broadcast_in_dim3A_984 : vector<16x1xi32> to vector<16xi32>
          %gather3A_986 = tpu.dynamic_gather %select_n3A_901[%gather3A_985] in [0] : vector<16xf32>, vector<16xi32> -> vector<16xf32>
          %select_n3A_987 = arith.select %ne3A_959, %select_n3A_917, %gather3A_986 : vector<16xi1>, vector<16xf32>
          %broadcast_in_dim3A_988 = vector.shape_cast %and3A_965 : vector<16xi32> to vector<16x1xi32>
          %gather3A_989 = vector.shape_cast %broadcast_in_dim3A_988 : vector<16x1xi32> to vector<16xi32>
          %gather3A_990 = tpu.dynamic_gather %select_n3A_913[%gather3A_989] in [0] : vector<16xf32>, vector<16xi32> -> vector<16xf32>
          %select_n3A_991 = arith.select %ne3A_959, %gather3A_990, %select_n3A_897 : vector<16xi1>, vector<16xf32>
          %broadcast_in_dim3A_992 = vector.shape_cast %and3A_971 : vector<16xi32> to vector<16x1xi32>
          %gather3A_993 = vector.shape_cast %broadcast_in_dim3A_992 : vector<16x1xi32> to vector<16xi32>
          %gather3A_994 = tpu.dynamic_gather %select_n3A_897[%gather3A_993] in [0] : vector<16xf32>, vector<16xi32> -> vector<16xf32>
          %select_n3A_995 = arith.select %ne3A_959, %select_n3A_913, %gather3A_994 : vector<16xi1>, vector<16xf32>
          %broadcast_in_dim3A_996 = vector.shape_cast %and3A_965 : vector<16xi32> to vector<16x1xi32>
          %gather3A_997 = vector.shape_cast %broadcast_in_dim3A_996 : vector<16x1xi32> to vector<16xi32>
          %gather3A_998 = tpu.dynamic_gather %select_n3A_921[%gather3A_997] in [0] : vector<16xf32>, vector<16xi32> -> vector<16xf32>
          %select_n3A_999 = arith.select %ne3A_959, %gather3A_998, %select_n3A_905 : vector<16xi1>, vector<16xf32>
          %broadcast_in_dim3A_1000 = vector.shape_cast %and3A_971 : vector<16xi32> to vector<16x1xi32>
          %gather3A_1001 = vector.shape_cast %broadcast_in_dim3A_1000 : vector<16x1xi32> to vector<16xi32>
          %gather3A_1002 = tpu.dynamic_gather %select_n3A_905[%gather3A_1001] in [0] : vector<16xf32>, vector<16xi32> -> vector<16xf32>
          %select_n3A_1003 = arith.select %ne3A_959, %select_n3A_921, %gather3A_1002 : vector<16xi1>, vector<16xf32>
          %broadcast_in_dim3A_1004 = vector.shape_cast %and3A_965 : vector<16xi32> to vector<16x1xi32>
          %gather3A_1005 = vector.shape_cast %broadcast_in_dim3A_1004 : vector<16x1xi32> to vector<16xi32>
          %gather3A_1006 = tpu.dynamic_gather %select_n3A_941[%gather3A_1005] in [0] : vector<16xf32>, vector<16xi32> -> vector<16xf32>
          %select_n3A_1007 = arith.select %ne3A_959, %gather3A_1006, %select_n3A_925 : vector<16xi1>, vector<16xf32>
          %broadcast_in_dim3A_1008 = vector.shape_cast %and3A_971 : vector<16xi32> to vector<16x1xi32>
          %gather3A_1009 = vector.shape_cast %broadcast_in_dim3A_1008 : vector<16x1xi32> to vector<16xi32>
          %gather3A_1010 = tpu.dynamic_gather %select_n3A_925[%gather3A_1009] in [0] : vector<16xf32>, vector<16xi32> -> vector<16xf32>
          %select_n3A_1011 = arith.select %ne3A_959, %select_n3A_941, %gather3A_1010 : vector<16xi1>, vector<16xf32>
          %broadcast_in_dim3A_1012 = vector.shape_cast %and3A_965 : vector<16xi32> to vector<16x1xi32>
          %gather3A_1013 = vector.shape_cast %broadcast_in_dim3A_1012 : vector<16x1xi32> to vector<16xi32>
          %gather3A_1014 = tpu.dynamic_gather %select_n3A_949[%gather3A_1013] in [0] : vector<16xf32>, vector<16xi32> -> vector<16xf32>
          %select_n3A_1015 = arith.select %ne3A_959, %gather3A_1014, %select_n3A_933 : vector<16xi1>, vector<16xf32>
          %broadcast_in_dim3A_1016 = vector.shape_cast %and3A_971 : vector<16xi32> to vector<16x1xi32>
          %gather3A_1017 = vector.shape_cast %broadcast_in_dim3A_1016 : vector<16x1xi32> to vector<16xi32>
          %gather3A_1018 = tpu.dynamic_gather %select_n3A_933[%gather3A_1017] in [0] : vector<16xf32>, vector<16xi32> -> vector<16xf32>
          %select_n3A_1019 = arith.select %ne3A_959, %select_n3A_949, %gather3A_1018 : vector<16xi1>, vector<16xf32>
          %broadcast_in_dim3A_1020 = vector.shape_cast %and3A_965 : vector<16xi32> to vector<16x1xi32>
          %gather3A_1021 = vector.shape_cast %broadcast_in_dim3A_1020 : vector<16x1xi32> to vector<16xi32>
          %gather3A_1022 = tpu.dynamic_gather %select_n3A_945[%gather3A_1021] in [0] : vector<16xf32>, vector<16xi32> -> vector<16xf32>
          %select_n3A_1023 = arith.select %ne3A_959, %gather3A_1022, %select_n3A_929 : vector<16xi1>, vector<16xf32>
          %broadcast_in_dim3A_1024 = vector.shape_cast %and3A_971 : vector<16xi32> to vector<16x1xi32>
          %gather3A_1025 = vector.shape_cast %broadcast_in_dim3A_1024 : vector<16x1xi32> to vector<16xi32>
          %gather3A_1026 = tpu.dynamic_gather %select_n3A_929[%gather3A_1025] in [0] : vector<16xf32>, vector<16xi32> -> vector<16xf32>
          %select_n3A_1027 = arith.select %ne3A_959, %select_n3A_945, %gather3A_1026 : vector<16xi1>, vector<16xf32>
          %broadcast_in_dim3A_1028 = vector.shape_cast %and3A_965 : vector<16xi32> to vector<16x1xi32>
          %gather3A_1029 = vector.shape_cast %broadcast_in_dim3A_1028 : vector<16x1xi32> to vector<16xi32>
          %gather3A_1030 = tpu.dynamic_gather %select_n3A_953[%gather3A_1029] in [0] : vector<16xf32>, vector<16xi32> -> vector<16xf32>
          %select_n3A_1031 = arith.select %ne3A_959, %gather3A_1030, %select_n3A_937 : vector<16xi1>, vector<16xf32>
          %broadcast_in_dim3A_1032 = vector.shape_cast %and3A_971 : vector<16xi32> to vector<16x1xi32>
          %gather3A_1033 = vector.shape_cast %broadcast_in_dim3A_1032 : vector<16x1xi32> to vector<16xi32>
          %gather3A_1034 = tpu.dynamic_gather %select_n3A_937[%gather3A_1033] in [0] : vector<16xf32>, vector<16xi32> -> vector<16xf32>
          %select_n3A_1035 = arith.select %ne3A_959, %select_n3A_953, %gather3A_1034 : vector<16xi1>, vector<16xf32>
          %and3A_1036 = arith.constant 8 : i32
          %and3A_1037 = vector.broadcast %and3A_1036 : i32 to vector<16xi32>
          %and3A_1038 = arith.andi %iota3A, %and3A_1037 : vector<16xi32>
          %ne3A_1039 = arith.constant 0 : i32
          %ne3A_1040 = vector.broadcast %ne3A_1039 : i32 to vector<16xi32>
          %ne3A_1041 = arith.cmpi ne, %and3A_1038, %ne3A_1040 : vector<16xi32>
          %sub3A_1042 = arith.constant 8 : i32
          %sub3A_1043 = vector.broadcast %sub3A_1042 : i32 to vector<16xi32>
          %sub3A_1044 = arith.subi %iota3A, %sub3A_1043 : vector<16xi32>
          %and3A_1045 = arith.constant 15 : i32
          %and3A_1046 = vector.broadcast %and3A_1045 : i32 to vector<16xi32>
          %and3A_1047 = arith.andi %sub3A_1044, %and3A_1046 : vector<16xi32>
          %add3A_1048 = arith.constant 8 : i32
          %add3A_1049 = vector.broadcast %add3A_1048 : i32 to vector<16xi32>
          %add3A_1050 = arith.addi %iota3A, %add3A_1049 : vector<16xi32>
          %and3A_1051 = arith.constant 15 : i32
          %and3A_1052 = vector.broadcast %and3A_1051 : i32 to vector<16xi32>
          %and3A_1053 = arith.andi %add3A_1050, %and3A_1052 : vector<16xi32>
          %broadcast_in_dim3A_1054 = vector.shape_cast %and3A_1047 : vector<16xi32> to vector<16x1xi32>
          %gather3A_1055 = vector.shape_cast %broadcast_in_dim3A_1054 : vector<16x1xi32> to vector<16xi32>
          %gather3A_1056 = tpu.dynamic_gather %select_n3A_1007[%gather3A_1055] in [0] : vector<16xf32>, vector<16xi32> -> vector<16xf32>
          %select_n3A_1057 = arith.select %ne3A_1041, %gather3A_1056, %select_n3A_975 : vector<16xi1>, vector<16xf32>
          %broadcast_in_dim3A_1058 = vector.shape_cast %and3A_1053 : vector<16xi32> to vector<16x1xi32>
          %gather3A_1059 = vector.shape_cast %broadcast_in_dim3A_1058 : vector<16x1xi32> to vector<16xi32>
          %gather3A_1060 = tpu.dynamic_gather %select_n3A_975[%gather3A_1059] in [0] : vector<16xf32>, vector<16xi32> -> vector<16xf32>
          %select_n3A_1061 = arith.select %ne3A_1041, %select_n3A_1007, %gather3A_1060 : vector<16xi1>, vector<16xf32>
          %broadcast_in_dim3A_1062 = vector.shape_cast %and3A_1047 : vector<16xi32> to vector<16x1xi32>
          %gather3A_1063 = vector.shape_cast %broadcast_in_dim3A_1062 : vector<16x1xi32> to vector<16xi32>
          %gather3A_1064 = tpu.dynamic_gather %select_n3A_1015[%gather3A_1063] in [0] : vector<16xf32>, vector<16xi32> -> vector<16xf32>
          %select_n3A_1065 = arith.select %ne3A_1041, %gather3A_1064, %select_n3A_983 : vector<16xi1>, vector<16xf32>
          %broadcast_in_dim3A_1066 = vector.shape_cast %and3A_1053 : vector<16xi32> to vector<16x1xi32>
          %gather3A_1067 = vector.shape_cast %broadcast_in_dim3A_1066 : vector<16x1xi32> to vector<16xi32>
          %gather3A_1068 = tpu.dynamic_gather %select_n3A_983[%gather3A_1067] in [0] : vector<16xf32>, vector<16xi32> -> vector<16xf32>
          %select_n3A_1069 = arith.select %ne3A_1041, %select_n3A_1015, %gather3A_1068 : vector<16xi1>, vector<16xf32>
          %broadcast_in_dim3A_1070 = vector.shape_cast %and3A_1047 : vector<16xi32> to vector<16x1xi32>
          %gather3A_1071 = vector.shape_cast %broadcast_in_dim3A_1070 : vector<16x1xi32> to vector<16xi32>
          %gather3A_1072 = tpu.dynamic_gather %select_n3A_1023[%gather3A_1071] in [0] : vector<16xf32>, vector<16xi32> -> vector<16xf32>
          %select_n3A_1073 = arith.select %ne3A_1041, %gather3A_1072, %select_n3A_991 : vector<16xi1>, vector<16xf32>
          %broadcast_in_dim3A_1074 = vector.shape_cast %and3A_1053 : vector<16xi32> to vector<16x1xi32>
          %gather3A_1075 = vector.shape_cast %broadcast_in_dim3A_1074 : vector<16x1xi32> to vector<16xi32>
          %gather3A_1076 = tpu.dynamic_gather %select_n3A_991[%gather3A_1075] in [0] : vector<16xf32>, vector<16xi32> -> vector<16xf32>
          %select_n3A_1077 = arith.select %ne3A_1041, %select_n3A_1023, %gather3A_1076 : vector<16xi1>, vector<16xf32>
          %broadcast_in_dim3A_1078 = vector.shape_cast %and3A_1047 : vector<16xi32> to vector<16x1xi32>
          %gather3A_1079 = vector.shape_cast %broadcast_in_dim3A_1078 : vector<16x1xi32> to vector<16xi32>
          %gather3A_1080 = tpu.dynamic_gather %select_n3A_1031[%gather3A_1079] in [0] : vector<16xf32>, vector<16xi32> -> vector<16xf32>
          %select_n3A_1081 = arith.select %ne3A_1041, %gather3A_1080, %select_n3A_999 : vector<16xi1>, vector<16xf32>
          %broadcast_in_dim3A_1082 = vector.shape_cast %and3A_1053 : vector<16xi32> to vector<16x1xi32>
          %gather3A_1083 = vector.shape_cast %broadcast_in_dim3A_1082 : vector<16x1xi32> to vector<16xi32>
          %gather3A_1084 = tpu.dynamic_gather %select_n3A_999[%gather3A_1083] in [0] : vector<16xf32>, vector<16xi32> -> vector<16xf32>
          %select_n3A_1085 = arith.select %ne3A_1041, %select_n3A_1031, %gather3A_1084 : vector<16xi1>, vector<16xf32>
          %broadcast_in_dim3A_1086 = vector.shape_cast %and3A_1047 : vector<16xi32> to vector<16x1xi32>
          %gather3A_1087 = vector.shape_cast %broadcast_in_dim3A_1086 : vector<16x1xi32> to vector<16xi32>
          %gather3A_1088 = tpu.dynamic_gather %select_n3A_1011[%gather3A_1087] in [0] : vector<16xf32>, vector<16xi32> -> vector<16xf32>
          %select_n3A_1089 = arith.select %ne3A_1041, %gather3A_1088, %select_n3A_979 : vector<16xi1>, vector<16xf32>
          %broadcast_in_dim3A_1090 = vector.shape_cast %and3A_1053 : vector<16xi32> to vector<16x1xi32>
          %gather3A_1091 = vector.shape_cast %broadcast_in_dim3A_1090 : vector<16x1xi32> to vector<16xi32>
          %gather3A_1092 = tpu.dynamic_gather %select_n3A_979[%gather3A_1091] in [0] : vector<16xf32>, vector<16xi32> -> vector<16xf32>
          %select_n3A_1093 = arith.select %ne3A_1041, %select_n3A_1011, %gather3A_1092 : vector<16xi1>, vector<16xf32>
          %broadcast_in_dim3A_1094 = vector.shape_cast %and3A_1047 : vector<16xi32> to vector<16x1xi32>
          %gather3A_1095 = vector.shape_cast %broadcast_in_dim3A_1094 : vector<16x1xi32> to vector<16xi32>
          %gather3A_1096 = tpu.dynamic_gather %select_n3A_1019[%gather3A_1095] in [0] : vector<16xf32>, vector<16xi32> -> vector<16xf32>
          %select_n3A_1097 = arith.select %ne3A_1041, %gather3A_1096, %select_n3A_987 : vector<16xi1>, vector<16xf32>
          %broadcast_in_dim3A_1098 = vector.shape_cast %and3A_1053 : vector<16xi32> to vector<16x1xi32>
          %gather3A_1099 = vector.shape_cast %broadcast_in_dim3A_1098 : vector<16x1xi32> to vector<16xi32>
          %gather3A_1100 = tpu.dynamic_gather %select_n3A_987[%gather3A_1099] in [0] : vector<16xf32>, vector<16xi32> -> vector<16xf32>
          %select_n3A_1101 = arith.select %ne3A_1041, %select_n3A_1019, %gather3A_1100 : vector<16xi1>, vector<16xf32>
          %broadcast_in_dim3A_1102 = vector.shape_cast %and3A_1047 : vector<16xi32> to vector<16x1xi32>
          %gather3A_1103 = vector.shape_cast %broadcast_in_dim3A_1102 : vector<16x1xi32> to vector<16xi32>
          %gather3A_1104 = tpu.dynamic_gather %select_n3A_1027[%gather3A_1103] in [0] : vector<16xf32>, vector<16xi32> -> vector<16xf32>
          %select_n3A_1105 = arith.select %ne3A_1041, %gather3A_1104, %select_n3A_995 : vector<16xi1>, vector<16xf32>
          %broadcast_in_dim3A_1106 = vector.shape_cast %and3A_1053 : vector<16xi32> to vector<16x1xi32>
          %gather3A_1107 = vector.shape_cast %broadcast_in_dim3A_1106 : vector<16x1xi32> to vector<16xi32>
          %gather3A_1108 = tpu.dynamic_gather %select_n3A_995[%gather3A_1107] in [0] : vector<16xf32>, vector<16xi32> -> vector<16xf32>
          %select_n3A_1109 = arith.select %ne3A_1041, %select_n3A_1027, %gather3A_1108 : vector<16xi1>, vector<16xf32>
          %broadcast_in_dim3A_1110 = vector.shape_cast %and3A_1047 : vector<16xi32> to vector<16x1xi32>
          %gather3A_1111 = vector.shape_cast %broadcast_in_dim3A_1110 : vector<16x1xi32> to vector<16xi32>
          %gather3A_1112 = tpu.dynamic_gather %select_n3A_1035[%gather3A_1111] in [0] : vector<16xf32>, vector<16xi32> -> vector<16xf32>
          %select_n3A_1113 = arith.select %ne3A_1041, %gather3A_1112, %select_n3A_1003 : vector<16xi1>, vector<16xf32>
          %broadcast_in_dim3A_1114 = vector.shape_cast %and3A_1053 : vector<16xi32> to vector<16x1xi32>
          %gather3A_1115 = vector.shape_cast %broadcast_in_dim3A_1114 : vector<16x1xi32> to vector<16xi32>
          %gather3A_1116 = tpu.dynamic_gather %select_n3A_1003[%gather3A_1115] in [0] : vector<16xf32>, vector<16xi32> -> vector<16xf32>
          %select_n3A_1117 = arith.select %ne3A_1041, %select_n3A_1035, %gather3A_1116 : vector<16xi1>, vector<16xf32>
          %mul3A_1118 = arith.constant 16 : i32
          %mul3A_1119 = arith.muli %scan3A_113, %mul3A_1118 : i32
          %add3A_1120 = arith.constant 0 : i32
          %add3A_1121 = arith.addi %mul3A_1119, %add3A_1120 : i32
          %swap3A_1122 = arith.index_cast %select_n3A_57 : i32 to index
          %swap3A_1123 = arith.index_cast %add3A_1121 : i32 to index
          %swap3A_1124 = arith.constant 16 : index
          %swap3A_1125 = tpu.vector_load %arg6[%swap3A_1122, %swap3A_1123, %swap3A_1124] {strides = array<i32>} : memref<2x128x128xf32, #tpu.memory_space<vmem>>, vector<16xf32>,
          tpu.vector_store %arg6[%swap3A_1122, %swap3A_1123, %swap3A_1124], %select_n3A_1057 {strides = array<i32>} : memref<2x128x128xf32, #tpu.memory_space<vmem>>, vector<16xf32>,
          %mul3A_1126 = arith.constant 16 : i32
          %mul3A_1127 = arith.muli %scan3A_113, %mul3A_1126 : i32
          %add3A_1128 = arith.constant 1 : i32
          %add3A_1129 = arith.addi %mul3A_1127, %add3A_1128 : i32
          %swap3A_1130 = arith.index_cast %select_n3A_57 : i32 to index
          %swap3A_1131 = arith.index_cast %add3A_1129 : i32 to index
          %swap3A_1132 = arith.constant 16 : index
          %swap3A_1133 = tpu.vector_load %arg6[%swap3A_1130, %swap3A_1131, %swap3A_1132] {strides = array<i32>} : memref<2x128x128xf32, #tpu.memory_space<vmem>>, vector<16xf32>,
          tpu.vector_store %arg6[%swap3A_1130, %swap3A_1131, %swap3A_1132], %select_n3A_1065 {strides = array<i32>} : memref<2x128x128xf32, #tpu.memory_space<vmem>>, vector<16xf32>,
          %mul3A_1134 = arith.constant 16 : i32
          %mul3A_1135 = arith.muli %scan3A_113, %mul3A_1134 : i32
          %add3A_1136 = arith.constant 2 : i32
          %add3A_1137 = arith.addi %mul3A_1135, %add3A_1136 : i32
          %swap3A_1138 = arith.index_cast %select_n3A_57 : i32 to index
          %swap3A_1139 = arith.index_cast %add3A_1137 : i32 to index
          %swap3A_1140 = arith.constant 16 : index
          %swap3A_1141 = tpu.vector_load %arg6[%swap3A_1138, %swap3A_1139, %swap3A_1140] {strides = array<i32>} : memref<2x128x128xf32, #tpu.memory_space<vmem>>, vector<16xf32>,
          tpu.vector_store %arg6[%swap3A_1138, %swap3A_1139, %swap3A_1140], %select_n3A_1073 {strides = array<i32>} : memref<2x128x128xf32, #tpu.memory_space<vmem>>, vector<16xf32>,
          %mul3A_1142 = arith.constant 16 : i32
          %mul3A_1143 = arith.muli %scan3A_113, %mul3A_1142 : i32
          %add3A_1144 = arith.constant 3 : i32
          %add3A_1145 = arith.addi %mul3A_1143, %add3A_1144 : i32
          %swap3A_1146 = arith.index_cast %select_n3A_57 : i32 to index
          %swap3A_1147 = arith.index_cast %add3A_1145 : i32 to index
          %swap3A_1148 = arith.constant 16 : index
          %swap3A_1149 = tpu.vector_load %arg6[%swap3A_1146, %swap3A_1147, %swap3A_1148] {strides = array<i32>} : memref<2x128x128xf32, #tpu.memory_space<vmem>>, vector<16xf32>,
          tpu.vector_store %arg6[%swap3A_1146, %swap3A_1147, %swap3A_1148], %select_n3A_1081 {strides = array<i32>} : memref<2x128x128xf32, #tpu.memory_space<vmem>>, vector<16xf32>,
          %mul3A_1150 = arith.constant 16 : i32
          %mul3A_1151 = arith.muli %scan3A_113, %mul3A_1150 : i32
          %add3A_1152 = arith.constant 4 : i32
          %add3A_1153 = arith.addi %mul3A_1151, %add3A_1152 : i32
          %swap3A_1154 = arith.index_cast %select_n3A_57 : i32 to index
          %swap3A_1155 = arith.index_cast %add3A_1153 : i32 to index
          %swap3A_1156 = arith.constant 16 : index
          %swap3A_1157 = tpu.vector_load %arg6[%swap3A_1154, %swap3A_1155, %swap3A_1156] {strides = array<i32>} : memref<2x128x128xf32, #tpu.memory_space<vmem>>, vector<16xf32>,
          tpu.vector_store %arg6[%swap3A_1154, %swap3A_1155, %swap3A_1156], %select_n3A_1089 {strides = array<i32>} : memref<2x128x128xf32, #tpu.memory_space<vmem>>, vector<16xf32>,
          %mul3A_1158 = arith.constant 16 : i32
          %mul3A_1159 = arith.muli %scan3A_113, %mul3A_1158 : i32
          %add3A_1160 = arith.constant 5 : i32
          %add3A_1161 = arith.addi %mul3A_1159, %add3A_1160 : i32
          %swap3A_1162 = arith.index_cast %select_n3A_57 : i32 to index
          %swap3A_1163 = arith.index_cast %add3A_1161 : i32 to index
          %swap3A_1164 = arith.constant 16 : index
          %swap3A_1165 = tpu.vector_load %arg6[%swap3A_1162, %swap3A_1163, %swap3A_1164] {strides = array<i32>} : memref<2x128x128xf32, #tpu.memory_space<vmem>>, vector<16xf32>,
          tpu.vector_store %arg6[%swap3A_1162, %swap3A_1163, %swap3A_1164], %select_n3A_1097 {strides = array<i32>} : memref<2x128x128xf32, #tpu.memory_space<vmem>>, vector<16xf32>,
          %mul3A_1166 = arith.constant 16 : i32
          %mul3A_1167 = arith.muli %scan3A_113, %mul3A_1166 : i32
          %add3A_1168 = arith.constant 6 : i32
          %add3A_1169 = arith.addi %mul3A_1167, %add3A_1168 : i32
          %swap3A_1170 = arith.index_cast %select_n3A_57 : i32 to index
          %swap3A_1171 = arith.index_cast %add3A_1169 : i32 to index
          %swap3A_1172 = arith.constant 16 : index
          %swap3A_1173 = tpu.vector_load %arg6[%swap3A_1170, %swap3A_1171, %swap3A_1172] {strides = array<i32>} : memref<2x128x128xf32, #tpu.memory_space<vmem>>, vector<16xf32>,
          tpu.vector_store %arg6[%swap3A_1170, %swap3A_1171, %swap3A_1172], %select_n3A_1105 {strides = array<i32>} : memref<2x128x128xf32, #tpu.memory_space<vmem>>, vector<16xf32>,
          %mul3A_1174 = arith.constant 16 : i32
          %mul3A_1175 = arith.muli %scan3A_113, %mul3A_1174 : i32
          %add3A_1176 = arith.constant 7 : i32
          %add3A_1177 = arith.addi %mul3A_1175, %add3A_1176 : i32
          %swap3A_1178 = arith.index_cast %select_n3A_57 : i32 to index
          %swap3A_1179 = arith.index_cast %add3A_1177 : i32 to index
          %swap3A_1180 = arith.constant 16 : index
          %swap3A_1181 = tpu.vector_load %arg6[%swap3A_1178, %swap3A_1179, %swap3A_1180] {strides = array<i32>} : memref<2x128x128xf32, #tpu.memory_space<vmem>>, vector<16xf32>,
          tpu.vector_store %arg6[%swap3A_1178, %swap3A_1179, %swap3A_1180], %select_n3A_1113 {strides = array<i32>} : memref<2x128x128xf32, #tpu.memory_space<vmem>>, vector<16xf32>,
          %mul3A_1182 = arith.constant 16 : i32
          %mul3A_1183 = arith.muli %scan3A_113, %mul3A_1182 : i32
          %add3A_1184 = arith.constant 8 : i32
          %add3A_1185 = arith.addi %mul3A_1183, %add3A_1184 : i32
          %swap3A_1186 = arith.index_cast %select_n3A_57 : i32 to index
          %swap3A_1187 = arith.index_cast %add3A_1185 : i32 to index
          %swap3A_1188 = arith.constant 16 : index
          %swap3A_1189 = tpu.vector_load %arg6[%swap3A_1186, %swap3A_1187, %swap3A_1188] {strides = array<i32>} : memref<2x128x128xf32, #tpu.memory_space<vmem>>, vector<16xf32>,
          tpu.vector_store %arg6[%swap3A_1186, %swap3A_1187, %swap3A_1188], %select_n3A_1061 {strides = array<i32>} : memref<2x128x128xf32, #tpu.memory_space<vmem>>, vector<16xf32>,
          %mul3A_1190 = arith.constant 16 : i32
          %mul3A_1191 = arith.muli %scan3A_113, %mul3A_1190 : i32
          %add3A_1192 = arith.constant 9 : i32
          %add3A_1193 = arith.addi %mul3A_1191, %add3A_1192 : i32
          %swap3A_1194 = arith.index_cast %select_n3A_57 : i32 to index
          %swap3A_1195 = arith.index_cast %add3A_1193 : i32 to index
          %swap3A_1196 = arith.constant 16 : index
          %swap3A_1197 = tpu.vector_load %arg6[%swap3A_1194, %swap3A_1195, %swap3A_1196] {strides = array<i32>} : memref<2x128x128xf32, #tpu.memory_space<vmem>>, vector<16xf32>,
          tpu.vector_store %arg6[%swap3A_1194, %swap3A_1195, %swap3A_1196], %select_n3A_1069 {strides = array<i32>} : memref<2x128x128xf32, #tpu.memory_space<vmem>>, vector<16xf32>,
          %mul3A_1198 = arith.constant 16 : i32
          %mul3A_1199 = arith.muli %scan3A_113, %mul3A_1198 : i32
          %add3A_1200 = arith.constant 10 : i32
          %add3A_1201 = arith.addi %mul3A_1199, %add3A_1200 : i32
          %swap3A_1202 = arith.index_cast %select_n3A_57 : i32 to index
          %swap3A_1203 = arith.index_cast %add3A_1201 : i32 to index
          %swap3A_1204 = arith.constant 16 : index
          %swap3A_1205 = tpu.vector_load %arg6[%swap3A_1202, %swap3A_1203, %swap3A_1204] {strides = array<i32>} : memref<2x128x128xf32, #tpu.memory_space<vmem>>, vector<16xf32>,
          tpu.vector_store %arg6[%swap3A_1202, %swap3A_1203, %swap3A_1204], %select_n3A_1077 {strides = array<i32>} : memref<2x128x128xf32, #tpu.memory_space<vmem>>, vector<16xf32>,
          %mul3A_1206 = arith.constant 16 : i32
          %mul3A_1207 = arith.muli %scan3A_113, %mul3A_1206 : i32
          %add3A_1208 = arith.constant 11 : i32
          %add3A_1209 = arith.addi %mul3A_1207, %add3A_1208 : i32
          %swap3A_1210 = arith.index_cast %select_n3A_57 : i32 to index
          %swap3A_1211 = arith.index_cast %add3A_1209 : i32 to index
          %swap3A_1212 = arith.constant 16 : index
          %swap3A_1213 = tpu.vector_load %arg6[%swap3A_1210, %swap3A_1211, %swap3A_1212] {strides = array<i32>} : memref<2x128x128xf32, #tpu.memory_space<vmem>>, vector<16xf32>,
          tpu.vector_store %arg6[%swap3A_1210, %swap3A_1211, %swap3A_1212], %select_n3A_1085 {strides = array<i32>} : memref<2x128x128xf32, #tpu.memory_space<vmem>>, vector<16xf32>,
          %mul3A_1214 = arith.constant 16 : i32
          %mul3A_1215 = arith.muli %scan3A_113, %mul3A_1214 : i32
          %add3A_1216 = arith.constant 12 : i32
          %add3A_1217 = arith.addi %mul3A_1215, %add3A_1216 : i32
          %swap3A_1218 = arith.index_cast %select_n3A_57 : i32 to index
          %swap3A_1219 = arith.index_cast %add3A_1217 : i32 to index
          %swap3A_1220 = arith.constant 16 : index
          %swap3A_1221 = tpu.vector_load %arg6[%swap3A_1218, %swap3A_1219, %swap3A_1220] {strides = array<i32>} : memref<2x128x128xf32, #tpu.memory_space<vmem>>, vector<16xf32>,
          tpu.vector_store %arg6[%swap3A_1218, %swap3A_1219, %swap3A_1220], %select_n3A_1093 {strides = array<i32>} : memref<2x128x128xf32, #tpu.memory_space<vmem>>, vector<16xf32>,
          %mul3A_1222 = arith.constant 16 : i32
          %mul3A_1223 = arith.muli %scan3A_113, %mul3A_1222 : i32
          %add3A_1224 = arith.constant 13 : i32
          %add3A_1225 = arith.addi %mul3A_1223, %add3A_1224 : i32
          %swap3A_1226 = arith.index_cast %select_n3A_57 : i32 to index
          %swap3A_1227 = arith.index_cast %add3A_1225 : i32 to index
          %swap3A_1228 = arith.constant 16 : index
          %swap3A_1229 = tpu.vector_load %arg6[%swap3A_1226, %swap3A_1227, %swap3A_1228] {strides = array<i32>} : memref<2x128x128xf32, #tpu.memory_space<vmem>>, vector<16xf32>,
          tpu.vector_store %arg6[%swap3A_1226, %swap3A_1227, %swap3A_1228], %select_n3A_1101 {strides = array<i32>} : memref<2x128x128xf32, #tpu.memory_space<vmem>>, vector<16xf32>,
          %mul3A_1230 = arith.constant 16 : i32
          %mul3A_1231 = arith.muli %scan3A_113, %mul3A_1230 : i32
          %add3A_1232 = arith.constant 14 : i32
          %add3A_1233 = arith.addi %mul3A_1231, %add3A_1232 : i32
          %swap3A_1234 = arith.index_cast %select_n3A_57 : i32 to index
          %swap3A_1235 = arith.index_cast %add3A_1233 : i32 to index
          %swap3A_1236 = arith.constant 16 : index
          %swap3A_1237 = tpu.vector_load %arg6[%swap3A_1234, %swap3A_1235, %swap3A_1236] {strides = array<i32>} : memref<2x128x128xf32, #tpu.memory_space<vmem>>, vector<16xf32>,
          tpu.vector_store %arg6[%swap3A_1234, %swap3A_1235, %swap3A_1236], %select_n3A_1109 {strides = array<i32>} : memref<2x128x128xf32, #tpu.memory_space<vmem>>, vector<16xf32>,
          %mul3A_1238 = arith.constant 16 : i32
          %mul3A_1239 = arith.muli %scan3A_113, %mul3A_1238 : i32
          %add3A_1240 = arith.constant 15 : i32
          %add3A_1241 = arith.addi %mul3A_1239, %add3A_1240 : i32
          %swap3A_1242 = arith.index_cast %select_n3A_57 : i32 to index
          %swap3A_1243 = arith.index_cast %add3A_1241 : i32 to index
          %swap3A_1244 = arith.constant 16 : index
          %swap3A_1245 = tpu.vector_load %arg6[%swap3A_1242, %swap3A_1243, %swap3A_1244] {strides = array<i32>} : memref<2x128x128xf32, #tpu.memory_space<vmem>>, vector<16xf32>,
          tpu.vector_store %arg6[%swap3A_1242, %swap3A_1243, %swap3A_1244], %select_n3A_1117 {strides = array<i32>} : memref<2x128x128xf32, #tpu.memory_space<vmem>>, vector<16xf32>,
          %mul3A_1246 = arith.constant 16 : i32
          %mul3A_1247 = arith.muli %scan3A_113, %mul3A_1246 : i32
          %get3A_1248 = arith.constant 32 : i32
          %get3A_1249 = arith.index_cast %select_n3A_57 : i32 to index
          %get3A_1250 = arith.index_cast %get3A_1248 : i32 to index
          %get3A_1251 = arith.index_cast %mul3A_1247 : i32 to index
          %get3A_1252 = tpu.vector_load %arg5[%get3A_1249, %get3A_1250, %get3A_1251] {strides = array<i32>} : memref<2x64x128xf32, #tpu.memory_space<vmem>>, vector<16xf32>,
          %mul3A_1253 = arith.constant 16 : i32
          %mul3A_1254 = arith.muli %scan3A_113, %mul3A_1253 : i32
          %get3A_1255 = arith.constant 33 : i32
          %get3A_1256 = arith.index_cast %select_n3A_57 : i32 to index
          %get3A_1257 = arith.index_cast %get3A_1255 : i32 to index
          %get3A_1258 = arith.index_cast %mul3A_1254 : i32 to index
          %get3A_1259 = tpu.vector_load %arg5[%get3A_1256, %get3A_1257, %get3A_1258] {strides = array<i32>} : memref<2x64x128xf32, #tpu.memory_space<vmem>>, vector<16xf32>,
          %mul3A_1260 = arith.constant 16 : i32
          %mul3A_1261 = arith.muli %scan3A_113, %mul3A_1260 : i32
          %get3A_1262 = arith.constant 34 : i32
          %get3A_1263 = arith.index_cast %select_n3A_57 : i32 to index
          %get3A_1264 = arith.index_cast %get3A_1262 : i32 to index
          %get3A_1265 = arith.index_cast %mul3A_1261 : i32 to index
          %get3A_1266 = tpu.vector_load %arg5[%get3A_1263, %get3A_1264, %get3A_1265] {strides = array<i32>} : memref<2x64x128xf32, #tpu.memory_space<vmem>>, vector<16xf32>,
          %mul3A_1267 = arith.constant 16 : i32
          %mul3A_1268 = arith.muli %scan3A_113, %mul3A_1267 : i32
          %get3A_1269 = arith.constant 35 : i32
          %get3A_1270 = arith.index_cast %select_n3A_57 : i32 to index
          %get3A_1271 = arith.index_cast %get3A_1269 : i32 to index
          %get3A_1272 = arith.index_cast %mul3A_1268 : i32 to index
          %get3A_1273 = tpu.vector_load %arg5[%get3A_1270, %get3A_1271, %get3A_1272] {strides = array<i32>} : memref<2x64x128xf32, #tpu.memory_space<vmem>>, vector<16xf32>,
          %mul3A_1274 = arith.constant 16 : i32
          %mul3A_1275 = arith.muli %scan3A_113, %mul3A_1274 : i32
          %get3A_1276 = arith.constant 36 : i32
          %get3A_1277 = arith.index_cast %select_n3A_57 : i32 to index
          %get3A_1278 = arith.index_cast %get3A_1276 : i32 to index
          %get3A_1279 = arith.index_cast %mul3A_1275 : i32 to index
          %get3A_1280 = tpu.vector_load %arg5[%get3A_1277, %get3A_1278, %get3A_1279] {strides = array<i32>} : memref<2x64x128xf32, #tpu.memory_space<vmem>>, vector<16xf32>,
          %mul3A_1281 = arith.constant 16 : i32
          %mul3A_1282 = arith.muli %scan3A_113, %mul3A_1281 : i32
          %get3A_1283 = arith.constant 37 : i32
          %get3A_1284 = arith.index_cast %select_n3A_57 : i32 to index
          %get3A_1285 = arith.index_cast %get3A_1283 : i32 to index
          %get3A_1286 = arith.index_cast %mul3A_1282 : i32 to index
          %get3A_1287 = tpu.vector_load %arg5[%get3A_1284, %get3A_1285, %get3A_1286] {strides = array<i32>} : memref<2x64x128xf32, #tpu.memory_space<vmem>>, vector<16xf32>,
          %mul3A_1288 = arith.constant 16 : i32
          %mul3A_1289 = arith.muli %scan3A_113, %mul3A_1288 : i32
          %get3A_1290 = arith.constant 38 : i32
          %get3A_1291 = arith.index_cast %select_n3A_57 : i32 to index
          %get3A_1292 = arith.index_cast %get3A_1290 : i32 to index
          %get3A_1293 = arith.index_cast %mul3A_1289 : i32 to index
          %get3A_1294 = tpu.vector_load %arg5[%get3A_1291, %get3A_1292, %get3A_1293] {strides = array<i32>} : memref<2x64x128xf32, #tpu.memory_space<vmem>>, vector<16xf32>,
          %mul3A_1295 = arith.constant 16 : i32
          %mul3A_1296 = arith.muli %scan3A_113, %mul3A_1295 : i32
          %get3A_1297 = arith.constant 39 : i32
          %get3A_1298 = arith.index_cast %select_n3A_57 : i32 to index
          %get3A_1299 = arith.index_cast %get3A_1297 : i32 to index
          %get3A_1300 = arith.index_cast %mul3A_1296 : i32 to index
          %get3A_1301 = tpu.vector_load %arg5[%get3A_1298, %get3A_1299, %get3A_1300] {strides = array<i32>} : memref<2x64x128xf32, #tpu.memory_space<vmem>>, vector<16xf32>,
          %mul3A_1302 = arith.constant 16 : i32
          %mul3A_1303 = arith.muli %scan3A_113, %mul3A_1302 : i32
          %get3A_1304 = arith.constant 40 : i32
          %get3A_1305 = arith.index_cast %select_n3A_57 : i32 to index
          %get3A_1306 = arith.index_cast %get3A_1304 : i32 to index
          %get3A_1307 = arith.index_cast %mul3A_1303 : i32 to index
          %get3A_1308 = tpu.vector_load %arg5[%get3A_1305, %get3A_1306, %get3A_1307] {strides = array<i32>} : memref<2x64x128xf32, #tpu.memory_space<vmem>>, vector<16xf32>,
          %mul3A_1309 = arith.constant 16 : i32
          %mul3A_1310 = arith.muli %scan3A_113, %mul3A_1309 : i32
          %get3A_1311 = arith.constant 41 : i32
          %get3A_1312 = arith.index_cast %select_n3A_57 : i32 to index
          %get3A_1313 = arith.index_cast %get3A_1311 : i32 to index
          %get3A_1314 = arith.index_cast %mul3A_1310 : i32 to index
          %get3A_1315 = tpu.vector_load %arg5[%get3A_1312, %get3A_1313, %get3A_1314] {strides = array<i32>} : memref<2x64x128xf32, #tpu.memory_space<vmem>>, vector<16xf32>,
          %mul3A_1316 = arith.constant 16 : i32
          %mul3A_1317 = arith.muli %scan3A_113, %mul3A_1316 : i32
          %get3A_1318 = arith.constant 42 : i32
          %get3A_1319 = arith.index_cast %select_n3A_57 : i32 to index
          %get3A_1320 = arith.index_cast %get3A_1318 : i32 to index
          %get3A_1321 = arith.index_cast %mul3A_1317 : i32 to index
          %get3A_1322 = tpu.vector_load %arg5[%get3A_1319, %get3A_1320, %get3A_1321] {strides = array<i32>} : memref<2x64x128xf32, #tpu.memory_space<vmem>>, vector<16xf32>,
          %mul3A_1323 = arith.constant 16 : i32
          %mul3A_1324 = arith.muli %scan3A_113, %mul3A_1323 : i32
          %get3A_1325 = arith.constant 43 : i32
          %get3A_1326 = arith.index_cast %select_n3A_57 : i32 to index
          %get3A_1327 = arith.index_cast %get3A_1325 : i32 to index
          %get3A_1328 = arith.index_cast %mul3A_1324 : i32 to index
          %get3A_1329 = tpu.vector_load %arg5[%get3A_1326, %get3A_1327, %get3A_1328] {strides = array<i32>} : memref<2x64x128xf32, #tpu.memory_space<vmem>>, vector<16xf32>,
          %mul3A_1330 = arith.constant 16 : i32
          %mul3A_1331 = arith.muli %scan3A_113, %mul3A_1330 : i32
          %get3A_1332 = arith.constant 44 : i32
          %get3A_1333 = arith.index_cast %select_n3A_57 : i32 to index
          %get3A_1334 = arith.index_cast %get3A_1332 : i32 to index
          %get3A_1335 = arith.index_cast %mul3A_1331 : i32 to index
          %get3A_1336 = tpu.vector_load %arg5[%get3A_1333, %get3A_1334, %get3A_1335] {strides = array<i32>} : memref<2x64x128xf32, #tpu.memory_space<vmem>>, vector<16xf32>,
          %mul3A_1337 = arith.constant 16 : i32
          %mul3A_1338 = arith.muli %scan3A_113, %mul3A_1337 : i32
          %get3A_1339 = arith.constant 45 : i32
          %get3A_1340 = arith.index_cast %select_n3A_57 : i32 to index
          %get3A_1341 = arith.index_cast %get3A_1339 : i32 to index
          %get3A_1342 = arith.index_cast %mul3A_1338 : i32 to index
          %get3A_1343 = tpu.vector_load %arg5[%get3A_1340, %get3A_1341, %get3A_1342] {strides = array<i32>} : memref<2x64x128xf32, #tpu.memory_space<vmem>>, vector<16xf32>,
          %mul3A_1344 = arith.constant 16 : i32
          %mul3A_1345 = arith.muli %scan3A_113, %mul3A_1344 : i32
          %get3A_1346 = arith.constant 46 : i32
          %get3A_1347 = arith.index_cast %select_n3A_57 : i32 to index
          %get3A_1348 = arith.index_cast %get3A_1346 : i32 to index
          %get3A_1349 = arith.index_cast %mul3A_1345 : i32 to index
          %get3A_1350 = tpu.vector_load %arg5[%get3A_1347, %get3A_1348, %get3A_1349] {strides = array<i32>} : memref<2x64x128xf32, #tpu.memory_space<vmem>>, vector<16xf32>,
          %mul3A_1351 = arith.constant 16 : i32
          %mul3A_1352 = arith.muli %scan3A_113, %mul3A_1351 : i32
          %get3A_1353 = arith.constant 47 : i32
          %get3A_1354 = arith.index_cast %select_n3A_57 : i32 to index
          %get3A_1355 = arith.index_cast %get3A_1353 : i32 to index
          %get3A_1356 = arith.index_cast %mul3A_1352 : i32 to index
          %get3A_1357 = tpu.vector_load %arg5[%get3A_1354, %get3A_1355, %get3A_1356] {strides = array<i32>} : memref<2x64x128xf32, #tpu.memory_space<vmem>>, vector<16xf32>,
          %and3A_1358 = arith.constant 1 : i32
          %and3A_1359 = vector.broadcast %and3A_1358 : i32 to vector<16xi32>
          %and3A_1360 = arith.andi %iota3A, %and3A_1359 : vector<16xi32>
          %ne3A_1361 = arith.constant 0 : i32
          %ne3A_1362 = vector.broadcast %ne3A_1361 : i32 to vector<16xi32>
          %ne3A_1363 = arith.cmpi ne, %and3A_1360, %ne3A_1362 : vector<16xi32>
          %sub3A_1364 = arith.constant 1 : i32
          %sub3A_1365 = vector.broadcast %sub3A_1364 : i32 to vector<16xi32>
          %sub3A_1366 = arith.subi %iota3A, %sub3A_1365 : vector<16xi32>
          %and3A_1367 = arith.constant 15 : i32
          %and3A_1368 = vector.broadcast %and3A_1367 : i32 to vector<16xi32>
          %and3A_1369 = arith.andi %sub3A_1366, %and3A_1368 : vector<16xi32>
          %add3A_1370 = arith.constant 1 : i32
          %add3A_1371 = vector.broadcast %add3A_1370 : i32 to vector<16xi32>
          %add3A_1372 = arith.addi %iota3A, %add3A_1371 : vector<16xi32>
          %and3A_1373 = arith.constant 15 : i32
          %and3A_1374 = vector.broadcast %and3A_1373 : i32 to vector<16xi32>
          %and3A_1375 = arith.andi %add3A_1372, %and3A_1374 : vector<16xi32>
          %broadcast_in_dim3A_1376 = vector.shape_cast %and3A_1369 : vector<16xi32> to vector<16x1xi32>
          %gather3A_1377 = vector.shape_cast %broadcast_in_dim3A_1376 : vector<16x1xi32> to vector<16xi32>
          %gather3A_1378 = tpu.dynamic_gather %get3A_1259[%gather3A_1377] in [0] : vector<16xf32>, vector<16xi32> -> vector<16xf32>
          %select_n3A_1379 = arith.select %ne3A_1363, %gather3A_1378, %get3A_1252 : vector<16xi1>, vector<16xf32>
          %broadcast_in_dim3A_1380 = vector.shape_cast %and3A_1375 : vector<16xi32> to vector<16x1xi32>
          %gather3A_1381 = vector.shape_cast %broadcast_in_dim3A_1380 : vector<16x1xi32> to vector<16xi32>
          %gather3A_1382 = tpu.dynamic_gather %get3A_1252[%gather3A_1381] in [0] : vector<16xf32>, vector<16xi32> -> vector<16xf32>
          %select_n3A_1383 = arith.select %ne3A_1363, %get3A_1259, %gather3A_1382 : vector<16xi1>, vector<16xf32>
          %broadcast_in_dim3A_1384 = vector.shape_cast %and3A_1369 : vector<16xi32> to vector<16x1xi32>
          %gather3A_1385 = vector.shape_cast %broadcast_in_dim3A_1384 : vector<16x1xi32> to vector<16xi32>
          %gather3A_1386 = tpu.dynamic_gather %get3A_1273[%gather3A_1385] in [0] : vector<16xf32>, vector<16xi32> -> vector<16xf32>
          %select_n3A_1387 = arith.select %ne3A_1363, %gather3A_1386, %get3A_1266 : vector<16xi1>, vector<16xf32>
          %broadcast_in_dim3A_1388 = vector.shape_cast %and3A_1375 : vector<16xi32> to vector<16x1xi32>
          %gather3A_1389 = vector.shape_cast %broadcast_in_dim3A_1388 : vector<16x1xi32> to vector<16xi32>
          %gather3A_1390 = tpu.dynamic_gather %get3A_1266[%gather3A_1389] in [0] : vector<16xf32>, vector<16xi32> -> vector<16xf32>
          %select_n3A_1391 = arith.select %ne3A_1363, %get3A_1273, %gather3A_1390 : vector<16xi1>, vector<16xf32>
          %broadcast_in_dim3A_1392 = vector.shape_cast %and3A_1369 : vector<16xi32> to vector<16x1xi32>
          %gather3A_1393 = vector.shape_cast %broadcast_in_dim3A_1392 : vector<16x1xi32> to vector<16xi32>
          %gather3A_1394 = tpu.dynamic_gather %get3A_1287[%gather3A_1393] in [0] : vector<16xf32>, vector<16xi32> -> vector<16xf32>
          %select_n3A_1395 = arith.select %ne3A_1363, %gather3A_1394, %get3A_1280 : vector<16xi1>, vector<16xf32>
          %broadcast_in_dim3A_1396 = vector.shape_cast %and3A_1375 : vector<16xi32> to vector<16x1xi32>
          %gather3A_1397 = vector.shape_cast %broadcast_in_dim3A_1396 : vector<16x1xi32> to vector<16xi32>
          %gather3A_1398 = tpu.dynamic_gather %get3A_1280[%gather3A_1397] in [0] : vector<16xf32>, vector<16xi32> -> vector<16xf32>
          %select_n3A_1399 = arith.select %ne3A_1363, %get3A_1287, %gather3A_1398 : vector<16xi1>, vector<16xf32>
          %broadcast_in_dim3A_1400 = vector.shape_cast %and3A_1369 : vector<16xi32> to vector<16x1xi32>
          %gather3A_1401 = vector.shape_cast %broadcast_in_dim3A_1400 : vector<16x1xi32> to vector<16xi32>
          %gather3A_1402 = tpu.dynamic_gather %get3A_1301[%gather3A_1401] in [0] : vector<16xf32>, vector<16xi32> -> vector<16xf32>
          %select_n3A_1403 = arith.select %ne3A_1363, %gather3A_1402, %get3A_1294 : vector<16xi1>, vector<16xf32>
          %broadcast_in_dim3A_1404 = vector.shape_cast %and3A_1375 : vector<16xi32> to vector<16x1xi32>
          %gather3A_1405 = vector.shape_cast %broadcast_in_dim3A_1404 : vector<16x1xi32> to vector<16xi32>
          %gather3A_1406 = tpu.dynamic_gather %get3A_1294[%gather3A_1405] in [0] : vector<16xf32>, vector<16xi32> -> vector<16xf32>
          %select_n3A_1407 = arith.select %ne3A_1363, %get3A_1301, %gather3A_1406 : vector<16xi1>, vector<16xf32>
          %broadcast_in_dim3A_1408 = vector.shape_cast %and3A_1369 : vector<16xi32> to vector<16x1xi32>
          %gather3A_1409 = vector.shape_cast %broadcast_in_dim3A_1408 : vector<16x1xi32> to vector<16xi32>
          %gather3A_1410 = tpu.dynamic_gather %get3A_1315[%gather3A_1409] in [0] : vector<16xf32>, vector<16xi32> -> vector<16xf32>
          %select_n3A_1411 = arith.select %ne3A_1363, %gather3A_1410, %get3A_1308 : vector<16xi1>, vector<16xf32>
          %broadcast_in_dim3A_1412 = vector.shape_cast %and3A_1375 : vector<16xi32> to vector<16x1xi32>
          %gather3A_1413 = vector.shape_cast %broadcast_in_dim3A_1412 : vector<16x1xi32> to vector<16xi32>
          %gather3A_1414 = tpu.dynamic_gather %get3A_1308[%gather3A_1413] in [0] : vector<16xf32>, vector<16xi32> -> vector<16xf32>
          %select_n3A_1415 = arith.select %ne3A_1363, %get3A_1315, %gather3A_1414 : vector<16xi1>, vector<16xf32>
          %broadcast_in_dim3A_1416 = vector.shape_cast %and3A_1369 : vector<16xi32> to vector<16x1xi32>
          %gather3A_1417 = vector.shape_cast %broadcast_in_dim3A_1416 : vector<16x1xi32> to vector<16xi32>
          %gather3A_1418 = tpu.dynamic_gather %get3A_1329[%gather3A_1417] in [0] : vector<16xf32>, vector<16xi32> -> vector<16xf32>
          %select_n3A_1419 = arith.select %ne3A_1363, %gather3A_1418, %get3A_1322 : vector<16xi1>, vector<16xf32>
          %broadcast_in_dim3A_1420 = vector.shape_cast %and3A_1375 : vector<16xi32> to vector<16x1xi32>
          %gather3A_1421 = vector.shape_cast %broadcast_in_dim3A_1420 : vector<16x1xi32> to vector<16xi32>
          %gather3A_1422 = tpu.dynamic_gather %get3A_1322[%gather3A_1421] in [0] : vector<16xf32>, vector<16xi32> -> vector<16xf32>
          %select_n3A_1423 = arith.select %ne3A_1363, %get3A_1329, %gather3A_1422 : vector<16xi1>, vector<16xf32>
          %broadcast_in_dim3A_1424 = vector.shape_cast %and3A_1369 : vector<16xi32> to vector<16x1xi32>
          %gather3A_1425 = vector.shape_cast %broadcast_in_dim3A_1424 : vector<16x1xi32> to vector<16xi32>
          %gather3A_1426 = tpu.dynamic_gather %get3A_1343[%gather3A_1425] in [0] : vector<16xf32>, vector<16xi32> -> vector<16xf32>
          %select_n3A_1427 = arith.select %ne3A_1363, %gather3A_1426, %get3A_1336 : vector<16xi1>, vector<16xf32>
          %broadcast_in_dim3A_1428 = vector.shape_cast %and3A_1375 : vector<16xi32> to vector<16x1xi32>
          %gather3A_1429 = vector.shape_cast %broadcast_in_dim3A_1428 : vector<16x1xi32> to vector<16xi32>
          %gather3A_1430 = tpu.dynamic_gather %get3A_1336[%gather3A_1429] in [0] : vector<16xf32>, vector<16xi32> -> vector<16xf32>
          %select_n3A_1431 = arith.select %ne3A_1363, %get3A_1343, %gather3A_1430 : vector<16xi1>, vector<16xf32>
          %broadcast_in_dim3A_1432 = vector.shape_cast %and3A_1369 : vector<16xi32> to vector<16x1xi32>
          %gather3A_1433 = vector.shape_cast %broadcast_in_dim3A_1432 : vector<16x1xi32> to vector<16xi32>
          %gather3A_1434 = tpu.dynamic_gather %get3A_1357[%gather3A_1433] in [0] : vector<16xf32>, vector<16xi32> -> vector<16xf32>
          %select_n3A_1435 = arith.select %ne3A_1363, %gather3A_1434, %get3A_1350 : vector<16xi1>, vector<16xf32>
          %broadcast_in_dim3A_1436 = vector.shape_cast %and3A_1375 : vector<16xi32> to vector<16x1xi32>
          %gather3A_1437 = vector.shape_cast %broadcast_in_dim3A_1436 : vector<16x1xi32> to vector<16xi32>
          %gather3A_1438 = tpu.dynamic_gather %get3A_1350[%gather3A_1437] in [0] : vector<16xf32>, vector<16xi32> -> vector<16xf32>
          %select_n3A_1439 = arith.select %ne3A_1363, %get3A_1357, %gather3A_1438 : vector<16xi1>, vector<16xf32>
          %and3A_1440 = arith.constant 2 : i32
          %and3A_1441 = vector.broadcast %and3A_1440 : i32 to vector<16xi32>
          %and3A_1442 = arith.andi %iota3A, %and3A_1441 : vector<16xi32>
          %ne3A_1443 = arith.constant 0 : i32
          %ne3A_1444 = vector.broadcast %ne3A_1443 : i32 to vector<16xi32>
          %ne3A_1445 = arith.cmpi ne, %and3A_1442, %ne3A_1444 : vector<16xi32>
          %sub3A_1446 = arith.constant 2 : i32
          %sub3A_1447 = vector.broadcast %sub3A_1446 : i32 to vector<16xi32>
          %sub3A_1448 = arith.subi %iota3A, %sub3A_1447 : vector<16xi32>
          %and3A_1449 = arith.constant 15 : i32
          %and3A_1450 = vector.broadcast %and3A_1449 : i32 to vector<16xi32>
          %and3A_1451 = arith.andi %sub3A_1448, %and3A_1450 : vector<16xi32>
          %add3A_1452 = arith.constant 2 : i32
          %add3A_1453 = vector.broadcast %add3A_1452 : i32 to vector<16xi32>
          %add3A_1454 = arith.addi %iota3A, %add3A_1453 : vector<16xi32>
          %and3A_1455 = arith.constant 15 : i32
          %and3A_1456 = vector.broadcast %and3A_1455 : i32 to vector<16xi32>
          %and3A_1457 = arith.andi %add3A_1454, %and3A_1456 : vector<16xi32>
          %broadcast_in_dim3A_1458 = vector.shape_cast %and3A_1451 : vector<16xi32> to vector<16x1xi32>
          %gather3A_1459 = vector.shape_cast %broadcast_in_dim3A_1458 : vector<16x1xi32> to vector<16xi32>
          %gather3A_1460 = tpu.dynamic_gather %select_n3A_1387[%gather3A_1459] in [0] : vector<16xf32>, vector<16xi32> -> vector<16xf32>
          %select_n3A_1461 = arith.select %ne3A_1445, %gather3A_1460, %select_n3A_1379 : vector<16xi1>, vector<16xf32>
          %broadcast_in_dim3A_1462 = vector.shape_cast %and3A_1457 : vector<16xi32> to vector<16x1xi32>
          %gather3A_1463 = vector.shape_cast %broadcast_in_dim3A_1462 : vector<16x1xi32> to vector<16xi32>
          %gather3A_1464 = tpu.dynamic_gather %select_n3A_1379[%gather3A_1463] in [0] : vector<16xf32>, vector<16xi32> -> vector<16xf32>
          %select_n3A_1465 = arith.select %ne3A_1445, %select_n3A_1387, %gather3A_1464 : vector<16xi1>, vector<16xf32>
          %broadcast_in_dim3A_1466 = vector.shape_cast %and3A_1451 : vector<16xi32> to vector<16x1xi32>
          %gather3A_1467 = vector.shape_cast %broadcast_in_dim3A_1466 : vector<16x1xi32> to vector<16xi32>
          %gather3A_1468 = tpu.dynamic_gather %select_n3A_1391[%gather3A_1467] in [0] : vector<16xf32>, vector<16xi32> -> vector<16xf32>
          %select_n3A_1469 = arith.select %ne3A_1445, %gather3A_1468, %select_n3A_1383 : vector<16xi1>, vector<16xf32>
          %broadcast_in_dim3A_1470 = vector.shape_cast %and3A_1457 : vector<16xi32> to vector<16x1xi32>
          %gather3A_1471 = vector.shape_cast %broadcast_in_dim3A_1470 : vector<16x1xi32> to vector<16xi32>
          %gather3A_1472 = tpu.dynamic_gather %select_n3A_1383[%gather3A_1471] in [0] : vector<16xf32>, vector<16xi32> -> vector<16xf32>
          %select_n3A_1473 = arith.select %ne3A_1445, %select_n3A_1391, %gather3A_1472 : vector<16xi1>, vector<16xf32>
          %broadcast_in_dim3A_1474 = vector.shape_cast %and3A_1451 : vector<16xi32> to vector<16x1xi32>
          %gather3A_1475 = vector.shape_cast %broadcast_in_dim3A_1474 : vector<16x1xi32> to vector<16xi32>
          %gather3A_1476 = tpu.dynamic_gather %select_n3A_1403[%gather3A_1475] in [0] : vector<16xf32>, vector<16xi32> -> vector<16xf32>
          %select_n3A_1477 = arith.select %ne3A_1445, %gather3A_1476, %select_n3A_1395 : vector<16xi1>, vector<16xf32>
          %broadcast_in_dim3A_1478 = vector.shape_cast %and3A_1457 : vector<16xi32> to vector<16x1xi32>
          %gather3A_1479 = vector.shape_cast %broadcast_in_dim3A_1478 : vector<16x1xi32> to vector<16xi32>
          %gather3A_1480 = tpu.dynamic_gather %select_n3A_1395[%gather3A_1479] in [0] : vector<16xf32>, vector<16xi32> -> vector<16xf32>
          %select_n3A_1481 = arith.select %ne3A_1445, %select_n3A_1403, %gather3A_1480 : vector<16xi1>, vector<16xf32>
          %broadcast_in_dim3A_1482 = vector.shape_cast %and3A_1451 : vector<16xi32> to vector<16x1xi32>
          %gather3A_1483 = vector.shape_cast %broadcast_in_dim3A_1482 : vector<16x1xi32> to vector<16xi32>
          %gather3A_1484 = tpu.dynamic_gather %select_n3A_1407[%gather3A_1483] in [0] : vector<16xf32>, vector<16xi32> -> vector<16xf32>
          %select_n3A_1485 = arith.select %ne3A_1445, %gather3A_1484, %select_n3A_1399 : vector<16xi1>, vector<16xf32>
          %broadcast_in_dim3A_1486 = vector.shape_cast %and3A_1457 : vector<16xi32> to vector<16x1xi32>
          %gather3A_1487 = vector.shape_cast %broadcast_in_dim3A_1486 : vector<16x1xi32> to vector<16xi32>
          %gather3A_1488 = tpu.dynamic_gather %select_n3A_1399[%gather3A_1487] in [0] : vector<16xf32>, vector<16xi32> -> vector<16xf32>
          %select_n3A_1489 = arith.select %ne3A_1445, %select_n3A_1407, %gather3A_1488 : vector<16xi1>, vector<16xf32>
          %broadcast_in_dim3A_1490 = vector.shape_cast %and3A_1451 : vector<16xi32> to vector<16x1xi32>
          %gather3A_1491 = vector.shape_cast %broadcast_in_dim3A_1490 : vector<16x1xi32> to vector<16xi32>
          %gather3A_1492 = tpu.dynamic_gather %select_n3A_1419[%gather3A_1491] in [0] : vector<16xf32>, vector<16xi32> -> vector<16xf32>
          %select_n3A_1493 = arith.select %ne3A_1445, %gather3A_1492, %select_n3A_1411 : vector<16xi1>, vector<16xf32>
          %broadcast_in_dim3A_1494 = vector.shape_cast %and3A_1457 : vector<16xi32> to vector<16x1xi32>
          %gather3A_1495 = vector.shape_cast %broadcast_in_dim3A_1494 : vector<16x1xi32> to vector<16xi32>
          %gather3A_1496 = tpu.dynamic_gather %select_n3A_1411[%gather3A_1495] in [0] : vector<16xf32>, vector<16xi32> -> vector<16xf32>
          %select_n3A_1497 = arith.select %ne3A_1445, %select_n3A_1419, %gather3A_1496 : vector<16xi1>, vector<16xf32>
          %broadcast_in_dim3A_1498 = vector.shape_cast %and3A_1451 : vector<16xi32> to vector<16x1xi32>
          %gather3A_1499 = vector.shape_cast %broadcast_in_dim3A_1498 : vector<16x1xi32> to vector<16xi32>
          %gather3A_1500 = tpu.dynamic_gather %select_n3A_1423[%gather3A_1499] in [0] : vector<16xf32>, vector<16xi32> -> vector<16xf32>
          %select_n3A_1501 = arith.select %ne3A_1445, %gather3A_1500, %select_n3A_1415 : vector<16xi1>, vector<16xf32>
          %broadcast_in_dim3A_1502 = vector.shape_cast %and3A_1457 : vector<16xi32> to vector<16x1xi32>
          %gather3A_1503 = vector.shape_cast %broadcast_in_dim3A_1502 : vector<16x1xi32> to vector<16xi32>
          %gather3A_1504 = tpu.dynamic_gather %select_n3A_1415[%gather3A_1503] in [0] : vector<16xf32>, vector<16xi32> -> vector<16xf32>
          %select_n3A_1505 = arith.select %ne3A_1445, %select_n3A_1423, %gather3A_1504 : vector<16xi1>, vector<16xf32>
          %broadcast_in_dim3A_1506 = vector.shape_cast %and3A_1451 : vector<16xi32> to vector<16x1xi32>
          %gather3A_1507 = vector.shape_cast %broadcast_in_dim3A_1506 : vector<16x1xi32> to vector<16xi32>
          %gather3A_1508 = tpu.dynamic_gather %select_n3A_1435[%gather3A_1507] in [0] : vector<16xf32>, vector<16xi32> -> vector<16xf32>
          %select_n3A_1509 = arith.select %ne3A_1445, %gather3A_1508, %select_n3A_1427 : vector<16xi1>, vector<16xf32>
          %broadcast_in_dim3A_1510 = vector.shape_cast %and3A_1457 : vector<16xi32> to vector<16x1xi32>
          %gather3A_1511 = vector.shape_cast %broadcast_in_dim3A_1510 : vector<16x1xi32> to vector<16xi32>
          %gather3A_1512 = tpu.dynamic_gather %select_n3A_1427[%gather3A_1511] in [0] : vector<16xf32>, vector<16xi32> -> vector<16xf32>
          %select_n3A_1513 = arith.select %ne3A_1445, %select_n3A_1435, %gather3A_1512 : vector<16xi1>, vector<16xf32>
          %broadcast_in_dim3A_1514 = vector.shape_cast %and3A_1451 : vector<16xi32> to vector<16x1xi32>
          %gather3A_1515 = vector.shape_cast %broadcast_in_dim3A_1514 : vector<16x1xi32> to vector<16xi32>
          %gather3A_1516 = tpu.dynamic_gather %select_n3A_1439[%gather3A_1515] in [0] : vector<16xf32>, vector<16xi32> -> vector<16xf32>
          %select_n3A_1517 = arith.select %ne3A_1445, %gather3A_1516, %select_n3A_1431 : vector<16xi1>, vector<16xf32>
          %broadcast_in_dim3A_1518 = vector.shape_cast %and3A_1457 : vector<16xi32> to vector<16x1xi32>
          %gather3A_1519 = vector.shape_cast %broadcast_in_dim3A_1518 : vector<16x1xi32> to vector<16xi32>
          %gather3A_1520 = tpu.dynamic_gather %select_n3A_1431[%gather3A_1519] in [0] : vector<16xf32>, vector<16xi32> -> vector<16xf32>
          %select_n3A_1521 = arith.select %ne3A_1445, %select_n3A_1439, %gather3A_1520 : vector<16xi1>, vector<16xf32>
          %and3A_1522 = arith.constant 4 : i32
          %and3A_1523 = vector.broadcast %and3A_1522 : i32 to vector<16xi32>
          %and3A_1524 = arith.andi %iota3A, %and3A_1523 : vector<16xi32>
          %ne3A_1525 = arith.constant 0 : i32
          %ne3A_1526 = vector.broadcast %ne3A_1525 : i32 to vector<16xi32>
          %ne3A_1527 = arith.cmpi ne, %and3A_1524, %ne3A_1526 : vector<16xi32>
          %sub3A_1528 = arith.constant 4 : i32
          %sub3A_1529 = vector.broadcast %sub3A_1528 : i32 to vector<16xi32>
          %sub3A_1530 = arith.subi %iota3A, %sub3A_1529 : vector<16xi32>
          %and3A_1531 = arith.constant 15 : i32
          %and3A_1532 = vector.broadcast %and3A_1531 : i32 to vector<16xi32>
          %and3A_1533 = arith.andi %sub3A_1530, %and3A_1532 : vector<16xi32>
          %add3A_1534 = arith.constant 4 : i32
          %add3A_1535 = vector.broadcast %add3A_1534 : i32 to vector<16xi32>
          %add3A_1536 = arith.addi %iota3A, %add3A_1535 : vector<16xi32>
          %and3A_1537 = arith.constant 15 : i32
          %and3A_1538 = vector.broadcast %and3A_1537 : i32 to vector<16xi32>
          %and3A_1539 = arith.andi %add3A_1536, %and3A_1538 : vector<16xi32>
          %broadcast_in_dim3A_1540 = vector.shape_cast %and3A_1533 : vector<16xi32> to vector<16x1xi32>
          %gather3A_1541 = vector.shape_cast %broadcast_in_dim3A_1540 : vector<16x1xi32> to vector<16xi32>
          %gather3A_1542 = tpu.dynamic_gather %select_n3A_1477[%gather3A_1541] in [0] : vector<16xf32>, vector<16xi32> -> vector<16xf32>
          %select_n3A_1543 = arith.select %ne3A_1527, %gather3A_1542, %select_n3A_1461 : vector<16xi1>, vector<16xf32>
          %broadcast_in_dim3A_1544 = vector.shape_cast %and3A_1539 : vector<16xi32> to vector<16x1xi32>
          %gather3A_1545 = vector.shape_cast %broadcast_in_dim3A_1544 : vector<16x1xi32> to vector<16xi32>
          %gather3A_1546 = tpu.dynamic_gather %select_n3A_1461[%gather3A_1545] in [0] : vector<16xf32>, vector<16xi32> -> vector<16xf32>
          %select_n3A_1547 = arith.select %ne3A_1527, %select_n3A_1477, %gather3A_1546 : vector<16xi1>, vector<16xf32>
          %broadcast_in_dim3A_1548 = vector.shape_cast %and3A_1533 : vector<16xi32> to vector<16x1xi32>
          %gather3A_1549 = vector.shape_cast %broadcast_in_dim3A_1548 : vector<16x1xi32> to vector<16xi32>
          %gather3A_1550 = tpu.dynamic_gather %select_n3A_1485[%gather3A_1549] in [0] : vector<16xf32>, vector<16xi32> -> vector<16xf32>
          %select_n3A_1551 = arith.select %ne3A_1527, %gather3A_1550, %select_n3A_1469 : vector<16xi1>, vector<16xf32>
          %broadcast_in_dim3A_1552 = vector.shape_cast %and3A_1539 : vector<16xi32> to vector<16x1xi32>
          %gather3A_1553 = vector.shape_cast %broadcast_in_dim3A_1552 : vector<16x1xi32> to vector<16xi32>
          %gather3A_1554 = tpu.dynamic_gather %select_n3A_1469[%gather3A_1553] in [0] : vector<16xf32>, vector<16xi32> -> vector<16xf32>
          %select_n3A_1555 = arith.select %ne3A_1527, %select_n3A_1485, %gather3A_1554 : vector<16xi1>, vector<16xf32>
          %broadcast_in_dim3A_1556 = vector.shape_cast %and3A_1533 : vector<16xi32> to vector<16x1xi32>
          %gather3A_1557 = vector.shape_cast %broadcast_in_dim3A_1556 : vector<16x1xi32> to vector<16xi32>
          %gather3A_1558 = tpu.dynamic_gather %select_n3A_1481[%gather3A_1557] in [0] : vector<16xf32>, vector<16xi32> -> vector<16xf32>
          %select_n3A_1559 = arith.select %ne3A_1527, %gather3A_1558, %select_n3A_1465 : vector<16xi1>, vector<16xf32>
          %broadcast_in_dim3A_1560 = vector.shape_cast %and3A_1539 : vector<16xi32> to vector<16x1xi32>
          %gather3A_1561 = vector.shape_cast %broadcast_in_dim3A_1560 : vector<16x1xi32> to vector<16xi32>
          %gather3A_1562 = tpu.dynamic_gather %select_n3A_1465[%gather3A_1561] in [0] : vector<16xf32>, vector<16xi32> -> vector<16xf32>
          %select_n3A_1563 = arith.select %ne3A_1527, %select_n3A_1481, %gather3A_1562 : vector<16xi1>, vector<16xf32>
          %broadcast_in_dim3A_1564 = vector.shape_cast %and3A_1533 : vector<16xi32> to vector<16x1xi32>
          %gather3A_1565 = vector.shape_cast %broadcast_in_dim3A_1564 : vector<16x1xi32> to vector<16xi32>
          %gather3A_1566 = tpu.dynamic_gather %select_n3A_1489[%gather3A_1565] in [0] : vector<16xf32>, vector<16xi32> -> vector<16xf32>
          %select_n3A_1567 = arith.select %ne3A_1527, %gather3A_1566, %select_n3A_1473 : vector<16xi1>, vector<16xf32>
          %broadcast_in_dim3A_1568 = vector.shape_cast %and3A_1539 : vector<16xi32> to vector<16x1xi32>
          %gather3A_1569 = vector.shape_cast %broadcast_in_dim3A_1568 : vector<16x1xi32> to vector<16xi32>
          %gather3A_1570 = tpu.dynamic_gather %select_n3A_1473[%gather3A_1569] in [0] : vector<16xf32>, vector<16xi32> -> vector<16xf32>
          %select_n3A_1571 = arith.select %ne3A_1527, %select_n3A_1489, %gather3A_1570 : vector<16xi1>, vector<16xf32>
          %broadcast_in_dim3A_1572 = vector.shape_cast %and3A_1533 : vector<16xi32> to vector<16x1xi32>
          %gather3A_1573 = vector.shape_cast %broadcast_in_dim3A_1572 : vector<16x1xi32> to vector<16xi32>
          %gather3A_1574 = tpu.dynamic_gather %select_n3A_1509[%gather3A_1573] in [0] : vector<16xf32>, vector<16xi32> -> vector<16xf32>
          %select_n3A_1575 = arith.select %ne3A_1527, %gather3A_1574, %select_n3A_1493 : vector<16xi1>, vector<16xf32>
          %broadcast_in_dim3A_1576 = vector.shape_cast %and3A_1539 : vector<16xi32> to vector<16x1xi32>
          %gather3A_1577 = vector.shape_cast %broadcast_in_dim3A_1576 : vector<16x1xi32> to vector<16xi32>
          %gather3A_1578 = tpu.dynamic_gather %select_n3A_1493[%gather3A_1577] in [0] : vector<16xf32>, vector<16xi32> -> vector<16xf32>
          %select_n3A_1579 = arith.select %ne3A_1527, %select_n3A_1509, %gather3A_1578 : vector<16xi1>, vector<16xf32>
          %broadcast_in_dim3A_1580 = vector.shape_cast %and3A_1533 : vector<16xi32> to vector<16x1xi32>
          %gather3A_1581 = vector.shape_cast %broadcast_in_dim3A_1580 : vector<16x1xi32> to vector<16xi32>
          %gather3A_1582 = tpu.dynamic_gather %select_n3A_1517[%gather3A_1581] in [0] : vector<16xf32>, vector<16xi32> -> vector<16xf32>
          %select_n3A_1583 = arith.select %ne3A_1527, %gather3A_1582, %select_n3A_1501 : vector<16xi1>, vector<16xf32>
          %broadcast_in_dim3A_1584 = vector.shape_cast %and3A_1539 : vector<16xi32> to vector<16x1xi32>
          %gather3A_1585 = vector.shape_cast %broadcast_in_dim3A_1584 : vector<16x1xi32> to vector<16xi32>
          %gather3A_1586 = tpu.dynamic_gather %select_n3A_1501[%gather3A_1585] in [0] : vector<16xf32>, vector<16xi32> -> vector<16xf32>
          %select_n3A_1587 = arith.select %ne3A_1527, %select_n3A_1517, %gather3A_1586 : vector<16xi1>, vector<16xf32>
          %broadcast_in_dim3A_1588 = vector.shape_cast %and3A_1533 : vector<16xi32> to vector<16x1xi32>
          %gather3A_1589 = vector.shape_cast %broadcast_in_dim3A_1588 : vector<16x1xi32> to vector<16xi32>
          %gather3A_1590 = tpu.dynamic_gather %select_n3A_1513[%gather3A_1589] in [0] : vector<16xf32>, vector<16xi32> -> vector<16xf32>
          %select_n3A_1591 = arith.select %ne3A_1527, %gather3A_1590, %select_n3A_1497 : vector<16xi1>, vector<16xf32>
          %broadcast_in_dim3A_1592 = vector.shape_cast %and3A_1539 : vector<16xi32> to vector<16x1xi32>
          %gather3A_1593 = vector.shape_cast %broadcast_in_dim3A_1592 : vector<16x1xi32> to vector<16xi32>
          %gather3A_1594 = tpu.dynamic_gather %select_n3A_1497[%gather3A_1593] in [0] : vector<16xf32>, vector<16xi32> -> vector<16xf32>
          %select_n3A_1595 = arith.select %ne3A_1527, %select_n3A_1513, %gather3A_1594 : vector<16xi1>, vector<16xf32>
          %broadcast_in_dim3A_1596 = vector.shape_cast %and3A_1533 : vector<16xi32> to vector<16x1xi32>
          %gather3A_1597 = vector.shape_cast %broadcast_in_dim3A_1596 : vector<16x1xi32> to vector<16xi32>
          %gather3A_1598 = tpu.dynamic_gather %select_n3A_1521[%gather3A_1597] in [0] : vector<16xf32>, vector<16xi32> -> vector<16xf32>
          %select_n3A_1599 = arith.select %ne3A_1527, %gather3A_1598, %select_n3A_1505 : vector<16xi1>, vector<16xf32>
          %broadcast_in_dim3A_1600 = vector.shape_cast %and3A_1539 : vector<16xi32> to vector<16x1xi32>
          %gather3A_1601 = vector.shape_cast %broadcast_in_dim3A_1600 : vector<16x1xi32> to vector<16xi32>
          %gather3A_1602 = tpu.dynamic_gather %select_n3A_1505[%gather3A_1601] in [0] : vector<16xf32>, vector<16xi32> -> vector<16xf32>
          %select_n3A_1603 = arith.select %ne3A_1527, %select_n3A_1521, %gather3A_1602 : vector<16xi1>, vector<16xf32>
          %and3A_1604 = arith.constant 8 : i32
          %and3A_1605 = vector.broadcast %and3A_1604 : i32 to vector<16xi32>
          %and3A_1606 = arith.andi %iota3A, %and3A_1605 : vector<16xi32>
          %ne3A_1607 = arith.constant 0 : i32
          %ne3A_1608 = vector.broadcast %ne3A_1607 : i32 to vector<16xi32>
          %ne3A_1609 = arith.cmpi ne, %and3A_1606, %ne3A_1608 : vector<16xi32>
          %sub3A_1610 = arith.constant 8 : i32
          %sub3A_1611 = vector.broadcast %sub3A_1610 : i32 to vector<16xi32>
          %sub3A_1612 = arith.subi %iota3A, %sub3A_1611 : vector<16xi32>
          %and3A_1613 = arith.constant 15 : i32
          %and3A_1614 = vector.broadcast %and3A_1613 : i32 to vector<16xi32>
          %and3A_1615 = arith.andi %sub3A_1612, %and3A_1614 : vector<16xi32>
          %add3A_1616 = arith.constant 8 : i32
          %add3A_1617 = vector.broadcast %add3A_1616 : i32 to vector<16xi32>
          %add3A_1618 = arith.addi %iota3A, %add3A_1617 : vector<16xi32>
          %and3A_1619 = arith.constant 15 : i32
          %and3A_1620 = vector.broadcast %and3A_1619 : i32 to vector<16xi32>
          %and3A_1621 = arith.andi %add3A_1618, %and3A_1620 : vector<16xi32>
          %broadcast_in_dim3A_1622 = vector.shape_cast %and3A_1615 : vector<16xi32> to vector<16x1xi32>
          %gather3A_1623 = vector.shape_cast %broadcast_in_dim3A_1622 : vector<16x1xi32> to vector<16xi32>
          %gather3A_1624 = tpu.dynamic_gather %select_n3A_1575[%gather3A_1623] in [0] : vector<16xf32>, vector<16xi32> -> vector<16xf32>
          %select_n3A_1625 = arith.select %ne3A_1609, %gather3A_1624, %select_n3A_1543 : vector<16xi1>, vector<16xf32>
          %broadcast_in_dim3A_1626 = vector.shape_cast %and3A_1621 : vector<16xi32> to vector<16x1xi32>
          %gather3A_1627 = vector.shape_cast %broadcast_in_dim3A_1626 : vector<16x1xi32> to vector<16xi32>
          %gather3A_1628 = tpu.dynamic_gather %select_n3A_1543[%gather3A_1627] in [0] : vector<16xf32>, vector<16xi32> -> vector<16xf32>
          %select_n3A_1629 = arith.select %ne3A_1609, %select_n3A_1575, %gather3A_1628 : vector<16xi1>, vector<16xf32>
          %broadcast_in_dim3A_1630 = vector.shape_cast %and3A_1615 : vector<16xi32> to vector<16x1xi32>
          %gather3A_1631 = vector.shape_cast %broadcast_in_dim3A_1630 : vector<16x1xi32> to vector<16xi32>
          %gather3A_1632 = tpu.dynamic_gather %select_n3A_1583[%gather3A_1631] in [0] : vector<16xf32>, vector<16xi32> -> vector<16xf32>
          %select_n3A_1633 = arith.select %ne3A_1609, %gather3A_1632, %select_n3A_1551 : vector<16xi1>, vector<16xf32>
          %broadcast_in_dim3A_1634 = vector.shape_cast %and3A_1621 : vector<16xi32> to vector<16x1xi32>
          %gather3A_1635 = vector.shape_cast %broadcast_in_dim3A_1634 : vector<16x1xi32> to vector<16xi32>
          %gather3A_1636 = tpu.dynamic_gather %select_n3A_1551[%gather3A_1635] in [0] : vector<16xf32>, vector<16xi32> -> vector<16xf32>
          %select_n3A_1637 = arith.select %ne3A_1609, %select_n3A_1583, %gather3A_1636 : vector<16xi1>, vector<16xf32>
          %broadcast_in_dim3A_1638 = vector.shape_cast %and3A_1615 : vector<16xi32> to vector<16x1xi32>
          %gather3A_1639 = vector.shape_cast %broadcast_in_dim3A_1638 : vector<16x1xi32> to vector<16xi32>
          %gather3A_1640 = tpu.dynamic_gather %select_n3A_1591[%gather3A_1639] in [0] : vector<16xf32>, vector<16xi32> -> vector<16xf32>
          %select_n3A_1641 = arith.select %ne3A_1609, %gather3A_1640, %select_n3A_1559 : vector<16xi1>, vector<16xf32>
          %broadcast_in_dim3A_1642 = vector.shape_cast %and3A_1621 : vector<16xi32> to vector<16x1xi32>
          %gather3A_1643 = vector.shape_cast %broadcast_in_dim3A_1642 : vector<16x1xi32> to vector<16xi32>
          %gather3A_1644 = tpu.dynamic_gather %select_n3A_1559[%gather3A_1643] in [0] : vector<16xf32>, vector<16xi32> -> vector<16xf32>
          %select_n3A_1645 = arith.select %ne3A_1609, %select_n3A_1591, %gather3A_1644 : vector<16xi1>, vector<16xf32>
          %broadcast_in_dim3A_1646 = vector.shape_cast %and3A_1615 : vector<16xi32> to vector<16x1xi32>
          %gather3A_1647 = vector.shape_cast %broadcast_in_dim3A_1646 : vector<16x1xi32> to vector<16xi32>
          %gather3A_1648 = tpu.dynamic_gather %select_n3A_1599[%gather3A_1647] in [0] : vector<16xf32>, vector<16xi32> -> vector<16xf32>
          %select_n3A_1649 = arith.select %ne3A_1609, %gather3A_1648, %select_n3A_1567 : vector<16xi1>, vector<16xf32>
          %broadcast_in_dim3A_1650 = vector.shape_cast %and3A_1621 : vector<16xi32> to vector<16x1xi32>
          %gather3A_1651 = vector.shape_cast %broadcast_in_dim3A_1650 : vector<16x1xi32> to vector<16xi32>
          %gather3A_1652 = tpu.dynamic_gather %select_n3A_1567[%gather3A_1651] in [0] : vector<16xf32>, vector<16xi32> -> vector<16xf32>
          %select_n3A_1653 = arith.select %ne3A_1609, %select_n3A_1599, %gather3A_1652 : vector<16xi1>, vector<16xf32>
          %broadcast_in_dim3A_1654 = vector.shape_cast %and3A_1615 : vector<16xi32> to vector<16x1xi32>
          %gather3A_1655 = vector.shape_cast %broadcast_in_dim3A_1654 : vector<16x1xi32> to vector<16xi32>
          %gather3A_1656 = tpu.dynamic_gather %select_n3A_1579[%gather3A_1655] in [0] : vector<16xf32>, vector<16xi32> -> vector<16xf32>
          %select_n3A_1657 = arith.select %ne3A_1609, %gather3A_1656, %select_n3A_1547 : vector<16xi1>, vector<16xf32>
          %broadcast_in_dim3A_1658 = vector.shape_cast %and3A_1621 : vector<16xi32> to vector<16x1xi32>
          %gather3A_1659 = vector.shape_cast %broadcast_in_dim3A_1658 : vector<16x1xi32> to vector<16xi32>
          %gather3A_1660 = tpu.dynamic_gather %select_n3A_1547[%gather3A_1659] in [0] : vector<16xf32>, vector<16xi32> -> vector<16xf32>
          %select_n3A_1661 = arith.select %ne3A_1609, %select_n3A_1579, %gather3A_1660 : vector<16xi1>, vector<16xf32>
          %broadcast_in_dim3A_1662 = vector.shape_cast %and3A_1615 : vector<16xi32> to vector<16x1xi32>
          %gather3A_1663 = vector.shape_cast %broadcast_in_dim3A_1662 : vector<16x1xi32> to vector<16xi32>
          %gather3A_1664 = tpu.dynamic_gather %select_n3A_1587[%gather3A_1663] in [0] : vector<16xf32>, vector<16xi32> -> vector<16xf32>
          %select_n3A_1665 = arith.select %ne3A_1609, %gather3A_1664, %select_n3A_1555 : vector<16xi1>, vector<16xf32>
          %broadcast_in_dim3A_1666 = vector.shape_cast %and3A_1621 : vector<16xi32> to vector<16x1xi32>
          %gather3A_1667 = vector.shape_cast %broadcast_in_dim3A_1666 : vector<16x1xi32> to vector<16xi32>
          %gather3A_1668 = tpu.dynamic_gather %select_n3A_1555[%gather3A_1667] in [0] : vector<16xf32>, vector<16xi32> -> vector<16xf32>
          %select_n3A_1669 = arith.select %ne3A_1609, %select_n3A_1587, %gather3A_1668 : vector<16xi1>, vector<16xf32>
          %broadcast_in_dim3A_1670 = vector.shape_cast %and3A_1615 : vector<16xi32> to vector<16x1xi32>
          %gather3A_1671 = vector.shape_cast %broadcast_in_dim3A_1670 : vector<16x1xi32> to vector<16xi32>
          %gather3A_1672 = tpu.dynamic_gather %select_n3A_1595[%gather3A_1671] in [0] : vector<16xf32>, vector<16xi32> -> vector<16xf32>
          %select_n3A_1673 = arith.select %ne3A_1609, %gather3A_1672, %select_n3A_1563 : vector<16xi1>, vector<16xf32>
          %broadcast_in_dim3A_1674 = vector.shape_cast %and3A_1621 : vector<16xi32> to vector<16x1xi32>
          %gather3A_1675 = vector.shape_cast %broadcast_in_dim3A_1674 : vector<16x1xi32> to vector<16xi32>
          %gather3A_1676 = tpu.dynamic_gather %select_n3A_1563[%gather3A_1675] in [0] : vector<16xf32>, vector<16xi32> -> vector<16xf32>
          %select_n3A_1677 = arith.select %ne3A_1609, %select_n3A_1595, %gather3A_1676 : vector<16xi1>, vector<16xf32>
          %broadcast_in_dim3A_1678 = vector.shape_cast %and3A_1615 : vector<16xi32> to vector<16x1xi32>
          %gather3A_1679 = vector.shape_cast %broadcast_in_dim3A_1678 : vector<16x1xi32> to vector<16xi32>
          %gather3A_1680 = tpu.dynamic_gather %select_n3A_1603[%gather3A_1679] in [0] : vector<16xf32>, vector<16xi32> -> vector<16xf32>
          %select_n3A_1681 = arith.select %ne3A_1609, %gather3A_1680, %select_n3A_1571 : vector<16xi1>, vector<16xf32>
          %broadcast_in_dim3A_1682 = vector.shape_cast %and3A_1621 : vector<16xi32> to vector<16x1xi32>
          %gather3A_1683 = vector.shape_cast %broadcast_in_dim3A_1682 : vector<16x1xi32> to vector<16xi32>
          %gather3A_1684 = tpu.dynamic_gather %select_n3A_1571[%gather3A_1683] in [0] : vector<16xf32>, vector<16xi32> -> vector<16xf32>
          %select_n3A_1685 = arith.select %ne3A_1609, %select_n3A_1603, %gather3A_1684 : vector<16xi1>, vector<16xf32>
          %mul3A_1686 = arith.constant 16 : i32
          %mul3A_1687 = arith.muli %scan3A_113, %mul3A_1686 : i32
          %add3A_1688 = arith.constant 0 : i32
          %add3A_1689 = arith.addi %mul3A_1687, %add3A_1688 : i32
          %swap3A_1690 = arith.index_cast %select_n3A_57 : i32 to index
          %swap3A_1691 = arith.index_cast %add3A_1689 : i32 to index
          %swap3A_1692 = arith.constant 32 : index
          %swap3A_1693 = tpu.vector_load %arg6[%swap3A_1690, %swap3A_1691, %swap3A_1692] {strides = array<i32>} : memref<2x128x128xf32, #tpu.memory_space<vmem>>, vector<16xf32>,
          tpu.vector_store %arg6[%swap3A_1690, %swap3A_1691, %swap3A_1692], %select_n3A_1625 {strides = array<i32>} : memref<2x128x128xf32, #tpu.memory_space<vmem>>, vector<16xf32>,
          %mul3A_1694 = arith.constant 16 : i32
          %mul3A_1695 = arith.muli %scan3A_113, %mul3A_1694 : i32
          %add3A_1696 = arith.constant 1 : i32
          %add3A_1697 = arith.addi %mul3A_1695, %add3A_1696 : i32
          %swap3A_1698 = arith.index_cast %select_n3A_57 : i32 to index
          %swap3A_1699 = arith.index_cast %add3A_1697 : i32 to index
          %swap3A_1700 = arith.constant 32 : index
          %swap3A_1701 = tpu.vector_load %arg6[%swap3A_1698, %swap3A_1699, %swap3A_1700] {strides = array<i32>} : memref<2x128x128xf32, #tpu.memory_space<vmem>>, vector<16xf32>,
          tpu.vector_store %arg6[%swap3A_1698, %swap3A_1699, %swap3A_1700], %select_n3A_1633 {strides = array<i32>} : memref<2x128x128xf32, #tpu.memory_space<vmem>>, vector<16xf32>,
          %mul3A_1702 = arith.constant 16 : i32
          %mul3A_1703 = arith.muli %scan3A_113, %mul3A_1702 : i32
          %add3A_1704 = arith.constant 2 : i32
          %add3A_1705 = arith.addi %mul3A_1703, %add3A_1704 : i32
          %swap3A_1706 = arith.index_cast %select_n3A_57 : i32 to index
          %swap3A_1707 = arith.index_cast %add3A_1705 : i32 to index
          %swap3A_1708 = arith.constant 32 : index
          %swap3A_1709 = tpu.vector_load %arg6[%swap3A_1706, %swap3A_1707, %swap3A_1708] {strides = array<i32>} : memref<2x128x128xf32, #tpu.memory_space<vmem>>, vector<16xf32>,
          tpu.vector_store %arg6[%swap3A_1706, %swap3A_1707, %swap3A_1708], %select_n3A_1641 {strides = array<i32>} : memref<2x128x128xf32, #tpu.memory_space<vmem>>, vector<16xf32>,
          %mul3A_1710 = arith.constant 16 : i32
          %mul3A_1711 = arith.muli %scan3A_113, %mul3A_1710 : i32
          %add3A_1712 = arith.constant 3 : i32
          %add3A_1713 = arith.addi %mul3A_1711, %add3A_1712 : i32
          %swap3A_1714 = arith.index_cast %select_n3A_57 : i32 to index
          %swap3A_1715 = arith.index_cast %add3A_1713 : i32 to index
          %swap3A_1716 = arith.constant 32 : index
          %swap3A_1717 = tpu.vector_load %arg6[%swap3A_1714, %swap3A_1715, %swap3A_1716] {strides = array<i32>} : memref<2x128x128xf32, #tpu.memory_space<vmem>>, vector<16xf32>,
          tpu.vector_store %arg6[%swap3A_1714, %swap3A_1715, %swap3A_1716], %select_n3A_1649 {strides = array<i32>} : memref<2x128x128xf32, #tpu.memory_space<vmem>>, vector<16xf32>,
          %mul3A_1718 = arith.constant 16 : i32
          %mul3A_1719 = arith.muli %scan3A_113, %mul3A_1718 : i32
          %add3A_1720 = arith.constant 4 : i32
          %add3A_1721 = arith.addi %mul3A_1719, %add3A_1720 : i32
          %swap3A_1722 = arith.index_cast %select_n3A_57 : i32 to index
          %swap3A_1723 = arith.index_cast %add3A_1721 : i32 to index
          %swap3A_1724 = arith.constant 32 : index
          %swap3A_1725 = tpu.vector_load %arg6[%swap3A_1722, %swap3A_1723, %swap3A_1724] {strides = array<i32>} : memref<2x128x128xf32, #tpu.memory_space<vmem>>, vector<16xf32>,
          tpu.vector_store %arg6[%swap3A_1722, %swap3A_1723, %swap3A_1724], %select_n3A_1657 {strides = array<i32>} : memref<2x128x128xf32, #tpu.memory_space<vmem>>, vector<16xf32>,
          %mul3A_1726 = arith.constant 16 : i32
          %mul3A_1727 = arith.muli %scan3A_113, %mul3A_1726 : i32
          %add3A_1728 = arith.constant 5 : i32
          %add3A_1729 = arith.addi %mul3A_1727, %add3A_1728 : i32
          %swap3A_1730 = arith.index_cast %select_n3A_57 : i32 to index
          %swap3A_1731 = arith.index_cast %add3A_1729 : i32 to index
          %swap3A_1732 = arith.constant 32 : index
          %swap3A_1733 = tpu.vector_load %arg6[%swap3A_1730, %swap3A_1731, %swap3A_1732] {strides = array<i32>} : memref<2x128x128xf32, #tpu.memory_space<vmem>>, vector<16xf32>,
          tpu.vector_store %arg6[%swap3A_1730, %swap3A_1731, %swap3A_1732], %select_n3A_1665 {strides = array<i32>} : memref<2x128x128xf32, #tpu.memory_space<vmem>>, vector<16xf32>,
          %mul3A_1734 = arith.constant 16 : i32
          %mul3A_1735 = arith.muli %scan3A_113, %mul3A_1734 : i32
          %add3A_1736 = arith.constant 6 : i32
          %add3A_1737 = arith.addi %mul3A_1735, %add3A_1736 : i32
          %swap3A_1738 = arith.index_cast %select_n3A_57 : i32 to index
          %swap3A_1739 = arith.index_cast %add3A_1737 : i32 to index
          %swap3A_1740 = arith.constant 32 : index
          %swap3A_1741 = tpu.vector_load %arg6[%swap3A_1738, %swap3A_1739, %swap3A_1740] {strides = array<i32>} : memref<2x128x128xf32, #tpu.memory_space<vmem>>, vector<16xf32>,
          tpu.vector_store %arg6[%swap3A_1738, %swap3A_1739, %swap3A_1740], %select_n3A_1673 {strides = array<i32>} : memref<2x128x128xf32, #tpu.memory_space<vmem>>, vector<16xf32>,
          %mul3A_1742 = arith.constant 16 : i32
          %mul3A_1743 = arith.muli %scan3A_113, %mul3A_1742 : i32
          %add3A_1744 = arith.constant 7 : i32
          %add3A_1745 = arith.addi %mul3A_1743, %add3A_1744 : i32
          %swap3A_1746 = arith.index_cast %select_n3A_57 : i32 to index
          %swap3A_1747 = arith.index_cast %add3A_1745 : i32 to index
          %swap3A_1748 = arith.constant 32 : index
          %swap3A_1749 = tpu.vector_load %arg6[%swap3A_1746, %swap3A_1747, %swap3A_1748] {strides = array<i32>} : memref<2x128x128xf32, #tpu.memory_space<vmem>>, vector<16xf32>,
          tpu.vector_store %arg6[%swap3A_1746, %swap3A_1747, %swap3A_1748], %select_n3A_1681 {strides = array<i32>} : memref<2x128x128xf32, #tpu.memory_space<vmem>>, vector<16xf32>,
          %mul3A_1750 = arith.constant 16 : i32
          %mul3A_1751 = arith.muli %scan3A_113, %mul3A_1750 : i32
          %add3A_1752 = arith.constant 8 : i32
          %add3A_1753 = arith.addi %mul3A_1751, %add3A_1752 : i32
          %swap3A_1754 = arith.index_cast %select_n3A_57 : i32 to index
          %swap3A_1755 = arith.index_cast %add3A_1753 : i32 to index
          %swap3A_1756 = arith.constant 32 : index
          %swap3A_1757 = tpu.vector_load %arg6[%swap3A_1754, %swap3A_1755, %swap3A_1756] {strides = array<i32>} : memref<2x128x128xf32, #tpu.memory_space<vmem>>, vector<16xf32>,
          tpu.vector_store %arg6[%swap3A_1754, %swap3A_1755, %swap3A_1756], %select_n3A_1629 {strides = array<i32>} : memref<2x128x128xf32, #tpu.memory_space<vmem>>, vector<16xf32>,
          %mul3A_1758 = arith.constant 16 : i32
          %mul3A_1759 = arith.muli %scan3A_113, %mul3A_1758 : i32
          %add3A_1760 = arith.constant 9 : i32
          %add3A_1761 = arith.addi %mul3A_1759, %add3A_1760 : i32
          %swap3A_1762 = arith.index_cast %select_n3A_57 : i32 to index
          %swap3A_1763 = arith.index_cast %add3A_1761 : i32 to index
          %swap3A_1764 = arith.constant 32 : index
          %swap3A_1765 = tpu.vector_load %arg6[%swap3A_1762, %swap3A_1763, %swap3A_1764] {strides = array<i32>} : memref<2x128x128xf32, #tpu.memory_space<vmem>>, vector<16xf32>,
          tpu.vector_store %arg6[%swap3A_1762, %swap3A_1763, %swap3A_1764], %select_n3A_1637 {strides = array<i32>} : memref<2x128x128xf32, #tpu.memory_space<vmem>>, vector<16xf32>,
          %mul3A_1766 = arith.constant 16 : i32
          %mul3A_1767 = arith.muli %scan3A_113, %mul3A_1766 : i32
          %add3A_1768 = arith.constant 10 : i32
          %add3A_1769 = arith.addi %mul3A_1767, %add3A_1768 : i32
          %swap3A_1770 = arith.index_cast %select_n3A_57 : i32 to index
          %swap3A_1771 = arith.index_cast %add3A_1769 : i32 to index
          %swap3A_1772 = arith.constant 32 : index
          %swap3A_1773 = tpu.vector_load %arg6[%swap3A_1770, %swap3A_1771, %swap3A_1772] {strides = array<i32>} : memref<2x128x128xf32, #tpu.memory_space<vmem>>, vector<16xf32>,
          tpu.vector_store %arg6[%swap3A_1770, %swap3A_1771, %swap3A_1772], %select_n3A_1645 {strides = array<i32>} : memref<2x128x128xf32, #tpu.memory_space<vmem>>, vector<16xf32>,
          %mul3A_1774 = arith.constant 16 : i32
          %mul3A_1775 = arith.muli %scan3A_113, %mul3A_1774 : i32
          %add3A_1776 = arith.constant 11 : i32
          %add3A_1777 = arith.addi %mul3A_1775, %add3A_1776 : i32
          %swap3A_1778 = arith.index_cast %select_n3A_57 : i32 to index
          %swap3A_1779 = arith.index_cast %add3A_1777 : i32 to index
          %swap3A_1780 = arith.constant 32 : index
          %swap3A_1781 = tpu.vector_load %arg6[%swap3A_1778, %swap3A_1779, %swap3A_1780] {strides = array<i32>} : memref<2x128x128xf32, #tpu.memory_space<vmem>>, vector<16xf32>,
          tpu.vector_store %arg6[%swap3A_1778, %swap3A_1779, %swap3A_1780], %select_n3A_1653 {strides = array<i32>} : memref<2x128x128xf32, #tpu.memory_space<vmem>>, vector<16xf32>,
          %mul3A_1782 = arith.constant 16 : i32
          %mul3A_1783 = arith.muli %scan3A_113, %mul3A_1782 : i32
          %add3A_1784 = arith.constant 12 : i32
          %add3A_1785 = arith.addi %mul3A_1783, %add3A_1784 : i32
          %swap3A_1786 = arith.index_cast %select_n3A_57 : i32 to index
          %swap3A_1787 = arith.index_cast %add3A_1785 : i32 to index
          %swap3A_1788 = arith.constant 32 : index
          %swap3A_1789 = tpu.vector_load %arg6[%swap3A_1786, %swap3A_1787, %swap3A_1788] {strides = array<i32>} : memref<2x128x128xf32, #tpu.memory_space<vmem>>, vector<16xf32>,
          tpu.vector_store %arg6[%swap3A_1786, %swap3A_1787, %swap3A_1788], %select_n3A_1661 {strides = array<i32>} : memref<2x128x128xf32, #tpu.memory_space<vmem>>, vector<16xf32>,
          %mul3A_1790 = arith.constant 16 : i32
          %mul3A_1791 = arith.muli %scan3A_113, %mul3A_1790 : i32
          %add3A_1792 = arith.constant 13 : i32
          %add3A_1793 = arith.addi %mul3A_1791, %add3A_1792 : i32
          %swap3A_1794 = arith.index_cast %select_n3A_57 : i32 to index
          %swap3A_1795 = arith.index_cast %add3A_1793 : i32 to index
          %swap3A_1796 = arith.constant 32 : index
          %swap3A_1797 = tpu.vector_load %arg6[%swap3A_1794, %swap3A_1795, %swap3A_1796] {strides = array<i32>} : memref<2x128x128xf32, #tpu.memory_space<vmem>>, vector<16xf32>,
          tpu.vector_store %arg6[%swap3A_1794, %swap3A_1795, %swap3A_1796], %select_n3A_1669 {strides = array<i32>} : memref<2x128x128xf32, #tpu.memory_space<vmem>>, vector<16xf32>,
          %mul3A_1798 = arith.constant 16 : i32
          %mul3A_1799 = arith.muli %scan3A_113, %mul3A_1798 : i32
          %add3A_1800 = arith.constant 14 : i32
          %add3A_1801 = arith.addi %mul3A_1799, %add3A_1800 : i32
          %swap3A_1802 = arith.index_cast %select_n3A_57 : i32 to index
          %swap3A_1803 = arith.index_cast %add3A_1801 : i32 to index
          %swap3A_1804 = arith.constant 32 : index
          %swap3A_1805 = tpu.vector_load %arg6[%swap3A_1802, %swap3A_1803, %swap3A_1804] {strides = array<i32>} : memref<2x128x128xf32, #tpu.memory_space<vmem>>, vector<16xf32>,
          tpu.vector_store %arg6[%swap3A_1802, %swap3A_1803, %swap3A_1804], %select_n3A_1677 {strides = array<i32>} : memref<2x128x128xf32, #tpu.memory_space<vmem>>, vector<16xf32>,
          %mul3A_1806 = arith.constant 16 : i32
          %mul3A_1807 = arith.muli %scan3A_113, %mul3A_1806 : i32
          %add3A_1808 = arith.constant 15 : i32
          %add3A_1809 = arith.addi %mul3A_1807, %add3A_1808 : i32
          %swap3A_1810 = arith.index_cast %select_n3A_57 : i32 to index
          %swap3A_1811 = arith.index_cast %add3A_1809 : i32 to index
          %swap3A_1812 = arith.constant 32 : index
          %swap3A_1813 = tpu.vector_load %arg6[%swap3A_1810, %swap3A_1811, %swap3A_1812] {strides = array<i32>} : memref<2x128x128xf32, #tpu.memory_space<vmem>>, vector<16xf32>,
          tpu.vector_store %arg6[%swap3A_1810, %swap3A_1811, %swap3A_1812], %select_n3A_1685 {strides = array<i32>} : memref<2x128x128xf32, #tpu.memory_space<vmem>>, vector<16xf32>,
          %mul3A_1814 = arith.constant 16 : i32
          %mul3A_1815 = arith.muli %scan3A_113, %mul3A_1814 : i32
          %get3A_1816 = arith.constant 48 : i32
          %get3A_1817 = arith.index_cast %select_n3A_57 : i32 to index
          %get3A_1818 = arith.index_cast %get3A_1816 : i32 to index
          %get3A_1819 = arith.index_cast %mul3A_1815 : i32 to index
          %get3A_1820 = tpu.vector_load %arg5[%get3A_1817, %get3A_1818, %get3A_1819] {strides = array<i32>} : memref<2x64x128xf32, #tpu.memory_space<vmem>>, vector<16xf32>,
          %mul3A_1821 = arith.constant 16 : i32
          %mul3A_1822 = arith.muli %scan3A_113, %mul3A_1821 : i32
          %get3A_1823 = arith.constant 49 : i32
          %get3A_1824 = arith.index_cast %select_n3A_57 : i32 to index
          %get3A_1825 = arith.index_cast %get3A_1823 : i32 to index
          %get3A_1826 = arith.index_cast %mul3A_1822 : i32 to index
          %get3A_1827 = tpu.vector_load %arg5[%get3A_1824, %get3A_1825, %get3A_1826] {strides = array<i32>} : memref<2x64x128xf32, #tpu.memory_space<vmem>>, vector<16xf32>,
          %mul3A_1828 = arith.constant 16 : i32
          %mul3A_1829 = arith.muli %scan3A_113, %mul3A_1828 : i32
          %get3A_1830 = arith.constant 50 : i32
          %get3A_1831 = arith.index_cast %select_n3A_57 : i32 to index
          %get3A_1832 = arith.index_cast %get3A_1830 : i32 to index
          %get3A_1833 = arith.index_cast %mul3A_1829 : i32 to index
          %get3A_1834 = tpu.vector_load %arg5[%get3A_1831, %get3A_1832, %get3A_1833] {strides = array<i32>} : memref<2x64x128xf32, #tpu.memory_space<vmem>>, vector<16xf32>,
          %mul3A_1835 = arith.constant 16 : i32
          %mul3A_1836 = arith.muli %scan3A_113, %mul3A_1835 : i32
          %get3A_1837 = arith.constant 51 : i32
          %get3A_1838 = arith.index_cast %select_n3A_57 : i32 to index
          %get3A_1839 = arith.index_cast %get3A_1837 : i32 to index
          %get3A_1840 = arith.index_cast %mul3A_1836 : i32 to index
          %get3A_1841 = tpu.vector_load %arg5[%get3A_1838, %get3A_1839, %get3A_1840] {strides = array<i32>} : memref<2x64x128xf32, #tpu.memory_space<vmem>>, vector<16xf32>,
          %mul3A_1842 = arith.constant 16 : i32
          %mul3A_1843 = arith.muli %scan3A_113, %mul3A_1842 : i32
          %get3A_1844 = arith.constant 52 : i32
          %get3A_1845 = arith.index_cast %select_n3A_57 : i32 to index
          %get3A_1846 = arith.index_cast %get3A_1844 : i32 to index
          %get3A_1847 = arith.index_cast %mul3A_1843 : i32 to index
          %get3A_1848 = tpu.vector_load %arg5[%get3A_1845, %get3A_1846, %get3A_1847] {strides = array<i32>} : memref<2x64x128xf32, #tpu.memory_space<vmem>>, vector<16xf32>,
          %mul3A_1849 = arith.constant 16 : i32
          %mul3A_1850 = arith.muli %scan3A_113, %mul3A_1849 : i32
          %get3A_1851 = arith.constant 53 : i32
          %get3A_1852 = arith.index_cast %select_n3A_57 : i32 to index
          %get3A_1853 = arith.index_cast %get3A_1851 : i32 to index
          %get3A_1854 = arith.index_cast %mul3A_1850 : i32 to index
          %get3A_1855 = tpu.vector_load %arg5[%get3A_1852, %get3A_1853, %get3A_1854] {strides = array<i32>} : memref<2x64x128xf32, #tpu.memory_space<vmem>>, vector<16xf32>,
          %mul3A_1856 = arith.constant 16 : i32
          %mul3A_1857 = arith.muli %scan3A_113, %mul3A_1856 : i32
          %get3A_1858 = arith.constant 54 : i32
          %get3A_1859 = arith.index_cast %select_n3A_57 : i32 to index
          %get3A_1860 = arith.index_cast %get3A_1858 : i32 to index
          %get3A_1861 = arith.index_cast %mul3A_1857 : i32 to index
          %get3A_1862 = tpu.vector_load %arg5[%get3A_1859, %get3A_1860, %get3A_1861] {strides = array<i32>} : memref<2x64x128xf32, #tpu.memory_space<vmem>>, vector<16xf32>,
          %mul3A_1863 = arith.constant 16 : i32
          %mul3A_1864 = arith.muli %scan3A_113, %mul3A_1863 : i32
          %get3A_1865 = arith.constant 55 : i32
          %get3A_1866 = arith.index_cast %select_n3A_57 : i32 to index
          %get3A_1867 = arith.index_cast %get3A_1865 : i32 to index
          %get3A_1868 = arith.index_cast %mul3A_1864 : i32 to index
          %get3A_1869 = tpu.vector_load %arg5[%get3A_1866, %get3A_1867, %get3A_1868] {strides = array<i32>} : memref<2x64x128xf32, #tpu.memory_space<vmem>>, vector<16xf32>,
          %mul3A_1870 = arith.constant 16 : i32
          %mul3A_1871 = arith.muli %scan3A_113, %mul3A_1870 : i32
          %get3A_1872 = arith.constant 56 : i32
          %get3A_1873 = arith.index_cast %select_n3A_57 : i32 to index
          %get3A_1874 = arith.index_cast %get3A_1872 : i32 to index
          %get3A_1875 = arith.index_cast %mul3A_1871 : i32 to index
          %get3A_1876 = tpu.vector_load %arg5[%get3A_1873, %get3A_1874, %get3A_1875] {strides = array<i32>} : memref<2x64x128xf32, #tpu.memory_space<vmem>>, vector<16xf32>,
          %mul3A_1877 = arith.constant 16 : i32
          %mul3A_1878 = arith.muli %scan3A_113, %mul3A_1877 : i32
          %get3A_1879 = arith.constant 57 : i32
          %get3A_1880 = arith.index_cast %select_n3A_57 : i32 to index
          %get3A_1881 = arith.index_cast %get3A_1879 : i32 to index
          %get3A_1882 = arith.index_cast %mul3A_1878 : i32 to index
          %get3A_1883 = tpu.vector_load %arg5[%get3A_1880, %get3A_1881, %get3A_1882] {strides = array<i32>} : memref<2x64x128xf32, #tpu.memory_space<vmem>>, vector<16xf32>,
          %mul3A_1884 = arith.constant 16 : i32
          %mul3A_1885 = arith.muli %scan3A_113, %mul3A_1884 : i32
          %get3A_1886 = arith.constant 58 : i32
          %get3A_1887 = arith.index_cast %select_n3A_57 : i32 to index
          %get3A_1888 = arith.index_cast %get3A_1886 : i32 to index
          %get3A_1889 = arith.index_cast %mul3A_1885 : i32 to index
          %get3A_1890 = tpu.vector_load %arg5[%get3A_1887, %get3A_1888, %get3A_1889] {strides = array<i32>} : memref<2x64x128xf32, #tpu.memory_space<vmem>>, vector<16xf32>,
          %mul3A_1891 = arith.constant 16 : i32
          %mul3A_1892 = arith.muli %scan3A_113, %mul3A_1891 : i32
          %get3A_1893 = arith.constant 59 : i32
          %get3A_1894 = arith.index_cast %select_n3A_57 : i32 to index
          %get3A_1895 = arith.index_cast %get3A_1893 : i32 to index
          %get3A_1896 = arith.index_cast %mul3A_1892 : i32 to index
          %get3A_1897 = tpu.vector_load %arg5[%get3A_1894, %get3A_1895, %get3A_1896] {strides = array<i32>} : memref<2x64x128xf32, #tpu.memory_space<vmem>>, vector<16xf32>,
          %mul3A_1898 = arith.constant 16 : i32
          %mul3A_1899 = arith.muli %scan3A_113, %mul3A_1898 : i32
          %get3A_1900 = arith.constant 60 : i32
          %get3A_1901 = arith.index_cast %select_n3A_57 : i32 to index
          %get3A_1902 = arith.index_cast %get3A_1900 : i32 to index
          %get3A_1903 = arith.index_cast %mul3A_1899 : i32 to index
          %get3A_1904 = tpu.vector_load %arg5[%get3A_1901, %get3A_1902, %get3A_1903] {strides = array<i32>} : memref<2x64x128xf32, #tpu.memory_space<vmem>>, vector<16xf32>,
          %mul3A_1905 = arith.constant 16 : i32
          %mul3A_1906 = arith.muli %scan3A_113, %mul3A_1905 : i32
          %get3A_1907 = arith.constant 61 : i32
          %get3A_1908 = arith.index_cast %select_n3A_57 : i32 to index
          %get3A_1909 = arith.index_cast %get3A_1907 : i32 to index
          %get3A_1910 = arith.index_cast %mul3A_1906 : i32 to index
          %get3A_1911 = tpu.vector_load %arg5[%get3A_1908, %get3A_1909, %get3A_1910] {strides = array<i32>} : memref<2x64x128xf32, #tpu.memory_space<vmem>>, vector<16xf32>,
          %mul3A_1912 = arith.constant 16 : i32
          %mul3A_1913 = arith.muli %scan3A_113, %mul3A_1912 : i32
          %get3A_1914 = arith.constant 62 : i32
          %get3A_1915 = arith.index_cast %select_n3A_57 : i32 to index
          %get3A_1916 = arith.index_cast %get3A_1914 : i32 to index
          %get3A_1917 = arith.index_cast %mul3A_1913 : i32 to index
          %get3A_1918 = tpu.vector_load %arg5[%get3A_1915, %get3A_1916, %get3A_1917] {strides = array<i32>} : memref<2x64x128xf32, #tpu.memory_space<vmem>>, vector<16xf32>,
          %mul3A_1919 = arith.constant 16 : i32
          %mul3A_1920 = arith.muli %scan3A_113, %mul3A_1919 : i32
          %get3A_1921 = arith.constant 63 : i32
          %get3A_1922 = arith.index_cast %select_n3A_57 : i32 to index
          %get3A_1923 = arith.index_cast %get3A_1921 : i32 to index
          %get3A_1924 = arith.index_cast %mul3A_1920 : i32 to index
          %get3A_1925 = tpu.vector_load %arg5[%get3A_1922, %get3A_1923, %get3A_1924] {strides = array<i32>} : memref<2x64x128xf32, #tpu.memory_space<vmem>>, vector<16xf32>,
          %and3A_1926 = arith.constant 1 : i32
          %and3A_1927 = vector.broadcast %and3A_1926 : i32 to vector<16xi32>
          %and3A_1928 = arith.andi %iota3A, %and3A_1927 : vector<16xi32>
          %ne3A_1929 = arith.constant 0 : i32
          %ne3A_1930 = vector.broadcast %ne3A_1929 : i32 to vector<16xi32>
          %ne3A_1931 = arith.cmpi ne, %and3A_1928, %ne3A_1930 : vector<16xi32>
          %sub3A_1932 = arith.constant 1 : i32
          %sub3A_1933 = vector.broadcast %sub3A_1932 : i32 to vector<16xi32>
          %sub3A_1934 = arith.subi %iota3A, %sub3A_1933 : vector<16xi32>
          %and3A_1935 = arith.constant 15 : i32
          %and3A_1936 = vector.broadcast %and3A_1935 : i32 to vector<16xi32>
          %and3A_1937 = arith.andi %sub3A_1934, %and3A_1936 : vector<16xi32>
          %add3A_1938 = arith.constant 1 : i32
          %add3A_1939 = vector.broadcast %add3A_1938 : i32 to vector<16xi32>
          %add3A_1940 = arith.addi %iota3A, %add3A_1939 : vector<16xi32>
          %and3A_1941 = arith.constant 15 : i32
          %and3A_1942 = vector.broadcast %and3A_1941 : i32 to vector<16xi32>
          %and3A_1943 = arith.andi %add3A_1940, %and3A_1942 : vector<16xi32>
          %broadcast_in_dim3A_1944 = vector.shape_cast %and3A_1937 : vector<16xi32> to vector<16x1xi32>
          %gather3A_1945 = vector.shape_cast %broadcast_in_dim3A_1944 : vector<16x1xi32> to vector<16xi32>
          %gather3A_1946 = tpu.dynamic_gather %get3A_1827[%gather3A_1945] in [0] : vector<16xf32>, vector<16xi32> -> vector<16xf32>
          %select_n3A_1947 = arith.select %ne3A_1931, %gather3A_1946, %get3A_1820 : vector<16xi1>, vector<16xf32>
          %broadcast_in_dim3A_1948 = vector.shape_cast %and3A_1943 : vector<16xi32> to vector<16x1xi32>
          %gather3A_1949 = vector.shape_cast %broadcast_in_dim3A_1948 : vector<16x1xi32> to vector<16xi32>
          %gather3A_1950 = tpu.dynamic_gather %get3A_1820[%gather3A_1949] in [0] : vector<16xf32>, vector<16xi32> -> vector<16xf32>
          %select_n3A_1951 = arith.select %ne3A_1931, %get3A_1827, %gather3A_1950 : vector<16xi1>, vector<16xf32>
          %broadcast_in_dim3A_1952 = vector.shape_cast %and3A_1937 : vector<16xi32> to vector<16x1xi32>
          %gather3A_1953 = vector.shape_cast %broadcast_in_dim3A_1952 : vector<16x1xi32> to vector<16xi32>
          %gather3A_1954 = tpu.dynamic_gather %get3A_1841[%gather3A_1953] in [0] : vector<16xf32>, vector<16xi32> -> vector<16xf32>
          %select_n3A_1955 = arith.select %ne3A_1931, %gather3A_1954, %get3A_1834 : vector<16xi1>, vector<16xf32>
          %broadcast_in_dim3A_1956 = vector.shape_cast %and3A_1943 : vector<16xi32> to vector<16x1xi32>
          %gather3A_1957 = vector.shape_cast %broadcast_in_dim3A_1956 : vector<16x1xi32> to vector<16xi32>
          %gather3A_1958 = tpu.dynamic_gather %get3A_1834[%gather3A_1957] in [0] : vector<16xf32>, vector<16xi32> -> vector<16xf32>
          %select_n3A_1959 = arith.select %ne3A_1931, %get3A_1841, %gather3A_1958 : vector<16xi1>, vector<16xf32>
          %broadcast_in_dim3A_1960 = vector.shape_cast %and3A_1937 : vector<16xi32> to vector<16x1xi32>
          %gather3A_1961 = vector.shape_cast %broadcast_in_dim3A_1960 : vector<16x1xi32> to vector<16xi32>
          %gather3A_1962 = tpu.dynamic_gather %get3A_1855[%gather3A_1961] in [0] : vector<16xf32>, vector<16xi32> -> vector<16xf32>
          %select_n3A_1963 = arith.select %ne3A_1931, %gather3A_1962, %get3A_1848 : vector<16xi1>, vector<16xf32>
          %broadcast_in_dim3A_1964 = vector.shape_cast %and3A_1943 : vector<16xi32> to vector<16x1xi32>
          %gather3A_1965 = vector.shape_cast %broadcast_in_dim3A_1964 : vector<16x1xi32> to vector<16xi32>
          %gather3A_1966 = tpu.dynamic_gather %get3A_1848[%gather3A_1965] in [0] : vector<16xf32>, vector<16xi32> -> vector<16xf32>
          %select_n3A_1967 = arith.select %ne3A_1931, %get3A_1855, %gather3A_1966 : vector<16xi1>, vector<16xf32>
          %broadcast_in_dim3A_1968 = vector.shape_cast %and3A_1937 : vector<16xi32> to vector<16x1xi32>
          %gather3A_1969 = vector.shape_cast %broadcast_in_dim3A_1968 : vector<16x1xi32> to vector<16xi32>
          %gather3A_1970 = tpu.dynamic_gather %get3A_1869[%gather3A_1969] in [0] : vector<16xf32>, vector<16xi32> -> vector<16xf32>
          %select_n3A_1971 = arith.select %ne3A_1931, %gather3A_1970, %get3A_1862 : vector<16xi1>, vector<16xf32>
          %broadcast_in_dim3A_1972 = vector.shape_cast %and3A_1943 : vector<16xi32> to vector<16x1xi32>
          %gather3A_1973 = vector.shape_cast %broadcast_in_dim3A_1972 : vector<16x1xi32> to vector<16xi32>
          %gather3A_1974 = tpu.dynamic_gather %get3A_1862[%gather3A_1973] in [0] : vector<16xf32>, vector<16xi32> -> vector<16xf32>
          %select_n3A_1975 = arith.select %ne3A_1931, %get3A_1869, %gather3A_1974 : vector<16xi1>, vector<16xf32>
          %broadcast_in_dim3A_1976 = vector.shape_cast %and3A_1937 : vector<16xi32> to vector<16x1xi32>
          %gather3A_1977 = vector.shape_cast %broadcast_in_dim3A_1976 : vector<16x1xi32> to vector<16xi32>
          %gather3A_1978 = tpu.dynamic_gather %get3A_1883[%gather3A_1977] in [0] : vector<16xf32>, vector<16xi32> -> vector<16xf32>
          %select_n3A_1979 = arith.select %ne3A_1931, %gather3A_1978, %get3A_1876 : vector<16xi1>, vector<16xf32>
          %broadcast_in_dim3A_1980 = vector.shape_cast %and3A_1943 : vector<16xi32> to vector<16x1xi32>
          %gather3A_1981 = vector.shape_cast %broadcast_in_dim3A_1980 : vector<16x1xi32> to vector<16xi32>
          %gather3A_1982 = tpu.dynamic_gather %get3A_1876[%gather3A_1981] in [0] : vector<16xf32>, vector<16xi32> -> vector<16xf32>
          %select_n3A_1983 = arith.select %ne3A_1931, %get3A_1883, %gather3A_1982 : vector<16xi1>, vector<16xf32>
          %broadcast_in_dim3A_1984 = vector.shape_cast %and3A_1937 : vector<16xi32> to vector<16x1xi32>
          %gather3A_1985 = vector.shape_cast %broadcast_in_dim3A_1984 : vector<16x1xi32> to vector<16xi32>
          %gather3A_1986 = tpu.dynamic_gather %get3A_1897[%gather3A_1985] in [0] : vector<16xf32>, vector<16xi32> -> vector<16xf32>
          %select_n3A_1987 = arith.select %ne3A_1931, %gather3A_1986, %get3A_1890 : vector<16xi1>, vector<16xf32>
          %broadcast_in_dim3A_1988 = vector.shape_cast %and3A_1943 : vector<16xi32> to vector<16x1xi32>
          %gather3A_1989 = vector.shape_cast %broadcast_in_dim3A_1988 : vector<16x1xi32> to vector<16xi32>
          %gather3A_1990 = tpu.dynamic_gather %get3A_1890[%gather3A_1989] in [0] : vector<16xf32>, vector<16xi32> -> vector<16xf32>
          %select_n3A_1991 = arith.select %ne3A_1931, %get3A_1897, %gather3A_1990 : vector<16xi1>, vector<16xf32>
          %broadcast_in_dim3A_1992 = vector.shape_cast %and3A_1937 : vector<16xi32> to vector<16x1xi32>
          %gather3A_1993 = vector.shape_cast %broadcast_in_dim3A_1992 : vector<16x1xi32> to vector<16xi32>
          %gather3A_1994 = tpu.dynamic_gather %get3A_1911[%gather3A_1993] in [0] : vector<16xf32>, vector<16xi32> -> vector<16xf32>
          %select_n3A_1995 = arith.select %ne3A_1931, %gather3A_1994, %get3A_1904 : vector<16xi1>, vector<16xf32>
          %broadcast_in_dim3A_1996 = vector.shape_cast %and3A_1943 : vector<16xi32> to vector<16x1xi32>
          %gather3A_1997 = vector.shape_cast %broadcast_in_dim3A_1996 : vector<16x1xi32> to vector<16xi32>
          %gather3A_1998 = tpu.dynamic_gather %get3A_1904[%gather3A_1997] in [0] : vector<16xf32>, vector<16xi32> -> vector<16xf32>
          %select_n3A_1999 = arith.select %ne3A_1931, %get3A_1911, %gather3A_1998 : vector<16xi1>, vector<16xf32>
          %broadcast_in_dim3A_2000 = vector.shape_cast %and3A_1937 : vector<16xi32> to vector<16x1xi32>
          %gather3A_2001 = vector.shape_cast %broadcast_in_dim3A_2000 : vector<16x1xi32> to vector<16xi32>
          %gather3A_2002 = tpu.dynamic_gather %get3A_1925[%gather3A_2001] in [0] : vector<16xf32>, vector<16xi32> -> vector<16xf32>
          %select_n3A_2003 = arith.select %ne3A_1931, %gather3A_2002, %get3A_1918 : vector<16xi1>, vector<16xf32>
          %broadcast_in_dim3A_2004 = vector.shape_cast %and3A_1943 : vector<16xi32> to vector<16x1xi32>
          %gather3A_2005 = vector.shape_cast %broadcast_in_dim3A_2004 : vector<16x1xi32> to vector<16xi32>
          %gather3A_2006 = tpu.dynamic_gather %get3A_1918[%gather3A_2005] in [0] : vector<16xf32>, vector<16xi32> -> vector<16xf32>
          %select_n3A_2007 = arith.select %ne3A_1931, %get3A_1925, %gather3A_2006 : vector<16xi1>, vector<16xf32>
          %and3A_2008 = arith.constant 2 : i32
          %and3A_2009 = vector.broadcast %and3A_2008 : i32 to vector<16xi32>
          %and3A_2010 = arith.andi %iota3A, %and3A_2009 : vector<16xi32>
          %ne3A_2011 = arith.constant 0 : i32
          %ne3A_2012 = vector.broadcast %ne3A_2011 : i32 to vector<16xi32>
          %ne3A_2013 = arith.cmpi ne, %and3A_2010, %ne3A_2012 : vector<16xi32>
          %sub3A_2014 = arith.constant 2 : i32
          %sub3A_2015 = vector.broadcast %sub3A_2014 : i32 to vector<16xi32>
          %sub3A_2016 = arith.subi %iota3A, %sub3A_2015 : vector<16xi32>
          %and3A_2017 = arith.constant 15 : i32
          %and3A_2018 = vector.broadcast %and3A_2017 : i32 to vector<16xi32>
          %and3A_2019 = arith.andi %sub3A_2016, %and3A_2018 : vector<16xi32>
          %add3A_2020 = arith.constant 2 : i32
          %add3A_2021 = vector.broadcast %add3A_2020 : i32 to vector<16xi32>
          %add3A_2022 = arith.addi %iota3A, %add3A_2021 : vector<16xi32>
          %and3A_2023 = arith.constant 15 : i32
          %and3A_2024 = vector.broadcast %and3A_2023 : i32 to vector<16xi32>
          %and3A_2025 = arith.andi %add3A_2022, %and3A_2024 : vector<16xi32>
          %broadcast_in_dim3A_2026 = vector.shape_cast %and3A_2019 : vector<16xi32> to vector<16x1xi32>
          %gather3A_2027 = vector.shape_cast %broadcast_in_dim3A_2026 : vector<16x1xi32> to vector<16xi32>
          %gather3A_2028 = tpu.dynamic_gather %select_n3A_1955[%gather3A_2027] in [0] : vector<16xf32>, vector<16xi32> -> vector<16xf32>
          %select_n3A_2029 = arith.select %ne3A_2013, %gather3A_2028, %select_n3A_1947 : vector<16xi1>, vector<16xf32>
          %broadcast_in_dim3A_2030 = vector.shape_cast %and3A_2025 : vector<16xi32> to vector<16x1xi32>
          %gather3A_2031 = vector.shape_cast %broadcast_in_dim3A_2030 : vector<16x1xi32> to vector<16xi32>
          %gather3A_2032 = tpu.dynamic_gather %select_n3A_1947[%gather3A_2031] in [0] : vector<16xf32>, vector<16xi32> -> vector<16xf32>
          %select_n3A_2033 = arith.select %ne3A_2013, %select_n3A_1955, %gather3A_2032 : vector<16xi1>, vector<16xf32>
          %broadcast_in_dim3A_2034 = vector.shape_cast %and3A_2019 : vector<16xi32> to vector<16x1xi32>
          %gather3A_2035 = vector.shape_cast %broadcast_in_dim3A_2034 : vector<16x1xi32> to vector<16xi32>
          %gather3A_2036 = tpu.dynamic_gather %select_n3A_1959[%gather3A_2035] in [0] : vector<16xf32>, vector<16xi32> -> vector<16xf32>
          %select_n3A_2037 = arith.select %ne3A_2013, %gather3A_2036, %select_n3A_1951 : vector<16xi1>, vector<16xf32>
          %broadcast_in_dim3A_2038 = vector.shape_cast %and3A_2025 : vector<16xi32> to vector<16x1xi32>
          %gather3A_2039 = vector.shape_cast %broadcast_in_dim3A_2038 : vector<16x1xi32> to vector<16xi32>
          %gather3A_2040 = tpu.dynamic_gather %select_n3A_1951[%gather3A_2039] in [0] : vector<16xf32>, vector<16xi32> -> vector<16xf32>
          %select_n3A_2041 = arith.select %ne3A_2013, %select_n3A_1959, %gather3A_2040 : vector<16xi1>, vector<16xf32>
          %broadcast_in_dim3A_2042 = vector.shape_cast %and3A_2019 : vector<16xi32> to vector<16x1xi32>
          %gather3A_2043 = vector.shape_cast %broadcast_in_dim3A_2042 : vector<16x1xi32> to vector<16xi32>
          %gather3A_2044 = tpu.dynamic_gather %select_n3A_1971[%gather3A_2043] in [0] : vector<16xf32>, vector<16xi32> -> vector<16xf32>
          %select_n3A_2045 = arith.select %ne3A_2013, %gather3A_2044, %select_n3A_1963 : vector<16xi1>, vector<16xf32>
          %broadcast_in_dim3A_2046 = vector.shape_cast %and3A_2025 : vector<16xi32> to vector<16x1xi32>
          %gather3A_2047 = vector.shape_cast %broadcast_in_dim3A_2046 : vector<16x1xi32> to vector<16xi32>
          %gather3A_2048 = tpu.dynamic_gather %select_n3A_1963[%gather3A_2047] in [0] : vector<16xf32>, vector<16xi32> -> vector<16xf32>
          %select_n3A_2049 = arith.select %ne3A_2013, %select_n3A_1971, %gather3A_2048 : vector<16xi1>, vector<16xf32>
          %broadcast_in_dim3A_2050 = vector.shape_cast %and3A_2019 : vector<16xi32> to vector<16x1xi32>
          %gather3A_2051 = vector.shape_cast %broadcast_in_dim3A_2050 : vector<16x1xi32> to vector<16xi32>
          %gather3A_2052 = tpu.dynamic_gather %select_n3A_1975[%gather3A_2051] in [0] : vector<16xf32>, vector<16xi32> -> vector<16xf32>
          %select_n3A_2053 = arith.select %ne3A_2013, %gather3A_2052, %select_n3A_1967 : vector<16xi1>, vector<16xf32>
          %broadcast_in_dim3A_2054 = vector.shape_cast %and3A_2025 : vector<16xi32> to vector<16x1xi32>
          %gather3A_2055 = vector.shape_cast %broadcast_in_dim3A_2054 : vector<16x1xi32> to vector<16xi32>
          %gather3A_2056 = tpu.dynamic_gather %select_n3A_1967[%gather3A_2055] in [0] : vector<16xf32>, vector<16xi32> -> vector<16xf32>
          %select_n3A_2057 = arith.select %ne3A_2013, %select_n3A_1975, %gather3A_2056 : vector<16xi1>, vector<16xf32>
          %broadcast_in_dim3A_2058 = vector.shape_cast %and3A_2019 : vector<16xi32> to vector<16x1xi32>
          %gather3A_2059 = vector.shape_cast %broadcast_in_dim3A_2058 : vector<16x1xi32> to vector<16xi32>
          %gather3A_2060 = tpu.dynamic_gather %select_n3A_1987[%gather3A_2059] in [0] : vector<16xf32>, vector<16xi32> -> vector<16xf32>
          %select_n3A_2061 = arith.select %ne3A_2013, %gather3A_2060, %select_n3A_1979 : vector<16xi1>, vector<16xf32>
          %broadcast_in_dim3A_2062 = vector.shape_cast %and3A_2025 : vector<16xi32> to vector<16x1xi32>
          %gather3A_2063 = vector.shape_cast %broadcast_in_dim3A_2062 : vector<16x1xi32> to vector<16xi32>
          %gather3A_2064 = tpu.dynamic_gather %select_n3A_1979[%gather3A_2063] in [0] : vector<16xf32>, vector<16xi32> -> vector<16xf32>
          %select_n3A_2065 = arith.select %ne3A_2013, %select_n3A_1987, %gather3A_2064 : vector<16xi1>, vector<16xf32>
          %broadcast_in_dim3A_2066 = vector.shape_cast %and3A_2019 : vector<16xi32> to vector<16x1xi32>
          %gather3A_2067 = vector.shape_cast %broadcast_in_dim3A_2066 : vector<16x1xi32> to vector<16xi32>
          %gather3A_2068 = tpu.dynamic_gather %select_n3A_1991[%gather3A_2067] in [0] : vector<16xf32>, vector<16xi32> -> vector<16xf32>
          %select_n3A_2069 = arith.select %ne3A_2013, %gather3A_2068, %select_n3A_1983 : vector<16xi1>, vector<16xf32>
          %broadcast_in_dim3A_2070 = vector.shape_cast %and3A_2025 : vector<16xi32> to vector<16x1xi32>
          %gather3A_2071 = vector.shape_cast %broadcast_in_dim3A_2070 : vector<16x1xi32> to vector<16xi32>
          %gather3A_2072 = tpu.dynamic_gather %select_n3A_1983[%gather3A_2071] in [0] : vector<16xf32>, vector<16xi32> -> vector<16xf32>
          %select_n3A_2073 = arith.select %ne3A_2013, %select_n3A_1991, %gather3A_2072 : vector<16xi1>, vector<16xf32>
          %broadcast_in_dim3A_2074 = vector.shape_cast %and3A_2019 : vector<16xi32> to vector<16x1xi32>
          %gather3A_2075 = vector.shape_cast %broadcast_in_dim3A_2074 : vector<16x1xi32> to vector<16xi32>
          %gather3A_2076 = tpu.dynamic_gather %select_n3A_2003[%gather3A_2075] in [0] : vector<16xf32>, vector<16xi32> -> vector<16xf32>
          %select_n3A_2077 = arith.select %ne3A_2013, %gather3A_2076, %select_n3A_1995 : vector<16xi1>, vector<16xf32>
          %broadcast_in_dim3A_2078 = vector.shape_cast %and3A_2025 : vector<16xi32> to vector<16x1xi32>
          %gather3A_2079 = vector.shape_cast %broadcast_in_dim3A_2078 : vector<16x1xi32> to vector<16xi32>
          %gather3A_2080 = tpu.dynamic_gather %select_n3A_1995[%gather3A_2079] in [0] : vector<16xf32>, vector<16xi32> -> vector<16xf32>
          %select_n3A_2081 = arith.select %ne3A_2013, %select_n3A_2003, %gather3A_2080 : vector<16xi1>, vector<16xf32>
          %broadcast_in_dim3A_2082 = vector.shape_cast %and3A_2019 : vector<16xi32> to vector<16x1xi32>
          %gather3A_2083 = vector.shape_cast %broadcast_in_dim3A_2082 : vector<16x1xi32> to vector<16xi32>
          %gather3A_2084 = tpu.dynamic_gather %select_n3A_2007[%gather3A_2083] in [0] : vector<16xf32>, vector<16xi32> -> vector<16xf32>
          %select_n3A_2085 = arith.select %ne3A_2013, %gather3A_2084, %select_n3A_1999 : vector<16xi1>, vector<16xf32>
          %broadcast_in_dim3A_2086 = vector.shape_cast %and3A_2025 : vector<16xi32> to vector<16x1xi32>
          %gather3A_2087 = vector.shape_cast %broadcast_in_dim3A_2086 : vector<16x1xi32> to vector<16xi32>
          %gather3A_2088 = tpu.dynamic_gather %select_n3A_1999[%gather3A_2087] in [0] : vector<16xf32>, vector<16xi32> -> vector<16xf32>
          %select_n3A_2089 = arith.select %ne3A_2013, %select_n3A_2007, %gather3A_2088 : vector<16xi1>, vector<16xf32>
          %and3A_2090 = arith.constant 4 : i32
          %and3A_2091 = vector.broadcast %and3A_2090 : i32 to vector<16xi32>
          %and3A_2092 = arith.andi %iota3A, %and3A_2091 : vector<16xi32>
          %ne3A_2093 = arith.constant 0 : i32
          %ne3A_2094 = vector.broadcast %ne3A_2093 : i32 to vector<16xi32>
          %ne3A_2095 = arith.cmpi ne, %and3A_2092, %ne3A_2094 : vector<16xi32>
          %sub3A_2096 = arith.constant 4 : i32
          %sub3A_2097 = vector.broadcast %sub3A_2096 : i32 to vector<16xi32>
          %sub3A_2098 = arith.subi %iota3A, %sub3A_2097 : vector<16xi32>
          %and3A_2099 = arith.constant 15 : i32
          %and3A_2100 = vector.broadcast %and3A_2099 : i32 to vector<16xi32>
          %and3A_2101 = arith.andi %sub3A_2098, %and3A_2100 : vector<16xi32>
          %add3A_2102 = arith.constant 4 : i32
          %add3A_2103 = vector.broadcast %add3A_2102 : i32 to vector<16xi32>
          %add3A_2104 = arith.addi %iota3A, %add3A_2103 : vector<16xi32>
          %and3A_2105 = arith.constant 15 : i32
          %and3A_2106 = vector.broadcast %and3A_2105 : i32 to vector<16xi32>
          %and3A_2107 = arith.andi %add3A_2104, %and3A_2106 : vector<16xi32>
          %broadcast_in_dim3A_2108 = vector.shape_cast %and3A_2101 : vector<16xi32> to vector<16x1xi32>
          %gather3A_2109 = vector.shape_cast %broadcast_in_dim3A_2108 : vector<16x1xi32> to vector<16xi32>
          %gather3A_2110 = tpu.dynamic_gather %select_n3A_2045[%gather3A_2109] in [0] : vector<16xf32>, vector<16xi32> -> vector<16xf32>
          %select_n3A_2111 = arith.select %ne3A_2095, %gather3A_2110, %select_n3A_2029 : vector<16xi1>, vector<16xf32>
          %broadcast_in_dim3A_2112 = vector.shape_cast %and3A_2107 : vector<16xi32> to vector<16x1xi32>
          %gather3A_2113 = vector.shape_cast %broadcast_in_dim3A_2112 : vector<16x1xi32> to vector<16xi32>
          %gather3A_2114 = tpu.dynamic_gather %select_n3A_2029[%gather3A_2113] in [0] : vector<16xf32>, vector<16xi32> -> vector<16xf32>
          %select_n3A_2115 = arith.select %ne3A_2095, %select_n3A_2045, %gather3A_2114 : vector<16xi1>, vector<16xf32>
          %broadcast_in_dim3A_2116 = vector.shape_cast %and3A_2101 : vector<16xi32> to vector<16x1xi32>
          %gather3A_2117 = vector.shape_cast %broadcast_in_dim3A_2116 : vector<16x1xi32> to vector<16xi32>
          %gather3A_2118 = tpu.dynamic_gather %select_n3A_2053[%gather3A_2117] in [0] : vector<16xf32>, vector<16xi32> -> vector<16xf32>
          %select_n3A_2119 = arith.select %ne3A_2095, %gather3A_2118, %select_n3A_2037 : vector<16xi1>, vector<16xf32>
          %broadcast_in_dim3A_2120 = vector.shape_cast %and3A_2107 : vector<16xi32> to vector<16x1xi32>
          %gather3A_2121 = vector.shape_cast %broadcast_in_dim3A_2120 : vector<16x1xi32> to vector<16xi32>
          %gather3A_2122 = tpu.dynamic_gather %select_n3A_2037[%gather3A_2121] in [0] : vector<16xf32>, vector<16xi32> -> vector<16xf32>
          %select_n3A_2123 = arith.select %ne3A_2095, %select_n3A_2053, %gather3A_2122 : vector<16xi1>, vector<16xf32>
          %broadcast_in_dim3A_2124 = vector.shape_cast %and3A_2101 : vector<16xi32> to vector<16x1xi32>
          %gather3A_2125 = vector.shape_cast %broadcast_in_dim3A_2124 : vector<16x1xi32> to vector<16xi32>
          %gather3A_2126 = tpu.dynamic_gather %select_n3A_2049[%gather3A_2125] in [0] : vector<16xf32>, vector<16xi32> -> vector<16xf32>
          %select_n3A_2127 = arith.select %ne3A_2095, %gather3A_2126, %select_n3A_2033 : vector<16xi1>, vector<16xf32>
          %broadcast_in_dim3A_2128 = vector.shape_cast %and3A_2107 : vector<16xi32> to vector<16x1xi32>
          %gather3A_2129 = vector.shape_cast %broadcast_in_dim3A_2128 : vector<16x1xi32> to vector<16xi32>
          %gather3A_2130 = tpu.dynamic_gather %select_n3A_2033[%gather3A_2129] in [0] : vector<16xf32>, vector<16xi32> -> vector<16xf32>
          %select_n3A_2131 = arith.select %ne3A_2095, %select_n3A_2049, %gather3A_2130 : vector<16xi1>, vector<16xf32>
          %broadcast_in_dim3A_2132 = vector.shape_cast %and3A_2101 : vector<16xi32> to vector<16x1xi32>
          %gather3A_2133 = vector.shape_cast %broadcast_in_dim3A_2132 : vector<16x1xi32> to vector<16xi32>
          %gather3A_2134 = tpu.dynamic_gather %select_n3A_2057[%gather3A_2133] in [0] : vector<16xf32>, vector<16xi32> -> vector<16xf32>
          %select_n3A_2135 = arith.select %ne3A_2095, %gather3A_2134, %select_n3A_2041 : vector<16xi1>, vector<16xf32>
          %broadcast_in_dim3A_2136 = vector.shape_cast %and3A_2107 : vector<16xi32> to vector<16x1xi32>
          %gather3A_2137 = vector.shape_cast %broadcast_in_dim3A_2136 : vector<16x1xi32> to vector<16xi32>
          %gather3A_2138 = tpu.dynamic_gather %select_n3A_2041[%gather3A_2137] in [0] : vector<16xf32>, vector<16xi32> -> vector<16xf32>
          %select_n3A_2139 = arith.select %ne3A_2095, %select_n3A_2057, %gather3A_2138 : vector<16xi1>, vector<16xf32>
          %broadcast_in_dim3A_2140 = vector.shape_cast %and3A_2101 : vector<16xi32> to vector<16x1xi32>
          %gather3A_2141 = vector.shape_cast %broadcast_in_dim3A_2140 : vector<16x1xi32> to vector<16xi32>
          %gather3A_2142 = tpu.dynamic_gather %select_n3A_2077[%gather3A_2141] in [0] : vector<16xf32>, vector<16xi32> -> vector<16xf32>
          %select_n3A_2143 = arith.select %ne3A_2095, %gather3A_2142, %select_n3A_2061 : vector<16xi1>, vector<16xf32>
          %broadcast_in_dim3A_2144 = vector.shape_cast %and3A_2107 : vector<16xi32> to vector<16x1xi32>
          %gather3A_2145 = vector.shape_cast %broadcast_in_dim3A_2144 : vector<16x1xi32> to vector<16xi32>
          %gather3A_2146 = tpu.dynamic_gather %select_n3A_2061[%gather3A_2145] in [0] : vector<16xf32>, vector<16xi32> -> vector<16xf32>
          %select_n3A_2147 = arith.select %ne3A_2095, %select_n3A_2077, %gather3A_2146 : vector<16xi1>, vector<16xf32>
          %broadcast_in_dim3A_2148 = vector.shape_cast %and3A_2101 : vector<16xi32> to vector<16x1xi32>
          %gather3A_2149 = vector.shape_cast %broadcast_in_dim3A_2148 : vector<16x1xi32> to vector<16xi32>
          %gather3A_2150 = tpu.dynamic_gather %select_n3A_2085[%gather3A_2149] in [0] : vector<16xf32>, vector<16xi32> -> vector<16xf32>
          %select_n3A_2151 = arith.select %ne3A_2095, %gather3A_2150, %select_n3A_2069 : vector<16xi1>, vector<16xf32>
          %broadcast_in_dim3A_2152 = vector.shape_cast %and3A_2107 : vector<16xi32> to vector<16x1xi32>
          %gather3A_2153 = vector.shape_cast %broadcast_in_dim3A_2152 : vector<16x1xi32> to vector<16xi32>
          %gather3A_2154 = tpu.dynamic_gather %select_n3A_2069[%gather3A_2153] in [0] : vector<16xf32>, vector<16xi32> -> vector<16xf32>
          %select_n3A_2155 = arith.select %ne3A_2095, %select_n3A_2085, %gather3A_2154 : vector<16xi1>, vector<16xf32>
          %broadcast_in_dim3A_2156 = vector.shape_cast %and3A_2101 : vector<16xi32> to vector<16x1xi32>
          %gather3A_2157 = vector.shape_cast %broadcast_in_dim3A_2156 : vector<16x1xi32> to vector<16xi32>
          %gather3A_2158 = tpu.dynamic_gather %select_n3A_2081[%gather3A_2157] in [0] : vector<16xf32>, vector<16xi32> -> vector<16xf32>
          %select_n3A_2159 = arith.select %ne3A_2095, %gather3A_2158, %select_n3A_2065 : vector<16xi1>, vector<16xf32>
          %broadcast_in_dim3A_2160 = vector.shape_cast %and3A_2107 : vector<16xi32> to vector<16x1xi32>
          %gather3A_2161 = vector.shape_cast %broadcast_in_dim3A_2160 : vector<16x1xi32> to vector<16xi32>
          %gather3A_2162 = tpu.dynamic_gather %select_n3A_2065[%gather3A_2161] in [0] : vector<16xf32>, vector<16xi32> -> vector<16xf32>
          %select_n3A_2163 = arith.select %ne3A_2095, %select_n3A_2081, %gather3A_2162 : vector<16xi1>, vector<16xf32>
          %broadcast_in_dim3A_2164 = vector.shape_cast %and3A_2101 : vector<16xi32> to vector<16x1xi32>
          %gather3A_2165 = vector.shape_cast %broadcast_in_dim3A_2164 : vector<16x1xi32> to vector<16xi32>
          %gather3A_2166 = tpu.dynamic_gather %select_n3A_2089[%gather3A_2165] in [0] : vector<16xf32>, vector<16xi32> -> vector<16xf32>
          %select_n3A_2167 = arith.select %ne3A_2095, %gather3A_2166, %select_n3A_2073 : vector<16xi1>, vector<16xf32>
          %broadcast_in_dim3A_2168 = vector.shape_cast %and3A_2107 : vector<16xi32> to vector<16x1xi32>
          %gather3A_2169 = vector.shape_cast %broadcast_in_dim3A_2168 : vector<16x1xi32> to vector<16xi32>
          %gather3A_2170 = tpu.dynamic_gather %select_n3A_2073[%gather3A_2169] in [0] : vector<16xf32>, vector<16xi32> -> vector<16xf32>
          %select_n3A_2171 = arith.select %ne3A_2095, %select_n3A_2089, %gather3A_2170 : vector<16xi1>, vector<16xf32>
          %and3A_2172 = arith.constant 8 : i32
          %and3A_2173 = vector.broadcast %and3A_2172 : i32 to vector<16xi32>
          %and3A_2174 = arith.andi %iota3A, %and3A_2173 : vector<16xi32>
          %ne3A_2175 = arith.constant 0 : i32
          %ne3A_2176 = vector.broadcast %ne3A_2175 : i32 to vector<16xi32>
          %ne3A_2177 = arith.cmpi ne, %and3A_2174, %ne3A_2176 : vector<16xi32>
          %sub3A_2178 = arith.constant 8 : i32
          %sub3A_2179 = vector.broadcast %sub3A_2178 : i32 to vector<16xi32>
          %sub3A_2180 = arith.subi %iota3A, %sub3A_2179 : vector<16xi32>
          %and3A_2181 = arith.constant 15 : i32
          %and3A_2182 = vector.broadcast %and3A_2181 : i32 to vector<16xi32>
          %and3A_2183 = arith.andi %sub3A_2180, %and3A_2182 : vector<16xi32>
          %add3A_2184 = arith.constant 8 : i32
          %add3A_2185 = vector.broadcast %add3A_2184 : i32 to vector<16xi32>
          %add3A_2186 = arith.addi %iota3A, %add3A_2185 : vector<16xi32>
          %and3A_2187 = arith.constant 15 : i32
          %and3A_2188 = vector.broadcast %and3A_2187 : i32 to vector<16xi32>
          %and3A_2189 = arith.andi %add3A_2186, %and3A_2188 : vector<16xi32>
          %broadcast_in_dim3A_2190 = vector.shape_cast %and3A_2183 : vector<16xi32> to vector<16x1xi32>
          %gather3A_2191 = vector.shape_cast %broadcast_in_dim3A_2190 : vector<16x1xi32> to vector<16xi32>
          %gather3A_2192 = tpu.dynamic_gather %select_n3A_2143[%gather3A_2191] in [0] : vector<16xf32>, vector<16xi32> -> vector<16xf32>
          %select_n3A_2193 = arith.select %ne3A_2177, %gather3A_2192, %select_n3A_2111 : vector<16xi1>, vector<16xf32>
          %broadcast_in_dim3A_2194 = vector.shape_cast %and3A_2189 : vector<16xi32> to vector<16x1xi32>
          %gather3A_2195 = vector.shape_cast %broadcast_in_dim3A_2194 : vector<16x1xi32> to vector<16xi32>
          %gather3A_2196 = tpu.dynamic_gather %select_n3A_2111[%gather3A_2195] in [0] : vector<16xf32>, vector<16xi32> -> vector<16xf32>
          %select_n3A_2197 = arith.select %ne3A_2177, %select_n3A_2143, %gather3A_2196 : vector<16xi1>, vector<16xf32>
          %broadcast_in_dim3A_2198 = vector.shape_cast %and3A_2183 : vector<16xi32> to vector<16x1xi32>
          %gather3A_2199 = vector.shape_cast %broadcast_in_dim3A_2198 : vector<16x1xi32> to vector<16xi32>
          %gather3A_2200 = tpu.dynamic_gather %select_n3A_2151[%gather3A_2199] in [0] : vector<16xf32>, vector<16xi32> -> vector<16xf32>
          %select_n3A_2201 = arith.select %ne3A_2177, %gather3A_2200, %select_n3A_2119 : vector<16xi1>, vector<16xf32>
          %broadcast_in_dim3A_2202 = vector.shape_cast %and3A_2189 : vector<16xi32> to vector<16x1xi32>
          %gather3A_2203 = vector.shape_cast %broadcast_in_dim3A_2202 : vector<16x1xi32> to vector<16xi32>
          %gather3A_2204 = tpu.dynamic_gather %select_n3A_2119[%gather3A_2203] in [0] : vector<16xf32>, vector<16xi32> -> vector<16xf32>
          %select_n3A_2205 = arith.select %ne3A_2177, %select_n3A_2151, %gather3A_2204 : vector<16xi1>, vector<16xf32>
          %broadcast_in_dim3A_2206 = vector.shape_cast %and3A_2183 : vector<16xi32> to vector<16x1xi32>
          %gather3A_2207 = vector.shape_cast %broadcast_in_dim3A_2206 : vector<16x1xi32> to vector<16xi32>
          %gather3A_2208 = tpu.dynamic_gather %select_n3A_2159[%gather3A_2207] in [0] : vector<16xf32>, vector<16xi32> -> vector<16xf32>
          %select_n3A_2209 = arith.select %ne3A_2177, %gather3A_2208, %select_n3A_2127 : vector<16xi1>, vector<16xf32>
          %broadcast_in_dim3A_2210 = vector.shape_cast %and3A_2189 : vector<16xi32> to vector<16x1xi32>
          %gather3A_2211 = vector.shape_cast %broadcast_in_dim3A_2210 : vector<16x1xi32> to vector<16xi32>
          %gather3A_2212 = tpu.dynamic_gather %select_n3A_2127[%gather3A_2211] in [0] : vector<16xf32>, vector<16xi32> -> vector<16xf32>
          %select_n3A_2213 = arith.select %ne3A_2177, %select_n3A_2159, %gather3A_2212 : vector<16xi1>, vector<16xf32>
          %broadcast_in_dim3A_2214 = vector.shape_cast %and3A_2183 : vector<16xi32> to vector<16x1xi32>
          %gather3A_2215 = vector.shape_cast %broadcast_in_dim3A_2214 : vector<16x1xi32> to vector<16xi32>
          %gather3A_2216 = tpu.dynamic_gather %select_n3A_2167[%gather3A_2215] in [0] : vector<16xf32>, vector<16xi32> -> vector<16xf32>
          %select_n3A_2217 = arith.select %ne3A_2177, %gather3A_2216, %select_n3A_2135 : vector<16xi1>, vector<16xf32>
          %broadcast_in_dim3A_2218 = vector.shape_cast %and3A_2189 : vector<16xi32> to vector<16x1xi32>
          %gather3A_2219 = vector.shape_cast %broadcast_in_dim3A_2218 : vector<16x1xi32> to vector<16xi32>
          %gather3A_2220 = tpu.dynamic_gather %select_n3A_2135[%gather3A_2219] in [0] : vector<16xf32>, vector<16xi32> -> vector<16xf32>
          %select_n3A_2221 = arith.select %ne3A_2177, %select_n3A_2167, %gather3A_2220 : vector<16xi1>, vector<16xf32>
          %broadcast_in_dim3A_2222 = vector.shape_cast %and3A_2183 : vector<16xi32> to vector<16x1xi32>
          %gather3A_2223 = vector.shape_cast %broadcast_in_dim3A_2222 : vector<16x1xi32> to vector<16xi32>
          %gather3A_2224 = tpu.dynamic_gather %select_n3A_2147[%gather3A_2223] in [0] : vector<16xf32>, vector<16xi32> -> vector<16xf32>
          %select_n3A_2225 = arith.select %ne3A_2177, %gather3A_2224, %select_n3A_2115 : vector<16xi1>, vector<16xf32>
          %broadcast_in_dim3A_2226 = vector.shape_cast %and3A_2189 : vector<16xi32> to vector<16x1xi32>
          %gather3A_2227 = vector.shape_cast %broadcast_in_dim3A_2226 : vector<16x1xi32> to vector<16xi32>
          %gather3A_2228 = tpu.dynamic_gather %select_n3A_2115[%gather3A_2227] in [0] : vector<16xf32>, vector<16xi32> -> vector<16xf32>
          %select_n3A_2229 = arith.select %ne3A_2177, %select_n3A_2147, %gather3A_2228 : vector<16xi1>, vector<16xf32>
          %broadcast_in_dim3A_2230 = vector.shape_cast %and3A_2183 : vector<16xi32> to vector<16x1xi32>
          %gather3A_2231 = vector.shape_cast %broadcast_in_dim3A_2230 : vector<16x1xi32> to vector<16xi32>
          %gather3A_2232 = tpu.dynamic_gather %select_n3A_2155[%gather3A_2231] in [0] : vector<16xf32>, vector<16xi32> -> vector<16xf32>
          %select_n3A_2233 = arith.select %ne3A_2177, %gather3A_2232, %select_n3A_2123 : vector<16xi1>, vector<16xf32>
          %broadcast_in_dim3A_2234 = vector.shape_cast %and3A_2189 : vector<16xi32> to vector<16x1xi32>
          %gather3A_2235 = vector.shape_cast %broadcast_in_dim3A_2234 : vector<16x1xi32> to vector<16xi32>
          %gather3A_2236 = tpu.dynamic_gather %select_n3A_2123[%gather3A_2235] in [0] : vector<16xf32>, vector<16xi32> -> vector<16xf32>
          %select_n3A_2237 = arith.select %ne3A_2177, %select_n3A_2155, %gather3A_2236 : vector<16xi1>, vector<16xf32>
          %broadcast_in_dim3A_2238 = vector.shape_cast %and3A_2183 : vector<16xi32> to vector<16x1xi32>
          %gather3A_2239 = vector.shape_cast %broadcast_in_dim3A_2238 : vector<16x1xi32> to vector<16xi32>
          %gather3A_2240 = tpu.dynamic_gather %select_n3A_2163[%gather3A_2239] in [0] : vector<16xf32>, vector<16xi32> -> vector<16xf32>
          %select_n3A_2241 = arith.select %ne3A_2177, %gather3A_2240, %select_n3A_2131 : vector<16xi1>, vector<16xf32>
          %broadcast_in_dim3A_2242 = vector.shape_cast %and3A_2189 : vector<16xi32> to vector<16x1xi32>
          %gather3A_2243 = vector.shape_cast %broadcast_in_dim3A_2242 : vector<16x1xi32> to vector<16xi32>
          %gather3A_2244 = tpu.dynamic_gather %select_n3A_2131[%gather3A_2243] in [0] : vector<16xf32>, vector<16xi32> -> vector<16xf32>
          %select_n3A_2245 = arith.select %ne3A_2177, %select_n3A_2163, %gather3A_2244 : vector<16xi1>, vector<16xf32>
          %broadcast_in_dim3A_2246 = vector.shape_cast %and3A_2183 : vector<16xi32> to vector<16x1xi32>
          %gather3A_2247 = vector.shape_cast %broadcast_in_dim3A_2246 : vector<16x1xi32> to vector<16xi32>
          %gather3A_2248 = tpu.dynamic_gather %select_n3A_2171[%gather3A_2247] in [0] : vector<16xf32>, vector<16xi32> -> vector<16xf32>
          %select_n3A_2249 = arith.select %ne3A_2177, %gather3A_2248, %select_n3A_2139 : vector<16xi1>, vector<16xf32>
          %broadcast_in_dim3A_2250 = vector.shape_cast %and3A_2189 : vector<16xi32> to vector<16x1xi32>
          %gather3A_2251 = vector.shape_cast %broadcast_in_dim3A_2250 : vector<16x1xi32> to vector<16xi32>
          %gather3A_2252 = tpu.dynamic_gather %select_n3A_2139[%gather3A_2251] in [0] : vector<16xf32>, vector<16xi32> -> vector<16xf32>
          %select_n3A_2253 = arith.select %ne3A_2177, %select_n3A_2171, %gather3A_2252 : vector<16xi1>, vector<16xf32>
          %mul3A_2254 = arith.constant 16 : i32
          %mul3A_2255 = arith.muli %scan3A_113, %mul3A_2254 : i32
          %add3A_2256 = arith.constant 0 : i32
          %add3A_2257 = arith.addi %mul3A_2255, %add3A_2256 : i32
          %swap3A_2258 = arith.index_cast %select_n3A_57 : i32 to index
          %swap3A_2259 = arith.index_cast %add3A_2257 : i32 to index
          %swap3A_2260 = arith.constant 48 : index
          %swap3A_2261 = tpu.vector_load %arg6[%swap3A_2258, %swap3A_2259, %swap3A_2260] {strides = array<i32>} : memref<2x128x128xf32, #tpu.memory_space<vmem>>, vector<16xf32>,
          tpu.vector_store %arg6[%swap3A_2258, %swap3A_2259, %swap3A_2260], %select_n3A_2193 {strides = array<i32>} : memref<2x128x128xf32, #tpu.memory_space<vmem>>, vector<16xf32>,
          %mul3A_2262 = arith.constant 16 : i32
          %mul3A_2263 = arith.muli %scan3A_113, %mul3A_2262 : i32
          %add3A_2264 = arith.constant 1 : i32
          %add3A_2265 = arith.addi %mul3A_2263, %add3A_2264 : i32
          %swap3A_2266 = arith.index_cast %select_n3A_57 : i32 to index
          %swap3A_2267 = arith.index_cast %add3A_2265 : i32 to index
          %swap3A_2268 = arith.constant 48 : index
          %swap3A_2269 = tpu.vector_load %arg6[%swap3A_2266, %swap3A_2267, %swap3A_2268] {strides = array<i32>} : memref<2x128x128xf32, #tpu.memory_space<vmem>>, vector<16xf32>,
          tpu.vector_store %arg6[%swap3A_2266, %swap3A_2267, %swap3A_2268], %select_n3A_2201 {strides = array<i32>} : memref<2x128x128xf32, #tpu.memory_space<vmem>>, vector<16xf32>,
          %mul3A_2270 = arith.constant 16 : i32
          %mul3A_2271 = arith.muli %scan3A_113, %mul3A_2270 : i32
          %add3A_2272 = arith.constant 2 : i32
          %add3A_2273 = arith.addi %mul3A_2271, %add3A_2272 : i32
          %swap3A_2274 = arith.index_cast %select_n3A_57 : i32 to index
          %swap3A_2275 = arith.index_cast %add3A_2273 : i32 to index
          %swap3A_2276 = arith.constant 48 : index
          %swap3A_2277 = tpu.vector_load %arg6[%swap3A_2274, %swap3A_2275, %swap3A_2276] {strides = array<i32>} : memref<2x128x128xf32, #tpu.memory_space<vmem>>, vector<16xf32>,
          tpu.vector_store %arg6[%swap3A_2274, %swap3A_2275, %swap3A_2276], %select_n3A_2209 {strides = array<i32>} : memref<2x128x128xf32, #tpu.memory_space<vmem>>, vector<16xf32>,
          %mul3A_2278 = arith.constant 16 : i32
          %mul3A_2279 = arith.muli %scan3A_113, %mul3A_2278 : i32
          %add3A_2280 = arith.constant 3 : i32
          %add3A_2281 = arith.addi %mul3A_2279, %add3A_2280 : i32
          %swap3A_2282 = arith.index_cast %select_n3A_57 : i32 to index
          %swap3A_2283 = arith.index_cast %add3A_2281 : i32 to index
          %swap3A_2284 = arith.constant 48 : index
          %swap3A_2285 = tpu.vector_load %arg6[%swap3A_2282, %swap3A_2283, %swap3A_2284] {strides = array<i32>} : memref<2x128x128xf32, #tpu.memory_space<vmem>>, vector<16xf32>,
          tpu.vector_store %arg6[%swap3A_2282, %swap3A_2283, %swap3A_2284], %select_n3A_2217 {strides = array<i32>} : memref<2x128x128xf32, #tpu.memory_space<vmem>>, vector<16xf32>,
          %mul3A_2286 = arith.constant 16 : i32
          %mul3A_2287 = arith.muli %scan3A_113, %mul3A_2286 : i32
          %add3A_2288 = arith.constant 4 : i32
          %add3A_2289 = arith.addi %mul3A_2287, %add3A_2288 : i32
          %swap3A_2290 = arith.index_cast %select_n3A_57 : i32 to index
          %swap3A_2291 = arith.index_cast %add3A_2289 : i32 to index
          %swap3A_2292 = arith.constant 48 : index
          %swap3A_2293 = tpu.vector_load %arg6[%swap3A_2290, %swap3A_2291, %swap3A_2292] {strides = array<i32>} : memref<2x128x128xf32, #tpu.memory_space<vmem>>, vector<16xf32>,
          tpu.vector_store %arg6[%swap3A_2290, %swap3A_2291, %swap3A_2292], %select_n3A_2225 {strides = array<i32>} : memref<2x128x128xf32, #tpu.memory_space<vmem>>, vector<16xf32>,
          %mul3A_2294 = arith.constant 16 : i32
          %mul3A_2295 = arith.muli %scan3A_113, %mul3A_2294 : i32
          %add3A_2296 = arith.constant 5 : i32
          %add3A_2297 = arith.addi %mul3A_2295, %add3A_2296 : i32
          %swap3A_2298 = arith.index_cast %select_n3A_57 : i32 to index
          %swap3A_2299 = arith.index_cast %add3A_2297 : i32 to index
          %swap3A_2300 = arith.constant 48 : index
          %swap3A_2301 = tpu.vector_load %arg6[%swap3A_2298, %swap3A_2299, %swap3A_2300] {strides = array<i32>} : memref<2x128x128xf32, #tpu.memory_space<vmem>>, vector<16xf32>,
          tpu.vector_store %arg6[%swap3A_2298, %swap3A_2299, %swap3A_2300], %select_n3A_2233 {strides = array<i32>} : memref<2x128x128xf32, #tpu.memory_space<vmem>>, vector<16xf32>,
          %mul3A_2302 = arith.constant 16 : i32
          %mul3A_2303 = arith.muli %scan3A_113, %mul3A_2302 : i32
          %add3A_2304 = arith.constant 6 : i32
          %add3A_2305 = arith.addi %mul3A_2303, %add3A_2304 : i32
          %swap3A_2306 = arith.index_cast %select_n3A_57 : i32 to index
          %swap3A_2307 = arith.index_cast %add3A_2305 : i32 to index
          %swap3A_2308 = arith.constant 48 : index
          %swap3A_2309 = tpu.vector_load %arg6[%swap3A_2306, %swap3A_2307, %swap3A_2308] {strides = array<i32>} : memref<2x128x128xf32, #tpu.memory_space<vmem>>, vector<16xf32>,
          tpu.vector_store %arg6[%swap3A_2306, %swap3A_2307, %swap3A_2308], %select_n3A_2241 {strides = array<i32>} : memref<2x128x128xf32, #tpu.memory_space<vmem>>, vector<16xf32>,
          %mul3A_2310 = arith.constant 16 : i32
          %mul3A_2311 = arith.muli %scan3A_113, %mul3A_2310 : i32
          %add3A_2312 = arith.constant 7 : i32
          %add3A_2313 = arith.addi %mul3A_2311, %add3A_2312 : i32
          %swap3A_2314 = arith.index_cast %select_n3A_57 : i32 to index
          %swap3A_2315 = arith.index_cast %add3A_2313 : i32 to index
          %swap3A_2316 = arith.constant 48 : index
          %swap3A_2317 = tpu.vector_load %arg6[%swap3A_2314, %swap3A_2315, %swap3A_2316] {strides = array<i32>} : memref<2x128x128xf32, #tpu.memory_space<vmem>>, vector<16xf32>,
          tpu.vector_store %arg6[%swap3A_2314, %swap3A_2315, %swap3A_2316], %select_n3A_2249 {strides = array<i32>} : memref<2x128x128xf32, #tpu.memory_space<vmem>>, vector<16xf32>,
          %mul3A_2318 = arith.constant 16 : i32
          %mul3A_2319 = arith.muli %scan3A_113, %mul3A_2318 : i32
          %add3A_2320 = arith.constant 8 : i32
          %add3A_2321 = arith.addi %mul3A_2319, %add3A_2320 : i32
          %swap3A_2322 = arith.index_cast %select_n3A_57 : i32 to index
          %swap3A_2323 = arith.index_cast %add3A_2321 : i32 to index
          %swap3A_2324 = arith.constant 48 : index
          %swap3A_2325 = tpu.vector_load %arg6[%swap3A_2322, %swap3A_2323, %swap3A_2324] {strides = array<i32>} : memref<2x128x128xf32, #tpu.memory_space<vmem>>, vector<16xf32>,
          tpu.vector_store %arg6[%swap3A_2322, %swap3A_2323, %swap3A_2324], %select_n3A_2197 {strides = array<i32>} : memref<2x128x128xf32, #tpu.memory_space<vmem>>, vector<16xf32>,
          %mul3A_2326 = arith.constant 16 : i32
          %mul3A_2327 = arith.muli %scan3A_113, %mul3A_2326 : i32
          %add3A_2328 = arith.constant 9 : i32
          %add3A_2329 = arith.addi %mul3A_2327, %add3A_2328 : i32
          %swap3A_2330 = arith.index_cast %select_n3A_57 : i32 to index
          %swap3A_2331 = arith.index_cast %add3A_2329 : i32 to index
          %swap3A_2332 = arith.constant 48 : index
          %swap3A_2333 = tpu.vector_load %arg6[%swap3A_2330, %swap3A_2331, %swap3A_2332] {strides = array<i32>} : memref<2x128x128xf32, #tpu.memory_space<vmem>>, vector<16xf32>,
          tpu.vector_store %arg6[%swap3A_2330, %swap3A_2331, %swap3A_2332], %select_n3A_2205 {strides = array<i32>} : memref<2x128x128xf32, #tpu.memory_space<vmem>>, vector<16xf32>,
          %mul3A_2334 = arith.constant 16 : i32
          %mul3A_2335 = arith.muli %scan3A_113, %mul3A_2334 : i32
          %add3A_2336 = arith.constant 10 : i32
          %add3A_2337 = arith.addi %mul3A_2335, %add3A_2336 : i32
          %swap3A_2338 = arith.index_cast %select_n3A_57 : i32 to index
          %swap3A_2339 = arith.index_cast %add3A_2337 : i32 to index
          %swap3A_2340 = arith.constant 48 : index
          %swap3A_2341 = tpu.vector_load %arg6[%swap3A_2338, %swap3A_2339, %swap3A_2340] {strides = array<i32>} : memref<2x128x128xf32, #tpu.memory_space<vmem>>, vector<16xf32>,
          tpu.vector_store %arg6[%swap3A_2338, %swap3A_2339, %swap3A_2340], %select_n3A_2213 {strides = array<i32>} : memref<2x128x128xf32, #tpu.memory_space<vmem>>, vector<16xf32>,
          %mul3A_2342 = arith.constant 16 : i32
          %mul3A_2343 = arith.muli %scan3A_113, %mul3A_2342 : i32
          %add3A_2344 = arith.constant 11 : i32
          %add3A_2345 = arith.addi %mul3A_2343, %add3A_2344 : i32
          %swap3A_2346 = arith.index_cast %select_n3A_57 : i32 to index
          %swap3A_2347 = arith.index_cast %add3A_2345 : i32 to index
          %swap3A_2348 = arith.constant 48 : index
          %swap3A_2349 = tpu.vector_load %arg6[%swap3A_2346, %swap3A_2347, %swap3A_2348] {strides = array<i32>} : memref<2x128x128xf32, #tpu.memory_space<vmem>>, vector<16xf32>,
          tpu.vector_store %arg6[%swap3A_2346, %swap3A_2347, %swap3A_2348], %select_n3A_2221 {strides = array<i32>} : memref<2x128x128xf32, #tpu.memory_space<vmem>>, vector<16xf32>,
          %mul3A_2350 = arith.constant 16 : i32
          %mul3A_2351 = arith.muli %scan3A_113, %mul3A_2350 : i32
          %add3A_2352 = arith.constant 12 : i32
          %add3A_2353 = arith.addi %mul3A_2351, %add3A_2352 : i32
          %swap3A_2354 = arith.index_cast %select_n3A_57 : i32 to index
          %swap3A_2355 = arith.index_cast %add3A_2353 : i32 to index
          %swap3A_2356 = arith.constant 48 : index
          %swap3A_2357 = tpu.vector_load %arg6[%swap3A_2354, %swap3A_2355, %swap3A_2356] {strides = array<i32>} : memref<2x128x128xf32, #tpu.memory_space<vmem>>, vector<16xf32>,
          tpu.vector_store %arg6[%swap3A_2354, %swap3A_2355, %swap3A_2356], %select_n3A_2229 {strides = array<i32>} : memref<2x128x128xf32, #tpu.memory_space<vmem>>, vector<16xf32>,
          %mul3A_2358 = arith.constant 16 : i32
          %mul3A_2359 = arith.muli %scan3A_113, %mul3A_2358 : i32
          %add3A_2360 = arith.constant 13 : i32
          %add3A_2361 = arith.addi %mul3A_2359, %add3A_2360 : i32
          %swap3A_2362 = arith.index_cast %select_n3A_57 : i32 to index
          %swap3A_2363 = arith.index_cast %add3A_2361 : i32 to index
          %swap3A_2364 = arith.constant 48 : index
          %swap3A_2365 = tpu.vector_load %arg6[%swap3A_2362, %swap3A_2363, %swap3A_2364] {strides = array<i32>} : memref<2x128x128xf32, #tpu.memory_space<vmem>>, vector<16xf32>,
          tpu.vector_store %arg6[%swap3A_2362, %swap3A_2363, %swap3A_2364], %select_n3A_2237 {strides = array<i32>} : memref<2x128x128xf32, #tpu.memory_space<vmem>>, vector<16xf32>,
          %mul3A_2366 = arith.constant 16 : i32
          %mul3A_2367 = arith.muli %scan3A_113, %mul3A_2366 : i32
          %add3A_2368 = arith.constant 14 : i32
          %add3A_2369 = arith.addi %mul3A_2367, %add3A_2368 : i32
          %swap3A_2370 = arith.index_cast %select_n3A_57 : i32 to index
          %swap3A_2371 = arith.index_cast %add3A_2369 : i32 to index
          %swap3A_2372 = arith.constant 48 : index
          %swap3A_2373 = tpu.vector_load %arg6[%swap3A_2370, %swap3A_2371, %swap3A_2372] {strides = array<i32>} : memref<2x128x128xf32, #tpu.memory_space<vmem>>, vector<16xf32>,
          tpu.vector_store %arg6[%swap3A_2370, %swap3A_2371, %swap3A_2372], %select_n3A_2245 {strides = array<i32>} : memref<2x128x128xf32, #tpu.memory_space<vmem>>, vector<16xf32>,
          %mul3A_2374 = arith.constant 16 : i32
          %mul3A_2375 = arith.muli %scan3A_113, %mul3A_2374 : i32
          %add3A_2376 = arith.constant 15 : i32
          %add3A_2377 = arith.addi %mul3A_2375, %add3A_2376 : i32
          %swap3A_2378 = arith.index_cast %select_n3A_57 : i32 to index
          %swap3A_2379 = arith.index_cast %add3A_2377 : i32 to index
          %swap3A_2380 = arith.constant 48 : index
          %swap3A_2381 = tpu.vector_load %arg6[%swap3A_2378, %swap3A_2379, %swap3A_2380] {strides = array<i32>} : memref<2x128x128xf32, #tpu.memory_space<vmem>>, vector<16xf32>,
          tpu.vector_store %arg6[%swap3A_2378, %swap3A_2379, %swap3A_2380], %select_n3A_2253 {strides = array<i32>} : memref<2x128x128xf32, #tpu.memory_space<vmem>>, vector<16xf32>,
        }
        %scan3A_98 = arith.constant 8 : i32
        %mul3A_99 = arith.constant 128 : i32
        %mul3A_100 = arith.muli %add3A_42, %mul3A_99 : i32
        %multiple_of3A_101 = tpu.assume_multiple %mul3A_100, 128 : i32
        %dma_start3A = arith.constant 0 : i32
        %dma_start3A_102 = arith.constant 0 : i32
        %dma_start3A_103 = tpu.memref_slice %arg6[%select_n3A_57, %dma_start3A, %dma_start3A_102] : memref<2x128x128xf32, #tpu.memory_space<vmem>> -> memref<1x128x128xf32, #tpu.memory_space<vmem>>
        %dma_start3A_104 = tpu.memref_squeeze %dma_start3A_103 : memref<1x128x128xf32, #tpu.memory_space<vmem>> -> memref<128x128xf32, #tpu.memory_space<vmem>>
        %dma_start3A_105 = arith.constant 0 : i32
        %dma_start3A_106 = tpu.memref_slice %arg4[%multiple_of3A_101, %dma_start3A_105] : memref<1000000x128xf32, #tpu.memory_space<hbm>> -> memref<128x128xf32, #tpu.memory_space<hbm>>
        %dma_start3A_107 = arith.constant 0 : i32
        %dma_start3A_108 = tpu.memref_slice %arg4[%multiple_of3A_101, %dma_start3A_107] : memref<1000000x128xf32, #tpu.memory_space<hbm>> -> memref<128x128xf32, #tpu.memory_space<hbm>>
        %dma_start3A_109 = arith.constant 0 : i32
        %dma_start3A_110 = arith.constant 0 : i32
        %dma_start3A_111 = tpu.memref_slice %arg6[%select_n3A_57, %dma_start3A_109, %dma_start3A_110] : memref<2x128x128xf32, #tpu.memory_space<vmem>> -> memref<1x128x128xf32, #tpu.memory_space<vmem>>
        %dma_start3A_112 = tpu.memref_squeeze %dma_start3A_111 : memref<1x128x128xf32, #tpu.memory_space<vmem>> -> memref<128x128xf32, #tpu.memory_space<vmem>>
        tpu.enqueue_dma source(%dma_start3A_112 : memref<128x128xf32, #tpu.memory_space<vmem>>) target(%dma_start3A_108 : memref<128x128xf32, #tpu.memory_space<hbm>>) target_semaphore(%arg10 : memref<!tpu.dma_semaphore, #tpu.memory_space<semaphore_mem>>)
      } else {
      }
      %eq3A_63 = arith.constant 7812 : i32
      %eq3A_64 = arith.cmpi eq, %add3A_42, %eq3A_63 : i32
      %convert_element_type3A_65 = arith.extui %eq3A_64 : i1 to i32
      %cond3A_66 = arith.constant 0 : i32
      %cond3A_67 = arith.cmpi ne, %convert_element_type3A_65, %cond3A_66 : i32
      scf.if %cond3A_67 {
        %multiple_of3A = arith.constant 999936 : i32
        %multiple_of3A_68 = tpu.assume_multiple %multiple_of3A, 128 : i32
        "tpu.region"() ({
          %run_scoped3A = tpu.sem_alloc : memref<!tpu.dma_semaphore, #tpu.memory_space<semaphore_mem>>
          tpu.enqueue_dma source(%arg3 : memref<64x64xf32, #tpu.memory_space<hbm>>) target(%arg7 : memref<64x64xf32, #tpu.memory_space<vmem>>) target_semaphore(%run_scoped3A : memref<!tpu.dma_semaphore, #tpu.memory_space<semaphore_mem>>)
          tpu.wait_dma2 semaphore(%run_scoped3A : memref<!tpu.dma_semaphore, #tpu.memory_space<semaphore_mem>>) src(%arg3 : memref<64x64xf32, #tpu.memory_space<hbm>>) dst(%arg7 : memref<64x64xf32, #tpu.memory_space<vmem>>)
          tpu.yield
        }) : () -> ()
        %scan3A_69 = arith.constant 0 : i32
        %scan3A_70 = arith.constant 0 : i32
        %scan3A_71 = arith.constant 64 : i32
        %scan3A_72 = arith.addi %scan3A_70, %scan3A_71 : i32
        %scan3A_73 = arith.constant 1 : i32
        scf.for %scan3A_75 = %scan3A_70 to %scan3A_72 step %scan3A_73  : i32 {
          %get3A = arith.index_cast %scan3A_75 : i32 to index
          %get3A_76 = arith.constant 0 : index
          %get3A_77 = tpu.vector_load %arg7[%get3A, %get3A_76] {strides = array<i32>} : memref<64x64xf32, #tpu.memory_space<vmem>>, vector<16xf32>,
          %swap3A = arith.index_cast %scan3A_75 : i32 to index
          %swap3A_78 = arith.constant 0 : index
          %swap3A_79 = tpu.vector_load %arg8[%swap3A, %swap3A_78] {strides = array<i32>} : memref<64x128xf32, #tpu.memory_space<vmem>>, vector<16xf32>,
          tpu.vector_store %arg8[%swap3A, %swap3A_78], %get3A_77 {strides = array<i32>} : memref<64x128xf32, #tpu.memory_space<vmem>>, vector<16xf32>,
          %get3A_80 = arith.index_cast %scan3A_75 : i32 to index
          %get3A_81 = arith.constant 16 : index
          %get3A_82 = tpu.vector_load %arg7[%get3A_80, %get3A_81] {strides = array<i32>} : memref<64x64xf32, #tpu.memory_space<vmem>>, vector<16xf32>,
          %swap3A_83 = arith.index_cast %scan3A_75 : i32 to index
          %swap3A_84 = arith.constant 16 : index
          %swap3A_85 = tpu.vector_load %arg8[%swap3A_83, %swap3A_84] {strides = array<i32>} : memref<64x128xf32, #tpu.memory_space<vmem>>, vector<16xf32>,
          tpu.vector_store %arg8[%swap3A_83, %swap3A_84], %get3A_82 {strides = array<i32>} : memref<64x128xf32, #tpu.memory_space<vmem>>, vector<16xf32>,
          %get3A_86 = arith.index_cast %scan3A_75 : i32 to index
          %get3A_87 = arith.constant 32 : index
          %get3A_88 = tpu.vector_load %arg7[%get3A_86, %get3A_87] {strides = array<i32>} : memref<64x64xf32, #tpu.memory_space<vmem>>, vector<16xf32>,
          %swap3A_89 = arith.index_cast %scan3A_75 : i32 to index
          %swap3A_90 = arith.constant 32 : index
          %swap3A_91 = tpu.vector_load %arg8[%swap3A_89, %swap3A_90] {strides = array<i32>} : memref<64x128xf32, #tpu.memory_space<vmem>>, vector<16xf32>,
          tpu.vector_store %arg8[%swap3A_89, %swap3A_90], %get3A_88 {strides = array<i32>} : memref<64x128xf32, #tpu.memory_space<vmem>>, vector<16xf32>,
          %get3A_92 = arith.index_cast %scan3A_75 : i32 to index
          %get3A_93 = arith.constant 48 : index
          %get3A_94 = tpu.vector_load %arg7[%get3A_92, %get3A_93] {strides = array<i32>} : memref<64x64xf32, #tpu.memory_space<vmem>>, vector<16xf32>,
          %swap3A_95 = arith.index_cast %scan3A_75 : i32 to index
          %swap3A_96 = arith.constant 48 : index
          %swap3A_97 = tpu.vector_load %arg8[%swap3A_95, %swap3A_96] {strides = array<i32>} : memref<64x128xf32, #tpu.memory_space<vmem>>, vector<16xf32>,
          tpu.vector_store %arg8[%swap3A_95, %swap3A_96], %get3A_94 {strides = array<i32>} : memref<64x128xf32, #tpu.memory_space<vmem>>, vector<16xf32>,
        }
        %scan3A_74 = arith.constant 64 : i32
        "tpu.region"() ({
          %run_scoped3A = tpu.sem_alloc : memref<!tpu.dma_semaphore, #tpu.memory_space<semaphore_mem>>
          %dma_start3A = arith.constant 0 : i32
          %dma_start3A_75 = tpu.memref_slice %arg4[%multiple_of3A_68, %dma_start3A] : memref<1000000x128xf32, #tpu.memory_space<hbm>> -> memref<64x128xf32, #tpu.memory_space<hbm>>
          %dma_start3A_76 = arith.constant 0 : i32
          %dma_start3A_77 = tpu.memref_slice %arg4[%multiple_of3A_68, %dma_start3A_76] : memref<1000000x128xf32, #tpu.memory_space<hbm>> -> memref<64x128xf32, #tpu.memory_space<hbm>>
          tpu.enqueue_dma source(%arg8 : memref<64x128xf32, #tpu.memory_space<vmem>>) target(%dma_start3A_77 : memref<64x128xf32, #tpu.memory_space<hbm>>) target_semaphore(%run_scoped3A : memref<!tpu.dma_semaphore, #tpu.memory_space<semaphore_mem>>)
          %dma_wait3A = arith.constant 0 : i32
          %dma_wait3A_78 = tpu.memref_slice %arg4[%multiple_of3A_68, %dma_wait3A] : memref<1000000x128xf32, #tpu.memory_space<hbm>> -> memref<64x128xf32, #tpu.memory_space<hbm>>
          %dma_wait3A_79 = arith.constant 0 : i32
          %dma_wait3A_80 = tpu.memref_slice %arg4[%multiple_of3A_68, %dma_wait3A_79] : memref<1000000x128xf32, #tpu.memory_space<hbm>> -> memref<64x128xf32, #tpu.memory_space<hbm>>
          tpu.wait_dma2 semaphore(%run_scoped3A : memref<!tpu.dma_semaphore, #tpu.memory_space<semaphore_mem>>) src(%arg8 : memref<64x128xf32, #tpu.memory_space<vmem>>) dst(%dma_wait3A_80 : memref<64x128xf32, #tpu.memory_space<hbm>>)
          tpu.yield
        }) : () -> ()
      } else {
      }
    }
    %scan3A_7 = arith.constant 245 : i32
    %sub3A = arith.constant 7812 : i32
    %sub3A_8 = arith.subi %sub3A, %add3A : i32
    %add3A_9 = arith.constant 32 : i32
    %add3A_10 = arith.addi %sub3A_8, %add3A_9 : i32
    %sub3A_11 = arith.constant 1 : i32
    %sub3A_12 = arith.subi %add3A_10, %sub3A_11 : i32
    %jit3A = arith.constant 32 : i32
    %div3A = arith.divsi %sub3A_12, %jit3A : i32
    %sign3A = arith.constant 0 : i32
    %sign3A_13 = arith.cmpi sgt, %sub3A_12, %sign3A : i32
    %sign3A_14 = arith.extui %sign3A_13 : i1 to i32
    %sign3A_15 = arith.constant 0 : i32
    %sign3A_16 = arith.cmpi slt, %sub3A_12, %sign3A_15 : i32
    %sign3A_17 = arith.extui %sign3A_16 : i1 to i32
    %sign3A_18 = arith.subi %sign3A_14, %sign3A_17 : i32
    %sign3A_19 = arith.constant 0 : i32
    %sign3A_20 = arith.cmpi sgt, %jit3A, %sign3A_19 : i32
    %sign3A_21 = arith.extui %sign3A_20 : i1 to i32
    %sign3A_22 = arith.constant 0 : i32
    %sign3A_23 = arith.cmpi slt, %jit3A, %sign3A_22 : i32
    %sign3A_24 = arith.extui %sign3A_23 : i1 to i32
    %sign3A_25 = arith.subi %sign3A_21, %sign3A_24 : i32
    %ne3A = arith.cmpi ne, %sign3A_18, %sign3A_25 : i32
    %rem3A = arith.remsi %sub3A_12, %jit3A : i32
    %ne3A_26 = arith.constant 0 : i32
    %ne3A_27 = arith.cmpi ne, %rem3A, %ne3A_26 : i32
    %and3A = arith.andi %ne3A, %ne3A_27 : i1
    %sub3A_28 = arith.constant 1 : i32
    %sub3A_29 = arith.subi %div3A, %sub3A_28 : i32
    %select_n3A = arith.select %and3A, %sub3A_29, %div3A : i32
    %ge3A = arith.constant 1 : i32
    %ge3A_30 = arith.cmpi sge, %select_n3A, %ge3A : i32
    %convert_element_type3A_31 = arith.extui %ge3A_30 : i1 to i32
    %cond3A_32 = arith.constant 0 : i32
    %cond3A_33 = arith.cmpi ne, %convert_element_type3A_31, %cond3A_32 : i32
    scf.if %cond3A_33 {
      %sub3A_39 = arith.constant 1 : i32
      %sub3A_40 = arith.subi %select_n3A, %sub3A_39 : i32
      %mul3A_41 = arith.constant 32 : i32
      %mul3A_42 = arith.muli %sub3A_40, %mul3A_41 : i32
      %add3A_43 = arith.addi %add3A, %mul3A_42 : i32
      %jit3A_44 = arith.constant 2 : i32
      %eq3A = arith.constant 0 : i32
      %eq3A_45 = arith.cmpi eq, %jit3A_44, %eq3A : i32
      %jit3A_46 = arith.constant 1 : i32
      %select_n3A_47 = arith.select %eq3A_45, %jit3A_46, %jit3A_44 : i32
      %rem3A_48 = arith.remsi %sub3A_40, %select_n3A_47 : i32
      %ne3A_49 = arith.constant 0 : i32
      %ne3A_50 = arith.cmpi ne, %rem3A_48, %ne3A_49 : i32
      %lt3A_51 = arith.constant 0 : i32
      %lt3A_52 = arith.cmpi slt, %rem3A_48, %lt3A_51 : i32
      %lt3A_53 = arith.constant 0 : i32
      %lt3A_54 = arith.cmpi slt, %select_n3A_47, %lt3A_53 : i32
      %ne3A_55 = arith.xori %lt3A_52, %lt3A_54 : i1
      %and3A_56 = arith.andi %ne3A_55, %ne3A_50 : i1
      %add3A_57 = arith.addi %rem3A_48, %select_n3A_47 : i32
      %select_n3A_58 = arith.select %and3A_56, %add3A_57, %rem3A_48 : i32
      %mul3A_59 = arith.constant 128 : i32
      %mul3A_60 = arith.muli %add3A_43, %mul3A_59 : i32
      %multiple_of3A = tpu.assume_multiple %mul3A_60, 128 : i32
      %dma_wait3A = arith.constant 0 : i32
      %dma_wait3A_61 = arith.constant 0 : i32
      %dma_wait3A_62 = tpu.memref_slice %arg6[%select_n3A_58, %dma_wait3A, %dma_wait3A_61] : memref<2x128x128xf32, #tpu.memory_space<vmem>> -> memref<1x128x128xf32, #tpu.memory_space<vmem>>
      %dma_wait3A_63 = tpu.memref_squeeze %dma_wait3A_62 : memref<1x128x128xf32, #tpu.memory_space<vmem>> -> memref<128x128xf32, #tpu.memory_space<vmem>>
      %dma_wait3A_64 = arith.constant 0 : i32
      %dma_wait3A_65 = tpu.memref_slice %arg4[%multiple_of3A, %dma_wait3A_64] : memref<1000000x128xf32, #tpu.memory_space<hbm>> -> memref<128x128xf32, #tpu.memory_space<hbm>>
      %dma_wait3A_66 = arith.constant 0 : i32
      %dma_wait3A_67 = tpu.memref_slice %arg4[%multiple_of3A, %dma_wait3A_66] : memref<1000000x128xf32, #tpu.memory_space<hbm>> -> memref<128x128xf32, #tpu.memory_space<hbm>>
      %dma_wait3A_68 = arith.constant 0 : i32
      %dma_wait3A_69 = arith.constant 0 : i32
      %dma_wait3A_70 = tpu.memref_slice %arg6[%select_n3A_58, %dma_wait3A_68, %dma_wait3A_69] : memref<2x128x128xf32, #tpu.memory_space<vmem>> -> memref<1x128x128xf32, #tpu.memory_space<vmem>>
      %dma_wait3A_71 = tpu.memref_squeeze %dma_wait3A_70 : memref<1x128x128xf32, #tpu.memory_space<vmem>> -> memref<128x128xf32, #tpu.memory_space<vmem>>
      tpu.wait_dma2 semaphore(%arg10 : memref<!tpu.dma_semaphore, #tpu.memory_space<semaphore_mem>>) src(%dma_wait3A_71 : memref<128x128xf32, #tpu.memory_space<vmem>>) dst(%dma_wait3A_67 : memref<128x128xf32, #tpu.memory_space<hbm>>)
    } else {
    }
    %ge3A_34 = arith.constant 2 : i32
    %ge3A_35 = arith.cmpi sge, %select_n3A, %ge3A_34 : i32
    %convert_element_type3A_36 = arith.extui %ge3A_35 : i1 to i32
    %cond3A_37 = arith.constant 0 : i32
    %cond3A_38 = arith.cmpi ne, %convert_element_type3A_36, %cond3A_37 : i32
    scf.if %cond3A_38 {
      %sub3A_39 = arith.constant 2 : i32
      %sub3A_40 = arith.subi %select_n3A, %sub3A_39 : i32
      %mul3A_41 = arith.constant 32 : i32
      %mul3A_42 = arith.muli %sub3A_40, %mul3A_41 : i32
      %add3A_43 = arith.addi %add3A, %mul3A_42 : i32
      %jit3A_44 = arith.constant 2 : i32
      %eq3A = arith.constant 0 : i32
      %eq3A_45 = arith.cmpi eq, %jit3A_44, %eq3A : i32
      %jit3A_46 = arith.constant 1 : i32
      %select_n3A_47 = arith.select %eq3A_45, %jit3A_46, %jit3A_44 : i32
      %rem3A_48 = arith.remsi %sub3A_40, %select_n3A_47 : i32
      %ne3A_49 = arith.constant 0 : i32
      %ne3A_50 = arith.cmpi ne, %rem3A_48, %ne3A_49 : i32
      %lt3A_51 = arith.constant 0 : i32
      %lt3A_52 = arith.cmpi slt, %rem3A_48, %lt3A_51 : i32
      %lt3A_53 = arith.constant 0 : i32
      %lt3A_54 = arith.cmpi slt, %select_n3A_47, %lt3A_53 : i32
      %ne3A_55 = arith.xori %lt3A_52, %lt3A_54 : i1
      %and3A_56 = arith.andi %ne3A_55, %ne3A_50 : i1
      %add3A_57 = arith.addi %rem3A_48, %select_n3A_47 : i32
      %select_n3A_58 = arith.select %and3A_56, %add3A_57, %rem3A_48 : i32
      %mul3A_59 = arith.constant 128 : i32
      %mul3A_60 = arith.muli %add3A_43, %mul3A_59 : i32
      %multiple_of3A = tpu.assume_multiple %mul3A_60, 128 : i32
      %dma_wait3A = arith.constant 0 : i32
      %dma_wait3A_61 = arith.constant 0 : i32
      %dma_wait3A_62 = tpu.memref_slice %arg6[%select_n3A_58, %dma_wait3A, %dma_wait3A_61] : memref<2x128x128xf32, #tpu.memory_space<vmem>> -> memref<1x128x128xf32, #tpu.memory_space<vmem>>
      %dma_wait3A_63 = tpu.memref_squeeze %dma_wait3A_62 : memref<1x128x128xf32, #tpu.memory_space<vmem>> -> memref<128x128xf32, #tpu.memory_space<vmem>>
      %dma_wait3A_64 = arith.constant 0 : i32
      %dma_wait3A_65 = tpu.memref_slice %arg4[%multiple_of3A, %dma_wait3A_64] : memref<1000000x128xf32, #tpu.memory_space<hbm>> -> memref<128x128xf32, #tpu.memory_space<hbm>>
      %dma_wait3A_66 = arith.constant 0 : i32
      %dma_wait3A_67 = tpu.memref_slice %arg4[%multiple_of3A, %dma_wait3A_66] : memref<1000000x128xf32, #tpu.memory_space<hbm>> -> memref<128x128xf32, #tpu.memory_space<hbm>>
      %dma_wait3A_68 = arith.constant 0 : i32
      %dma_wait3A_69 = arith.constant 0 : i32
      %dma_wait3A_70 = tpu.memref_slice %arg6[%select_n3A_58, %dma_wait3A_68, %dma_wait3A_69] : memref<2x128x128xf32, #tpu.memory_space<vmem>> -> memref<1x128x128xf32, #tpu.memory_space<vmem>>
      %dma_wait3A_71 = tpu.memref_squeeze %dma_wait3A_70 : memref<1x128x128xf32, #tpu.memory_space<vmem>> -> memref<128x128xf32, #tpu.memory_space<vmem>>
      tpu.wait_dma2 semaphore(%arg10 : memref<!tpu.dma_semaphore, #tpu.memory_space<semaphore_mem>>) src(%dma_wait3A_71 : memref<128x128xf32, #tpu.memory_space<vmem>>) dst(%dma_wait3A_67 : memref<128x128xf32, #tpu.memory_space<hbm>>)
    } else {
    }
    return
  }
}

#map = affine_map<(d0, d1) -> (0, 0)>
module attributes {stable_mosaic.version = 14 : i64} {
  func.func @body(%arg0: i32, %arg1: i32, %arg2: memref<6400x128xi32, #tpu.memory_space<hbm>>, %arg3: memref<1000000x128xf32, #tpu.memory_space<hbm>>, %arg4: memref<819200x64xf32, #tpu.memory_space<hbm>>, %arg5: memref<4x1x128xi32, #tpu.memory_space<vmem>>, %arg6: memref<4x128x128xf32, #tpu.memory_space<vmem>>, %arg7: memref<2x128x64xf32, #tpu.memory_space<vmem>>, %arg8: memref<!tpu.dma_semaphore, #tpu.memory_space<semaphore_mem>>, %arg9: memref<!tpu.dma_semaphore, #tpu.memory_space<semaphore_mem>>, %arg10: memref<!tpu.dma_semaphore, #tpu.memory_space<semaphore_mem>>) attributes {dimension_semantics = [#tpu.dimension_semantics<core_parallel>, #tpu.dimension_semantics<subcore_parallel>], iteration_bounds = array<i64: 2, 16>, scalar_prefetch = 0 : i64, scratch_operands = 6 : i64, tpu.core_type = #tpu.core_type<sc_vector_subcore>, window_params = [{transform_indices = #map}, {transform_indices = #map}, {transform_indices = #map}]} {
    %mul3A = arith.constant 2 : i32
    %mul3A_0 = arith.muli %arg1, %mul3A : i32
    %add3A = arith.addi %mul3A_0, %arg0 : i32
    %mul3A_1 = arith.constant 25600 : i32
    %mul3A_2 = arith.muli %add3A, %mul3A_1 : i32
    %jit3A = arith.constant 128 : i32
    %div3A = arith.divsi %mul3A_2, %jit3A : i32
    %sign3A = arith.constant 0 : i32
    %sign3A_3 = arith.cmpi sgt, %mul3A_2, %sign3A : i32
    %sign3A_4 = arith.extui %sign3A_3 : i1 to i32
    %sign3A_5 = arith.constant 0 : i32
    %sign3A_6 = arith.cmpi slt, %mul3A_2, %sign3A_5 : i32
    %sign3A_7 = arith.extui %sign3A_6 : i1 to i32
    %sign3A_8 = arith.subi %sign3A_4, %sign3A_7 : i32
    %sign3A_9 = arith.constant 0 : i32
    %sign3A_10 = arith.cmpi sgt, %jit3A, %sign3A_9 : i32
    %sign3A_11 = arith.extui %sign3A_10 : i1 to i32
    %sign3A_12 = arith.constant 0 : i32
    %sign3A_13 = arith.cmpi slt, %jit3A, %sign3A_12 : i32
    %sign3A_14 = arith.extui %sign3A_13 : i1 to i32
    %sign3A_15 = arith.subi %sign3A_11, %sign3A_14 : i32
    %ne3A = arith.cmpi ne, %sign3A_8, %sign3A_15 : i32
    %rem3A = arith.remsi %mul3A_2, %jit3A : i32
    %ne3A_16 = arith.constant 0 : i32
    %ne3A_17 = arith.cmpi ne, %rem3A, %ne3A_16 : i32
    %and3A = arith.andi %ne3A, %ne3A_17 : i1
    %sub3A = arith.constant 1 : i32
    %sub3A_18 = arith.subi %div3A, %sub3A : i32
    %select_n3A = arith.select %and3A, %sub3A_18, %div3A : i32
    %add3A_19 = arith.constant 0 : i32
    %add3A_20 = arith.addi %select_n3A, %add3A_19 : i32
    %multiple_of3A = tpu.assume_multiple %add3A_20, 1 : i32
    %dma_start3A = arith.constant 0 : i32
    %dma_start3A_21 = arith.constant 0 : i32
    %dma_start3A_22 = arith.constant 0 : i32
    %dma_start3A_23 = tpu.memref_slice %arg5[%dma_start3A, %dma_start3A_21, %dma_start3A_22] : memref<4x1x128xi32, #tpu.memory_space<vmem>> -> memref<1x1x128xi32, #tpu.memory_space<vmem>>
    %dma_start3A_24 = tpu.memref_squeeze %dma_start3A_23 : memref<1x1x128xi32, #tpu.memory_space<vmem>> -> memref<1x128xi32, #tpu.memory_space<vmem>>
    %dma_start3A_25 = arith.constant 0 : i32
    %dma_start3A_26 = tpu.memref_slice %arg2[%multiple_of3A, %dma_start3A_25] : memref<6400x128xi32, #tpu.memory_space<hbm>> -> memref<1x128xi32, #tpu.memory_space<hbm>>
    %dma_start3A_27 = arith.constant 0 : i32
    %dma_start3A_28 = arith.constant 0 : i32
    %dma_start3A_29 = tpu.memref_slice %arg5[%dma_start3A, %dma_start3A_27, %dma_start3A_28] : memref<4x1x128xi32, #tpu.memory_space<vmem>> -> memref<1x1x128xi32, #tpu.memory_space<vmem>>
    %dma_start3A_30 = tpu.memref_squeeze %dma_start3A_29 : memref<1x1x128xi32, #tpu.memory_space<vmem>> -> memref<1x128xi32, #tpu.memory_space<vmem>>
    %dma_start3A_31 = arith.constant 0 : i32
    %dma_start3A_32 = tpu.memref_slice %arg2[%multiple_of3A, %dma_start3A_31] : memref<6400x128xi32, #tpu.memory_space<hbm>> -> memref<1x128xi32, #tpu.memory_space<hbm>>
    tpu.enqueue_dma source(%dma_start3A_32 : memref<1x128xi32, #tpu.memory_space<hbm>>) target(%dma_start3A_30 : memref<1x128xi32, #tpu.memory_space<vmem>>) target_semaphore(%arg8 : memref<!tpu.dma_semaphore, #tpu.memory_space<semaphore_mem>>)
    %add3A_33 = arith.constant 1 : i32
    %add3A_34 = arith.addi %select_n3A, %add3A_33 : i32
    %multiple_of3A_35 = tpu.assume_multiple %add3A_34, 1 : i32
    %dma_start3A_36 = arith.constant 1 : i32
    %dma_start3A_37 = arith.constant 0 : i32
    %dma_start3A_38 = arith.constant 0 : i32
    %dma_start3A_39 = tpu.memref_slice %arg5[%dma_start3A_36, %dma_start3A_37, %dma_start3A_38] : memref<4x1x128xi32, #tpu.memory_space<vmem>> -> memref<1x1x128xi32, #tpu.memory_space<vmem>>
    %dma_start3A_40 = tpu.memref_squeeze %dma_start3A_39 : memref<1x1x128xi32, #tpu.memory_space<vmem>> -> memref<1x128xi32, #tpu.memory_space<vmem>>
    %dma_start3A_41 = arith.constant 0 : i32
    %dma_start3A_42 = tpu.memref_slice %arg2[%multiple_of3A_35, %dma_start3A_41] : memref<6400x128xi32, #tpu.memory_space<hbm>> -> memref<1x128xi32, #tpu.memory_space<hbm>>
    %dma_start3A_43 = arith.constant 0 : i32
    %dma_start3A_44 = arith.constant 0 : i32
    %dma_start3A_45 = tpu.memref_slice %arg5[%dma_start3A_36, %dma_start3A_43, %dma_start3A_44] : memref<4x1x128xi32, #tpu.memory_space<vmem>> -> memref<1x1x128xi32, #tpu.memory_space<vmem>>
    %dma_start3A_46 = tpu.memref_squeeze %dma_start3A_45 : memref<1x1x128xi32, #tpu.memory_space<vmem>> -> memref<1x128xi32, #tpu.memory_space<vmem>>
    %dma_start3A_47 = arith.constant 0 : i32
    %dma_start3A_48 = tpu.memref_slice %arg2[%multiple_of3A_35, %dma_start3A_47] : memref<6400x128xi32, #tpu.memory_space<hbm>> -> memref<1x128xi32, #tpu.memory_space<hbm>>
    tpu.enqueue_dma source(%dma_start3A_48 : memref<1x128xi32, #tpu.memory_space<hbm>>) target(%dma_start3A_46 : memref<1x128xi32, #tpu.memory_space<vmem>>) target_semaphore(%arg8 : memref<!tpu.dma_semaphore, #tpu.memory_space<semaphore_mem>>)
    %add3A_49 = arith.constant 2 : i32
    %add3A_50 = arith.addi %select_n3A, %add3A_49 : i32
    %multiple_of3A_51 = tpu.assume_multiple %add3A_50, 1 : i32
    %dma_start3A_52 = arith.constant 2 : i32
    %dma_start3A_53 = arith.constant 0 : i32
    %dma_start3A_54 = arith.constant 0 : i32
    %dma_start3A_55 = tpu.memref_slice %arg5[%dma_start3A_52, %dma_start3A_53, %dma_start3A_54] : memref<4x1x128xi32, #tpu.memory_space<vmem>> -> memref<1x1x128xi32, #tpu.memory_space<vmem>>
    %dma_start3A_56 = tpu.memref_squeeze %dma_start3A_55 : memref<1x1x128xi32, #tpu.memory_space<vmem>> -> memref<1x128xi32, #tpu.memory_space<vmem>>
    %dma_start3A_57 = arith.constant 0 : i32
    %dma_start3A_58 = tpu.memref_slice %arg2[%multiple_of3A_51, %dma_start3A_57] : memref<6400x128xi32, #tpu.memory_space<hbm>> -> memref<1x128xi32, #tpu.memory_space<hbm>>
    %dma_start3A_59 = arith.constant 0 : i32
    %dma_start3A_60 = arith.constant 0 : i32
    %dma_start3A_61 = tpu.memref_slice %arg5[%dma_start3A_52, %dma_start3A_59, %dma_start3A_60] : memref<4x1x128xi32, #tpu.memory_space<vmem>> -> memref<1x1x128xi32, #tpu.memory_space<vmem>>
    %dma_start3A_62 = tpu.memref_squeeze %dma_start3A_61 : memref<1x1x128xi32, #tpu.memory_space<vmem>> -> memref<1x128xi32, #tpu.memory_space<vmem>>
    %dma_start3A_63 = arith.constant 0 : i32
    %dma_start3A_64 = tpu.memref_slice %arg2[%multiple_of3A_51, %dma_start3A_63] : memref<6400x128xi32, #tpu.memory_space<hbm>> -> memref<1x128xi32, #tpu.memory_space<hbm>>
    tpu.enqueue_dma source(%dma_start3A_64 : memref<1x128xi32, #tpu.memory_space<hbm>>) target(%dma_start3A_62 : memref<1x128xi32, #tpu.memory_space<vmem>>) target_semaphore(%arg8 : memref<!tpu.dma_semaphore, #tpu.memory_space<semaphore_mem>>)
    %add3A_65 = arith.constant 0 : i32
    %add3A_66 = arith.addi %select_n3A, %add3A_65 : i32
    %multiple_of3A_67 = tpu.assume_multiple %add3A_66, 1 : i32
    %dma_wait3A = arith.constant 0 : i32
    %dma_wait3A_68 = arith.constant 0 : i32
    %dma_wait3A_69 = arith.constant 0 : i32
    %dma_wait3A_70 = tpu.memref_slice %arg5[%dma_wait3A, %dma_wait3A_68, %dma_wait3A_69] : memref<4x1x128xi32, #tpu.memory_space<vmem>> -> memref<1x1x128xi32, #tpu.memory_space<vmem>>
    %dma_wait3A_71 = tpu.memref_squeeze %dma_wait3A_70 : memref<1x1x128xi32, #tpu.memory_space<vmem>> -> memref<1x128xi32, #tpu.memory_space<vmem>>
    %dma_wait3A_72 = arith.constant 0 : i32
    %dma_wait3A_73 = tpu.memref_slice %arg2[%multiple_of3A_67, %dma_wait3A_72] : memref<6400x128xi32, #tpu.memory_space<hbm>> -> memref<1x128xi32, #tpu.memory_space<hbm>>
    %dma_wait3A_74 = arith.constant 0 : i32
    %dma_wait3A_75 = arith.constant 0 : i32
    %dma_wait3A_76 = tpu.memref_slice %arg5[%dma_wait3A, %dma_wait3A_74, %dma_wait3A_75] : memref<4x1x128xi32, #tpu.memory_space<vmem>> -> memref<1x1x128xi32, #tpu.memory_space<vmem>>
    %dma_wait3A_77 = tpu.memref_squeeze %dma_wait3A_76 : memref<1x1x128xi32, #tpu.memory_space<vmem>> -> memref<1x128xi32, #tpu.memory_space<vmem>>
    %dma_wait3A_78 = arith.constant 0 : i32
    %dma_wait3A_79 = tpu.memref_slice %arg2[%multiple_of3A_67, %dma_wait3A_78] : memref<6400x128xi32, #tpu.memory_space<hbm>> -> memref<1x128xi32, #tpu.memory_space<hbm>>
    tpu.wait_dma2 semaphore(%arg8 : memref<!tpu.dma_semaphore, #tpu.memory_space<semaphore_mem>>) src(%dma_wait3A_79 : memref<1x128xi32, #tpu.memory_space<hbm>>) dst(%dma_wait3A_77 : memref<1x128xi32, #tpu.memory_space<vmem>>)
    %dma_start3A_80 = arith.constant 0 : i32
    %dma_start3A_81 = arith.constant 0 : i32
    %dma_start3A_82 = arith.constant 0 : i32
    %dma_start3A_83 = arith.constant 0 : i32
    %dma_start3A_84 = arith.constant 0 : i32
    %dma_start3A_85 = tpu.memref_slice %arg6[%dma_start3A_82, %dma_start3A_83, %dma_start3A_84] : memref<4x128x128xf32, #tpu.memory_space<vmem>> -> memref<1x128x128xf32, #tpu.memory_space<vmem>>
    %dma_start3A_86 = tpu.memref_squeeze %dma_start3A_85 : memref<1x128x128xf32, #tpu.memory_space<vmem>> -> memref<128x128xf32, #tpu.memory_space<vmem>>
    %dma_start3A_87 = arith.constant 0 : i32
    %dma_start3A_88 = tpu.memref_slice %arg5[%dma_start3A_80, %dma_start3A_81, %dma_start3A_87] : memref<4x1x128xi32, #tpu.memory_space<vmem>> -> memref<1x1x128xi32, #tpu.memory_space<vmem>>
    %dma_start3A_89 = tpu.memref_squeeze %dma_start3A_88 : memref<1x1x128xi32, #tpu.memory_space<vmem>> -> memref<128xi32, #tpu.memory_space<vmem>>
    %dma_start3A_90 = arith.constant 0 : i32
    %dma_start3A_91 = arith.constant 0 : i32
    %dma_start3A_92 = tpu.memref_slice %arg3[%dma_start3A_90, %dma_start3A_91] : memref<1000000x128xf32, #tpu.memory_space<hbm>> -> memref<1000000x128xf32, #tpu.memory_space<hbm>>
    tpu.enqueue_indirect_dma source(%dma_start3A_92 : memref<1000000x128xf32, #tpu.memory_space<hbm>>) target(%dma_start3A_86 : memref<128x128xf32, #tpu.memory_space<vmem>>) offsets(%dma_start3A_89 : memref<128xi32, #tpu.memory_space<vmem>>) semaphore(%arg9 : memref<!tpu.dma_semaphore, #tpu.memory_space<semaphore_mem>>)
    %add3A_93 = arith.constant 1 : i32
    %add3A_94 = arith.addi %select_n3A, %add3A_93 : i32
    %multiple_of3A_95 = tpu.assume_multiple %add3A_94, 1 : i32
    %dma_wait3A_96 = arith.constant 1 : i32
    %dma_wait3A_97 = arith.constant 0 : i32
    %dma_wait3A_98 = arith.constant 0 : i32
    %dma_wait3A_99 = tpu.memref_slice %arg5[%dma_wait3A_96, %dma_wait3A_97, %dma_wait3A_98] : memref<4x1x128xi32, #tpu.memory_space<vmem>> -> memref<1x1x128xi32, #tpu.memory_space<vmem>>
    %dma_wait3A_100 = tpu.memref_squeeze %dma_wait3A_99 : memref<1x1x128xi32, #tpu.memory_space<vmem>> -> memref<1x128xi32, #tpu.memory_space<vmem>>
    %dma_wait3A_101 = arith.constant 0 : i32
    %dma_wait3A_102 = tpu.memref_slice %arg2[%multiple_of3A_95, %dma_wait3A_101] : memref<6400x128xi32, #tpu.memory_space<hbm>> -> memref<1x128xi32, #tpu.memory_space<hbm>>
    %dma_wait3A_103 = arith.constant 0 : i32
    %dma_wait3A_104 = arith.constant 0 : i32
    %dma_wait3A_105 = tpu.memref_slice %arg5[%dma_wait3A_96, %dma_wait3A_103, %dma_wait3A_104] : memref<4x1x128xi32, #tpu.memory_space<vmem>> -> memref<1x1x128xi32, #tpu.memory_space<vmem>>
    %dma_wait3A_106 = tpu.memref_squeeze %dma_wait3A_105 : memref<1x1x128xi32, #tpu.memory_space<vmem>> -> memref<1x128xi32, #tpu.memory_space<vmem>>
    %dma_wait3A_107 = arith.constant 0 : i32
    %dma_wait3A_108 = tpu.memref_slice %arg2[%multiple_of3A_95, %dma_wait3A_107] : memref<6400x128xi32, #tpu.memory_space<hbm>> -> memref<1x128xi32, #tpu.memory_space<hbm>>
    tpu.wait_dma2 semaphore(%arg8 : memref<!tpu.dma_semaphore, #tpu.memory_space<semaphore_mem>>) src(%dma_wait3A_108 : memref<1x128xi32, #tpu.memory_space<hbm>>) dst(%dma_wait3A_106 : memref<1x128xi32, #tpu.memory_space<vmem>>)
    %dma_start3A_109 = arith.constant 1 : i32
    %dma_start3A_110 = arith.constant 0 : i32
    %dma_start3A_111 = arith.constant 1 : i32
    %dma_start3A_112 = arith.constant 0 : i32
    %dma_start3A_113 = arith.constant 0 : i32
    %dma_start3A_114 = tpu.memref_slice %arg6[%dma_start3A_111, %dma_start3A_112, %dma_start3A_113] : memref<4x128x128xf32, #tpu.memory_space<vmem>> -> memref<1x128x128xf32, #tpu.memory_space<vmem>>
    %dma_start3A_115 = tpu.memref_squeeze %dma_start3A_114 : memref<1x128x128xf32, #tpu.memory_space<vmem>> -> memref<128x128xf32, #tpu.memory_space<vmem>>
    %dma_start3A_116 = arith.constant 0 : i32
    %dma_start3A_117 = tpu.memref_slice %arg5[%dma_start3A_109, %dma_start3A_110, %dma_start3A_116] : memref<4x1x128xi32, #tpu.memory_space<vmem>> -> memref<1x1x128xi32, #tpu.memory_space<vmem>>
    %dma_start3A_118 = tpu.memref_squeeze %dma_start3A_117 : memref<1x1x128xi32, #tpu.memory_space<vmem>> -> memref<128xi32, #tpu.memory_space<vmem>>
    %dma_start3A_119 = arith.constant 0 : i32
    %dma_start3A_120 = arith.constant 0 : i32
    %dma_start3A_121 = tpu.memref_slice %arg3[%dma_start3A_119, %dma_start3A_120] : memref<1000000x128xf32, #tpu.memory_space<hbm>> -> memref<1000000x128xf32, #tpu.memory_space<hbm>>
    tpu.enqueue_indirect_dma source(%dma_start3A_121 : memref<1000000x128xf32, #tpu.memory_space<hbm>>) target(%dma_start3A_115 : memref<128x128xf32, #tpu.memory_space<vmem>>) offsets(%dma_start3A_118 : memref<128xi32, #tpu.memory_space<vmem>>) semaphore(%arg9 : memref<!tpu.dma_semaphore, #tpu.memory_space<semaphore_mem>>)
    %scan3A = arith.constant 0 : i32
    %scan3A_122 = arith.constant 0 : i32
    %scan3A_123 = arith.constant 200 : i32
    %scan3A_124 = arith.addi %scan3A_122, %scan3A_123 : i32
    %scan3A_125 = arith.constant 1 : i32
    scf.for %scan3A_159 = %scan3A_122 to %scan3A_124 step %scan3A_125  : i32 {
      %jit3A_160 = arith.constant 2 : i32
      %eq3A = arith.constant 0 : i32
      %eq3A_161 = arith.cmpi eq, %jit3A_160, %eq3A : i32
      %jit3A_162 = arith.constant 1 : i32
      %select_n3A_163 = arith.select %eq3A_161, %jit3A_162, %jit3A_160 : i32
      %rem3A_164 = arith.remsi %scan3A_159, %select_n3A_163 : i32
      %ne3A_165 = arith.constant 0 : i32
      %ne3A_166 = arith.cmpi ne, %rem3A_164, %ne3A_165 : i32
      %lt3A = arith.constant 0 : i32
      %lt3A_167 = arith.cmpi slt, %rem3A_164, %lt3A : i32
      %lt3A_168 = arith.constant 0 : i32
      %lt3A_169 = arith.cmpi slt, %select_n3A_163, %lt3A_168 : i32
      %ne3A_170 = arith.xori %lt3A_167, %lt3A_169 : i1
      %and3A_171 = arith.andi %ne3A_170, %ne3A_166 : i1
      %add3A_172 = arith.addi %rem3A_164, %select_n3A_163 : i32
      %select_n3A_173 = arith.select %and3A_171, %add3A_172, %rem3A_164 : i32
      %add3A_174 = arith.constant 2 : i32
      %add3A_175 = arith.addi %scan3A_159, %add3A_174 : i32
      %lt3A_176 = arith.constant 200 : i32
      %lt3A_177 = arith.cmpi slt, %add3A_175, %lt3A_176 : i32
      %convert_element_type3A = arith.extui %lt3A_177 : i1 to i32
      %cond3A = arith.constant 0 : i32
      %cond3A_178 = arith.cmpi ne, %convert_element_type3A, %cond3A : i32
      scf.if %cond3A_178 {
        %add3A_258 = arith.constant 2 : i32
        %add3A_259 = arith.addi %scan3A_159, %add3A_258 : i32
        %mul3A_260 = arith.constant 1 : i32
        %mul3A_261 = arith.muli %add3A_259, %mul3A_260 : i32
        %add3A_262 = arith.addi %select_n3A, %mul3A_261 : i32
        %multiple_of3A_263 = tpu.assume_multiple %add3A_262, 1 : i32
        %jit3A_264 = arith.constant 4 : i32
        %eq3A_265 = arith.constant 0 : i32
        %eq3A_266 = arith.cmpi eq, %jit3A_264, %eq3A_265 : i32
        %jit3A_267 = arith.constant 1 : i32
        %select_n3A_268 = arith.select %eq3A_266, %jit3A_267, %jit3A_264 : i32
        %rem3A_269 = arith.remsi %add3A_259, %select_n3A_268 : i32
        %ne3A_270 = arith.constant 0 : i32
        %ne3A_271 = arith.cmpi ne, %rem3A_269, %ne3A_270 : i32
        %lt3A_272 = arith.constant 0 : i32
        %lt3A_273 = arith.cmpi slt, %rem3A_269, %lt3A_272 : i32
        %lt3A_274 = arith.constant 0 : i32
        %lt3A_275 = arith.cmpi slt, %select_n3A_268, %lt3A_274 : i32
        %ne3A_276 = arith.xori %lt3A_273, %lt3A_275 : i1
        %and3A_277 = arith.andi %ne3A_276, %ne3A_271 : i1
        %add3A_278 = arith.addi %rem3A_269, %select_n3A_268 : i32
        %select_n3A_279 = arith.select %and3A_277, %add3A_278, %rem3A_269 : i32
        %dma_wait3A_280 = arith.constant 0 : i32
        %dma_wait3A_281 = arith.constant 0 : i32
        %dma_wait3A_282 = tpu.memref_slice %arg5[%select_n3A_279, %dma_wait3A_280, %dma_wait3A_281] : memref<4x1x128xi32, #tpu.memory_space<vmem>> -> memref<1x1x128xi32, #tpu.memory_space<vmem>>
        %dma_wait3A_283 = tpu.memref_squeeze %dma_wait3A_282 : memref<1x1x128xi32, #tpu.memory_space<vmem>> -> memref<1x128xi32, #tpu.memory_space<vmem>>
        %dma_wait3A_284 = arith.constant 0 : i32
        %dma_wait3A_285 = tpu.memref_slice %arg2[%multiple_of3A_263, %dma_wait3A_284] : memref<6400x128xi32, #tpu.memory_space<hbm>> -> memref<1x128xi32, #tpu.memory_space<hbm>>
        %dma_wait3A_286 = arith.constant 0 : i32
        %dma_wait3A_287 = arith.constant 0 : i32
        %dma_wait3A_288 = tpu.memref_slice %arg5[%select_n3A_279, %dma_wait3A_286, %dma_wait3A_287] : memref<4x1x128xi32, #tpu.memory_space<vmem>> -> memref<1x1x128xi32, #tpu.memory_space<vmem>>
        %dma_wait3A_289 = tpu.memref_squeeze %dma_wait3A_288 : memref<1x1x128xi32, #tpu.memory_space<vmem>> -> memref<1x128xi32, #tpu.memory_space<vmem>>
        %dma_wait3A_290 = arith.constant 0 : i32
        %dma_wait3A_291 = tpu.memref_slice %arg2[%multiple_of3A_263, %dma_wait3A_290] : memref<6400x128xi32, #tpu.memory_space<hbm>> -> memref<1x128xi32, #tpu.memory_space<hbm>>
        tpu.wait_dma2 semaphore(%arg8 : memref<!tpu.dma_semaphore, #tpu.memory_space<semaphore_mem>>) src(%dma_wait3A_291 : memref<1x128xi32, #tpu.memory_space<hbm>>) dst(%dma_wait3A_289 : memref<1x128xi32, #tpu.memory_space<vmem>>)
        %add3A_292 = arith.constant 2 : i32
        %add3A_293 = arith.addi %scan3A_159, %add3A_292 : i32
        %jit3A_294 = arith.constant 4 : i32
        %eq3A_295 = arith.constant 0 : i32
        %eq3A_296 = arith.cmpi eq, %jit3A_294, %eq3A_295 : i32
        %jit3A_297 = arith.constant 1 : i32
        %select_n3A_298 = arith.select %eq3A_296, %jit3A_297, %jit3A_294 : i32
        %rem3A_299 = arith.remsi %add3A_293, %select_n3A_298 : i32
        %ne3A_300 = arith.constant 0 : i32
        %ne3A_301 = arith.cmpi ne, %rem3A_299, %ne3A_300 : i32
        %lt3A_302 = arith.constant 0 : i32
        %lt3A_303 = arith.cmpi slt, %rem3A_299, %lt3A_302 : i32
        %lt3A_304 = arith.constant 0 : i32
        %lt3A_305 = arith.cmpi slt, %select_n3A_298, %lt3A_304 : i32
        %ne3A_306 = arith.xori %lt3A_303, %lt3A_305 : i1
        %and3A_307 = arith.andi %ne3A_306, %ne3A_301 : i1
        %add3A_308 = arith.addi %rem3A_299, %select_n3A_298 : i32
        %select_n3A_309 = arith.select %and3A_307, %add3A_308, %rem3A_299 : i32
        %jit3A_310 = arith.constant 4 : i32
        %eq3A_311 = arith.constant 0 : i32
        %eq3A_312 = arith.cmpi eq, %jit3A_310, %eq3A_311 : i32
        %jit3A_313 = arith.constant 1 : i32
        %select_n3A_314 = arith.select %eq3A_312, %jit3A_313, %jit3A_310 : i32
        %rem3A_315 = arith.remsi %add3A_293, %select_n3A_314 : i32
        %ne3A_316 = arith.constant 0 : i32
        %ne3A_317 = arith.cmpi ne, %rem3A_315, %ne3A_316 : i32
        %lt3A_318 = arith.constant 0 : i32
        %lt3A_319 = arith.cmpi slt, %rem3A_315, %lt3A_318 : i32
        %lt3A_320 = arith.constant 0 : i32
        %lt3A_321 = arith.cmpi slt, %select_n3A_314, %lt3A_320 : i32
        %ne3A_322 = arith.xori %lt3A_319, %lt3A_321 : i1
        %and3A_323 = arith.andi %ne3A_322, %ne3A_317 : i1
        %add3A_324 = arith.addi %rem3A_315, %select_n3A_314 : i32
        %select_n3A_325 = arith.select %and3A_323, %add3A_324, %rem3A_315 : i32
        %dma_start3A_326 = arith.constant 0 : i32
        %dma_start3A_327 = arith.constant 0 : i32
        %dma_start3A_328 = arith.constant 0 : i32
        %dma_start3A_329 = tpu.memref_slice %arg6[%select_n3A_325, %dma_start3A_327, %dma_start3A_328] : memref<4x128x128xf32, #tpu.memory_space<vmem>> -> memref<1x128x128xf32, #tpu.memory_space<vmem>>
        %dma_start3A_330 = tpu.memref_squeeze %dma_start3A_329 : memref<1x128x128xf32, #tpu.memory_space<vmem>> -> memref<128x128xf32, #tpu.memory_space<vmem>>
        %dma_start3A_331 = arith.constant 0 : i32
        %dma_start3A_332 = tpu.memref_slice %arg5[%select_n3A_309, %dma_start3A_326, %dma_start3A_331] : memref<4x1x128xi32, #tpu.memory_space<vmem>> -> memref<1x1x128xi32, #tpu.memory_space<vmem>>
        %dma_start3A_333 = tpu.memref_squeeze %dma_start3A_332 : memref<1x1x128xi32, #tpu.memory_space<vmem>> -> memref<128xi32, #tpu.memory_space<vmem>>
        %dma_start3A_334 = arith.constant 0 : i32
        %dma_start3A_335 = arith.constant 0 : i32
        %dma_start3A_336 = tpu.memref_slice %arg3[%dma_start3A_334, %dma_start3A_335] : memref<1000000x128xf32, #tpu.memory_space<hbm>> -> memref<1000000x128xf32, #tpu.memory_space<hbm>>
        tpu.enqueue_indirect_dma source(%dma_start3A_336 : memref<1000000x128xf32, #tpu.memory_space<hbm>>) target(%dma_start3A_330 : memref<128x128xf32, #tpu.memory_space<vmem>>) offsets(%dma_start3A_333 : memref<128xi32, #tpu.memory_space<vmem>>) semaphore(%arg9 : memref<!tpu.dma_semaphore, #tpu.memory_space<semaphore_mem>>)
      } else {
      }
      %jit3A_179 = arith.constant 4 : i32
      %eq3A_180 = arith.constant 0 : i32
      %eq3A_181 = arith.cmpi eq, %jit3A_179, %eq3A_180 : i32
      %jit3A_182 = arith.constant 1 : i32
      %select_n3A_183 = arith.select %eq3A_181, %jit3A_182, %jit3A_179 : i32
      %rem3A_184 = arith.remsi %scan3A_159, %select_n3A_183 : i32
      %ne3A_185 = arith.constant 0 : i32
      %ne3A_186 = arith.cmpi ne, %rem3A_184, %ne3A_185 : i32
      %lt3A_187 = arith.constant 0 : i32
      %lt3A_188 = arith.cmpi slt, %rem3A_184, %lt3A_187 : i32
      %lt3A_189 = arith.constant 0 : i32
      %lt3A_190 = arith.cmpi slt, %select_n3A_183, %lt3A_189 : i32
      %ne3A_191 = arith.xori %lt3A_188, %lt3A_190 : i1
      %and3A_192 = arith.andi %ne3A_191, %ne3A_186 : i1
      %add3A_193 = arith.addi %rem3A_184, %select_n3A_183 : i32
      %select_n3A_194 = arith.select %and3A_192, %add3A_193, %rem3A_184 : i32
      %dma_wait3A_195 = arith.constant 0 : i32
      %dma_wait3A_196 = arith.constant 0 : i32
      %dma_wait3A_197 = tpu.memref_slice %arg6[%select_n3A_194, %dma_wait3A_195, %dma_wait3A_196] : memref<4x128x128xf32, #tpu.memory_space<vmem>> -> memref<1x128x128xf32, #tpu.memory_space<vmem>>
      %dma_wait3A_198 = tpu.memref_squeeze %dma_wait3A_197 : memref<1x128x128xf32, #tpu.memory_space<vmem>> -> memref<128x128xf32, #tpu.memory_space<vmem>>
      %dma_wait3A_199 = arith.constant 0 : i32
      %dma_wait3A_200 = arith.constant 0 : i32
      %dma_wait3A_201 = tpu.memref_slice %arg3[%dma_wait3A_199, %dma_wait3A_200] : memref<1000000x128xf32, #tpu.memory_space<hbm>> -> memref<128x128xf32, #tpu.memory_space<hbm>>
      %dma_wait3A_202 = arith.constant 0 : i32
      %dma_wait3A_203 = arith.constant 0 : i32
      %dma_wait3A_204 = tpu.memref_slice %arg6[%select_n3A_194, %dma_wait3A_202, %dma_wait3A_203] : memref<4x128x128xf32, #tpu.memory_space<vmem>> -> memref<1x128x128xf32, #tpu.memory_space<vmem>>
      %dma_wait3A_205 = tpu.memref_squeeze %dma_wait3A_204 : memref<1x128x128xf32, #tpu.memory_space<vmem>> -> memref<128x128xf32, #tpu.memory_space<vmem>>
      %dma_wait3A_206 = arith.constant 0 : i32
      %dma_wait3A_207 = arith.constant 0 : i32
      %dma_wait3A_208 = tpu.memref_slice %arg3[%dma_wait3A_206, %dma_wait3A_207] : memref<1000000x128xf32, #tpu.memory_space<hbm>> -> memref<128x128xf32, #tpu.memory_space<hbm>>
      tpu.wait_dma2 semaphore(%arg9 : memref<!tpu.dma_semaphore, #tpu.memory_space<semaphore_mem>>) src(%dma_wait3A_208 : memref<128x128xf32, #tpu.memory_space<hbm>>) dst(%dma_wait3A_205 : memref<128x128xf32, #tpu.memory_space<vmem>>)
      %add3A_209 = arith.constant 3 : i32
      %add3A_210 = arith.addi %scan3A_159, %add3A_209 : i32
      %lt3A_211 = arith.constant 200 : i32
      %lt3A_212 = arith.cmpi slt, %add3A_210, %lt3A_211 : i32
      %convert_element_type3A_213 = arith.extui %lt3A_212 : i1 to i32
      %cond3A_214 = arith.constant 0 : i32
      %cond3A_215 = arith.cmpi ne, %convert_element_type3A_213, %cond3A_214 : i32
      scf.if %cond3A_215 {
        %add3A_258 = arith.constant 3 : i32
        %add3A_259 = arith.addi %scan3A_159, %add3A_258 : i32
        %mul3A_260 = arith.constant 1 : i32
        %mul3A_261 = arith.muli %add3A_259, %mul3A_260 : i32
        %add3A_262 = arith.addi %select_n3A, %mul3A_261 : i32
        %multiple_of3A_263 = tpu.assume_multiple %add3A_262, 1 : i32
        %jit3A_264 = arith.constant 4 : i32
        %eq3A_265 = arith.constant 0 : i32
        %eq3A_266 = arith.cmpi eq, %jit3A_264, %eq3A_265 : i32
        %jit3A_267 = arith.constant 1 : i32
        %select_n3A_268 = arith.select %eq3A_266, %jit3A_267, %jit3A_264 : i32
        %rem3A_269 = arith.remsi %add3A_259, %select_n3A_268 : i32
        %ne3A_270 = arith.constant 0 : i32
        %ne3A_271 = arith.cmpi ne, %rem3A_269, %ne3A_270 : i32
        %lt3A_272 = arith.constant 0 : i32
        %lt3A_273 = arith.cmpi slt, %rem3A_269, %lt3A_272 : i32
        %lt3A_274 = arith.constant 0 : i32
        %lt3A_275 = arith.cmpi slt, %select_n3A_268, %lt3A_274 : i32
        %ne3A_276 = arith.xori %lt3A_273, %lt3A_275 : i1
        %and3A_277 = arith.andi %ne3A_276, %ne3A_271 : i1
        %add3A_278 = arith.addi %rem3A_269, %select_n3A_268 : i32
        %select_n3A_279 = arith.select %and3A_277, %add3A_278, %rem3A_269 : i32
        %dma_start3A_280 = arith.constant 0 : i32
        %dma_start3A_281 = arith.constant 0 : i32
        %dma_start3A_282 = tpu.memref_slice %arg5[%select_n3A_279, %dma_start3A_280, %dma_start3A_281] : memref<4x1x128xi32, #tpu.memory_space<vmem>> -> memref<1x1x128xi32, #tpu.memory_space<vmem>>
        %dma_start3A_283 = tpu.memref_squeeze %dma_start3A_282 : memref<1x1x128xi32, #tpu.memory_space<vmem>> -> memref<1x128xi32, #tpu.memory_space<vmem>>
        %dma_start3A_284 = arith.constant 0 : i32
        %dma_start3A_285 = tpu.memref_slice %arg2[%multiple_of3A_263, %dma_start3A_284] : memref<6400x128xi32, #tpu.memory_space<hbm>> -> memref<1x128xi32, #tpu.memory_space<hbm>>
        %dma_start3A_286 = arith.constant 0 : i32
        %dma_start3A_287 = arith.constant 0 : i32
        %dma_start3A_288 = tpu.memref_slice %arg5[%select_n3A_279, %dma_start3A_286, %dma_start3A_287] : memref<4x1x128xi32, #tpu.memory_space<vmem>> -> memref<1x1x128xi32, #tpu.memory_space<vmem>>
        %dma_start3A_289 = tpu.memref_squeeze %dma_start3A_288 : memref<1x1x128xi32, #tpu.memory_space<vmem>> -> memref<1x128xi32, #tpu.memory_space<vmem>>
        %dma_start3A_290 = arith.constant 0 : i32
        %dma_start3A_291 = tpu.memref_slice %arg2[%multiple_of3A_263, %dma_start3A_290] : memref<6400x128xi32, #tpu.memory_space<hbm>> -> memref<1x128xi32, #tpu.memory_space<hbm>>
        tpu.enqueue_dma source(%dma_start3A_291 : memref<1x128xi32, #tpu.memory_space<hbm>>) target(%dma_start3A_289 : memref<1x128xi32, #tpu.memory_space<vmem>>) target_semaphore(%arg8 : memref<!tpu.dma_semaphore, #tpu.memory_space<semaphore_mem>>)
      } else {
      }
      %jit3A_216 = arith.constant 4 : i32
      %eq3A_217 = arith.constant 0 : i32
      %eq3A_218 = arith.cmpi eq, %jit3A_216, %eq3A_217 : i32
      %jit3A_219 = arith.constant 1 : i32
      %select_n3A_220 = arith.select %eq3A_218, %jit3A_219, %jit3A_216 : i32
      %rem3A_221 = arith.remsi %scan3A_159, %select_n3A_220 : i32
      %ne3A_222 = arith.constant 0 : i32
      %ne3A_223 = arith.cmpi ne, %rem3A_221, %ne3A_222 : i32
      %lt3A_224 = arith.constant 0 : i32
      %lt3A_225 = arith.cmpi slt, %rem3A_221, %lt3A_224 : i32
      %lt3A_226 = arith.constant 0 : i32
      %lt3A_227 = arith.cmpi slt, %select_n3A_220, %lt3A_226 : i32
      %ne3A_228 = arith.xori %lt3A_225, %lt3A_227 : i1
      %and3A_229 = arith.andi %ne3A_228, %ne3A_223 : i1
      %add3A_230 = arith.addi %rem3A_221, %select_n3A_220 : i32
      %select_n3A_231 = arith.select %and3A_229, %add3A_230, %rem3A_221 : i32
      %scan3A_232 = arith.constant 0 : i32
      %scan3A_233 = arith.constant 0 : i32
      %scan3A_234 = arith.constant 128 : i32
      %scan3A_235 = arith.addi %scan3A_233, %scan3A_234 : i32
      %scan3A_236 = arith.constant 16 : i32
      scf.for %scan3A_258 = %scan3A_233 to %scan3A_235 step %scan3A_236  : i32 {
        %get3A = arith.constant 0 : i32
        %get3A_259 = arith.constant 0 : i32
        %get3A_260 = tpu.memref_slice %arg6[%select_n3A_231, %get3A, %get3A_259] : memref<4x128x128xf32, #tpu.memory_space<vmem>> -> memref<1x128x128xf32, #tpu.memory_space<vmem>>
        %get3A_261 = tpu.memref_squeeze %get3A_260 : memref<1x128x128xf32, #tpu.memory_space<vmem>> -> memref<128x128xf32, #tpu.memory_space<vmem>>
        %get3A_262 = arith.index_cast %scan3A_258 : i32 to index
        %get3A_263 = arith.constant 0 : index
        %get3A_264 = tpu.vector_load %get3A_261[%get3A_262, %get3A_263] {strides = array<i32>} : memref<128x128xf32, #tpu.memory_space<vmem>>, vector<16xf32>,
        %get3A_265 = arith.constant 0 : i32
        %get3A_266 = arith.constant 0 : i32
        %get3A_267 = tpu.memref_slice %arg6[%select_n3A_231, %get3A_265, %get3A_266] : memref<4x128x128xf32, #tpu.memory_space<vmem>> -> memref<1x128x128xf32, #tpu.memory_space<vmem>>
        %get3A_268 = tpu.memref_squeeze %get3A_267 : memref<1x128x128xf32, #tpu.memory_space<vmem>> -> memref<128x128xf32, #tpu.memory_space<vmem>>
        %get3A_269 = arith.index_cast %scan3A_258 : i32 to index
        %get3A_270 = arith.constant 16 : index
        %get3A_271 = tpu.vector_load %get3A_268[%get3A_269, %get3A_270] {strides = array<i32>} : memref<128x128xf32, #tpu.memory_space<vmem>>, vector<16xf32>,
        %get3A_272 = arith.constant 0 : i32
        %get3A_273 = arith.constant 0 : i32
        %get3A_274 = tpu.memref_slice %arg6[%select_n3A_231, %get3A_272, %get3A_273] : memref<4x128x128xf32, #tpu.memory_space<vmem>> -> memref<1x128x128xf32, #tpu.memory_space<vmem>>
        %get3A_275 = tpu.memref_squeeze %get3A_274 : memref<1x128x128xf32, #tpu.memory_space<vmem>> -> memref<128x128xf32, #tpu.memory_space<vmem>>
        %get3A_276 = arith.index_cast %scan3A_258 : i32 to index
        %get3A_277 = arith.constant 32 : index
        %get3A_278 = tpu.vector_load %get3A_275[%get3A_276, %get3A_277] {strides = array<i32>} : memref<128x128xf32, #tpu.memory_space<vmem>>, vector<16xf32>,
        %get3A_279 = arith.constant 0 : i32
        %get3A_280 = arith.constant 0 : i32
        %get3A_281 = tpu.memref_slice %arg6[%select_n3A_231, %get3A_279, %get3A_280] : memref<4x128x128xf32, #tpu.memory_space<vmem>> -> memref<1x128x128xf32, #tpu.memory_space<vmem>>
        %get3A_282 = tpu.memref_squeeze %get3A_281 : memref<1x128x128xf32, #tpu.memory_space<vmem>> -> memref<128x128xf32, #tpu.memory_space<vmem>>
        %get3A_283 = arith.index_cast %scan3A_258 : i32 to index
        %get3A_284 = arith.constant 48 : index
        %get3A_285 = tpu.vector_load %get3A_282[%get3A_283, %get3A_284] {strides = array<i32>} : memref<128x128xf32, #tpu.memory_space<vmem>>, vector<16xf32>,
        %mul3A_286 = arith.mulf %get3A_264, %get3A_264 : vector<16xf32>
        %mul3A_287 = arith.mulf %get3A_271, %get3A_271 : vector<16xf32>
        %add3A_288 = arith.addf %mul3A_286, %mul3A_287 : vector<16xf32>
        %mul3A_289 = arith.mulf %get3A_278, %get3A_278 : vector<16xf32>
        %mul3A_290 = arith.mulf %get3A_285, %get3A_285 : vector<16xf32>
        %add3A_291 = arith.addf %mul3A_289, %mul3A_290 : vector<16xf32>
        %add3A_292 = arith.addf %add3A_288, %add3A_291 : vector<16xf32>
        %iota3A = tpu.iota {dimensions = array<i32: 0>} : vector<16xi32>
        %xor3A = arith.constant 8 : i32
        %xor3A_293 = vector.broadcast %xor3A : i32 to vector<16xi32>
        %xor3A_294 = arith.xori %iota3A, %xor3A_293 : vector<16xi32>
        %broadcast_in_dim3A = vector.shape_cast %xor3A_294 : vector<16xi32> to vector<16x1xi32>
        %gather3A = vector.shape_cast %broadcast_in_dim3A : vector<16x1xi32> to vector<16xi32>
        %gather3A_295 = tpu.dynamic_gather %add3A_292[%gather3A] in [0] : vector<16xf32>, vector<16xi32> -> vector<16xf32>
        %add3A_296 = arith.addf %add3A_292, %gather3A_295 : vector<16xf32>
        %xor3A_297 = arith.constant 4 : i32
        %xor3A_298 = vector.broadcast %xor3A_297 : i32 to vector<16xi32>
        %xor3A_299 = arith.xori %iota3A, %xor3A_298 : vector<16xi32>
        %broadcast_in_dim3A_300 = vector.shape_cast %xor3A_299 : vector<16xi32> to vector<16x1xi32>
        %gather3A_301 = vector.shape_cast %broadcast_in_dim3A_300 : vector<16x1xi32> to vector<16xi32>
        %gather3A_302 = tpu.dynamic_gather %add3A_296[%gather3A_301] in [0] : vector<16xf32>, vector<16xi32> -> vector<16xf32>
        %add3A_303 = arith.addf %add3A_296, %gather3A_302 : vector<16xf32>
        %xor3A_304 = arith.constant 2 : i32
        %xor3A_305 = vector.broadcast %xor3A_304 : i32 to vector<16xi32>
        %xor3A_306 = arith.xori %iota3A, %xor3A_305 : vector<16xi32>
        %broadcast_in_dim3A_307 = vector.shape_cast %xor3A_306 : vector<16xi32> to vector<16x1xi32>
        %gather3A_308 = vector.shape_cast %broadcast_in_dim3A_307 : vector<16x1xi32> to vector<16xi32>
        %gather3A_309 = tpu.dynamic_gather %add3A_303[%gather3A_308] in [0] : vector<16xf32>, vector<16xi32> -> vector<16xf32>
        %add3A_310 = arith.addf %add3A_303, %gather3A_309 : vector<16xf32>
        %xor3A_311 = arith.constant 1 : i32
        %xor3A_312 = vector.broadcast %xor3A_311 : i32 to vector<16xi32>
        %xor3A_313 = arith.xori %iota3A, %xor3A_312 : vector<16xi32>
        %broadcast_in_dim3A_314 = vector.shape_cast %xor3A_313 : vector<16xi32> to vector<16x1xi32>
        %gather3A_315 = vector.shape_cast %broadcast_in_dim3A_314 : vector<16x1xi32> to vector<16xi32>
        %gather3A_316 = tpu.dynamic_gather %add3A_310[%gather3A_315] in [0] : vector<16xf32>, vector<16xi32> -> vector<16xf32>
        %add3A_317 = arith.addf %add3A_310, %gather3A_316 : vector<16xf32>
        %sub3A_318 = arith.constant 1.000010e+00 : f32
        %sub3A_319 = vector.broadcast %sub3A_318 : f32 to vector<16xf32>
        %sub3A_320 = arith.subf %sub3A_319, %add3A_317 : vector<16xf32>
        %div3A_321 = arith.constant 2.000000e+00 : f32
        %div3A_322 = vector.broadcast %div3A_321 : f32 to vector<16xf32>
        %div3A_323 = arith.divf %div3A_322, %sub3A_320 : vector<16xf32>
        %mul3A_324 = arith.mulf %get3A_264, %div3A_323 : vector<16xf32>
        %swap3A = arith.constant 0 : i32
        %swap3A_325 = arith.constant 0 : i32
        %swap3A_326 = tpu.memref_slice %arg7[%select_n3A_173, %swap3A, %swap3A_325] : memref<2x128x64xf32, #tpu.memory_space<vmem>> -> memref<1x128x64xf32, #tpu.memory_space<vmem>>
        %swap3A_327 = tpu.memref_squeeze %swap3A_326 : memref<1x128x64xf32, #tpu.memory_space<vmem>> -> memref<128x64xf32, #tpu.memory_space<vmem>>
        %swap3A_328 = arith.index_cast %scan3A_258 : i32 to index
        %swap3A_329 = arith.constant 0 : index
        %swap3A_330 = tpu.vector_load %swap3A_327[%swap3A_328, %swap3A_329] {strides = array<i32>} : memref<128x64xf32, #tpu.memory_space<vmem>>, vector<16xf32>,
        tpu.vector_store %swap3A_327[%swap3A_328, %swap3A_329], %mul3A_324 {strides = array<i32>} : memref<128x64xf32, #tpu.memory_space<vmem>>, vector<16xf32>,
        %mul3A_331 = arith.mulf %get3A_271, %div3A_323 : vector<16xf32>
        %swap3A_332 = arith.constant 0 : i32
        %swap3A_333 = arith.constant 0 : i32
        %swap3A_334 = tpu.memref_slice %arg7[%select_n3A_173, %swap3A_332, %swap3A_333] : memref<2x128x64xf32, #tpu.memory_space<vmem>> -> memref<1x128x64xf32, #tpu.memory_space<vmem>>
        %swap3A_335 = tpu.memref_squeeze %swap3A_334 : memref<1x128x64xf32, #tpu.memory_space<vmem>> -> memref<128x64xf32, #tpu.memory_space<vmem>>
        %swap3A_336 = arith.index_cast %scan3A_258 : i32 to index
        %swap3A_337 = arith.constant 16 : index
        %swap3A_338 = tpu.vector_load %swap3A_335[%swap3A_336, %swap3A_337] {strides = array<i32>} : memref<128x64xf32, #tpu.memory_space<vmem>>, vector<16xf32>,
        tpu.vector_store %swap3A_335[%swap3A_336, %swap3A_337], %mul3A_331 {strides = array<i32>} : memref<128x64xf32, #tpu.memory_space<vmem>>, vector<16xf32>,
        %mul3A_339 = arith.mulf %get3A_278, %div3A_323 : vector<16xf32>
        %swap3A_340 = arith.constant 0 : i32
        %swap3A_341 = arith.constant 0 : i32
        %swap3A_342 = tpu.memref_slice %arg7[%select_n3A_173, %swap3A_340, %swap3A_341] : memref<2x128x64xf32, #tpu.memory_space<vmem>> -> memref<1x128x64xf32, #tpu.memory_space<vmem>>
        %swap3A_343 = tpu.memref_squeeze %swap3A_342 : memref<1x128x64xf32, #tpu.memory_space<vmem>> -> memref<128x64xf32, #tpu.memory_space<vmem>>
        %swap3A_344 = arith.index_cast %scan3A_258 : i32 to index
        %swap3A_345 = arith.constant 32 : index
        %swap3A_346 = tpu.vector_load %swap3A_343[%swap3A_344, %swap3A_345] {strides = array<i32>} : memref<128x64xf32, #tpu.memory_space<vmem>>, vector<16xf32>,
        tpu.vector_store %swap3A_343[%swap3A_344, %swap3A_345], %mul3A_339 {strides = array<i32>} : memref<128x64xf32, #tpu.memory_space<vmem>>, vector<16xf32>,
        %mul3A_347 = arith.mulf %get3A_285, %div3A_323 : vector<16xf32>
        %swap3A_348 = arith.constant 0 : i32
        %swap3A_349 = arith.constant 0 : i32
        %swap3A_350 = tpu.memref_slice %arg7[%select_n3A_173, %swap3A_348, %swap3A_349] : memref<2x128x64xf32, #tpu.memory_space<vmem>> -> memref<1x128x64xf32, #tpu.memory_space<vmem>>
        %swap3A_351 = tpu.memref_squeeze %swap3A_350 : memref<1x128x64xf32, #tpu.memory_space<vmem>> -> memref<128x64xf32, #tpu.memory_space<vmem>>
        %swap3A_352 = arith.index_cast %scan3A_258 : i32 to index
        %swap3A_353 = arith.constant 48 : index
        %swap3A_354 = tpu.vector_load %swap3A_351[%swap3A_352, %swap3A_353] {strides = array<i32>} : memref<128x64xf32, #tpu.memory_space<vmem>>, vector<16xf32>,
        tpu.vector_store %swap3A_351[%swap3A_352, %swap3A_353], %mul3A_347 {strides = array<i32>} : memref<128x64xf32, #tpu.memory_space<vmem>>, vector<16xf32>,
        %scan3A_355 = arith.constant 1 : i32
        %scan3A_356 = arith.addi %scan3A_258, %scan3A_355 : i32
        %get3A_357 = arith.constant 0 : i32
        %get3A_358 = arith.constant 0 : i32
        %get3A_359 = tpu.memref_slice %arg6[%select_n3A_231, %get3A_357, %get3A_358] : memref<4x128x128xf32, #tpu.memory_space<vmem>> -> memref<1x128x128xf32, #tpu.memory_space<vmem>>
        %get3A_360 = tpu.memref_squeeze %get3A_359 : memref<1x128x128xf32, #tpu.memory_space<vmem>> -> memref<128x128xf32, #tpu.memory_space<vmem>>
        %get3A_361 = arith.index_cast %scan3A_356 : i32 to index
        %get3A_362 = arith.constant 0 : index
        %get3A_363 = tpu.vector_load %get3A_360[%get3A_361, %get3A_362] {strides = array<i32>} : memref<128x128xf32, #tpu.memory_space<vmem>>, vector<16xf32>,
        %get3A_364 = arith.constant 0 : i32
        %get3A_365 = arith.constant 0 : i32
        %get3A_366 = tpu.memref_slice %arg6[%select_n3A_231, %get3A_364, %get3A_365] : memref<4x128x128xf32, #tpu.memory_space<vmem>> -> memref<1x128x128xf32, #tpu.memory_space<vmem>>
        %get3A_367 = tpu.memref_squeeze %get3A_366 : memref<1x128x128xf32, #tpu.memory_space<vmem>> -> memref<128x128xf32, #tpu.memory_space<vmem>>
        %get3A_368 = arith.index_cast %scan3A_356 : i32 to index
        %get3A_369 = arith.constant 16 : index
        %get3A_370 = tpu.vector_load %get3A_367[%get3A_368, %get3A_369] {strides = array<i32>} : memref<128x128xf32, #tpu.memory_space<vmem>>, vector<16xf32>,
        %get3A_371 = arith.constant 0 : i32
        %get3A_372 = arith.constant 0 : i32
        %get3A_373 = tpu.memref_slice %arg6[%select_n3A_231, %get3A_371, %get3A_372] : memref<4x128x128xf32, #tpu.memory_space<vmem>> -> memref<1x128x128xf32, #tpu.memory_space<vmem>>
        %get3A_374 = tpu.memref_squeeze %get3A_373 : memref<1x128x128xf32, #tpu.memory_space<vmem>> -> memref<128x128xf32, #tpu.memory_space<vmem>>
        %get3A_375 = arith.index_cast %scan3A_356 : i32 to index
        %get3A_376 = arith.constant 32 : index
        %get3A_377 = tpu.vector_load %get3A_374[%get3A_375, %get3A_376] {strides = array<i32>} : memref<128x128xf32, #tpu.memory_space<vmem>>, vector<16xf32>,
        %get3A_378 = arith.constant 0 : i32
        %get3A_379 = arith.constant 0 : i32
        %get3A_380 = tpu.memref_slice %arg6[%select_n3A_231, %get3A_378, %get3A_379] : memref<4x128x128xf32, #tpu.memory_space<vmem>> -> memref<1x128x128xf32, #tpu.memory_space<vmem>>
        %get3A_381 = tpu.memref_squeeze %get3A_380 : memref<1x128x128xf32, #tpu.memory_space<vmem>> -> memref<128x128xf32, #tpu.memory_space<vmem>>
        %get3A_382 = arith.index_cast %scan3A_356 : i32 to index
        %get3A_383 = arith.constant 48 : index
        %get3A_384 = tpu.vector_load %get3A_381[%get3A_382, %get3A_383] {strides = array<i32>} : memref<128x128xf32, #tpu.memory_space<vmem>>, vector<16xf32>,
        %mul3A_385 = arith.mulf %get3A_363, %get3A_363 : vector<16xf32>
        %mul3A_386 = arith.mulf %get3A_370, %get3A_370 : vector<16xf32>
        %add3A_387 = arith.addf %mul3A_385, %mul3A_386 : vector<16xf32>
        %mul3A_388 = arith.mulf %get3A_377, %get3A_377 : vector<16xf32>
        %mul3A_389 = arith.mulf %get3A_384, %get3A_384 : vector<16xf32>
        %add3A_390 = arith.addf %mul3A_388, %mul3A_389 : vector<16xf32>
        %add3A_391 = arith.addf %add3A_387, %add3A_390 : vector<16xf32>
        %iota3A_392 = tpu.iota {dimensions = array<i32: 0>} : vector<16xi32>
        %xor3A_393 = arith.constant 8 : i32
        %xor3A_394 = vector.broadcast %xor3A_393 : i32 to vector<16xi32>
        %xor3A_395 = arith.xori %iota3A_392, %xor3A_394 : vector<16xi32>
        %broadcast_in_dim3A_396 = vector.shape_cast %xor3A_395 : vector<16xi32> to vector<16x1xi32>
        %gather3A_397 = vector.shape_cast %broadcast_in_dim3A_396 : vector<16x1xi32> to vector<16xi32>
        %gather3A_398 = tpu.dynamic_gather %add3A_391[%gather3A_397] in [0] : vector<16xf32>, vector<16xi32> -> vector<16xf32>
        %add3A_399 = arith.addf %add3A_391, %gather3A_398 : vector<16xf32>
        %xor3A_400 = arith.constant 4 : i32
        %xor3A_401 = vector.broadcast %xor3A_400 : i32 to vector<16xi32>
        %xor3A_402 = arith.xori %iota3A_392, %xor3A_401 : vector<16xi32>
        %broadcast_in_dim3A_403 = vector.shape_cast %xor3A_402 : vector<16xi32> to vector<16x1xi32>
        %gather3A_404 = vector.shape_cast %broadcast_in_dim3A_403 : vector<16x1xi32> to vector<16xi32>
        %gather3A_405 = tpu.dynamic_gather %add3A_399[%gather3A_404] in [0] : vector<16xf32>, vector<16xi32> -> vector<16xf32>
        %add3A_406 = arith.addf %add3A_399, %gather3A_405 : vector<16xf32>
        %xor3A_407 = arith.constant 2 : i32
        %xor3A_408 = vector.broadcast %xor3A_407 : i32 to vector<16xi32>
        %xor3A_409 = arith.xori %iota3A_392, %xor3A_408 : vector<16xi32>
        %broadcast_in_dim3A_410 = vector.shape_cast %xor3A_409 : vector<16xi32> to vector<16x1xi32>
        %gather3A_411 = vector.shape_cast %broadcast_in_dim3A_410 : vector<16x1xi32> to vector<16xi32>
        %gather3A_412 = tpu.dynamic_gather %add3A_406[%gather3A_411] in [0] : vector<16xf32>, vector<16xi32> -> vector<16xf32>
        %add3A_413 = arith.addf %add3A_406, %gather3A_412 : vector<16xf32>
        %xor3A_414 = arith.constant 1 : i32
        %xor3A_415 = vector.broadcast %xor3A_414 : i32 to vector<16xi32>
        %xor3A_416 = arith.xori %iota3A_392, %xor3A_415 : vector<16xi32>
        %broadcast_in_dim3A_417 = vector.shape_cast %xor3A_416 : vector<16xi32> to vector<16x1xi32>
        %gather3A_418 = vector.shape_cast %broadcast_in_dim3A_417 : vector<16x1xi32> to vector<16xi32>
        %gather3A_419 = tpu.dynamic_gather %add3A_413[%gather3A_418] in [0] : vector<16xf32>, vector<16xi32> -> vector<16xf32>
        %add3A_420 = arith.addf %add3A_413, %gather3A_419 : vector<16xf32>
        %sub3A_421 = arith.constant 1.000010e+00 : f32
        %sub3A_422 = vector.broadcast %sub3A_421 : f32 to vector<16xf32>
        %sub3A_423 = arith.subf %sub3A_422, %add3A_420 : vector<16xf32>
        %div3A_424 = arith.constant 2.000000e+00 : f32
        %div3A_425 = vector.broadcast %div3A_424 : f32 to vector<16xf32>
        %div3A_426 = arith.divf %div3A_425, %sub3A_423 : vector<16xf32>
        %mul3A_427 = arith.mulf %get3A_363, %div3A_426 : vector<16xf32>
        %swap3A_428 = arith.constant 0 : i32
        %swap3A_429 = arith.constant 0 : i32
        %swap3A_430 = tpu.memref_slice %arg7[%select_n3A_173, %swap3A_428, %swap3A_429] : memref<2x128x64xf32, #tpu.memory_space<vmem>> -> memref<1x128x64xf32, #tpu.memory_space<vmem>>
        %swap3A_431 = tpu.memref_squeeze %swap3A_430 : memref<1x128x64xf32, #tpu.memory_space<vmem>> -> memref<128x64xf32, #tpu.memory_space<vmem>>
        %swap3A_432 = arith.index_cast %scan3A_356 : i32 to index
        %swap3A_433 = arith.constant 0 : index
        %swap3A_434 = tpu.vector_load %swap3A_431[%swap3A_432, %swap3A_433] {strides = array<i32>} : memref<128x64xf32, #tpu.memory_space<vmem>>, vector<16xf32>,
        tpu.vector_store %swap3A_431[%swap3A_432, %swap3A_433], %mul3A_427 {strides = array<i32>} : memref<128x64xf32, #tpu.memory_space<vmem>>, vector<16xf32>,
        %mul3A_435 = arith.mulf %get3A_370, %div3A_426 : vector<16xf32>
        %swap3A_436 = arith.constant 0 : i32
        %swap3A_437 = arith.constant 0 : i32
        %swap3A_438 = tpu.memref_slice %arg7[%select_n3A_173, %swap3A_436, %swap3A_437] : memref<2x128x64xf32, #tpu.memory_space<vmem>> -> memref<1x128x64xf32, #tpu.memory_space<vmem>>
        %swap3A_439 = tpu.memref_squeeze %swap3A_438 : memref<1x128x64xf32, #tpu.memory_space<vmem>> -> memref<128x64xf32, #tpu.memory_space<vmem>>
        %swap3A_440 = arith.index_cast %scan3A_356 : i32 to index
        %swap3A_441 = arith.constant 16 : index
        %swap3A_442 = tpu.vector_load %swap3A_439[%swap3A_440, %swap3A_441] {strides = array<i32>} : memref<128x64xf32, #tpu.memory_space<vmem>>, vector<16xf32>,
        tpu.vector_store %swap3A_439[%swap3A_440, %swap3A_441], %mul3A_435 {strides = array<i32>} : memref<128x64xf32, #tpu.memory_space<vmem>>, vector<16xf32>,
        %mul3A_443 = arith.mulf %get3A_377, %div3A_426 : vector<16xf32>
        %swap3A_444 = arith.constant 0 : i32
        %swap3A_445 = arith.constant 0 : i32
        %swap3A_446 = tpu.memref_slice %arg7[%select_n3A_173, %swap3A_444, %swap3A_445] : memref<2x128x64xf32, #tpu.memory_space<vmem>> -> memref<1x128x64xf32, #tpu.memory_space<vmem>>
        %swap3A_447 = tpu.memref_squeeze %swap3A_446 : memref<1x128x64xf32, #tpu.memory_space<vmem>> -> memref<128x64xf32, #tpu.memory_space<vmem>>
        %swap3A_448 = arith.index_cast %scan3A_356 : i32 to index
        %swap3A_449 = arith.constant 32 : index
        %swap3A_450 = tpu.vector_load %swap3A_447[%swap3A_448, %swap3A_449] {strides = array<i32>} : memref<128x64xf32, #tpu.memory_space<vmem>>, vector<16xf32>,
        tpu.vector_store %swap3A_447[%swap3A_448, %swap3A_449], %mul3A_443 {strides = array<i32>} : memref<128x64xf32, #tpu.memory_space<vmem>>, vector<16xf32>,
        %mul3A_451 = arith.mulf %get3A_384, %div3A_426 : vector<16xf32>
        %swap3A_452 = arith.constant 0 : i32
        %swap3A_453 = arith.constant 0 : i32
        %swap3A_454 = tpu.memref_slice %arg7[%select_n3A_173, %swap3A_452, %swap3A_453] : memref<2x128x64xf32, #tpu.memory_space<vmem>> -> memref<1x128x64xf32, #tpu.memory_space<vmem>>
        %swap3A_455 = tpu.memref_squeeze %swap3A_454 : memref<1x128x64xf32, #tpu.memory_space<vmem>> -> memref<128x64xf32, #tpu.memory_space<vmem>>
        %swap3A_456 = arith.index_cast %scan3A_356 : i32 to index
        %swap3A_457 = arith.constant 48 : index
        %swap3A_458 = tpu.vector_load %swap3A_455[%swap3A_456, %swap3A_457] {strides = array<i32>} : memref<128x64xf32, #tpu.memory_space<vmem>>, vector<16xf32>,
        tpu.vector_store %swap3A_455[%swap3A_456, %swap3A_457], %mul3A_451 {strides = array<i32>} : memref<128x64xf32, #tpu.memory_space<vmem>>, vector<16xf32>,
        %scan3A_459 = arith.constant 2 : i32
        %scan3A_460 = arith.addi %scan3A_258, %scan3A_459 : i32
        %get3A_461 = arith.constant 0 : i32
        %get3A_462 = arith.constant 0 : i32
        %get3A_463 = tpu.memref_slice %arg6[%select_n3A_231, %get3A_461, %get3A_462] : memref<4x128x128xf32, #tpu.memory_space<vmem>> -> memref<1x128x128xf32, #tpu.memory_space<vmem>>
        %get3A_464 = tpu.memref_squeeze %get3A_463 : memref<1x128x128xf32, #tpu.memory_space<vmem>> -> memref<128x128xf32, #tpu.memory_space<vmem>>
        %get3A_465 = arith.index_cast %scan3A_460 : i32 to index
        %get3A_466 = arith.constant 0 : index
        %get3A_467 = tpu.vector_load %get3A_464[%get3A_465, %get3A_466] {strides = array<i32>} : memref<128x128xf32, #tpu.memory_space<vmem>>, vector<16xf32>,
        %get3A_468 = arith.constant 0 : i32
        %get3A_469 = arith.constant 0 : i32
        %get3A_470 = tpu.memref_slice %arg6[%select_n3A_231, %get3A_468, %get3A_469] : memref<4x128x128xf32, #tpu.memory_space<vmem>> -> memref<1x128x128xf32, #tpu.memory_space<vmem>>
        %get3A_471 = tpu.memref_squeeze %get3A_470 : memref<1x128x128xf32, #tpu.memory_space<vmem>> -> memref<128x128xf32, #tpu.memory_space<vmem>>
        %get3A_472 = arith.index_cast %scan3A_460 : i32 to index
        %get3A_473 = arith.constant 16 : index
        %get3A_474 = tpu.vector_load %get3A_471[%get3A_472, %get3A_473] {strides = array<i32>} : memref<128x128xf32, #tpu.memory_space<vmem>>, vector<16xf32>,
        %get3A_475 = arith.constant 0 : i32
        %get3A_476 = arith.constant 0 : i32
        %get3A_477 = tpu.memref_slice %arg6[%select_n3A_231, %get3A_475, %get3A_476] : memref<4x128x128xf32, #tpu.memory_space<vmem>> -> memref<1x128x128xf32, #tpu.memory_space<vmem>>
        %get3A_478 = tpu.memref_squeeze %get3A_477 : memref<1x128x128xf32, #tpu.memory_space<vmem>> -> memref<128x128xf32, #tpu.memory_space<vmem>>
        %get3A_479 = arith.index_cast %scan3A_460 : i32 to index
        %get3A_480 = arith.constant 32 : index
        %get3A_481 = tpu.vector_load %get3A_478[%get3A_479, %get3A_480] {strides = array<i32>} : memref<128x128xf32, #tpu.memory_space<vmem>>, vector<16xf32>,
        %get3A_482 = arith.constant 0 : i32
        %get3A_483 = arith.constant 0 : i32
        %get3A_484 = tpu.memref_slice %arg6[%select_n3A_231, %get3A_482, %get3A_483] : memref<4x128x128xf32, #tpu.memory_space<vmem>> -> memref<1x128x128xf32, #tpu.memory_space<vmem>>
        %get3A_485 = tpu.memref_squeeze %get3A_484 : memref<1x128x128xf32, #tpu.memory_space<vmem>> -> memref<128x128xf32, #tpu.memory_space<vmem>>
        %get3A_486 = arith.index_cast %scan3A_460 : i32 to index
        %get3A_487 = arith.constant 48 : index
        %get3A_488 = tpu.vector_load %get3A_485[%get3A_486, %get3A_487] {strides = array<i32>} : memref<128x128xf32, #tpu.memory_space<vmem>>, vector<16xf32>,
        %mul3A_489 = arith.mulf %get3A_467, %get3A_467 : vector<16xf32>
        %mul3A_490 = arith.mulf %get3A_474, %get3A_474 : vector<16xf32>
        %add3A_491 = arith.addf %mul3A_489, %mul3A_490 : vector<16xf32>
        %mul3A_492 = arith.mulf %get3A_481, %get3A_481 : vector<16xf32>
        %mul3A_493 = arith.mulf %get3A_488, %get3A_488 : vector<16xf32>
        %add3A_494 = arith.addf %mul3A_492, %mul3A_493 : vector<16xf32>
        %add3A_495 = arith.addf %add3A_491, %add3A_494 : vector<16xf32>
        %iota3A_496 = tpu.iota {dimensions = array<i32: 0>} : vector<16xi32>
        %xor3A_497 = arith.constant 8 : i32
        %xor3A_498 = vector.broadcast %xor3A_497 : i32 to vector<16xi32>
        %xor3A_499 = arith.xori %iota3A_496, %xor3A_498 : vector<16xi32>
        %broadcast_in_dim3A_500 = vector.shape_cast %xor3A_499 : vector<16xi32> to vector<16x1xi32>
        %gather3A_501 = vector.shape_cast %broadcast_in_dim3A_500 : vector<16x1xi32> to vector<16xi32>
        %gather3A_502 = tpu.dynamic_gather %add3A_495[%gather3A_501] in [0] : vector<16xf32>, vector<16xi32> -> vector<16xf32>
        %add3A_503 = arith.addf %add3A_495, %gather3A_502 : vector<16xf32>
        %xor3A_504 = arith.constant 4 : i32
        %xor3A_505 = vector.broadcast %xor3A_504 : i32 to vector<16xi32>
        %xor3A_506 = arith.xori %iota3A_496, %xor3A_505 : vector<16xi32>
        %broadcast_in_dim3A_507 = vector.shape_cast %xor3A_506 : vector<16xi32> to vector<16x1xi32>
        %gather3A_508 = vector.shape_cast %broadcast_in_dim3A_507 : vector<16x1xi32> to vector<16xi32>
        %gather3A_509 = tpu.dynamic_gather %add3A_503[%gather3A_508] in [0] : vector<16xf32>, vector<16xi32> -> vector<16xf32>
        %add3A_510 = arith.addf %add3A_503, %gather3A_509 : vector<16xf32>
        %xor3A_511 = arith.constant 2 : i32
        %xor3A_512 = vector.broadcast %xor3A_511 : i32 to vector<16xi32>
        %xor3A_513 = arith.xori %iota3A_496, %xor3A_512 : vector<16xi32>
        %broadcast_in_dim3A_514 = vector.shape_cast %xor3A_513 : vector<16xi32> to vector<16x1xi32>
        %gather3A_515 = vector.shape_cast %broadcast_in_dim3A_514 : vector<16x1xi32> to vector<16xi32>
        %gather3A_516 = tpu.dynamic_gather %add3A_510[%gather3A_515] in [0] : vector<16xf32>, vector<16xi32> -> vector<16xf32>
        %add3A_517 = arith.addf %add3A_510, %gather3A_516 : vector<16xf32>
        %xor3A_518 = arith.constant 1 : i32
        %xor3A_519 = vector.broadcast %xor3A_518 : i32 to vector<16xi32>
        %xor3A_520 = arith.xori %iota3A_496, %xor3A_519 : vector<16xi32>
        %broadcast_in_dim3A_521 = vector.shape_cast %xor3A_520 : vector<16xi32> to vector<16x1xi32>
        %gather3A_522 = vector.shape_cast %broadcast_in_dim3A_521 : vector<16x1xi32> to vector<16xi32>
        %gather3A_523 = tpu.dynamic_gather %add3A_517[%gather3A_522] in [0] : vector<16xf32>, vector<16xi32> -> vector<16xf32>
        %add3A_524 = arith.addf %add3A_517, %gather3A_523 : vector<16xf32>
        %sub3A_525 = arith.constant 1.000010e+00 : f32
        %sub3A_526 = vector.broadcast %sub3A_525 : f32 to vector<16xf32>
        %sub3A_527 = arith.subf %sub3A_526, %add3A_524 : vector<16xf32>
        %div3A_528 = arith.constant 2.000000e+00 : f32
        %div3A_529 = vector.broadcast %div3A_528 : f32 to vector<16xf32>
        %div3A_530 = arith.divf %div3A_529, %sub3A_527 : vector<16xf32>
        %mul3A_531 = arith.mulf %get3A_467, %div3A_530 : vector<16xf32>
        %swap3A_532 = arith.constant 0 : i32
        %swap3A_533 = arith.constant 0 : i32
        %swap3A_534 = tpu.memref_slice %arg7[%select_n3A_173, %swap3A_532, %swap3A_533] : memref<2x128x64xf32, #tpu.memory_space<vmem>> -> memref<1x128x64xf32, #tpu.memory_space<vmem>>
        %swap3A_535 = tpu.memref_squeeze %swap3A_534 : memref<1x128x64xf32, #tpu.memory_space<vmem>> -> memref<128x64xf32, #tpu.memory_space<vmem>>
        %swap3A_536 = arith.index_cast %scan3A_460 : i32 to index
        %swap3A_537 = arith.constant 0 : index
        %swap3A_538 = tpu.vector_load %swap3A_535[%swap3A_536, %swap3A_537] {strides = array<i32>} : memref<128x64xf32, #tpu.memory_space<vmem>>, vector<16xf32>,
        tpu.vector_store %swap3A_535[%swap3A_536, %swap3A_537], %mul3A_531 {strides = array<i32>} : memref<128x64xf32, #tpu.memory_space<vmem>>, vector<16xf32>,
        %mul3A_539 = arith.mulf %get3A_474, %div3A_530 : vector<16xf32>
        %swap3A_540 = arith.constant 0 : i32
        %swap3A_541 = arith.constant 0 : i32
        %swap3A_542 = tpu.memref_slice %arg7[%select_n3A_173, %swap3A_540, %swap3A_541] : memref<2x128x64xf32, #tpu.memory_space<vmem>> -> memref<1x128x64xf32, #tpu.memory_space<vmem>>
        %swap3A_543 = tpu.memref_squeeze %swap3A_542 : memref<1x128x64xf32, #tpu.memory_space<vmem>> -> memref<128x64xf32, #tpu.memory_space<vmem>>
        %swap3A_544 = arith.index_cast %scan3A_460 : i32 to index
        %swap3A_545 = arith.constant 16 : index
        %swap3A_546 = tpu.vector_load %swap3A_543[%swap3A_544, %swap3A_545] {strides = array<i32>} : memref<128x64xf32, #tpu.memory_space<vmem>>, vector<16xf32>,
        tpu.vector_store %swap3A_543[%swap3A_544, %swap3A_545], %mul3A_539 {strides = array<i32>} : memref<128x64xf32, #tpu.memory_space<vmem>>, vector<16xf32>,
        %mul3A_547 = arith.mulf %get3A_481, %div3A_530 : vector<16xf32>
        %swap3A_548 = arith.constant 0 : i32
        %swap3A_549 = arith.constant 0 : i32
        %swap3A_550 = tpu.memref_slice %arg7[%select_n3A_173, %swap3A_548, %swap3A_549] : memref<2x128x64xf32, #tpu.memory_space<vmem>> -> memref<1x128x64xf32, #tpu.memory_space<vmem>>
        %swap3A_551 = tpu.memref_squeeze %swap3A_550 : memref<1x128x64xf32, #tpu.memory_space<vmem>> -> memref<128x64xf32, #tpu.memory_space<vmem>>
        %swap3A_552 = arith.index_cast %scan3A_460 : i32 to index
        %swap3A_553 = arith.constant 32 : index
        %swap3A_554 = tpu.vector_load %swap3A_551[%swap3A_552, %swap3A_553] {strides = array<i32>} : memref<128x64xf32, #tpu.memory_space<vmem>>, vector<16xf32>,
        tpu.vector_store %swap3A_551[%swap3A_552, %swap3A_553], %mul3A_547 {strides = array<i32>} : memref<128x64xf32, #tpu.memory_space<vmem>>, vector<16xf32>,
        %mul3A_555 = arith.mulf %get3A_488, %div3A_530 : vector<16xf32>
        %swap3A_556 = arith.constant 0 : i32
        %swap3A_557 = arith.constant 0 : i32
        %swap3A_558 = tpu.memref_slice %arg7[%select_n3A_173, %swap3A_556, %swap3A_557] : memref<2x128x64xf32, #tpu.memory_space<vmem>> -> memref<1x128x64xf32, #tpu.memory_space<vmem>>
        %swap3A_559 = tpu.memref_squeeze %swap3A_558 : memref<1x128x64xf32, #tpu.memory_space<vmem>> -> memref<128x64xf32, #tpu.memory_space<vmem>>
        %swap3A_560 = arith.index_cast %scan3A_460 : i32 to index
        %swap3A_561 = arith.constant 48 : index
        %swap3A_562 = tpu.vector_load %swap3A_559[%swap3A_560, %swap3A_561] {strides = array<i32>} : memref<128x64xf32, #tpu.memory_space<vmem>>, vector<16xf32>,
        tpu.vector_store %swap3A_559[%swap3A_560, %swap3A_561], %mul3A_555 {strides = array<i32>} : memref<128x64xf32, #tpu.memory_space<vmem>>, vector<16xf32>,
        %scan3A_563 = arith.constant 3 : i32
        %scan3A_564 = arith.addi %scan3A_258, %scan3A_563 : i32
        %get3A_565 = arith.constant 0 : i32
        %get3A_566 = arith.constant 0 : i32
        %get3A_567 = tpu.memref_slice %arg6[%select_n3A_231, %get3A_565, %get3A_566] : memref<4x128x128xf32, #tpu.memory_space<vmem>> -> memref<1x128x128xf32, #tpu.memory_space<vmem>>
        %get3A_568 = tpu.memref_squeeze %get3A_567 : memref<1x128x128xf32, #tpu.memory_space<vmem>> -> memref<128x128xf32, #tpu.memory_space<vmem>>
        %get3A_569 = arith.index_cast %scan3A_564 : i32 to index
        %get3A_570 = arith.constant 0 : index
        %get3A_571 = tpu.vector_load %get3A_568[%get3A_569, %get3A_570] {strides = array<i32>} : memref<128x128xf32, #tpu.memory_space<vmem>>, vector<16xf32>,
        %get3A_572 = arith.constant 0 : i32
        %get3A_573 = arith.constant 0 : i32
        %get3A_574 = tpu.memref_slice %arg6[%select_n3A_231, %get3A_572, %get3A_573] : memref<4x128x128xf32, #tpu.memory_space<vmem>> -> memref<1x128x128xf32, #tpu.memory_space<vmem>>
        %get3A_575 = tpu.memref_squeeze %get3A_574 : memref<1x128x128xf32, #tpu.memory_space<vmem>> -> memref<128x128xf32, #tpu.memory_space<vmem>>
        %get3A_576 = arith.index_cast %scan3A_564 : i32 to index
        %get3A_577 = arith.constant 16 : index
        %get3A_578 = tpu.vector_load %get3A_575[%get3A_576, %get3A_577] {strides = array<i32>} : memref<128x128xf32, #tpu.memory_space<vmem>>, vector<16xf32>,
        %get3A_579 = arith.constant 0 : i32
        %get3A_580 = arith.constant 0 : i32
        %get3A_581 = tpu.memref_slice %arg6[%select_n3A_231, %get3A_579, %get3A_580] : memref<4x128x128xf32, #tpu.memory_space<vmem>> -> memref<1x128x128xf32, #tpu.memory_space<vmem>>
        %get3A_582 = tpu.memref_squeeze %get3A_581 : memref<1x128x128xf32, #tpu.memory_space<vmem>> -> memref<128x128xf32, #tpu.memory_space<vmem>>
        %get3A_583 = arith.index_cast %scan3A_564 : i32 to index
        %get3A_584 = arith.constant 32 : index
        %get3A_585 = tpu.vector_load %get3A_582[%get3A_583, %get3A_584] {strides = array<i32>} : memref<128x128xf32, #tpu.memory_space<vmem>>, vector<16xf32>,
        %get3A_586 = arith.constant 0 : i32
        %get3A_587 = arith.constant 0 : i32
        %get3A_588 = tpu.memref_slice %arg6[%select_n3A_231, %get3A_586, %get3A_587] : memref<4x128x128xf32, #tpu.memory_space<vmem>> -> memref<1x128x128xf32, #tpu.memory_space<vmem>>
        %get3A_589 = tpu.memref_squeeze %get3A_588 : memref<1x128x128xf32, #tpu.memory_space<vmem>> -> memref<128x128xf32, #tpu.memory_space<vmem>>
        %get3A_590 = arith.index_cast %scan3A_564 : i32 to index
        %get3A_591 = arith.constant 48 : index
        %get3A_592 = tpu.vector_load %get3A_589[%get3A_590, %get3A_591] {strides = array<i32>} : memref<128x128xf32, #tpu.memory_space<vmem>>, vector<16xf32>,
        %mul3A_593 = arith.mulf %get3A_571, %get3A_571 : vector<16xf32>
        %mul3A_594 = arith.mulf %get3A_578, %get3A_578 : vector<16xf32>
        %add3A_595 = arith.addf %mul3A_593, %mul3A_594 : vector<16xf32>
        %mul3A_596 = arith.mulf %get3A_585, %get3A_585 : vector<16xf32>
        %mul3A_597 = arith.mulf %get3A_592, %get3A_592 : vector<16xf32>
        %add3A_598 = arith.addf %mul3A_596, %mul3A_597 : vector<16xf32>
        %add3A_599 = arith.addf %add3A_595, %add3A_598 : vector<16xf32>
        %iota3A_600 = tpu.iota {dimensions = array<i32: 0>} : vector<16xi32>
        %xor3A_601 = arith.constant 8 : i32
        %xor3A_602 = vector.broadcast %xor3A_601 : i32 to vector<16xi32>
        %xor3A_603 = arith.xori %iota3A_600, %xor3A_602 : vector<16xi32>
        %broadcast_in_dim3A_604 = vector.shape_cast %xor3A_603 : vector<16xi32> to vector<16x1xi32>
        %gather3A_605 = vector.shape_cast %broadcast_in_dim3A_604 : vector<16x1xi32> to vector<16xi32>
        %gather3A_606 = tpu.dynamic_gather %add3A_599[%gather3A_605] in [0] : vector<16xf32>, vector<16xi32> -> vector<16xf32>
        %add3A_607 = arith.addf %add3A_599, %gather3A_606 : vector<16xf32>
        %xor3A_608 = arith.constant 4 : i32
        %xor3A_609 = vector.broadcast %xor3A_608 : i32 to vector<16xi32>
        %xor3A_610 = arith.xori %iota3A_600, %xor3A_609 : vector<16xi32>
        %broadcast_in_dim3A_611 = vector.shape_cast %xor3A_610 : vector<16xi32> to vector<16x1xi32>
        %gather3A_612 = vector.shape_cast %broadcast_in_dim3A_611 : vector<16x1xi32> to vector<16xi32>
        %gather3A_613 = tpu.dynamic_gather %add3A_607[%gather3A_612] in [0] : vector<16xf32>, vector<16xi32> -> vector<16xf32>
        %add3A_614 = arith.addf %add3A_607, %gather3A_613 : vector<16xf32>
        %xor3A_615 = arith.constant 2 : i32
        %xor3A_616 = vector.broadcast %xor3A_615 : i32 to vector<16xi32>
        %xor3A_617 = arith.xori %iota3A_600, %xor3A_616 : vector<16xi32>
        %broadcast_in_dim3A_618 = vector.shape_cast %xor3A_617 : vector<16xi32> to vector<16x1xi32>
        %gather3A_619 = vector.shape_cast %broadcast_in_dim3A_618 : vector<16x1xi32> to vector<16xi32>
        %gather3A_620 = tpu.dynamic_gather %add3A_614[%gather3A_619] in [0] : vector<16xf32>, vector<16xi32> -> vector<16xf32>
        %add3A_621 = arith.addf %add3A_614, %gather3A_620 : vector<16xf32>
        %xor3A_622 = arith.constant 1 : i32
        %xor3A_623 = vector.broadcast %xor3A_622 : i32 to vector<16xi32>
        %xor3A_624 = arith.xori %iota3A_600, %xor3A_623 : vector<16xi32>
        %broadcast_in_dim3A_625 = vector.shape_cast %xor3A_624 : vector<16xi32> to vector<16x1xi32>
        %gather3A_626 = vector.shape_cast %broadcast_in_dim3A_625 : vector<16x1xi32> to vector<16xi32>
        %gather3A_627 = tpu.dynamic_gather %add3A_621[%gather3A_626] in [0] : vector<16xf32>, vector<16xi32> -> vector<16xf32>
        %add3A_628 = arith.addf %add3A_621, %gather3A_627 : vector<16xf32>
        %sub3A_629 = arith.constant 1.000010e+00 : f32
        %sub3A_630 = vector.broadcast %sub3A_629 : f32 to vector<16xf32>
        %sub3A_631 = arith.subf %sub3A_630, %add3A_628 : vector<16xf32>
        %div3A_632 = arith.constant 2.000000e+00 : f32
        %div3A_633 = vector.broadcast %div3A_632 : f32 to vector<16xf32>
        %div3A_634 = arith.divf %div3A_633, %sub3A_631 : vector<16xf32>
        %mul3A_635 = arith.mulf %get3A_571, %div3A_634 : vector<16xf32>
        %swap3A_636 = arith.constant 0 : i32
        %swap3A_637 = arith.constant 0 : i32
        %swap3A_638 = tpu.memref_slice %arg7[%select_n3A_173, %swap3A_636, %swap3A_637] : memref<2x128x64xf32, #tpu.memory_space<vmem>> -> memref<1x128x64xf32, #tpu.memory_space<vmem>>
        %swap3A_639 = tpu.memref_squeeze %swap3A_638 : memref<1x128x64xf32, #tpu.memory_space<vmem>> -> memref<128x64xf32, #tpu.memory_space<vmem>>
        %swap3A_640 = arith.index_cast %scan3A_564 : i32 to index
        %swap3A_641 = arith.constant 0 : index
        %swap3A_642 = tpu.vector_load %swap3A_639[%swap3A_640, %swap3A_641] {strides = array<i32>} : memref<128x64xf32, #tpu.memory_space<vmem>>, vector<16xf32>,
        tpu.vector_store %swap3A_639[%swap3A_640, %swap3A_641], %mul3A_635 {strides = array<i32>} : memref<128x64xf32, #tpu.memory_space<vmem>>, vector<16xf32>,
        %mul3A_643 = arith.mulf %get3A_578, %div3A_634 : vector<16xf32>
        %swap3A_644 = arith.constant 0 : i32
        %swap3A_645 = arith.constant 0 : i32
        %swap3A_646 = tpu.memref_slice %arg7[%select_n3A_173, %swap3A_644, %swap3A_645] : memref<2x128x64xf32, #tpu.memory_space<vmem>> -> memref<1x128x64xf32, #tpu.memory_space<vmem>>
        %swap3A_647 = tpu.memref_squeeze %swap3A_646 : memref<1x128x64xf32, #tpu.memory_space<vmem>> -> memref<128x64xf32, #tpu.memory_space<vmem>>
        %swap3A_648 = arith.index_cast %scan3A_564 : i32 to index
        %swap3A_649 = arith.constant 16 : index
        %swap3A_650 = tpu.vector_load %swap3A_647[%swap3A_648, %swap3A_649] {strides = array<i32>} : memref<128x64xf32, #tpu.memory_space<vmem>>, vector<16xf32>,
        tpu.vector_store %swap3A_647[%swap3A_648, %swap3A_649], %mul3A_643 {strides = array<i32>} : memref<128x64xf32, #tpu.memory_space<vmem>>, vector<16xf32>,
        %mul3A_651 = arith.mulf %get3A_585, %div3A_634 : vector<16xf32>
        %swap3A_652 = arith.constant 0 : i32
        %swap3A_653 = arith.constant 0 : i32
        %swap3A_654 = tpu.memref_slice %arg7[%select_n3A_173, %swap3A_652, %swap3A_653] : memref<2x128x64xf32, #tpu.memory_space<vmem>> -> memref<1x128x64xf32, #tpu.memory_space<vmem>>
        %swap3A_655 = tpu.memref_squeeze %swap3A_654 : memref<1x128x64xf32, #tpu.memory_space<vmem>> -> memref<128x64xf32, #tpu.memory_space<vmem>>
        %swap3A_656 = arith.index_cast %scan3A_564 : i32 to index
        %swap3A_657 = arith.constant 32 : index
        %swap3A_658 = tpu.vector_load %swap3A_655[%swap3A_656, %swap3A_657] {strides = array<i32>} : memref<128x64xf32, #tpu.memory_space<vmem>>, vector<16xf32>,
        tpu.vector_store %swap3A_655[%swap3A_656, %swap3A_657], %mul3A_651 {strides = array<i32>} : memref<128x64xf32, #tpu.memory_space<vmem>>, vector<16xf32>,
        %mul3A_659 = arith.mulf %get3A_592, %div3A_634 : vector<16xf32>
        %swap3A_660 = arith.constant 0 : i32
        %swap3A_661 = arith.constant 0 : i32
        %swap3A_662 = tpu.memref_slice %arg7[%select_n3A_173, %swap3A_660, %swap3A_661] : memref<2x128x64xf32, #tpu.memory_space<vmem>> -> memref<1x128x64xf32, #tpu.memory_space<vmem>>
        %swap3A_663 = tpu.memref_squeeze %swap3A_662 : memref<1x128x64xf32, #tpu.memory_space<vmem>> -> memref<128x64xf32, #tpu.memory_space<vmem>>
        %swap3A_664 = arith.index_cast %scan3A_564 : i32 to index
        %swap3A_665 = arith.constant 48 : index
        %swap3A_666 = tpu.vector_load %swap3A_663[%swap3A_664, %swap3A_665] {strides = array<i32>} : memref<128x64xf32, #tpu.memory_space<vmem>>, vector<16xf32>,
        tpu.vector_store %swap3A_663[%swap3A_664, %swap3A_665], %mul3A_659 {strides = array<i32>} : memref<128x64xf32, #tpu.memory_space<vmem>>, vector<16xf32>,
        %scan3A_667 = arith.constant 4 : i32
        %scan3A_668 = arith.addi %scan3A_258, %scan3A_667 : i32
        %get3A_669 = arith.constant 0 : i32
        %get3A_670 = arith.constant 0 : i32
        %get3A_671 = tpu.memref_slice %arg6[%select_n3A_231, %get3A_669, %get3A_670] : memref<4x128x128xf32, #tpu.memory_space<vmem>> -> memref<1x128x128xf32, #tpu.memory_space<vmem>>
        %get3A_672 = tpu.memref_squeeze %get3A_671 : memref<1x128x128xf32, #tpu.memory_space<vmem>> -> memref<128x128xf32, #tpu.memory_space<vmem>>
        %get3A_673 = arith.index_cast %scan3A_668 : i32 to index
        %get3A_674 = arith.constant 0 : index
        %get3A_675 = tpu.vector_load %get3A_672[%get3A_673, %get3A_674] {strides = array<i32>} : memref<128x128xf32, #tpu.memory_space<vmem>>, vector<16xf32>,
        %get3A_676 = arith.constant 0 : i32
        %get3A_677 = arith.constant 0 : i32
        %get3A_678 = tpu.memref_slice %arg6[%select_n3A_231, %get3A_676, %get3A_677] : memref<4x128x128xf32, #tpu.memory_space<vmem>> -> memref<1x128x128xf32, #tpu.memory_space<vmem>>
        %get3A_679 = tpu.memref_squeeze %get3A_678 : memref<1x128x128xf32, #tpu.memory_space<vmem>> -> memref<128x128xf32, #tpu.memory_space<vmem>>
        %get3A_680 = arith.index_cast %scan3A_668 : i32 to index
        %get3A_681 = arith.constant 16 : index
        %get3A_682 = tpu.vector_load %get3A_679[%get3A_680, %get3A_681] {strides = array<i32>} : memref<128x128xf32, #tpu.memory_space<vmem>>, vector<16xf32>,
        %get3A_683 = arith.constant 0 : i32
        %get3A_684 = arith.constant 0 : i32
        %get3A_685 = tpu.memref_slice %arg6[%select_n3A_231, %get3A_683, %get3A_684] : memref<4x128x128xf32, #tpu.memory_space<vmem>> -> memref<1x128x128xf32, #tpu.memory_space<vmem>>
        %get3A_686 = tpu.memref_squeeze %get3A_685 : memref<1x128x128xf32, #tpu.memory_space<vmem>> -> memref<128x128xf32, #tpu.memory_space<vmem>>
        %get3A_687 = arith.index_cast %scan3A_668 : i32 to index
        %get3A_688 = arith.constant 32 : index
        %get3A_689 = tpu.vector_load %get3A_686[%get3A_687, %get3A_688] {strides = array<i32>} : memref<128x128xf32, #tpu.memory_space<vmem>>, vector<16xf32>,
        %get3A_690 = arith.constant 0 : i32
        %get3A_691 = arith.constant 0 : i32
        %get3A_692 = tpu.memref_slice %arg6[%select_n3A_231, %get3A_690, %get3A_691] : memref<4x128x128xf32, #tpu.memory_space<vmem>> -> memref<1x128x128xf32, #tpu.memory_space<vmem>>
        %get3A_693 = tpu.memref_squeeze %get3A_692 : memref<1x128x128xf32, #tpu.memory_space<vmem>> -> memref<128x128xf32, #tpu.memory_space<vmem>>
        %get3A_694 = arith.index_cast %scan3A_668 : i32 to index
        %get3A_695 = arith.constant 48 : index
        %get3A_696 = tpu.vector_load %get3A_693[%get3A_694, %get3A_695] {strides = array<i32>} : memref<128x128xf32, #tpu.memory_space<vmem>>, vector<16xf32>,
        %mul3A_697 = arith.mulf %get3A_675, %get3A_675 : vector<16xf32>
        %mul3A_698 = arith.mulf %get3A_682, %get3A_682 : vector<16xf32>
        %add3A_699 = arith.addf %mul3A_697, %mul3A_698 : vector<16xf32>
        %mul3A_700 = arith.mulf %get3A_689, %get3A_689 : vector<16xf32>
        %mul3A_701 = arith.mulf %get3A_696, %get3A_696 : vector<16xf32>
        %add3A_702 = arith.addf %mul3A_700, %mul3A_701 : vector<16xf32>
        %add3A_703 = arith.addf %add3A_699, %add3A_702 : vector<16xf32>
        %iota3A_704 = tpu.iota {dimensions = array<i32: 0>} : vector<16xi32>
        %xor3A_705 = arith.constant 8 : i32
        %xor3A_706 = vector.broadcast %xor3A_705 : i32 to vector<16xi32>
        %xor3A_707 = arith.xori %iota3A_704, %xor3A_706 : vector<16xi32>
        %broadcast_in_dim3A_708 = vector.shape_cast %xor3A_707 : vector<16xi32> to vector<16x1xi32>
        %gather3A_709 = vector.shape_cast %broadcast_in_dim3A_708 : vector<16x1xi32> to vector<16xi32>
        %gather3A_710 = tpu.dynamic_gather %add3A_703[%gather3A_709] in [0] : vector<16xf32>, vector<16xi32> -> vector<16xf32>
        %add3A_711 = arith.addf %add3A_703, %gather3A_710 : vector<16xf32>
        %xor3A_712 = arith.constant 4 : i32
        %xor3A_713 = vector.broadcast %xor3A_712 : i32 to vector<16xi32>
        %xor3A_714 = arith.xori %iota3A_704, %xor3A_713 : vector<16xi32>
        %broadcast_in_dim3A_715 = vector.shape_cast %xor3A_714 : vector<16xi32> to vector<16x1xi32>
        %gather3A_716 = vector.shape_cast %broadcast_in_dim3A_715 : vector<16x1xi32> to vector<16xi32>
        %gather3A_717 = tpu.dynamic_gather %add3A_711[%gather3A_716] in [0] : vector<16xf32>, vector<16xi32> -> vector<16xf32>
        %add3A_718 = arith.addf %add3A_711, %gather3A_717 : vector<16xf32>
        %xor3A_719 = arith.constant 2 : i32
        %xor3A_720 = vector.broadcast %xor3A_719 : i32 to vector<16xi32>
        %xor3A_721 = arith.xori %iota3A_704, %xor3A_720 : vector<16xi32>
        %broadcast_in_dim3A_722 = vector.shape_cast %xor3A_721 : vector<16xi32> to vector<16x1xi32>
        %gather3A_723 = vector.shape_cast %broadcast_in_dim3A_722 : vector<16x1xi32> to vector<16xi32>
        %gather3A_724 = tpu.dynamic_gather %add3A_718[%gather3A_723] in [0] : vector<16xf32>, vector<16xi32> -> vector<16xf32>
        %add3A_725 = arith.addf %add3A_718, %gather3A_724 : vector<16xf32>
        %xor3A_726 = arith.constant 1 : i32
        %xor3A_727 = vector.broadcast %xor3A_726 : i32 to vector<16xi32>
        %xor3A_728 = arith.xori %iota3A_704, %xor3A_727 : vector<16xi32>
        %broadcast_in_dim3A_729 = vector.shape_cast %xor3A_728 : vector<16xi32> to vector<16x1xi32>
        %gather3A_730 = vector.shape_cast %broadcast_in_dim3A_729 : vector<16x1xi32> to vector<16xi32>
        %gather3A_731 = tpu.dynamic_gather %add3A_725[%gather3A_730] in [0] : vector<16xf32>, vector<16xi32> -> vector<16xf32>
        %add3A_732 = arith.addf %add3A_725, %gather3A_731 : vector<16xf32>
        %sub3A_733 = arith.constant 1.000010e+00 : f32
        %sub3A_734 = vector.broadcast %sub3A_733 : f32 to vector<16xf32>
        %sub3A_735 = arith.subf %sub3A_734, %add3A_732 : vector<16xf32>
        %div3A_736 = arith.constant 2.000000e+00 : f32
        %div3A_737 = vector.broadcast %div3A_736 : f32 to vector<16xf32>
        %div3A_738 = arith.divf %div3A_737, %sub3A_735 : vector<16xf32>
        %mul3A_739 = arith.mulf %get3A_675, %div3A_738 : vector<16xf32>
        %swap3A_740 = arith.constant 0 : i32
        %swap3A_741 = arith.constant 0 : i32
        %swap3A_742 = tpu.memref_slice %arg7[%select_n3A_173, %swap3A_740, %swap3A_741] : memref<2x128x64xf32, #tpu.memory_space<vmem>> -> memref<1x128x64xf32, #tpu.memory_space<vmem>>
        %swap3A_743 = tpu.memref_squeeze %swap3A_742 : memref<1x128x64xf32, #tpu.memory_space<vmem>> -> memref<128x64xf32, #tpu.memory_space<vmem>>
        %swap3A_744 = arith.index_cast %scan3A_668 : i32 to index
        %swap3A_745 = arith.constant 0 : index
        %swap3A_746 = tpu.vector_load %swap3A_743[%swap3A_744, %swap3A_745] {strides = array<i32>} : memref<128x64xf32, #tpu.memory_space<vmem>>, vector<16xf32>,
        tpu.vector_store %swap3A_743[%swap3A_744, %swap3A_745], %mul3A_739 {strides = array<i32>} : memref<128x64xf32, #tpu.memory_space<vmem>>, vector<16xf32>,
        %mul3A_747 = arith.mulf %get3A_682, %div3A_738 : vector<16xf32>
        %swap3A_748 = arith.constant 0 : i32
        %swap3A_749 = arith.constant 0 : i32
        %swap3A_750 = tpu.memref_slice %arg7[%select_n3A_173, %swap3A_748, %swap3A_749] : memref<2x128x64xf32, #tpu.memory_space<vmem>> -> memref<1x128x64xf32, #tpu.memory_space<vmem>>
        %swap3A_751 = tpu.memref_squeeze %swap3A_750 : memref<1x128x64xf32, #tpu.memory_space<vmem>> -> memref<128x64xf32, #tpu.memory_space<vmem>>
        %swap3A_752 = arith.index_cast %scan3A_668 : i32 to index
        %swap3A_753 = arith.constant 16 : index
        %swap3A_754 = tpu.vector_load %swap3A_751[%swap3A_752, %swap3A_753] {strides = array<i32>} : memref<128x64xf32, #tpu.memory_space<vmem>>, vector<16xf32>,
        tpu.vector_store %swap3A_751[%swap3A_752, %swap3A_753], %mul3A_747 {strides = array<i32>} : memref<128x64xf32, #tpu.memory_space<vmem>>, vector<16xf32>,
        %mul3A_755 = arith.mulf %get3A_689, %div3A_738 : vector<16xf32>
        %swap3A_756 = arith.constant 0 : i32
        %swap3A_757 = arith.constant 0 : i32
        %swap3A_758 = tpu.memref_slice %arg7[%select_n3A_173, %swap3A_756, %swap3A_757] : memref<2x128x64xf32, #tpu.memory_space<vmem>> -> memref<1x128x64xf32, #tpu.memory_space<vmem>>
        %swap3A_759 = tpu.memref_squeeze %swap3A_758 : memref<1x128x64xf32, #tpu.memory_space<vmem>> -> memref<128x64xf32, #tpu.memory_space<vmem>>
        %swap3A_760 = arith.index_cast %scan3A_668 : i32 to index
        %swap3A_761 = arith.constant 32 : index
        %swap3A_762 = tpu.vector_load %swap3A_759[%swap3A_760, %swap3A_761] {strides = array<i32>} : memref<128x64xf32, #tpu.memory_space<vmem>>, vector<16xf32>,
        tpu.vector_store %swap3A_759[%swap3A_760, %swap3A_761], %mul3A_755 {strides = array<i32>} : memref<128x64xf32, #tpu.memory_space<vmem>>, vector<16xf32>,
        %mul3A_763 = arith.mulf %get3A_696, %div3A_738 : vector<16xf32>
        %swap3A_764 = arith.constant 0 : i32
        %swap3A_765 = arith.constant 0 : i32
        %swap3A_766 = tpu.memref_slice %arg7[%select_n3A_173, %swap3A_764, %swap3A_765] : memref<2x128x64xf32, #tpu.memory_space<vmem>> -> memref<1x128x64xf32, #tpu.memory_space<vmem>>
        %swap3A_767 = tpu.memref_squeeze %swap3A_766 : memref<1x128x64xf32, #tpu.memory_space<vmem>> -> memref<128x64xf32, #tpu.memory_space<vmem>>
        %swap3A_768 = arith.index_cast %scan3A_668 : i32 to index
        %swap3A_769 = arith.constant 48 : index
        %swap3A_770 = tpu.vector_load %swap3A_767[%swap3A_768, %swap3A_769] {strides = array<i32>} : memref<128x64xf32, #tpu.memory_space<vmem>>, vector<16xf32>,
        tpu.vector_store %swap3A_767[%swap3A_768, %swap3A_769], %mul3A_763 {strides = array<i32>} : memref<128x64xf32, #tpu.memory_space<vmem>>, vector<16xf32>,
        %scan3A_771 = arith.constant 5 : i32
        %scan3A_772 = arith.addi %scan3A_258, %scan3A_771 : i32
        %get3A_773 = arith.constant 0 : i32
        %get3A_774 = arith.constant 0 : i32
        %get3A_775 = tpu.memref_slice %arg6[%select_n3A_231, %get3A_773, %get3A_774] : memref<4x128x128xf32, #tpu.memory_space<vmem>> -> memref<1x128x128xf32, #tpu.memory_space<vmem>>
        %get3A_776 = tpu.memref_squeeze %get3A_775 : memref<1x128x128xf32, #tpu.memory_space<vmem>> -> memref<128x128xf32, #tpu.memory_space<vmem>>
        %get3A_777 = arith.index_cast %scan3A_772 : i32 to index
        %get3A_778 = arith.constant 0 : index
        %get3A_779 = tpu.vector_load %get3A_776[%get3A_777, %get3A_778] {strides = array<i32>} : memref<128x128xf32, #tpu.memory_space<vmem>>, vector<16xf32>,
        %get3A_780 = arith.constant 0 : i32
        %get3A_781 = arith.constant 0 : i32
        %get3A_782 = tpu.memref_slice %arg6[%select_n3A_231, %get3A_780, %get3A_781] : memref<4x128x128xf32, #tpu.memory_space<vmem>> -> memref<1x128x128xf32, #tpu.memory_space<vmem>>
        %get3A_783 = tpu.memref_squeeze %get3A_782 : memref<1x128x128xf32, #tpu.memory_space<vmem>> -> memref<128x128xf32, #tpu.memory_space<vmem>>
        %get3A_784 = arith.index_cast %scan3A_772 : i32 to index
        %get3A_785 = arith.constant 16 : index
        %get3A_786 = tpu.vector_load %get3A_783[%get3A_784, %get3A_785] {strides = array<i32>} : memref<128x128xf32, #tpu.memory_space<vmem>>, vector<16xf32>,
        %get3A_787 = arith.constant 0 : i32
        %get3A_788 = arith.constant 0 : i32
        %get3A_789 = tpu.memref_slice %arg6[%select_n3A_231, %get3A_787, %get3A_788] : memref<4x128x128xf32, #tpu.memory_space<vmem>> -> memref<1x128x128xf32, #tpu.memory_space<vmem>>
        %get3A_790 = tpu.memref_squeeze %get3A_789 : memref<1x128x128xf32, #tpu.memory_space<vmem>> -> memref<128x128xf32, #tpu.memory_space<vmem>>
        %get3A_791 = arith.index_cast %scan3A_772 : i32 to index
        %get3A_792 = arith.constant 32 : index
        %get3A_793 = tpu.vector_load %get3A_790[%get3A_791, %get3A_792] {strides = array<i32>} : memref<128x128xf32, #tpu.memory_space<vmem>>, vector<16xf32>,
        %get3A_794 = arith.constant 0 : i32
        %get3A_795 = arith.constant 0 : i32
        %get3A_796 = tpu.memref_slice %arg6[%select_n3A_231, %get3A_794, %get3A_795] : memref<4x128x128xf32, #tpu.memory_space<vmem>> -> memref<1x128x128xf32, #tpu.memory_space<vmem>>
        %get3A_797 = tpu.memref_squeeze %get3A_796 : memref<1x128x128xf32, #tpu.memory_space<vmem>> -> memref<128x128xf32, #tpu.memory_space<vmem>>
        %get3A_798 = arith.index_cast %scan3A_772 : i32 to index
        %get3A_799 = arith.constant 48 : index
        %get3A_800 = tpu.vector_load %get3A_797[%get3A_798, %get3A_799] {strides = array<i32>} : memref<128x128xf32, #tpu.memory_space<vmem>>, vector<16xf32>,
        %mul3A_801 = arith.mulf %get3A_779, %get3A_779 : vector<16xf32>
        %mul3A_802 = arith.mulf %get3A_786, %get3A_786 : vector<16xf32>
        %add3A_803 = arith.addf %mul3A_801, %mul3A_802 : vector<16xf32>
        %mul3A_804 = arith.mulf %get3A_793, %get3A_793 : vector<16xf32>
        %mul3A_805 = arith.mulf %get3A_800, %get3A_800 : vector<16xf32>
        %add3A_806 = arith.addf %mul3A_804, %mul3A_805 : vector<16xf32>
        %add3A_807 = arith.addf %add3A_803, %add3A_806 : vector<16xf32>
        %iota3A_808 = tpu.iota {dimensions = array<i32: 0>} : vector<16xi32>
        %xor3A_809 = arith.constant 8 : i32
        %xor3A_810 = vector.broadcast %xor3A_809 : i32 to vector<16xi32>
        %xor3A_811 = arith.xori %iota3A_808, %xor3A_810 : vector<16xi32>
        %broadcast_in_dim3A_812 = vector.shape_cast %xor3A_811 : vector<16xi32> to vector<16x1xi32>
        %gather3A_813 = vector.shape_cast %broadcast_in_dim3A_812 : vector<16x1xi32> to vector<16xi32>
        %gather3A_814 = tpu.dynamic_gather %add3A_807[%gather3A_813] in [0] : vector<16xf32>, vector<16xi32> -> vector<16xf32>
        %add3A_815 = arith.addf %add3A_807, %gather3A_814 : vector<16xf32>
        %xor3A_816 = arith.constant 4 : i32
        %xor3A_817 = vector.broadcast %xor3A_816 : i32 to vector<16xi32>
        %xor3A_818 = arith.xori %iota3A_808, %xor3A_817 : vector<16xi32>
        %broadcast_in_dim3A_819 = vector.shape_cast %xor3A_818 : vector<16xi32> to vector<16x1xi32>
        %gather3A_820 = vector.shape_cast %broadcast_in_dim3A_819 : vector<16x1xi32> to vector<16xi32>
        %gather3A_821 = tpu.dynamic_gather %add3A_815[%gather3A_820] in [0] : vector<16xf32>, vector<16xi32> -> vector<16xf32>
        %add3A_822 = arith.addf %add3A_815, %gather3A_821 : vector<16xf32>
        %xor3A_823 = arith.constant 2 : i32
        %xor3A_824 = vector.broadcast %xor3A_823 : i32 to vector<16xi32>
        %xor3A_825 = arith.xori %iota3A_808, %xor3A_824 : vector<16xi32>
        %broadcast_in_dim3A_826 = vector.shape_cast %xor3A_825 : vector<16xi32> to vector<16x1xi32>
        %gather3A_827 = vector.shape_cast %broadcast_in_dim3A_826 : vector<16x1xi32> to vector<16xi32>
        %gather3A_828 = tpu.dynamic_gather %add3A_822[%gather3A_827] in [0] : vector<16xf32>, vector<16xi32> -> vector<16xf32>
        %add3A_829 = arith.addf %add3A_822, %gather3A_828 : vector<16xf32>
        %xor3A_830 = arith.constant 1 : i32
        %xor3A_831 = vector.broadcast %xor3A_830 : i32 to vector<16xi32>
        %xor3A_832 = arith.xori %iota3A_808, %xor3A_831 : vector<16xi32>
        %broadcast_in_dim3A_833 = vector.shape_cast %xor3A_832 : vector<16xi32> to vector<16x1xi32>
        %gather3A_834 = vector.shape_cast %broadcast_in_dim3A_833 : vector<16x1xi32> to vector<16xi32>
        %gather3A_835 = tpu.dynamic_gather %add3A_829[%gather3A_834] in [0] : vector<16xf32>, vector<16xi32> -> vector<16xf32>
        %add3A_836 = arith.addf %add3A_829, %gather3A_835 : vector<16xf32>
        %sub3A_837 = arith.constant 1.000010e+00 : f32
        %sub3A_838 = vector.broadcast %sub3A_837 : f32 to vector<16xf32>
        %sub3A_839 = arith.subf %sub3A_838, %add3A_836 : vector<16xf32>
        %div3A_840 = arith.constant 2.000000e+00 : f32
        %div3A_841 = vector.broadcast %div3A_840 : f32 to vector<16xf32>
        %div3A_842 = arith.divf %div3A_841, %sub3A_839 : vector<16xf32>
        %mul3A_843 = arith.mulf %get3A_779, %div3A_842 : vector<16xf32>
        %swap3A_844 = arith.constant 0 : i32
        %swap3A_845 = arith.constant 0 : i32
        %swap3A_846 = tpu.memref_slice %arg7[%select_n3A_173, %swap3A_844, %swap3A_845] : memref<2x128x64xf32, #tpu.memory_space<vmem>> -> memref<1x128x64xf32, #tpu.memory_space<vmem>>
        %swap3A_847 = tpu.memref_squeeze %swap3A_846 : memref<1x128x64xf32, #tpu.memory_space<vmem>> -> memref<128x64xf32, #tpu.memory_space<vmem>>
        %swap3A_848 = arith.index_cast %scan3A_772 : i32 to index
        %swap3A_849 = arith.constant 0 : index
        %swap3A_850 = tpu.vector_load %swap3A_847[%swap3A_848, %swap3A_849] {strides = array<i32>} : memref<128x64xf32, #tpu.memory_space<vmem>>, vector<16xf32>,
        tpu.vector_store %swap3A_847[%swap3A_848, %swap3A_849], %mul3A_843 {strides = array<i32>} : memref<128x64xf32, #tpu.memory_space<vmem>>, vector<16xf32>,
        %mul3A_851 = arith.mulf %get3A_786, %div3A_842 : vector<16xf32>
        %swap3A_852 = arith.constant 0 : i32
        %swap3A_853 = arith.constant 0 : i32
        %swap3A_854 = tpu.memref_slice %arg7[%select_n3A_173, %swap3A_852, %swap3A_853] : memref<2x128x64xf32, #tpu.memory_space<vmem>> -> memref<1x128x64xf32, #tpu.memory_space<vmem>>
        %swap3A_855 = tpu.memref_squeeze %swap3A_854 : memref<1x128x64xf32, #tpu.memory_space<vmem>> -> memref<128x64xf32, #tpu.memory_space<vmem>>
        %swap3A_856 = arith.index_cast %scan3A_772 : i32 to index
        %swap3A_857 = arith.constant 16 : index
        %swap3A_858 = tpu.vector_load %swap3A_855[%swap3A_856, %swap3A_857] {strides = array<i32>} : memref<128x64xf32, #tpu.memory_space<vmem>>, vector<16xf32>,
        tpu.vector_store %swap3A_855[%swap3A_856, %swap3A_857], %mul3A_851 {strides = array<i32>} : memref<128x64xf32, #tpu.memory_space<vmem>>, vector<16xf32>,
        %mul3A_859 = arith.mulf %get3A_793, %div3A_842 : vector<16xf32>
        %swap3A_860 = arith.constant 0 : i32
        %swap3A_861 = arith.constant 0 : i32
        %swap3A_862 = tpu.memref_slice %arg7[%select_n3A_173, %swap3A_860, %swap3A_861] : memref<2x128x64xf32, #tpu.memory_space<vmem>> -> memref<1x128x64xf32, #tpu.memory_space<vmem>>
        %swap3A_863 = tpu.memref_squeeze %swap3A_862 : memref<1x128x64xf32, #tpu.memory_space<vmem>> -> memref<128x64xf32, #tpu.memory_space<vmem>>
        %swap3A_864 = arith.index_cast %scan3A_772 : i32 to index
        %swap3A_865 = arith.constant 32 : index
        %swap3A_866 = tpu.vector_load %swap3A_863[%swap3A_864, %swap3A_865] {strides = array<i32>} : memref<128x64xf32, #tpu.memory_space<vmem>>, vector<16xf32>,
        tpu.vector_store %swap3A_863[%swap3A_864, %swap3A_865], %mul3A_859 {strides = array<i32>} : memref<128x64xf32, #tpu.memory_space<vmem>>, vector<16xf32>,
        %mul3A_867 = arith.mulf %get3A_800, %div3A_842 : vector<16xf32>
        %swap3A_868 = arith.constant 0 : i32
        %swap3A_869 = arith.constant 0 : i32
        %swap3A_870 = tpu.memref_slice %arg7[%select_n3A_173, %swap3A_868, %swap3A_869] : memref<2x128x64xf32, #tpu.memory_space<vmem>> -> memref<1x128x64xf32, #tpu.memory_space<vmem>>
        %swap3A_871 = tpu.memref_squeeze %swap3A_870 : memref<1x128x64xf32, #tpu.memory_space<vmem>> -> memref<128x64xf32, #tpu.memory_space<vmem>>
        %swap3A_872 = arith.index_cast %scan3A_772 : i32 to index
        %swap3A_873 = arith.constant 48 : index
        %swap3A_874 = tpu.vector_load %swap3A_871[%swap3A_872, %swap3A_873] {strides = array<i32>} : memref<128x64xf32, #tpu.memory_space<vmem>>, vector<16xf32>,
        tpu.vector_store %swap3A_871[%swap3A_872, %swap3A_873], %mul3A_867 {strides = array<i32>} : memref<128x64xf32, #tpu.memory_space<vmem>>, vector<16xf32>,
        %scan3A_875 = arith.constant 6 : i32
        %scan3A_876 = arith.addi %scan3A_258, %scan3A_875 : i32
        %get3A_877 = arith.constant 0 : i32
        %get3A_878 = arith.constant 0 : i32
        %get3A_879 = tpu.memref_slice %arg6[%select_n3A_231, %get3A_877, %get3A_878] : memref<4x128x128xf32, #tpu.memory_space<vmem>> -> memref<1x128x128xf32, #tpu.memory_space<vmem>>
        %get3A_880 = tpu.memref_squeeze %get3A_879 : memref<1x128x128xf32, #tpu.memory_space<vmem>> -> memref<128x128xf32, #tpu.memory_space<vmem>>
        %get3A_881 = arith.index_cast %scan3A_876 : i32 to index
        %get3A_882 = arith.constant 0 : index
        %get3A_883 = tpu.vector_load %get3A_880[%get3A_881, %get3A_882] {strides = array<i32>} : memref<128x128xf32, #tpu.memory_space<vmem>>, vector<16xf32>,
        %get3A_884 = arith.constant 0 : i32
        %get3A_885 = arith.constant 0 : i32
        %get3A_886 = tpu.memref_slice %arg6[%select_n3A_231, %get3A_884, %get3A_885] : memref<4x128x128xf32, #tpu.memory_space<vmem>> -> memref<1x128x128xf32, #tpu.memory_space<vmem>>
        %get3A_887 = tpu.memref_squeeze %get3A_886 : memref<1x128x128xf32, #tpu.memory_space<vmem>> -> memref<128x128xf32, #tpu.memory_space<vmem>>
        %get3A_888 = arith.index_cast %scan3A_876 : i32 to index
        %get3A_889 = arith.constant 16 : index
        %get3A_890 = tpu.vector_load %get3A_887[%get3A_888, %get3A_889] {strides = array<i32>} : memref<128x128xf32, #tpu.memory_space<vmem>>, vector<16xf32>,
        %get3A_891 = arith.constant 0 : i32
        %get3A_892 = arith.constant 0 : i32
        %get3A_893 = tpu.memref_slice %arg6[%select_n3A_231, %get3A_891, %get3A_892] : memref<4x128x128xf32, #tpu.memory_space<vmem>> -> memref<1x128x128xf32, #tpu.memory_space<vmem>>
        %get3A_894 = tpu.memref_squeeze %get3A_893 : memref<1x128x128xf32, #tpu.memory_space<vmem>> -> memref<128x128xf32, #tpu.memory_space<vmem>>
        %get3A_895 = arith.index_cast %scan3A_876 : i32 to index
        %get3A_896 = arith.constant 32 : index
        %get3A_897 = tpu.vector_load %get3A_894[%get3A_895, %get3A_896] {strides = array<i32>} : memref<128x128xf32, #tpu.memory_space<vmem>>, vector<16xf32>,
        %get3A_898 = arith.constant 0 : i32
        %get3A_899 = arith.constant 0 : i32
        %get3A_900 = tpu.memref_slice %arg6[%select_n3A_231, %get3A_898, %get3A_899] : memref<4x128x128xf32, #tpu.memory_space<vmem>> -> memref<1x128x128xf32, #tpu.memory_space<vmem>>
        %get3A_901 = tpu.memref_squeeze %get3A_900 : memref<1x128x128xf32, #tpu.memory_space<vmem>> -> memref<128x128xf32, #tpu.memory_space<vmem>>
        %get3A_902 = arith.index_cast %scan3A_876 : i32 to index
        %get3A_903 = arith.constant 48 : index
        %get3A_904 = tpu.vector_load %get3A_901[%get3A_902, %get3A_903] {strides = array<i32>} : memref<128x128xf32, #tpu.memory_space<vmem>>, vector<16xf32>,
        %mul3A_905 = arith.mulf %get3A_883, %get3A_883 : vector<16xf32>
        %mul3A_906 = arith.mulf %get3A_890, %get3A_890 : vector<16xf32>
        %add3A_907 = arith.addf %mul3A_905, %mul3A_906 : vector<16xf32>
        %mul3A_908 = arith.mulf %get3A_897, %get3A_897 : vector<16xf32>
        %mul3A_909 = arith.mulf %get3A_904, %get3A_904 : vector<16xf32>
        %add3A_910 = arith.addf %mul3A_908, %mul3A_909 : vector<16xf32>
        %add3A_911 = arith.addf %add3A_907, %add3A_910 : vector<16xf32>
        %iota3A_912 = tpu.iota {dimensions = array<i32: 0>} : vector<16xi32>
        %xor3A_913 = arith.constant 8 : i32
        %xor3A_914 = vector.broadcast %xor3A_913 : i32 to vector<16xi32>
        %xor3A_915 = arith.xori %iota3A_912, %xor3A_914 : vector<16xi32>
        %broadcast_in_dim3A_916 = vector.shape_cast %xor3A_915 : vector<16xi32> to vector<16x1xi32>
        %gather3A_917 = vector.shape_cast %broadcast_in_dim3A_916 : vector<16x1xi32> to vector<16xi32>
        %gather3A_918 = tpu.dynamic_gather %add3A_911[%gather3A_917] in [0] : vector<16xf32>, vector<16xi32> -> vector<16xf32>
        %add3A_919 = arith.addf %add3A_911, %gather3A_918 : vector<16xf32>
        %xor3A_920 = arith.constant 4 : i32
        %xor3A_921 = vector.broadcast %xor3A_920 : i32 to vector<16xi32>
        %xor3A_922 = arith.xori %iota3A_912, %xor3A_921 : vector<16xi32>
        %broadcast_in_dim3A_923 = vector.shape_cast %xor3A_922 : vector<16xi32> to vector<16x1xi32>
        %gather3A_924 = vector.shape_cast %broadcast_in_dim3A_923 : vector<16x1xi32> to vector<16xi32>
        %gather3A_925 = tpu.dynamic_gather %add3A_919[%gather3A_924] in [0] : vector<16xf32>, vector<16xi32> -> vector<16xf32>
        %add3A_926 = arith.addf %add3A_919, %gather3A_925 : vector<16xf32>
        %xor3A_927 = arith.constant 2 : i32
        %xor3A_928 = vector.broadcast %xor3A_927 : i32 to vector<16xi32>
        %xor3A_929 = arith.xori %iota3A_912, %xor3A_928 : vector<16xi32>
        %broadcast_in_dim3A_930 = vector.shape_cast %xor3A_929 : vector<16xi32> to vector<16x1xi32>
        %gather3A_931 = vector.shape_cast %broadcast_in_dim3A_930 : vector<16x1xi32> to vector<16xi32>
        %gather3A_932 = tpu.dynamic_gather %add3A_926[%gather3A_931] in [0] : vector<16xf32>, vector<16xi32> -> vector<16xf32>
        %add3A_933 = arith.addf %add3A_926, %gather3A_932 : vector<16xf32>
        %xor3A_934 = arith.constant 1 : i32
        %xor3A_935 = vector.broadcast %xor3A_934 : i32 to vector<16xi32>
        %xor3A_936 = arith.xori %iota3A_912, %xor3A_935 : vector<16xi32>
        %broadcast_in_dim3A_937 = vector.shape_cast %xor3A_936 : vector<16xi32> to vector<16x1xi32>
        %gather3A_938 = vector.shape_cast %broadcast_in_dim3A_937 : vector<16x1xi32> to vector<16xi32>
        %gather3A_939 = tpu.dynamic_gather %add3A_933[%gather3A_938] in [0] : vector<16xf32>, vector<16xi32> -> vector<16xf32>
        %add3A_940 = arith.addf %add3A_933, %gather3A_939 : vector<16xf32>
        %sub3A_941 = arith.constant 1.000010e+00 : f32
        %sub3A_942 = vector.broadcast %sub3A_941 : f32 to vector<16xf32>
        %sub3A_943 = arith.subf %sub3A_942, %add3A_940 : vector<16xf32>
        %div3A_944 = arith.constant 2.000000e+00 : f32
        %div3A_945 = vector.broadcast %div3A_944 : f32 to vector<16xf32>
        %div3A_946 = arith.divf %div3A_945, %sub3A_943 : vector<16xf32>
        %mul3A_947 = arith.mulf %get3A_883, %div3A_946 : vector<16xf32>
        %swap3A_948 = arith.constant 0 : i32
        %swap3A_949 = arith.constant 0 : i32
        %swap3A_950 = tpu.memref_slice %arg7[%select_n3A_173, %swap3A_948, %swap3A_949] : memref<2x128x64xf32, #tpu.memory_space<vmem>> -> memref<1x128x64xf32, #tpu.memory_space<vmem>>
        %swap3A_951 = tpu.memref_squeeze %swap3A_950 : memref<1x128x64xf32, #tpu.memory_space<vmem>> -> memref<128x64xf32, #tpu.memory_space<vmem>>
        %swap3A_952 = arith.index_cast %scan3A_876 : i32 to index
        %swap3A_953 = arith.constant 0 : index
        %swap3A_954 = tpu.vector_load %swap3A_951[%swap3A_952, %swap3A_953] {strides = array<i32>} : memref<128x64xf32, #tpu.memory_space<vmem>>, vector<16xf32>,
        tpu.vector_store %swap3A_951[%swap3A_952, %swap3A_953], %mul3A_947 {strides = array<i32>} : memref<128x64xf32, #tpu.memory_space<vmem>>, vector<16xf32>,
        %mul3A_955 = arith.mulf %get3A_890, %div3A_946 : vector<16xf32>
        %swap3A_956 = arith.constant 0 : i32
        %swap3A_957 = arith.constant 0 : i32
        %swap3A_958 = tpu.memref_slice %arg7[%select_n3A_173, %swap3A_956, %swap3A_957] : memref<2x128x64xf32, #tpu.memory_space<vmem>> -> memref<1x128x64xf32, #tpu.memory_space<vmem>>
        %swap3A_959 = tpu.memref_squeeze %swap3A_958 : memref<1x128x64xf32, #tpu.memory_space<vmem>> -> memref<128x64xf32, #tpu.memory_space<vmem>>
        %swap3A_960 = arith.index_cast %scan3A_876 : i32 to index
        %swap3A_961 = arith.constant 16 : index
        %swap3A_962 = tpu.vector_load %swap3A_959[%swap3A_960, %swap3A_961] {strides = array<i32>} : memref<128x64xf32, #tpu.memory_space<vmem>>, vector<16xf32>,
        tpu.vector_store %swap3A_959[%swap3A_960, %swap3A_961], %mul3A_955 {strides = array<i32>} : memref<128x64xf32, #tpu.memory_space<vmem>>, vector<16xf32>,
        %mul3A_963 = arith.mulf %get3A_897, %div3A_946 : vector<16xf32>
        %swap3A_964 = arith.constant 0 : i32
        %swap3A_965 = arith.constant 0 : i32
        %swap3A_966 = tpu.memref_slice %arg7[%select_n3A_173, %swap3A_964, %swap3A_965] : memref<2x128x64xf32, #tpu.memory_space<vmem>> -> memref<1x128x64xf32, #tpu.memory_space<vmem>>
        %swap3A_967 = tpu.memref_squeeze %swap3A_966 : memref<1x128x64xf32, #tpu.memory_space<vmem>> -> memref<128x64xf32, #tpu.memory_space<vmem>>
        %swap3A_968 = arith.index_cast %scan3A_876 : i32 to index
        %swap3A_969 = arith.constant 32 : index
        %swap3A_970 = tpu.vector_load %swap3A_967[%swap3A_968, %swap3A_969] {strides = array<i32>} : memref<128x64xf32, #tpu.memory_space<vmem>>, vector<16xf32>,
        tpu.vector_store %swap3A_967[%swap3A_968, %swap3A_969], %mul3A_963 {strides = array<i32>} : memref<128x64xf32, #tpu.memory_space<vmem>>, vector<16xf32>,
        %mul3A_971 = arith.mulf %get3A_904, %div3A_946 : vector<16xf32>
        %swap3A_972 = arith.constant 0 : i32
        %swap3A_973 = arith.constant 0 : i32
        %swap3A_974 = tpu.memref_slice %arg7[%select_n3A_173, %swap3A_972, %swap3A_973] : memref<2x128x64xf32, #tpu.memory_space<vmem>> -> memref<1x128x64xf32, #tpu.memory_space<vmem>>
        %swap3A_975 = tpu.memref_squeeze %swap3A_974 : memref<1x128x64xf32, #tpu.memory_space<vmem>> -> memref<128x64xf32, #tpu.memory_space<vmem>>
        %swap3A_976 = arith.index_cast %scan3A_876 : i32 to index
        %swap3A_977 = arith.constant 48 : index
        %swap3A_978 = tpu.vector_load %swap3A_975[%swap3A_976, %swap3A_977] {strides = array<i32>} : memref<128x64xf32, #tpu.memory_space<vmem>>, vector<16xf32>,
        tpu.vector_store %swap3A_975[%swap3A_976, %swap3A_977], %mul3A_971 {strides = array<i32>} : memref<128x64xf32, #tpu.memory_space<vmem>>, vector<16xf32>,
        %scan3A_979 = arith.constant 7 : i32
        %scan3A_980 = arith.addi %scan3A_258, %scan3A_979 : i32
        %get3A_981 = arith.constant 0 : i32
        %get3A_982 = arith.constant 0 : i32
        %get3A_983 = tpu.memref_slice %arg6[%select_n3A_231, %get3A_981, %get3A_982] : memref<4x128x128xf32, #tpu.memory_space<vmem>> -> memref<1x128x128xf32, #tpu.memory_space<vmem>>
        %get3A_984 = tpu.memref_squeeze %get3A_983 : memref<1x128x128xf32, #tpu.memory_space<vmem>> -> memref<128x128xf32, #tpu.memory_space<vmem>>
        %get3A_985 = arith.index_cast %scan3A_980 : i32 to index
        %get3A_986 = arith.constant 0 : index
        %get3A_987 = tpu.vector_load %get3A_984[%get3A_985, %get3A_986] {strides = array<i32>} : memref<128x128xf32, #tpu.memory_space<vmem>>, vector<16xf32>,
        %get3A_988 = arith.constant 0 : i32
        %get3A_989 = arith.constant 0 : i32
        %get3A_990 = tpu.memref_slice %arg6[%select_n3A_231, %get3A_988, %get3A_989] : memref<4x128x128xf32, #tpu.memory_space<vmem>> -> memref<1x128x128xf32, #tpu.memory_space<vmem>>
        %get3A_991 = tpu.memref_squeeze %get3A_990 : memref<1x128x128xf32, #tpu.memory_space<vmem>> -> memref<128x128xf32, #tpu.memory_space<vmem>>
        %get3A_992 = arith.index_cast %scan3A_980 : i32 to index
        %get3A_993 = arith.constant 16 : index
        %get3A_994 = tpu.vector_load %get3A_991[%get3A_992, %get3A_993] {strides = array<i32>} : memref<128x128xf32, #tpu.memory_space<vmem>>, vector<16xf32>,
        %get3A_995 = arith.constant 0 : i32
        %get3A_996 = arith.constant 0 : i32
        %get3A_997 = tpu.memref_slice %arg6[%select_n3A_231, %get3A_995, %get3A_996] : memref<4x128x128xf32, #tpu.memory_space<vmem>> -> memref<1x128x128xf32, #tpu.memory_space<vmem>>
        %get3A_998 = tpu.memref_squeeze %get3A_997 : memref<1x128x128xf32, #tpu.memory_space<vmem>> -> memref<128x128xf32, #tpu.memory_space<vmem>>
        %get3A_999 = arith.index_cast %scan3A_980 : i32 to index
        %get3A_1000 = arith.constant 32 : index
        %get3A_1001 = tpu.vector_load %get3A_998[%get3A_999, %get3A_1000] {strides = array<i32>} : memref<128x128xf32, #tpu.memory_space<vmem>>, vector<16xf32>,
        %get3A_1002 = arith.constant 0 : i32
        %get3A_1003 = arith.constant 0 : i32
        %get3A_1004 = tpu.memref_slice %arg6[%select_n3A_231, %get3A_1002, %get3A_1003] : memref<4x128x128xf32, #tpu.memory_space<vmem>> -> memref<1x128x128xf32, #tpu.memory_space<vmem>>
        %get3A_1005 = tpu.memref_squeeze %get3A_1004 : memref<1x128x128xf32, #tpu.memory_space<vmem>> -> memref<128x128xf32, #tpu.memory_space<vmem>>
        %get3A_1006 = arith.index_cast %scan3A_980 : i32 to index
        %get3A_1007 = arith.constant 48 : index
        %get3A_1008 = tpu.vector_load %get3A_1005[%get3A_1006, %get3A_1007] {strides = array<i32>} : memref<128x128xf32, #tpu.memory_space<vmem>>, vector<16xf32>,
        %mul3A_1009 = arith.mulf %get3A_987, %get3A_987 : vector<16xf32>
        %mul3A_1010 = arith.mulf %get3A_994, %get3A_994 : vector<16xf32>
        %add3A_1011 = arith.addf %mul3A_1009, %mul3A_1010 : vector<16xf32>
        %mul3A_1012 = arith.mulf %get3A_1001, %get3A_1001 : vector<16xf32>
        %mul3A_1013 = arith.mulf %get3A_1008, %get3A_1008 : vector<16xf32>
        %add3A_1014 = arith.addf %mul3A_1012, %mul3A_1013 : vector<16xf32>
        %add3A_1015 = arith.addf %add3A_1011, %add3A_1014 : vector<16xf32>
        %iota3A_1016 = tpu.iota {dimensions = array<i32: 0>} : vector<16xi32>
        %xor3A_1017 = arith.constant 8 : i32
        %xor3A_1018 = vector.broadcast %xor3A_1017 : i32 to vector<16xi32>
        %xor3A_1019 = arith.xori %iota3A_1016, %xor3A_1018 : vector<16xi32>
        %broadcast_in_dim3A_1020 = vector.shape_cast %xor3A_1019 : vector<16xi32> to vector<16x1xi32>
        %gather3A_1021 = vector.shape_cast %broadcast_in_dim3A_1020 : vector<16x1xi32> to vector<16xi32>
        %gather3A_1022 = tpu.dynamic_gather %add3A_1015[%gather3A_1021] in [0] : vector<16xf32>, vector<16xi32> -> vector<16xf32>
        %add3A_1023 = arith.addf %add3A_1015, %gather3A_1022 : vector<16xf32>
        %xor3A_1024 = arith.constant 4 : i32
        %xor3A_1025 = vector.broadcast %xor3A_1024 : i32 to vector<16xi32>
        %xor3A_1026 = arith.xori %iota3A_1016, %xor3A_1025 : vector<16xi32>
        %broadcast_in_dim3A_1027 = vector.shape_cast %xor3A_1026 : vector<16xi32> to vector<16x1xi32>
        %gather3A_1028 = vector.shape_cast %broadcast_in_dim3A_1027 : vector<16x1xi32> to vector<16xi32>
        %gather3A_1029 = tpu.dynamic_gather %add3A_1023[%gather3A_1028] in [0] : vector<16xf32>, vector<16xi32> -> vector<16xf32>
        %add3A_1030 = arith.addf %add3A_1023, %gather3A_1029 : vector<16xf32>
        %xor3A_1031 = arith.constant 2 : i32
        %xor3A_1032 = vector.broadcast %xor3A_1031 : i32 to vector<16xi32>
        %xor3A_1033 = arith.xori %iota3A_1016, %xor3A_1032 : vector<16xi32>
        %broadcast_in_dim3A_1034 = vector.shape_cast %xor3A_1033 : vector<16xi32> to vector<16x1xi32>
        %gather3A_1035 = vector.shape_cast %broadcast_in_dim3A_1034 : vector<16x1xi32> to vector<16xi32>
        %gather3A_1036 = tpu.dynamic_gather %add3A_1030[%gather3A_1035] in [0] : vector<16xf32>, vector<16xi32> -> vector<16xf32>
        %add3A_1037 = arith.addf %add3A_1030, %gather3A_1036 : vector<16xf32>
        %xor3A_1038 = arith.constant 1 : i32
        %xor3A_1039 = vector.broadcast %xor3A_1038 : i32 to vector<16xi32>
        %xor3A_1040 = arith.xori %iota3A_1016, %xor3A_1039 : vector<16xi32>
        %broadcast_in_dim3A_1041 = vector.shape_cast %xor3A_1040 : vector<16xi32> to vector<16x1xi32>
        %gather3A_1042 = vector.shape_cast %broadcast_in_dim3A_1041 : vector<16x1xi32> to vector<16xi32>
        %gather3A_1043 = tpu.dynamic_gather %add3A_1037[%gather3A_1042] in [0] : vector<16xf32>, vector<16xi32> -> vector<16xf32>
        %add3A_1044 = arith.addf %add3A_1037, %gather3A_1043 : vector<16xf32>
        %sub3A_1045 = arith.constant 1.000010e+00 : f32
        %sub3A_1046 = vector.broadcast %sub3A_1045 : f32 to vector<16xf32>
        %sub3A_1047 = arith.subf %sub3A_1046, %add3A_1044 : vector<16xf32>
        %div3A_1048 = arith.constant 2.000000e+00 : f32
        %div3A_1049 = vector.broadcast %div3A_1048 : f32 to vector<16xf32>
        %div3A_1050 = arith.divf %div3A_1049, %sub3A_1047 : vector<16xf32>
        %mul3A_1051 = arith.mulf %get3A_987, %div3A_1050 : vector<16xf32>
        %swap3A_1052 = arith.constant 0 : i32
        %swap3A_1053 = arith.constant 0 : i32
        %swap3A_1054 = tpu.memref_slice %arg7[%select_n3A_173, %swap3A_1052, %swap3A_1053] : memref<2x128x64xf32, #tpu.memory_space<vmem>> -> memref<1x128x64xf32, #tpu.memory_space<vmem>>
        %swap3A_1055 = tpu.memref_squeeze %swap3A_1054 : memref<1x128x64xf32, #tpu.memory_space<vmem>> -> memref<128x64xf32, #tpu.memory_space<vmem>>
        %swap3A_1056 = arith.index_cast %scan3A_980 : i32 to index
        %swap3A_1057 = arith.constant 0 : index
        %swap3A_1058 = tpu.vector_load %swap3A_1055[%swap3A_1056, %swap3A_1057] {strides = array<i32>} : memref<128x64xf32, #tpu.memory_space<vmem>>, vector<16xf32>,
        tpu.vector_store %swap3A_1055[%swap3A_1056, %swap3A_1057], %mul3A_1051 {strides = array<i32>} : memref<128x64xf32, #tpu.memory_space<vmem>>, vector<16xf32>,
        %mul3A_1059 = arith.mulf %get3A_994, %div3A_1050 : vector<16xf32>
        %swap3A_1060 = arith.constant 0 : i32
        %swap3A_1061 = arith.constant 0 : i32
        %swap3A_1062 = tpu.memref_slice %arg7[%select_n3A_173, %swap3A_1060, %swap3A_1061] : memref<2x128x64xf32, #tpu.memory_space<vmem>> -> memref<1x128x64xf32, #tpu.memory_space<vmem>>
        %swap3A_1063 = tpu.memref_squeeze %swap3A_1062 : memref<1x128x64xf32, #tpu.memory_space<vmem>> -> memref<128x64xf32, #tpu.memory_space<vmem>>
        %swap3A_1064 = arith.index_cast %scan3A_980 : i32 to index
        %swap3A_1065 = arith.constant 16 : index
        %swap3A_1066 = tpu.vector_load %swap3A_1063[%swap3A_1064, %swap3A_1065] {strides = array<i32>} : memref<128x64xf32, #tpu.memory_space<vmem>>, vector<16xf32>,
        tpu.vector_store %swap3A_1063[%swap3A_1064, %swap3A_1065], %mul3A_1059 {strides = array<i32>} : memref<128x64xf32, #tpu.memory_space<vmem>>, vector<16xf32>,
        %mul3A_1067 = arith.mulf %get3A_1001, %div3A_1050 : vector<16xf32>
        %swap3A_1068 = arith.constant 0 : i32
        %swap3A_1069 = arith.constant 0 : i32
        %swap3A_1070 = tpu.memref_slice %arg7[%select_n3A_173, %swap3A_1068, %swap3A_1069] : memref<2x128x64xf32, #tpu.memory_space<vmem>> -> memref<1x128x64xf32, #tpu.memory_space<vmem>>
        %swap3A_1071 = tpu.memref_squeeze %swap3A_1070 : memref<1x128x64xf32, #tpu.memory_space<vmem>> -> memref<128x64xf32, #tpu.memory_space<vmem>>
        %swap3A_1072 = arith.index_cast %scan3A_980 : i32 to index
        %swap3A_1073 = arith.constant 32 : index
        %swap3A_1074 = tpu.vector_load %swap3A_1071[%swap3A_1072, %swap3A_1073] {strides = array<i32>} : memref<128x64xf32, #tpu.memory_space<vmem>>, vector<16xf32>,
        tpu.vector_store %swap3A_1071[%swap3A_1072, %swap3A_1073], %mul3A_1067 {strides = array<i32>} : memref<128x64xf32, #tpu.memory_space<vmem>>, vector<16xf32>,
        %mul3A_1075 = arith.mulf %get3A_1008, %div3A_1050 : vector<16xf32>
        %swap3A_1076 = arith.constant 0 : i32
        %swap3A_1077 = arith.constant 0 : i32
        %swap3A_1078 = tpu.memref_slice %arg7[%select_n3A_173, %swap3A_1076, %swap3A_1077] : memref<2x128x64xf32, #tpu.memory_space<vmem>> -> memref<1x128x64xf32, #tpu.memory_space<vmem>>
        %swap3A_1079 = tpu.memref_squeeze %swap3A_1078 : memref<1x128x64xf32, #tpu.memory_space<vmem>> -> memref<128x64xf32, #tpu.memory_space<vmem>>
        %swap3A_1080 = arith.index_cast %scan3A_980 : i32 to index
        %swap3A_1081 = arith.constant 48 : index
        %swap3A_1082 = tpu.vector_load %swap3A_1079[%swap3A_1080, %swap3A_1081] {strides = array<i32>} : memref<128x64xf32, #tpu.memory_space<vmem>>, vector<16xf32>,
        tpu.vector_store %swap3A_1079[%swap3A_1080, %swap3A_1081], %mul3A_1075 {strides = array<i32>} : memref<128x64xf32, #tpu.memory_space<vmem>>, vector<16xf32>,
        %scan3A_1083 = arith.constant 8 : i32
        %scan3A_1084 = arith.addi %scan3A_258, %scan3A_1083 : i32
        %get3A_1085 = arith.constant 0 : i32
        %get3A_1086 = arith.constant 0 : i32
        %get3A_1087 = tpu.memref_slice %arg6[%select_n3A_231, %get3A_1085, %get3A_1086] : memref<4x128x128xf32, #tpu.memory_space<vmem>> -> memref<1x128x128xf32, #tpu.memory_space<vmem>>
        %get3A_1088 = tpu.memref_squeeze %get3A_1087 : memref<1x128x128xf32, #tpu.memory_space<vmem>> -> memref<128x128xf32, #tpu.memory_space<vmem>>
        %get3A_1089 = arith.index_cast %scan3A_1084 : i32 to index
        %get3A_1090 = arith.constant 0 : index
        %get3A_1091 = tpu.vector_load %get3A_1088[%get3A_1089, %get3A_1090] {strides = array<i32>} : memref<128x128xf32, #tpu.memory_space<vmem>>, vector<16xf32>,
        %get3A_1092 = arith.constant 0 : i32
        %get3A_1093 = arith.constant 0 : i32
        %get3A_1094 = tpu.memref_slice %arg6[%select_n3A_231, %get3A_1092, %get3A_1093] : memref<4x128x128xf32, #tpu.memory_space<vmem>> -> memref<1x128x128xf32, #tpu.memory_space<vmem>>
        %get3A_1095 = tpu.memref_squeeze %get3A_1094 : memref<1x128x128xf32, #tpu.memory_space<vmem>> -> memref<128x128xf32, #tpu.memory_space<vmem>>
        %get3A_1096 = arith.index_cast %scan3A_1084 : i32 to index
        %get3A_1097 = arith.constant 16 : index
        %get3A_1098 = tpu.vector_load %get3A_1095[%get3A_1096, %get3A_1097] {strides = array<i32>} : memref<128x128xf32, #tpu.memory_space<vmem>>, vector<16xf32>,
        %get3A_1099 = arith.constant 0 : i32
        %get3A_1100 = arith.constant 0 : i32
        %get3A_1101 = tpu.memref_slice %arg6[%select_n3A_231, %get3A_1099, %get3A_1100] : memref<4x128x128xf32, #tpu.memory_space<vmem>> -> memref<1x128x128xf32, #tpu.memory_space<vmem>>
        %get3A_1102 = tpu.memref_squeeze %get3A_1101 : memref<1x128x128xf32, #tpu.memory_space<vmem>> -> memref<128x128xf32, #tpu.memory_space<vmem>>
        %get3A_1103 = arith.index_cast %scan3A_1084 : i32 to index
        %get3A_1104 = arith.constant 32 : index
        %get3A_1105 = tpu.vector_load %get3A_1102[%get3A_1103, %get3A_1104] {strides = array<i32>} : memref<128x128xf32, #tpu.memory_space<vmem>>, vector<16xf32>,
        %get3A_1106 = arith.constant 0 : i32
        %get3A_1107 = arith.constant 0 : i32
        %get3A_1108 = tpu.memref_slice %arg6[%select_n3A_231, %get3A_1106, %get3A_1107] : memref<4x128x128xf32, #tpu.memory_space<vmem>> -> memref<1x128x128xf32, #tpu.memory_space<vmem>>
        %get3A_1109 = tpu.memref_squeeze %get3A_1108 : memref<1x128x128xf32, #tpu.memory_space<vmem>> -> memref<128x128xf32, #tpu.memory_space<vmem>>
        %get3A_1110 = arith.index_cast %scan3A_1084 : i32 to index
        %get3A_1111 = arith.constant 48 : index
        %get3A_1112 = tpu.vector_load %get3A_1109[%get3A_1110, %get3A_1111] {strides = array<i32>} : memref<128x128xf32, #tpu.memory_space<vmem>>, vector<16xf32>,
        %mul3A_1113 = arith.mulf %get3A_1091, %get3A_1091 : vector<16xf32>
        %mul3A_1114 = arith.mulf %get3A_1098, %get3A_1098 : vector<16xf32>
        %add3A_1115 = arith.addf %mul3A_1113, %mul3A_1114 : vector<16xf32>
        %mul3A_1116 = arith.mulf %get3A_1105, %get3A_1105 : vector<16xf32>
        %mul3A_1117 = arith.mulf %get3A_1112, %get3A_1112 : vector<16xf32>
        %add3A_1118 = arith.addf %mul3A_1116, %mul3A_1117 : vector<16xf32>
        %add3A_1119 = arith.addf %add3A_1115, %add3A_1118 : vector<16xf32>
        %iota3A_1120 = tpu.iota {dimensions = array<i32: 0>} : vector<16xi32>
        %xor3A_1121 = arith.constant 8 : i32
        %xor3A_1122 = vector.broadcast %xor3A_1121 : i32 to vector<16xi32>
        %xor3A_1123 = arith.xori %iota3A_1120, %xor3A_1122 : vector<16xi32>
        %broadcast_in_dim3A_1124 = vector.shape_cast %xor3A_1123 : vector<16xi32> to vector<16x1xi32>
        %gather3A_1125 = vector.shape_cast %broadcast_in_dim3A_1124 : vector<16x1xi32> to vector<16xi32>
        %gather3A_1126 = tpu.dynamic_gather %add3A_1119[%gather3A_1125] in [0] : vector<16xf32>, vector<16xi32> -> vector<16xf32>
        %add3A_1127 = arith.addf %add3A_1119, %gather3A_1126 : vector<16xf32>
        %xor3A_1128 = arith.constant 4 : i32
        %xor3A_1129 = vector.broadcast %xor3A_1128 : i32 to vector<16xi32>
        %xor3A_1130 = arith.xori %iota3A_1120, %xor3A_1129 : vector<16xi32>
        %broadcast_in_dim3A_1131 = vector.shape_cast %xor3A_1130 : vector<16xi32> to vector<16x1xi32>
        %gather3A_1132 = vector.shape_cast %broadcast_in_dim3A_1131 : vector<16x1xi32> to vector<16xi32>
        %gather3A_1133 = tpu.dynamic_gather %add3A_1127[%gather3A_1132] in [0] : vector<16xf32>, vector<16xi32> -> vector<16xf32>
        %add3A_1134 = arith.addf %add3A_1127, %gather3A_1133 : vector<16xf32>
        %xor3A_1135 = arith.constant 2 : i32
        %xor3A_1136 = vector.broadcast %xor3A_1135 : i32 to vector<16xi32>
        %xor3A_1137 = arith.xori %iota3A_1120, %xor3A_1136 : vector<16xi32>
        %broadcast_in_dim3A_1138 = vector.shape_cast %xor3A_1137 : vector<16xi32> to vector<16x1xi32>
        %gather3A_1139 = vector.shape_cast %broadcast_in_dim3A_1138 : vector<16x1xi32> to vector<16xi32>
        %gather3A_1140 = tpu.dynamic_gather %add3A_1134[%gather3A_1139] in [0] : vector<16xf32>, vector<16xi32> -> vector<16xf32>
        %add3A_1141 = arith.addf %add3A_1134, %gather3A_1140 : vector<16xf32>
        %xor3A_1142 = arith.constant 1 : i32
        %xor3A_1143 = vector.broadcast %xor3A_1142 : i32 to vector<16xi32>
        %xor3A_1144 = arith.xori %iota3A_1120, %xor3A_1143 : vector<16xi32>
        %broadcast_in_dim3A_1145 = vector.shape_cast %xor3A_1144 : vector<16xi32> to vector<16x1xi32>
        %gather3A_1146 = vector.shape_cast %broadcast_in_dim3A_1145 : vector<16x1xi32> to vector<16xi32>
        %gather3A_1147 = tpu.dynamic_gather %add3A_1141[%gather3A_1146] in [0] : vector<16xf32>, vector<16xi32> -> vector<16xf32>
        %add3A_1148 = arith.addf %add3A_1141, %gather3A_1147 : vector<16xf32>
        %sub3A_1149 = arith.constant 1.000010e+00 : f32
        %sub3A_1150 = vector.broadcast %sub3A_1149 : f32 to vector<16xf32>
        %sub3A_1151 = arith.subf %sub3A_1150, %add3A_1148 : vector<16xf32>
        %div3A_1152 = arith.constant 2.000000e+00 : f32
        %div3A_1153 = vector.broadcast %div3A_1152 : f32 to vector<16xf32>
        %div3A_1154 = arith.divf %div3A_1153, %sub3A_1151 : vector<16xf32>
        %mul3A_1155 = arith.mulf %get3A_1091, %div3A_1154 : vector<16xf32>
        %swap3A_1156 = arith.constant 0 : i32
        %swap3A_1157 = arith.constant 0 : i32
        %swap3A_1158 = tpu.memref_slice %arg7[%select_n3A_173, %swap3A_1156, %swap3A_1157] : memref<2x128x64xf32, #tpu.memory_space<vmem>> -> memref<1x128x64xf32, #tpu.memory_space<vmem>>
        %swap3A_1159 = tpu.memref_squeeze %swap3A_1158 : memref<1x128x64xf32, #tpu.memory_space<vmem>> -> memref<128x64xf32, #tpu.memory_space<vmem>>
        %swap3A_1160 = arith.index_cast %scan3A_1084 : i32 to index
        %swap3A_1161 = arith.constant 0 : index
        %swap3A_1162 = tpu.vector_load %swap3A_1159[%swap3A_1160, %swap3A_1161] {strides = array<i32>} : memref<128x64xf32, #tpu.memory_space<vmem>>, vector<16xf32>,
        tpu.vector_store %swap3A_1159[%swap3A_1160, %swap3A_1161], %mul3A_1155 {strides = array<i32>} : memref<128x64xf32, #tpu.memory_space<vmem>>, vector<16xf32>,
        %mul3A_1163 = arith.mulf %get3A_1098, %div3A_1154 : vector<16xf32>
        %swap3A_1164 = arith.constant 0 : i32
        %swap3A_1165 = arith.constant 0 : i32
        %swap3A_1166 = tpu.memref_slice %arg7[%select_n3A_173, %swap3A_1164, %swap3A_1165] : memref<2x128x64xf32, #tpu.memory_space<vmem>> -> memref<1x128x64xf32, #tpu.memory_space<vmem>>
        %swap3A_1167 = tpu.memref_squeeze %swap3A_1166 : memref<1x128x64xf32, #tpu.memory_space<vmem>> -> memref<128x64xf32, #tpu.memory_space<vmem>>
        %swap3A_1168 = arith.index_cast %scan3A_1084 : i32 to index
        %swap3A_1169 = arith.constant 16 : index
        %swap3A_1170 = tpu.vector_load %swap3A_1167[%swap3A_1168, %swap3A_1169] {strides = array<i32>} : memref<128x64xf32, #tpu.memory_space<vmem>>, vector<16xf32>,
        tpu.vector_store %swap3A_1167[%swap3A_1168, %swap3A_1169], %mul3A_1163 {strides = array<i32>} : memref<128x64xf32, #tpu.memory_space<vmem>>, vector<16xf32>,
        %mul3A_1171 = arith.mulf %get3A_1105, %div3A_1154 : vector<16xf32>
        %swap3A_1172 = arith.constant 0 : i32
        %swap3A_1173 = arith.constant 0 : i32
        %swap3A_1174 = tpu.memref_slice %arg7[%select_n3A_173, %swap3A_1172, %swap3A_1173] : memref<2x128x64xf32, #tpu.memory_space<vmem>> -> memref<1x128x64xf32, #tpu.memory_space<vmem>>
        %swap3A_1175 = tpu.memref_squeeze %swap3A_1174 : memref<1x128x64xf32, #tpu.memory_space<vmem>> -> memref<128x64xf32, #tpu.memory_space<vmem>>
        %swap3A_1176 = arith.index_cast %scan3A_1084 : i32 to index
        %swap3A_1177 = arith.constant 32 : index
        %swap3A_1178 = tpu.vector_load %swap3A_1175[%swap3A_1176, %swap3A_1177] {strides = array<i32>} : memref<128x64xf32, #tpu.memory_space<vmem>>, vector<16xf32>,
        tpu.vector_store %swap3A_1175[%swap3A_1176, %swap3A_1177], %mul3A_1171 {strides = array<i32>} : memref<128x64xf32, #tpu.memory_space<vmem>>, vector<16xf32>,
        %mul3A_1179 = arith.mulf %get3A_1112, %div3A_1154 : vector<16xf32>
        %swap3A_1180 = arith.constant 0 : i32
        %swap3A_1181 = arith.constant 0 : i32
        %swap3A_1182 = tpu.memref_slice %arg7[%select_n3A_173, %swap3A_1180, %swap3A_1181] : memref<2x128x64xf32, #tpu.memory_space<vmem>> -> memref<1x128x64xf32, #tpu.memory_space<vmem>>
        %swap3A_1183 = tpu.memref_squeeze %swap3A_1182 : memref<1x128x64xf32, #tpu.memory_space<vmem>> -> memref<128x64xf32, #tpu.memory_space<vmem>>
        %swap3A_1184 = arith.index_cast %scan3A_1084 : i32 to index
        %swap3A_1185 = arith.constant 48 : index
        %swap3A_1186 = tpu.vector_load %swap3A_1183[%swap3A_1184, %swap3A_1185] {strides = array<i32>} : memref<128x64xf32, #tpu.memory_space<vmem>>, vector<16xf32>,
        tpu.vector_store %swap3A_1183[%swap3A_1184, %swap3A_1185], %mul3A_1179 {strides = array<i32>} : memref<128x64xf32, #tpu.memory_space<vmem>>, vector<16xf32>,
        %scan3A_1187 = arith.constant 9 : i32
        %scan3A_1188 = arith.addi %scan3A_258, %scan3A_1187 : i32
        %get3A_1189 = arith.constant 0 : i32
        %get3A_1190 = arith.constant 0 : i32
        %get3A_1191 = tpu.memref_slice %arg6[%select_n3A_231, %get3A_1189, %get3A_1190] : memref<4x128x128xf32, #tpu.memory_space<vmem>> -> memref<1x128x128xf32, #tpu.memory_space<vmem>>
        %get3A_1192 = tpu.memref_squeeze %get3A_1191 : memref<1x128x128xf32, #tpu.memory_space<vmem>> -> memref<128x128xf32, #tpu.memory_space<vmem>>
        %get3A_1193 = arith.index_cast %scan3A_1188 : i32 to index
        %get3A_1194 = arith.constant 0 : index
        %get3A_1195 = tpu.vector_load %get3A_1192[%get3A_1193, %get3A_1194] {strides = array<i32>} : memref<128x128xf32, #tpu.memory_space<vmem>>, vector<16xf32>,
        %get3A_1196 = arith.constant 0 : i32
        %get3A_1197 = arith.constant 0 : i32
        %get3A_1198 = tpu.memref_slice %arg6[%select_n3A_231, %get3A_1196, %get3A_1197] : memref<4x128x128xf32, #tpu.memory_space<vmem>> -> memref<1x128x128xf32, #tpu.memory_space<vmem>>
        %get3A_1199 = tpu.memref_squeeze %get3A_1198 : memref<1x128x128xf32, #tpu.memory_space<vmem>> -> memref<128x128xf32, #tpu.memory_space<vmem>>
        %get3A_1200 = arith.index_cast %scan3A_1188 : i32 to index
        %get3A_1201 = arith.constant 16 : index
        %get3A_1202 = tpu.vector_load %get3A_1199[%get3A_1200, %get3A_1201] {strides = array<i32>} : memref<128x128xf32, #tpu.memory_space<vmem>>, vector<16xf32>,
        %get3A_1203 = arith.constant 0 : i32
        %get3A_1204 = arith.constant 0 : i32
        %get3A_1205 = tpu.memref_slice %arg6[%select_n3A_231, %get3A_1203, %get3A_1204] : memref<4x128x128xf32, #tpu.memory_space<vmem>> -> memref<1x128x128xf32, #tpu.memory_space<vmem>>
        %get3A_1206 = tpu.memref_squeeze %get3A_1205 : memref<1x128x128xf32, #tpu.memory_space<vmem>> -> memref<128x128xf32, #tpu.memory_space<vmem>>
        %get3A_1207 = arith.index_cast %scan3A_1188 : i32 to index
        %get3A_1208 = arith.constant 32 : index
        %get3A_1209 = tpu.vector_load %get3A_1206[%get3A_1207, %get3A_1208] {strides = array<i32>} : memref<128x128xf32, #tpu.memory_space<vmem>>, vector<16xf32>,
        %get3A_1210 = arith.constant 0 : i32
        %get3A_1211 = arith.constant 0 : i32
        %get3A_1212 = tpu.memref_slice %arg6[%select_n3A_231, %get3A_1210, %get3A_1211] : memref<4x128x128xf32, #tpu.memory_space<vmem>> -> memref<1x128x128xf32, #tpu.memory_space<vmem>>
        %get3A_1213 = tpu.memref_squeeze %get3A_1212 : memref<1x128x128xf32, #tpu.memory_space<vmem>> -> memref<128x128xf32, #tpu.memory_space<vmem>>
        %get3A_1214 = arith.index_cast %scan3A_1188 : i32 to index
        %get3A_1215 = arith.constant 48 : index
        %get3A_1216 = tpu.vector_load %get3A_1213[%get3A_1214, %get3A_1215] {strides = array<i32>} : memref<128x128xf32, #tpu.memory_space<vmem>>, vector<16xf32>,
        %mul3A_1217 = arith.mulf %get3A_1195, %get3A_1195 : vector<16xf32>
        %mul3A_1218 = arith.mulf %get3A_1202, %get3A_1202 : vector<16xf32>
        %add3A_1219 = arith.addf %mul3A_1217, %mul3A_1218 : vector<16xf32>
        %mul3A_1220 = arith.mulf %get3A_1209, %get3A_1209 : vector<16xf32>
        %mul3A_1221 = arith.mulf %get3A_1216, %get3A_1216 : vector<16xf32>
        %add3A_1222 = arith.addf %mul3A_1220, %mul3A_1221 : vector<16xf32>
        %add3A_1223 = arith.addf %add3A_1219, %add3A_1222 : vector<16xf32>
        %iota3A_1224 = tpu.iota {dimensions = array<i32: 0>} : vector<16xi32>
        %xor3A_1225 = arith.constant 8 : i32
        %xor3A_1226 = vector.broadcast %xor3A_1225 : i32 to vector<16xi32>
        %xor3A_1227 = arith.xori %iota3A_1224, %xor3A_1226 : vector<16xi32>
        %broadcast_in_dim3A_1228 = vector.shape_cast %xor3A_1227 : vector<16xi32> to vector<16x1xi32>
        %gather3A_1229 = vector.shape_cast %broadcast_in_dim3A_1228 : vector<16x1xi32> to vector<16xi32>
        %gather3A_1230 = tpu.dynamic_gather %add3A_1223[%gather3A_1229] in [0] : vector<16xf32>, vector<16xi32> -> vector<16xf32>
        %add3A_1231 = arith.addf %add3A_1223, %gather3A_1230 : vector<16xf32>
        %xor3A_1232 = arith.constant 4 : i32
        %xor3A_1233 = vector.broadcast %xor3A_1232 : i32 to vector<16xi32>
        %xor3A_1234 = arith.xori %iota3A_1224, %xor3A_1233 : vector<16xi32>
        %broadcast_in_dim3A_1235 = vector.shape_cast %xor3A_1234 : vector<16xi32> to vector<16x1xi32>
        %gather3A_1236 = vector.shape_cast %broadcast_in_dim3A_1235 : vector<16x1xi32> to vector<16xi32>
        %gather3A_1237 = tpu.dynamic_gather %add3A_1231[%gather3A_1236] in [0] : vector<16xf32>, vector<16xi32> -> vector<16xf32>
        %add3A_1238 = arith.addf %add3A_1231, %gather3A_1237 : vector<16xf32>
        %xor3A_1239 = arith.constant 2 : i32
        %xor3A_1240 = vector.broadcast %xor3A_1239 : i32 to vector<16xi32>
        %xor3A_1241 = arith.xori %iota3A_1224, %xor3A_1240 : vector<16xi32>
        %broadcast_in_dim3A_1242 = vector.shape_cast %xor3A_1241 : vector<16xi32> to vector<16x1xi32>
        %gather3A_1243 = vector.shape_cast %broadcast_in_dim3A_1242 : vector<16x1xi32> to vector<16xi32>
        %gather3A_1244 = tpu.dynamic_gather %add3A_1238[%gather3A_1243] in [0] : vector<16xf32>, vector<16xi32> -> vector<16xf32>
        %add3A_1245 = arith.addf %add3A_1238, %gather3A_1244 : vector<16xf32>
        %xor3A_1246 = arith.constant 1 : i32
        %xor3A_1247 = vector.broadcast %xor3A_1246 : i32 to vector<16xi32>
        %xor3A_1248 = arith.xori %iota3A_1224, %xor3A_1247 : vector<16xi32>
        %broadcast_in_dim3A_1249 = vector.shape_cast %xor3A_1248 : vector<16xi32> to vector<16x1xi32>
        %gather3A_1250 = vector.shape_cast %broadcast_in_dim3A_1249 : vector<16x1xi32> to vector<16xi32>
        %gather3A_1251 = tpu.dynamic_gather %add3A_1245[%gather3A_1250] in [0] : vector<16xf32>, vector<16xi32> -> vector<16xf32>
        %add3A_1252 = arith.addf %add3A_1245, %gather3A_1251 : vector<16xf32>
        %sub3A_1253 = arith.constant 1.000010e+00 : f32
        %sub3A_1254 = vector.broadcast %sub3A_1253 : f32 to vector<16xf32>
        %sub3A_1255 = arith.subf %sub3A_1254, %add3A_1252 : vector<16xf32>
        %div3A_1256 = arith.constant 2.000000e+00 : f32
        %div3A_1257 = vector.broadcast %div3A_1256 : f32 to vector<16xf32>
        %div3A_1258 = arith.divf %div3A_1257, %sub3A_1255 : vector<16xf32>
        %mul3A_1259 = arith.mulf %get3A_1195, %div3A_1258 : vector<16xf32>
        %swap3A_1260 = arith.constant 0 : i32
        %swap3A_1261 = arith.constant 0 : i32
        %swap3A_1262 = tpu.memref_slice %arg7[%select_n3A_173, %swap3A_1260, %swap3A_1261] : memref<2x128x64xf32, #tpu.memory_space<vmem>> -> memref<1x128x64xf32, #tpu.memory_space<vmem>>
        %swap3A_1263 = tpu.memref_squeeze %swap3A_1262 : memref<1x128x64xf32, #tpu.memory_space<vmem>> -> memref<128x64xf32, #tpu.memory_space<vmem>>
        %swap3A_1264 = arith.index_cast %scan3A_1188 : i32 to index
        %swap3A_1265 = arith.constant 0 : index
        %swap3A_1266 = tpu.vector_load %swap3A_1263[%swap3A_1264, %swap3A_1265] {strides = array<i32>} : memref<128x64xf32, #tpu.memory_space<vmem>>, vector<16xf32>,
        tpu.vector_store %swap3A_1263[%swap3A_1264, %swap3A_1265], %mul3A_1259 {strides = array<i32>} : memref<128x64xf32, #tpu.memory_space<vmem>>, vector<16xf32>,
        %mul3A_1267 = arith.mulf %get3A_1202, %div3A_1258 : vector<16xf32>
        %swap3A_1268 = arith.constant 0 : i32
        %swap3A_1269 = arith.constant 0 : i32
        %swap3A_1270 = tpu.memref_slice %arg7[%select_n3A_173, %swap3A_1268, %swap3A_1269] : memref<2x128x64xf32, #tpu.memory_space<vmem>> -> memref<1x128x64xf32, #tpu.memory_space<vmem>>
        %swap3A_1271 = tpu.memref_squeeze %swap3A_1270 : memref<1x128x64xf32, #tpu.memory_space<vmem>> -> memref<128x64xf32, #tpu.memory_space<vmem>>
        %swap3A_1272 = arith.index_cast %scan3A_1188 : i32 to index
        %swap3A_1273 = arith.constant 16 : index
        %swap3A_1274 = tpu.vector_load %swap3A_1271[%swap3A_1272, %swap3A_1273] {strides = array<i32>} : memref<128x64xf32, #tpu.memory_space<vmem>>, vector<16xf32>,
        tpu.vector_store %swap3A_1271[%swap3A_1272, %swap3A_1273], %mul3A_1267 {strides = array<i32>} : memref<128x64xf32, #tpu.memory_space<vmem>>, vector<16xf32>,
        %mul3A_1275 = arith.mulf %get3A_1209, %div3A_1258 : vector<16xf32>
        %swap3A_1276 = arith.constant 0 : i32
        %swap3A_1277 = arith.constant 0 : i32
        %swap3A_1278 = tpu.memref_slice %arg7[%select_n3A_173, %swap3A_1276, %swap3A_1277] : memref<2x128x64xf32, #tpu.memory_space<vmem>> -> memref<1x128x64xf32, #tpu.memory_space<vmem>>
        %swap3A_1279 = tpu.memref_squeeze %swap3A_1278 : memref<1x128x64xf32, #tpu.memory_space<vmem>> -> memref<128x64xf32, #tpu.memory_space<vmem>>
        %swap3A_1280 = arith.index_cast %scan3A_1188 : i32 to index
        %swap3A_1281 = arith.constant 32 : index
        %swap3A_1282 = tpu.vector_load %swap3A_1279[%swap3A_1280, %swap3A_1281] {strides = array<i32>} : memref<128x64xf32, #tpu.memory_space<vmem>>, vector<16xf32>,
        tpu.vector_store %swap3A_1279[%swap3A_1280, %swap3A_1281], %mul3A_1275 {strides = array<i32>} : memref<128x64xf32, #tpu.memory_space<vmem>>, vector<16xf32>,
        %mul3A_1283 = arith.mulf %get3A_1216, %div3A_1258 : vector<16xf32>
        %swap3A_1284 = arith.constant 0 : i32
        %swap3A_1285 = arith.constant 0 : i32
        %swap3A_1286 = tpu.memref_slice %arg7[%select_n3A_173, %swap3A_1284, %swap3A_1285] : memref<2x128x64xf32, #tpu.memory_space<vmem>> -> memref<1x128x64xf32, #tpu.memory_space<vmem>>
        %swap3A_1287 = tpu.memref_squeeze %swap3A_1286 : memref<1x128x64xf32, #tpu.memory_space<vmem>> -> memref<128x64xf32, #tpu.memory_space<vmem>>
        %swap3A_1288 = arith.index_cast %scan3A_1188 : i32 to index
        %swap3A_1289 = arith.constant 48 : index
        %swap3A_1290 = tpu.vector_load %swap3A_1287[%swap3A_1288, %swap3A_1289] {strides = array<i32>} : memref<128x64xf32, #tpu.memory_space<vmem>>, vector<16xf32>,
        tpu.vector_store %swap3A_1287[%swap3A_1288, %swap3A_1289], %mul3A_1283 {strides = array<i32>} : memref<128x64xf32, #tpu.memory_space<vmem>>, vector<16xf32>,
        %scan3A_1291 = arith.constant 10 : i32
        %scan3A_1292 = arith.addi %scan3A_258, %scan3A_1291 : i32
        %get3A_1293 = arith.constant 0 : i32
        %get3A_1294 = arith.constant 0 : i32
        %get3A_1295 = tpu.memref_slice %arg6[%select_n3A_231, %get3A_1293, %get3A_1294] : memref<4x128x128xf32, #tpu.memory_space<vmem>> -> memref<1x128x128xf32, #tpu.memory_space<vmem>>
        %get3A_1296 = tpu.memref_squeeze %get3A_1295 : memref<1x128x128xf32, #tpu.memory_space<vmem>> -> memref<128x128xf32, #tpu.memory_space<vmem>>
        %get3A_1297 = arith.index_cast %scan3A_1292 : i32 to index
        %get3A_1298 = arith.constant 0 : index
        %get3A_1299 = tpu.vector_load %get3A_1296[%get3A_1297, %get3A_1298] {strides = array<i32>} : memref<128x128xf32, #tpu.memory_space<vmem>>, vector<16xf32>,
        %get3A_1300 = arith.constant 0 : i32
        %get3A_1301 = arith.constant 0 : i32
        %get3A_1302 = tpu.memref_slice %arg6[%select_n3A_231, %get3A_1300, %get3A_1301] : memref<4x128x128xf32, #tpu.memory_space<vmem>> -> memref<1x128x128xf32, #tpu.memory_space<vmem>>
        %get3A_1303 = tpu.memref_squeeze %get3A_1302 : memref<1x128x128xf32, #tpu.memory_space<vmem>> -> memref<128x128xf32, #tpu.memory_space<vmem>>
        %get3A_1304 = arith.index_cast %scan3A_1292 : i32 to index
        %get3A_1305 = arith.constant 16 : index
        %get3A_1306 = tpu.vector_load %get3A_1303[%get3A_1304, %get3A_1305] {strides = array<i32>} : memref<128x128xf32, #tpu.memory_space<vmem>>, vector<16xf32>,
        %get3A_1307 = arith.constant 0 : i32
        %get3A_1308 = arith.constant 0 : i32
        %get3A_1309 = tpu.memref_slice %arg6[%select_n3A_231, %get3A_1307, %get3A_1308] : memref<4x128x128xf32, #tpu.memory_space<vmem>> -> memref<1x128x128xf32, #tpu.memory_space<vmem>>
        %get3A_1310 = tpu.memref_squeeze %get3A_1309 : memref<1x128x128xf32, #tpu.memory_space<vmem>> -> memref<128x128xf32, #tpu.memory_space<vmem>>
        %get3A_1311 = arith.index_cast %scan3A_1292 : i32 to index
        %get3A_1312 = arith.constant 32 : index
        %get3A_1313 = tpu.vector_load %get3A_1310[%get3A_1311, %get3A_1312] {strides = array<i32>} : memref<128x128xf32, #tpu.memory_space<vmem>>, vector<16xf32>,
        %get3A_1314 = arith.constant 0 : i32
        %get3A_1315 = arith.constant 0 : i32
        %get3A_1316 = tpu.memref_slice %arg6[%select_n3A_231, %get3A_1314, %get3A_1315] : memref<4x128x128xf32, #tpu.memory_space<vmem>> -> memref<1x128x128xf32, #tpu.memory_space<vmem>>
        %get3A_1317 = tpu.memref_squeeze %get3A_1316 : memref<1x128x128xf32, #tpu.memory_space<vmem>> -> memref<128x128xf32, #tpu.memory_space<vmem>>
        %get3A_1318 = arith.index_cast %scan3A_1292 : i32 to index
        %get3A_1319 = arith.constant 48 : index
        %get3A_1320 = tpu.vector_load %get3A_1317[%get3A_1318, %get3A_1319] {strides = array<i32>} : memref<128x128xf32, #tpu.memory_space<vmem>>, vector<16xf32>,
        %mul3A_1321 = arith.mulf %get3A_1299, %get3A_1299 : vector<16xf32>
        %mul3A_1322 = arith.mulf %get3A_1306, %get3A_1306 : vector<16xf32>
        %add3A_1323 = arith.addf %mul3A_1321, %mul3A_1322 : vector<16xf32>
        %mul3A_1324 = arith.mulf %get3A_1313, %get3A_1313 : vector<16xf32>
        %mul3A_1325 = arith.mulf %get3A_1320, %get3A_1320 : vector<16xf32>
        %add3A_1326 = arith.addf %mul3A_1324, %mul3A_1325 : vector<16xf32>
        %add3A_1327 = arith.addf %add3A_1323, %add3A_1326 : vector<16xf32>
        %iota3A_1328 = tpu.iota {dimensions = array<i32: 0>} : vector<16xi32>
        %xor3A_1329 = arith.constant 8 : i32
        %xor3A_1330 = vector.broadcast %xor3A_1329 : i32 to vector<16xi32>
        %xor3A_1331 = arith.xori %iota3A_1328, %xor3A_1330 : vector<16xi32>
        %broadcast_in_dim3A_1332 = vector.shape_cast %xor3A_1331 : vector<16xi32> to vector<16x1xi32>
        %gather3A_1333 = vector.shape_cast %broadcast_in_dim3A_1332 : vector<16x1xi32> to vector<16xi32>
        %gather3A_1334 = tpu.dynamic_gather %add3A_1327[%gather3A_1333] in [0] : vector<16xf32>, vector<16xi32> -> vector<16xf32>
        %add3A_1335 = arith.addf %add3A_1327, %gather3A_1334 : vector<16xf32>
        %xor3A_1336 = arith.constant 4 : i32
        %xor3A_1337 = vector.broadcast %xor3A_1336 : i32 to vector<16xi32>
        %xor3A_1338 = arith.xori %iota3A_1328, %xor3A_1337 : vector<16xi32>
        %broadcast_in_dim3A_1339 = vector.shape_cast %xor3A_1338 : vector<16xi32> to vector<16x1xi32>
        %gather3A_1340 = vector.shape_cast %broadcast_in_dim3A_1339 : vector<16x1xi32> to vector<16xi32>
        %gather3A_1341 = tpu.dynamic_gather %add3A_1335[%gather3A_1340] in [0] : vector<16xf32>, vector<16xi32> -> vector<16xf32>
        %add3A_1342 = arith.addf %add3A_1335, %gather3A_1341 : vector<16xf32>
        %xor3A_1343 = arith.constant 2 : i32
        %xor3A_1344 = vector.broadcast %xor3A_1343 : i32 to vector<16xi32>
        %xor3A_1345 = arith.xori %iota3A_1328, %xor3A_1344 : vector<16xi32>
        %broadcast_in_dim3A_1346 = vector.shape_cast %xor3A_1345 : vector<16xi32> to vector<16x1xi32>
        %gather3A_1347 = vector.shape_cast %broadcast_in_dim3A_1346 : vector<16x1xi32> to vector<16xi32>
        %gather3A_1348 = tpu.dynamic_gather %add3A_1342[%gather3A_1347] in [0] : vector<16xf32>, vector<16xi32> -> vector<16xf32>
        %add3A_1349 = arith.addf %add3A_1342, %gather3A_1348 : vector<16xf32>
        %xor3A_1350 = arith.constant 1 : i32
        %xor3A_1351 = vector.broadcast %xor3A_1350 : i32 to vector<16xi32>
        %xor3A_1352 = arith.xori %iota3A_1328, %xor3A_1351 : vector<16xi32>
        %broadcast_in_dim3A_1353 = vector.shape_cast %xor3A_1352 : vector<16xi32> to vector<16x1xi32>
        %gather3A_1354 = vector.shape_cast %broadcast_in_dim3A_1353 : vector<16x1xi32> to vector<16xi32>
        %gather3A_1355 = tpu.dynamic_gather %add3A_1349[%gather3A_1354] in [0] : vector<16xf32>, vector<16xi32> -> vector<16xf32>
        %add3A_1356 = arith.addf %add3A_1349, %gather3A_1355 : vector<16xf32>
        %sub3A_1357 = arith.constant 1.000010e+00 : f32
        %sub3A_1358 = vector.broadcast %sub3A_1357 : f32 to vector<16xf32>
        %sub3A_1359 = arith.subf %sub3A_1358, %add3A_1356 : vector<16xf32>
        %div3A_1360 = arith.constant 2.000000e+00 : f32
        %div3A_1361 = vector.broadcast %div3A_1360 : f32 to vector<16xf32>
        %div3A_1362 = arith.divf %div3A_1361, %sub3A_1359 : vector<16xf32>
        %mul3A_1363 = arith.mulf %get3A_1299, %div3A_1362 : vector<16xf32>
        %swap3A_1364 = arith.constant 0 : i32
        %swap3A_1365 = arith.constant 0 : i32
        %swap3A_1366 = tpu.memref_slice %arg7[%select_n3A_173, %swap3A_1364, %swap3A_1365] : memref<2x128x64xf32, #tpu.memory_space<vmem>> -> memref<1x128x64xf32, #tpu.memory_space<vmem>>
        %swap3A_1367 = tpu.memref_squeeze %swap3A_1366 : memref<1x128x64xf32, #tpu.memory_space<vmem>> -> memref<128x64xf32, #tpu.memory_space<vmem>>
        %swap3A_1368 = arith.index_cast %scan3A_1292 : i32 to index
        %swap3A_1369 = arith.constant 0 : index
        %swap3A_1370 = tpu.vector_load %swap3A_1367[%swap3A_1368, %swap3A_1369] {strides = array<i32>} : memref<128x64xf32, #tpu.memory_space<vmem>>, vector<16xf32>,
        tpu.vector_store %swap3A_1367[%swap3A_1368, %swap3A_1369], %mul3A_1363 {strides = array<i32>} : memref<128x64xf32, #tpu.memory_space<vmem>>, vector<16xf32>,
        %mul3A_1371 = arith.mulf %get3A_1306, %div3A_1362 : vector<16xf32>
        %swap3A_1372 = arith.constant 0 : i32
        %swap3A_1373 = arith.constant 0 : i32
        %swap3A_1374 = tpu.memref_slice %arg7[%select_n3A_173, %swap3A_1372, %swap3A_1373] : memref<2x128x64xf32, #tpu.memory_space<vmem>> -> memref<1x128x64xf32, #tpu.memory_space<vmem>>
        %swap3A_1375 = tpu.memref_squeeze %swap3A_1374 : memref<1x128x64xf32, #tpu.memory_space<vmem>> -> memref<128x64xf32, #tpu.memory_space<vmem>>
        %swap3A_1376 = arith.index_cast %scan3A_1292 : i32 to index
        %swap3A_1377 = arith.constant 16 : index
        %swap3A_1378 = tpu.vector_load %swap3A_1375[%swap3A_1376, %swap3A_1377] {strides = array<i32>} : memref<128x64xf32, #tpu.memory_space<vmem>>, vector<16xf32>,
        tpu.vector_store %swap3A_1375[%swap3A_1376, %swap3A_1377], %mul3A_1371 {strides = array<i32>} : memref<128x64xf32, #tpu.memory_space<vmem>>, vector<16xf32>,
        %mul3A_1379 = arith.mulf %get3A_1313, %div3A_1362 : vector<16xf32>
        %swap3A_1380 = arith.constant 0 : i32
        %swap3A_1381 = arith.constant 0 : i32
        %swap3A_1382 = tpu.memref_slice %arg7[%select_n3A_173, %swap3A_1380, %swap3A_1381] : memref<2x128x64xf32, #tpu.memory_space<vmem>> -> memref<1x128x64xf32, #tpu.memory_space<vmem>>
        %swap3A_1383 = tpu.memref_squeeze %swap3A_1382 : memref<1x128x64xf32, #tpu.memory_space<vmem>> -> memref<128x64xf32, #tpu.memory_space<vmem>>
        %swap3A_1384 = arith.index_cast %scan3A_1292 : i32 to index
        %swap3A_1385 = arith.constant 32 : index
        %swap3A_1386 = tpu.vector_load %swap3A_1383[%swap3A_1384, %swap3A_1385] {strides = array<i32>} : memref<128x64xf32, #tpu.memory_space<vmem>>, vector<16xf32>,
        tpu.vector_store %swap3A_1383[%swap3A_1384, %swap3A_1385], %mul3A_1379 {strides = array<i32>} : memref<128x64xf32, #tpu.memory_space<vmem>>, vector<16xf32>,
        %mul3A_1387 = arith.mulf %get3A_1320, %div3A_1362 : vector<16xf32>
        %swap3A_1388 = arith.constant 0 : i32
        %swap3A_1389 = arith.constant 0 : i32
        %swap3A_1390 = tpu.memref_slice %arg7[%select_n3A_173, %swap3A_1388, %swap3A_1389] : memref<2x128x64xf32, #tpu.memory_space<vmem>> -> memref<1x128x64xf32, #tpu.memory_space<vmem>>
        %swap3A_1391 = tpu.memref_squeeze %swap3A_1390 : memref<1x128x64xf32, #tpu.memory_space<vmem>> -> memref<128x64xf32, #tpu.memory_space<vmem>>
        %swap3A_1392 = arith.index_cast %scan3A_1292 : i32 to index
        %swap3A_1393 = arith.constant 48 : index
        %swap3A_1394 = tpu.vector_load %swap3A_1391[%swap3A_1392, %swap3A_1393] {strides = array<i32>} : memref<128x64xf32, #tpu.memory_space<vmem>>, vector<16xf32>,
        tpu.vector_store %swap3A_1391[%swap3A_1392, %swap3A_1393], %mul3A_1387 {strides = array<i32>} : memref<128x64xf32, #tpu.memory_space<vmem>>, vector<16xf32>,
        %scan3A_1395 = arith.constant 11 : i32
        %scan3A_1396 = arith.addi %scan3A_258, %scan3A_1395 : i32
        %get3A_1397 = arith.constant 0 : i32
        %get3A_1398 = arith.constant 0 : i32
        %get3A_1399 = tpu.memref_slice %arg6[%select_n3A_231, %get3A_1397, %get3A_1398] : memref<4x128x128xf32, #tpu.memory_space<vmem>> -> memref<1x128x128xf32, #tpu.memory_space<vmem>>
        %get3A_1400 = tpu.memref_squeeze %get3A_1399 : memref<1x128x128xf32, #tpu.memory_space<vmem>> -> memref<128x128xf32, #tpu.memory_space<vmem>>
        %get3A_1401 = arith.index_cast %scan3A_1396 : i32 to index
        %get3A_1402 = arith.constant 0 : index
        %get3A_1403 = tpu.vector_load %get3A_1400[%get3A_1401, %get3A_1402] {strides = array<i32>} : memref<128x128xf32, #tpu.memory_space<vmem>>, vector<16xf32>,
        %get3A_1404 = arith.constant 0 : i32
        %get3A_1405 = arith.constant 0 : i32
        %get3A_1406 = tpu.memref_slice %arg6[%select_n3A_231, %get3A_1404, %get3A_1405] : memref<4x128x128xf32, #tpu.memory_space<vmem>> -> memref<1x128x128xf32, #tpu.memory_space<vmem>>
        %get3A_1407 = tpu.memref_squeeze %get3A_1406 : memref<1x128x128xf32, #tpu.memory_space<vmem>> -> memref<128x128xf32, #tpu.memory_space<vmem>>
        %get3A_1408 = arith.index_cast %scan3A_1396 : i32 to index
        %get3A_1409 = arith.constant 16 : index
        %get3A_1410 = tpu.vector_load %get3A_1407[%get3A_1408, %get3A_1409] {strides = array<i32>} : memref<128x128xf32, #tpu.memory_space<vmem>>, vector<16xf32>,
        %get3A_1411 = arith.constant 0 : i32
        %get3A_1412 = arith.constant 0 : i32
        %get3A_1413 = tpu.memref_slice %arg6[%select_n3A_231, %get3A_1411, %get3A_1412] : memref<4x128x128xf32, #tpu.memory_space<vmem>> -> memref<1x128x128xf32, #tpu.memory_space<vmem>>
        %get3A_1414 = tpu.memref_squeeze %get3A_1413 : memref<1x128x128xf32, #tpu.memory_space<vmem>> -> memref<128x128xf32, #tpu.memory_space<vmem>>
        %get3A_1415 = arith.index_cast %scan3A_1396 : i32 to index
        %get3A_1416 = arith.constant 32 : index
        %get3A_1417 = tpu.vector_load %get3A_1414[%get3A_1415, %get3A_1416] {strides = array<i32>} : memref<128x128xf32, #tpu.memory_space<vmem>>, vector<16xf32>,
        %get3A_1418 = arith.constant 0 : i32
        %get3A_1419 = arith.constant 0 : i32
        %get3A_1420 = tpu.memref_slice %arg6[%select_n3A_231, %get3A_1418, %get3A_1419] : memref<4x128x128xf32, #tpu.memory_space<vmem>> -> memref<1x128x128xf32, #tpu.memory_space<vmem>>
        %get3A_1421 = tpu.memref_squeeze %get3A_1420 : memref<1x128x128xf32, #tpu.memory_space<vmem>> -> memref<128x128xf32, #tpu.memory_space<vmem>>
        %get3A_1422 = arith.index_cast %scan3A_1396 : i32 to index
        %get3A_1423 = arith.constant 48 : index
        %get3A_1424 = tpu.vector_load %get3A_1421[%get3A_1422, %get3A_1423] {strides = array<i32>} : memref<128x128xf32, #tpu.memory_space<vmem>>, vector<16xf32>,
        %mul3A_1425 = arith.mulf %get3A_1403, %get3A_1403 : vector<16xf32>
        %mul3A_1426 = arith.mulf %get3A_1410, %get3A_1410 : vector<16xf32>
        %add3A_1427 = arith.addf %mul3A_1425, %mul3A_1426 : vector<16xf32>
        %mul3A_1428 = arith.mulf %get3A_1417, %get3A_1417 : vector<16xf32>
        %mul3A_1429 = arith.mulf %get3A_1424, %get3A_1424 : vector<16xf32>
        %add3A_1430 = arith.addf %mul3A_1428, %mul3A_1429 : vector<16xf32>
        %add3A_1431 = arith.addf %add3A_1427, %add3A_1430 : vector<16xf32>
        %iota3A_1432 = tpu.iota {dimensions = array<i32: 0>} : vector<16xi32>
        %xor3A_1433 = arith.constant 8 : i32
        %xor3A_1434 = vector.broadcast %xor3A_1433 : i32 to vector<16xi32>
        %xor3A_1435 = arith.xori %iota3A_1432, %xor3A_1434 : vector<16xi32>
        %broadcast_in_dim3A_1436 = vector.shape_cast %xor3A_1435 : vector<16xi32> to vector<16x1xi32>
        %gather3A_1437 = vector.shape_cast %broadcast_in_dim3A_1436 : vector<16x1xi32> to vector<16xi32>
        %gather3A_1438 = tpu.dynamic_gather %add3A_1431[%gather3A_1437] in [0] : vector<16xf32>, vector<16xi32> -> vector<16xf32>
        %add3A_1439 = arith.addf %add3A_1431, %gather3A_1438 : vector<16xf32>
        %xor3A_1440 = arith.constant 4 : i32
        %xor3A_1441 = vector.broadcast %xor3A_1440 : i32 to vector<16xi32>
        %xor3A_1442 = arith.xori %iota3A_1432, %xor3A_1441 : vector<16xi32>
        %broadcast_in_dim3A_1443 = vector.shape_cast %xor3A_1442 : vector<16xi32> to vector<16x1xi32>
        %gather3A_1444 = vector.shape_cast %broadcast_in_dim3A_1443 : vector<16x1xi32> to vector<16xi32>
        %gather3A_1445 = tpu.dynamic_gather %add3A_1439[%gather3A_1444] in [0] : vector<16xf32>, vector<16xi32> -> vector<16xf32>
        %add3A_1446 = arith.addf %add3A_1439, %gather3A_1445 : vector<16xf32>
        %xor3A_1447 = arith.constant 2 : i32
        %xor3A_1448 = vector.broadcast %xor3A_1447 : i32 to vector<16xi32>
        %xor3A_1449 = arith.xori %iota3A_1432, %xor3A_1448 : vector<16xi32>
        %broadcast_in_dim3A_1450 = vector.shape_cast %xor3A_1449 : vector<16xi32> to vector<16x1xi32>
        %gather3A_1451 = vector.shape_cast %broadcast_in_dim3A_1450 : vector<16x1xi32> to vector<16xi32>
        %gather3A_1452 = tpu.dynamic_gather %add3A_1446[%gather3A_1451] in [0] : vector<16xf32>, vector<16xi32> -> vector<16xf32>
        %add3A_1453 = arith.addf %add3A_1446, %gather3A_1452 : vector<16xf32>
        %xor3A_1454 = arith.constant 1 : i32
        %xor3A_1455 = vector.broadcast %xor3A_1454 : i32 to vector<16xi32>
        %xor3A_1456 = arith.xori %iota3A_1432, %xor3A_1455 : vector<16xi32>
        %broadcast_in_dim3A_1457 = vector.shape_cast %xor3A_1456 : vector<16xi32> to vector<16x1xi32>
        %gather3A_1458 = vector.shape_cast %broadcast_in_dim3A_1457 : vector<16x1xi32> to vector<16xi32>
        %gather3A_1459 = tpu.dynamic_gather %add3A_1453[%gather3A_1458] in [0] : vector<16xf32>, vector<16xi32> -> vector<16xf32>
        %add3A_1460 = arith.addf %add3A_1453, %gather3A_1459 : vector<16xf32>
        %sub3A_1461 = arith.constant 1.000010e+00 : f32
        %sub3A_1462 = vector.broadcast %sub3A_1461 : f32 to vector<16xf32>
        %sub3A_1463 = arith.subf %sub3A_1462, %add3A_1460 : vector<16xf32>
        %div3A_1464 = arith.constant 2.000000e+00 : f32
        %div3A_1465 = vector.broadcast %div3A_1464 : f32 to vector<16xf32>
        %div3A_1466 = arith.divf %div3A_1465, %sub3A_1463 : vector<16xf32>
        %mul3A_1467 = arith.mulf %get3A_1403, %div3A_1466 : vector<16xf32>
        %swap3A_1468 = arith.constant 0 : i32
        %swap3A_1469 = arith.constant 0 : i32
        %swap3A_1470 = tpu.memref_slice %arg7[%select_n3A_173, %swap3A_1468, %swap3A_1469] : memref<2x128x64xf32, #tpu.memory_space<vmem>> -> memref<1x128x64xf32, #tpu.memory_space<vmem>>
        %swap3A_1471 = tpu.memref_squeeze %swap3A_1470 : memref<1x128x64xf32, #tpu.memory_space<vmem>> -> memref<128x64xf32, #tpu.memory_space<vmem>>
        %swap3A_1472 = arith.index_cast %scan3A_1396 : i32 to index
        %swap3A_1473 = arith.constant 0 : index
        %swap3A_1474 = tpu.vector_load %swap3A_1471[%swap3A_1472, %swap3A_1473] {strides = array<i32>} : memref<128x64xf32, #tpu.memory_space<vmem>>, vector<16xf32>,
        tpu.vector_store %swap3A_1471[%swap3A_1472, %swap3A_1473], %mul3A_1467 {strides = array<i32>} : memref<128x64xf32, #tpu.memory_space<vmem>>, vector<16xf32>,
        %mul3A_1475 = arith.mulf %get3A_1410, %div3A_1466 : vector<16xf32>
        %swap3A_1476 = arith.constant 0 : i32
        %swap3A_1477 = arith.constant 0 : i32
        %swap3A_1478 = tpu.memref_slice %arg7[%select_n3A_173, %swap3A_1476, %swap3A_1477] : memref<2x128x64xf32, #tpu.memory_space<vmem>> -> memref<1x128x64xf32, #tpu.memory_space<vmem>>
        %swap3A_1479 = tpu.memref_squeeze %swap3A_1478 : memref<1x128x64xf32, #tpu.memory_space<vmem>> -> memref<128x64xf32, #tpu.memory_space<vmem>>
        %swap3A_1480 = arith.index_cast %scan3A_1396 : i32 to index
        %swap3A_1481 = arith.constant 16 : index
        %swap3A_1482 = tpu.vector_load %swap3A_1479[%swap3A_1480, %swap3A_1481] {strides = array<i32>} : memref<128x64xf32, #tpu.memory_space<vmem>>, vector<16xf32>,
        tpu.vector_store %swap3A_1479[%swap3A_1480, %swap3A_1481], %mul3A_1475 {strides = array<i32>} : memref<128x64xf32, #tpu.memory_space<vmem>>, vector<16xf32>,
        %mul3A_1483 = arith.mulf %get3A_1417, %div3A_1466 : vector<16xf32>
        %swap3A_1484 = arith.constant 0 : i32
        %swap3A_1485 = arith.constant 0 : i32
        %swap3A_1486 = tpu.memref_slice %arg7[%select_n3A_173, %swap3A_1484, %swap3A_1485] : memref<2x128x64xf32, #tpu.memory_space<vmem>> -> memref<1x128x64xf32, #tpu.memory_space<vmem>>
        %swap3A_1487 = tpu.memref_squeeze %swap3A_1486 : memref<1x128x64xf32, #tpu.memory_space<vmem>> -> memref<128x64xf32, #tpu.memory_space<vmem>>
        %swap3A_1488 = arith.index_cast %scan3A_1396 : i32 to index
        %swap3A_1489 = arith.constant 32 : index
        %swap3A_1490 = tpu.vector_load %swap3A_1487[%swap3A_1488, %swap3A_1489] {strides = array<i32>} : memref<128x64xf32, #tpu.memory_space<vmem>>, vector<16xf32>,
        tpu.vector_store %swap3A_1487[%swap3A_1488, %swap3A_1489], %mul3A_1483 {strides = array<i32>} : memref<128x64xf32, #tpu.memory_space<vmem>>, vector<16xf32>,
        %mul3A_1491 = arith.mulf %get3A_1424, %div3A_1466 : vector<16xf32>
        %swap3A_1492 = arith.constant 0 : i32
        %swap3A_1493 = arith.constant 0 : i32
        %swap3A_1494 = tpu.memref_slice %arg7[%select_n3A_173, %swap3A_1492, %swap3A_1493] : memref<2x128x64xf32, #tpu.memory_space<vmem>> -> memref<1x128x64xf32, #tpu.memory_space<vmem>>
        %swap3A_1495 = tpu.memref_squeeze %swap3A_1494 : memref<1x128x64xf32, #tpu.memory_space<vmem>> -> memref<128x64xf32, #tpu.memory_space<vmem>>
        %swap3A_1496 = arith.index_cast %scan3A_1396 : i32 to index
        %swap3A_1497 = arith.constant 48 : index
        %swap3A_1498 = tpu.vector_load %swap3A_1495[%swap3A_1496, %swap3A_1497] {strides = array<i32>} : memref<128x64xf32, #tpu.memory_space<vmem>>, vector<16xf32>,
        tpu.vector_store %swap3A_1495[%swap3A_1496, %swap3A_1497], %mul3A_1491 {strides = array<i32>} : memref<128x64xf32, #tpu.memory_space<vmem>>, vector<16xf32>,
        %scan3A_1499 = arith.constant 12 : i32
        %scan3A_1500 = arith.addi %scan3A_258, %scan3A_1499 : i32
        %get3A_1501 = arith.constant 0 : i32
        %get3A_1502 = arith.constant 0 : i32
        %get3A_1503 = tpu.memref_slice %arg6[%select_n3A_231, %get3A_1501, %get3A_1502] : memref<4x128x128xf32, #tpu.memory_space<vmem>> -> memref<1x128x128xf32, #tpu.memory_space<vmem>>
        %get3A_1504 = tpu.memref_squeeze %get3A_1503 : memref<1x128x128xf32, #tpu.memory_space<vmem>> -> memref<128x128xf32, #tpu.memory_space<vmem>>
        %get3A_1505 = arith.index_cast %scan3A_1500 : i32 to index
        %get3A_1506 = arith.constant 0 : index
        %get3A_1507 = tpu.vector_load %get3A_1504[%get3A_1505, %get3A_1506] {strides = array<i32>} : memref<128x128xf32, #tpu.memory_space<vmem>>, vector<16xf32>,
        %get3A_1508 = arith.constant 0 : i32
        %get3A_1509 = arith.constant 0 : i32
        %get3A_1510 = tpu.memref_slice %arg6[%select_n3A_231, %get3A_1508, %get3A_1509] : memref<4x128x128xf32, #tpu.memory_space<vmem>> -> memref<1x128x128xf32, #tpu.memory_space<vmem>>
        %get3A_1511 = tpu.memref_squeeze %get3A_1510 : memref<1x128x128xf32, #tpu.memory_space<vmem>> -> memref<128x128xf32, #tpu.memory_space<vmem>>
        %get3A_1512 = arith.index_cast %scan3A_1500 : i32 to index
        %get3A_1513 = arith.constant 16 : index
        %get3A_1514 = tpu.vector_load %get3A_1511[%get3A_1512, %get3A_1513] {strides = array<i32>} : memref<128x128xf32, #tpu.memory_space<vmem>>, vector<16xf32>,
        %get3A_1515 = arith.constant 0 : i32
        %get3A_1516 = arith.constant 0 : i32
        %get3A_1517 = tpu.memref_slice %arg6[%select_n3A_231, %get3A_1515, %get3A_1516] : memref<4x128x128xf32, #tpu.memory_space<vmem>> -> memref<1x128x128xf32, #tpu.memory_space<vmem>>
        %get3A_1518 = tpu.memref_squeeze %get3A_1517 : memref<1x128x128xf32, #tpu.memory_space<vmem>> -> memref<128x128xf32, #tpu.memory_space<vmem>>
        %get3A_1519 = arith.index_cast %scan3A_1500 : i32 to index
        %get3A_1520 = arith.constant 32 : index
        %get3A_1521 = tpu.vector_load %get3A_1518[%get3A_1519, %get3A_1520] {strides = array<i32>} : memref<128x128xf32, #tpu.memory_space<vmem>>, vector<16xf32>,
        %get3A_1522 = arith.constant 0 : i32
        %get3A_1523 = arith.constant 0 : i32
        %get3A_1524 = tpu.memref_slice %arg6[%select_n3A_231, %get3A_1522, %get3A_1523] : memref<4x128x128xf32, #tpu.memory_space<vmem>> -> memref<1x128x128xf32, #tpu.memory_space<vmem>>
        %get3A_1525 = tpu.memref_squeeze %get3A_1524 : memref<1x128x128xf32, #tpu.memory_space<vmem>> -> memref<128x128xf32, #tpu.memory_space<vmem>>
        %get3A_1526 = arith.index_cast %scan3A_1500 : i32 to index
        %get3A_1527 = arith.constant 48 : index
        %get3A_1528 = tpu.vector_load %get3A_1525[%get3A_1526, %get3A_1527] {strides = array<i32>} : memref<128x128xf32, #tpu.memory_space<vmem>>, vector<16xf32>,
        %mul3A_1529 = arith.mulf %get3A_1507, %get3A_1507 : vector<16xf32>
        %mul3A_1530 = arith.mulf %get3A_1514, %get3A_1514 : vector<16xf32>
        %add3A_1531 = arith.addf %mul3A_1529, %mul3A_1530 : vector<16xf32>
        %mul3A_1532 = arith.mulf %get3A_1521, %get3A_1521 : vector<16xf32>
        %mul3A_1533 = arith.mulf %get3A_1528, %get3A_1528 : vector<16xf32>
        %add3A_1534 = arith.addf %mul3A_1532, %mul3A_1533 : vector<16xf32>
        %add3A_1535 = arith.addf %add3A_1531, %add3A_1534 : vector<16xf32>
        %iota3A_1536 = tpu.iota {dimensions = array<i32: 0>} : vector<16xi32>
        %xor3A_1537 = arith.constant 8 : i32
        %xor3A_1538 = vector.broadcast %xor3A_1537 : i32 to vector<16xi32>
        %xor3A_1539 = arith.xori %iota3A_1536, %xor3A_1538 : vector<16xi32>
        %broadcast_in_dim3A_1540 = vector.shape_cast %xor3A_1539 : vector<16xi32> to vector<16x1xi32>
        %gather3A_1541 = vector.shape_cast %broadcast_in_dim3A_1540 : vector<16x1xi32> to vector<16xi32>
        %gather3A_1542 = tpu.dynamic_gather %add3A_1535[%gather3A_1541] in [0] : vector<16xf32>, vector<16xi32> -> vector<16xf32>
        %add3A_1543 = arith.addf %add3A_1535, %gather3A_1542 : vector<16xf32>
        %xor3A_1544 = arith.constant 4 : i32
        %xor3A_1545 = vector.broadcast %xor3A_1544 : i32 to vector<16xi32>
        %xor3A_1546 = arith.xori %iota3A_1536, %xor3A_1545 : vector<16xi32>
        %broadcast_in_dim3A_1547 = vector.shape_cast %xor3A_1546 : vector<16xi32> to vector<16x1xi32>
        %gather3A_1548 = vector.shape_cast %broadcast_in_dim3A_1547 : vector<16x1xi32> to vector<16xi32>
        %gather3A_1549 = tpu.dynamic_gather %add3A_1543[%gather3A_1548] in [0] : vector<16xf32>, vector<16xi32> -> vector<16xf32>
        %add3A_1550 = arith.addf %add3A_1543, %gather3A_1549 : vector<16xf32>
        %xor3A_1551 = arith.constant 2 : i32
        %xor3A_1552 = vector.broadcast %xor3A_1551 : i32 to vector<16xi32>
        %xor3A_1553 = arith.xori %iota3A_1536, %xor3A_1552 : vector<16xi32>
        %broadcast_in_dim3A_1554 = vector.shape_cast %xor3A_1553 : vector<16xi32> to vector<16x1xi32>
        %gather3A_1555 = vector.shape_cast %broadcast_in_dim3A_1554 : vector<16x1xi32> to vector<16xi32>
        %gather3A_1556 = tpu.dynamic_gather %add3A_1550[%gather3A_1555] in [0] : vector<16xf32>, vector<16xi32> -> vector<16xf32>
        %add3A_1557 = arith.addf %add3A_1550, %gather3A_1556 : vector<16xf32>
        %xor3A_1558 = arith.constant 1 : i32
        %xor3A_1559 = vector.broadcast %xor3A_1558 : i32 to vector<16xi32>
        %xor3A_1560 = arith.xori %iota3A_1536, %xor3A_1559 : vector<16xi32>
        %broadcast_in_dim3A_1561 = vector.shape_cast %xor3A_1560 : vector<16xi32> to vector<16x1xi32>
        %gather3A_1562 = vector.shape_cast %broadcast_in_dim3A_1561 : vector<16x1xi32> to vector<16xi32>
        %gather3A_1563 = tpu.dynamic_gather %add3A_1557[%gather3A_1562] in [0] : vector<16xf32>, vector<16xi32> -> vector<16xf32>
        %add3A_1564 = arith.addf %add3A_1557, %gather3A_1563 : vector<16xf32>
        %sub3A_1565 = arith.constant 1.000010e+00 : f32
        %sub3A_1566 = vector.broadcast %sub3A_1565 : f32 to vector<16xf32>
        %sub3A_1567 = arith.subf %sub3A_1566, %add3A_1564 : vector<16xf32>
        %div3A_1568 = arith.constant 2.000000e+00 : f32
        %div3A_1569 = vector.broadcast %div3A_1568 : f32 to vector<16xf32>
        %div3A_1570 = arith.divf %div3A_1569, %sub3A_1567 : vector<16xf32>
        %mul3A_1571 = arith.mulf %get3A_1507, %div3A_1570 : vector<16xf32>
        %swap3A_1572 = arith.constant 0 : i32
        %swap3A_1573 = arith.constant 0 : i32
        %swap3A_1574 = tpu.memref_slice %arg7[%select_n3A_173, %swap3A_1572, %swap3A_1573] : memref<2x128x64xf32, #tpu.memory_space<vmem>> -> memref<1x128x64xf32, #tpu.memory_space<vmem>>
        %swap3A_1575 = tpu.memref_squeeze %swap3A_1574 : memref<1x128x64xf32, #tpu.memory_space<vmem>> -> memref<128x64xf32, #tpu.memory_space<vmem>>
        %swap3A_1576 = arith.index_cast %scan3A_1500 : i32 to index
        %swap3A_1577 = arith.constant 0 : index
        %swap3A_1578 = tpu.vector_load %swap3A_1575[%swap3A_1576, %swap3A_1577] {strides = array<i32>} : memref<128x64xf32, #tpu.memory_space<vmem>>, vector<16xf32>,
        tpu.vector_store %swap3A_1575[%swap3A_1576, %swap3A_1577], %mul3A_1571 {strides = array<i32>} : memref<128x64xf32, #tpu.memory_space<vmem>>, vector<16xf32>,
        %mul3A_1579 = arith.mulf %get3A_1514, %div3A_1570 : vector<16xf32>
        %swap3A_1580 = arith.constant 0 : i32
        %swap3A_1581 = arith.constant 0 : i32
        %swap3A_1582 = tpu.memref_slice %arg7[%select_n3A_173, %swap3A_1580, %swap3A_1581] : memref<2x128x64xf32, #tpu.memory_space<vmem>> -> memref<1x128x64xf32, #tpu.memory_space<vmem>>
        %swap3A_1583 = tpu.memref_squeeze %swap3A_1582 : memref<1x128x64xf32, #tpu.memory_space<vmem>> -> memref<128x64xf32, #tpu.memory_space<vmem>>
        %swap3A_1584 = arith.index_cast %scan3A_1500 : i32 to index
        %swap3A_1585 = arith.constant 16 : index
        %swap3A_1586 = tpu.vector_load %swap3A_1583[%swap3A_1584, %swap3A_1585] {strides = array<i32>} : memref<128x64xf32, #tpu.memory_space<vmem>>, vector<16xf32>,
        tpu.vector_store %swap3A_1583[%swap3A_1584, %swap3A_1585], %mul3A_1579 {strides = array<i32>} : memref<128x64xf32, #tpu.memory_space<vmem>>, vector<16xf32>,
        %mul3A_1587 = arith.mulf %get3A_1521, %div3A_1570 : vector<16xf32>
        %swap3A_1588 = arith.constant 0 : i32
        %swap3A_1589 = arith.constant 0 : i32
        %swap3A_1590 = tpu.memref_slice %arg7[%select_n3A_173, %swap3A_1588, %swap3A_1589] : memref<2x128x64xf32, #tpu.memory_space<vmem>> -> memref<1x128x64xf32, #tpu.memory_space<vmem>>
        %swap3A_1591 = tpu.memref_squeeze %swap3A_1590 : memref<1x128x64xf32, #tpu.memory_space<vmem>> -> memref<128x64xf32, #tpu.memory_space<vmem>>
        %swap3A_1592 = arith.index_cast %scan3A_1500 : i32 to index
        %swap3A_1593 = arith.constant 32 : index
        %swap3A_1594 = tpu.vector_load %swap3A_1591[%swap3A_1592, %swap3A_1593] {strides = array<i32>} : memref<128x64xf32, #tpu.memory_space<vmem>>, vector<16xf32>,
        tpu.vector_store %swap3A_1591[%swap3A_1592, %swap3A_1593], %mul3A_1587 {strides = array<i32>} : memref<128x64xf32, #tpu.memory_space<vmem>>, vector<16xf32>,
        %mul3A_1595 = arith.mulf %get3A_1528, %div3A_1570 : vector<16xf32>
        %swap3A_1596 = arith.constant 0 : i32
        %swap3A_1597 = arith.constant 0 : i32
        %swap3A_1598 = tpu.memref_slice %arg7[%select_n3A_173, %swap3A_1596, %swap3A_1597] : memref<2x128x64xf32, #tpu.memory_space<vmem>> -> memref<1x128x64xf32, #tpu.memory_space<vmem>>
        %swap3A_1599 = tpu.memref_squeeze %swap3A_1598 : memref<1x128x64xf32, #tpu.memory_space<vmem>> -> memref<128x64xf32, #tpu.memory_space<vmem>>
        %swap3A_1600 = arith.index_cast %scan3A_1500 : i32 to index
        %swap3A_1601 = arith.constant 48 : index
        %swap3A_1602 = tpu.vector_load %swap3A_1599[%swap3A_1600, %swap3A_1601] {strides = array<i32>} : memref<128x64xf32, #tpu.memory_space<vmem>>, vector<16xf32>,
        tpu.vector_store %swap3A_1599[%swap3A_1600, %swap3A_1601], %mul3A_1595 {strides = array<i32>} : memref<128x64xf32, #tpu.memory_space<vmem>>, vector<16xf32>,
        %scan3A_1603 = arith.constant 13 : i32
        %scan3A_1604 = arith.addi %scan3A_258, %scan3A_1603 : i32
        %get3A_1605 = arith.constant 0 : i32
        %get3A_1606 = arith.constant 0 : i32
        %get3A_1607 = tpu.memref_slice %arg6[%select_n3A_231, %get3A_1605, %get3A_1606] : memref<4x128x128xf32, #tpu.memory_space<vmem>> -> memref<1x128x128xf32, #tpu.memory_space<vmem>>
        %get3A_1608 = tpu.memref_squeeze %get3A_1607 : memref<1x128x128xf32, #tpu.memory_space<vmem>> -> memref<128x128xf32, #tpu.memory_space<vmem>>
        %get3A_1609 = arith.index_cast %scan3A_1604 : i32 to index
        %get3A_1610 = arith.constant 0 : index
        %get3A_1611 = tpu.vector_load %get3A_1608[%get3A_1609, %get3A_1610] {strides = array<i32>} : memref<128x128xf32, #tpu.memory_space<vmem>>, vector<16xf32>,
        %get3A_1612 = arith.constant 0 : i32
        %get3A_1613 = arith.constant 0 : i32
        %get3A_1614 = tpu.memref_slice %arg6[%select_n3A_231, %get3A_1612, %get3A_1613] : memref<4x128x128xf32, #tpu.memory_space<vmem>> -> memref<1x128x128xf32, #tpu.memory_space<vmem>>
        %get3A_1615 = tpu.memref_squeeze %get3A_1614 : memref<1x128x128xf32, #tpu.memory_space<vmem>> -> memref<128x128xf32, #tpu.memory_space<vmem>>
        %get3A_1616 = arith.index_cast %scan3A_1604 : i32 to index
        %get3A_1617 = arith.constant 16 : index
        %get3A_1618 = tpu.vector_load %get3A_1615[%get3A_1616, %get3A_1617] {strides = array<i32>} : memref<128x128xf32, #tpu.memory_space<vmem>>, vector<16xf32>,
        %get3A_1619 = arith.constant 0 : i32
        %get3A_1620 = arith.constant 0 : i32
        %get3A_1621 = tpu.memref_slice %arg6[%select_n3A_231, %get3A_1619, %get3A_1620] : memref<4x128x128xf32, #tpu.memory_space<vmem>> -> memref<1x128x128xf32, #tpu.memory_space<vmem>>
        %get3A_1622 = tpu.memref_squeeze %get3A_1621 : memref<1x128x128xf32, #tpu.memory_space<vmem>> -> memref<128x128xf32, #tpu.memory_space<vmem>>
        %get3A_1623 = arith.index_cast %scan3A_1604 : i32 to index
        %get3A_1624 = arith.constant 32 : index
        %get3A_1625 = tpu.vector_load %get3A_1622[%get3A_1623, %get3A_1624] {strides = array<i32>} : memref<128x128xf32, #tpu.memory_space<vmem>>, vector<16xf32>,
        %get3A_1626 = arith.constant 0 : i32
        %get3A_1627 = arith.constant 0 : i32
        %get3A_1628 = tpu.memref_slice %arg6[%select_n3A_231, %get3A_1626, %get3A_1627] : memref<4x128x128xf32, #tpu.memory_space<vmem>> -> memref<1x128x128xf32, #tpu.memory_space<vmem>>
        %get3A_1629 = tpu.memref_squeeze %get3A_1628 : memref<1x128x128xf32, #tpu.memory_space<vmem>> -> memref<128x128xf32, #tpu.memory_space<vmem>>
        %get3A_1630 = arith.index_cast %scan3A_1604 : i32 to index
        %get3A_1631 = arith.constant 48 : index
        %get3A_1632 = tpu.vector_load %get3A_1629[%get3A_1630, %get3A_1631] {strides = array<i32>} : memref<128x128xf32, #tpu.memory_space<vmem>>, vector<16xf32>,
        %mul3A_1633 = arith.mulf %get3A_1611, %get3A_1611 : vector<16xf32>
        %mul3A_1634 = arith.mulf %get3A_1618, %get3A_1618 : vector<16xf32>
        %add3A_1635 = arith.addf %mul3A_1633, %mul3A_1634 : vector<16xf32>
        %mul3A_1636 = arith.mulf %get3A_1625, %get3A_1625 : vector<16xf32>
        %mul3A_1637 = arith.mulf %get3A_1632, %get3A_1632 : vector<16xf32>
        %add3A_1638 = arith.addf %mul3A_1636, %mul3A_1637 : vector<16xf32>
        %add3A_1639 = arith.addf %add3A_1635, %add3A_1638 : vector<16xf32>
        %iota3A_1640 = tpu.iota {dimensions = array<i32: 0>} : vector<16xi32>
        %xor3A_1641 = arith.constant 8 : i32
        %xor3A_1642 = vector.broadcast %xor3A_1641 : i32 to vector<16xi32>
        %xor3A_1643 = arith.xori %iota3A_1640, %xor3A_1642 : vector<16xi32>
        %broadcast_in_dim3A_1644 = vector.shape_cast %xor3A_1643 : vector<16xi32> to vector<16x1xi32>
        %gather3A_1645 = vector.shape_cast %broadcast_in_dim3A_1644 : vector<16x1xi32> to vector<16xi32>
        %gather3A_1646 = tpu.dynamic_gather %add3A_1639[%gather3A_1645] in [0] : vector<16xf32>, vector<16xi32> -> vector<16xf32>
        %add3A_1647 = arith.addf %add3A_1639, %gather3A_1646 : vector<16xf32>
        %xor3A_1648 = arith.constant 4 : i32
        %xor3A_1649 = vector.broadcast %xor3A_1648 : i32 to vector<16xi32>
        %xor3A_1650 = arith.xori %iota3A_1640, %xor3A_1649 : vector<16xi32>
        %broadcast_in_dim3A_1651 = vector.shape_cast %xor3A_1650 : vector<16xi32> to vector<16x1xi32>
        %gather3A_1652 = vector.shape_cast %broadcast_in_dim3A_1651 : vector<16x1xi32> to vector<16xi32>
        %gather3A_1653 = tpu.dynamic_gather %add3A_1647[%gather3A_1652] in [0] : vector<16xf32>, vector<16xi32> -> vector<16xf32>
        %add3A_1654 = arith.addf %add3A_1647, %gather3A_1653 : vector<16xf32>
        %xor3A_1655 = arith.constant 2 : i32
        %xor3A_1656 = vector.broadcast %xor3A_1655 : i32 to vector<16xi32>
        %xor3A_1657 = arith.xori %iota3A_1640, %xor3A_1656 : vector<16xi32>
        %broadcast_in_dim3A_1658 = vector.shape_cast %xor3A_1657 : vector<16xi32> to vector<16x1xi32>
        %gather3A_1659 = vector.shape_cast %broadcast_in_dim3A_1658 : vector<16x1xi32> to vector<16xi32>
        %gather3A_1660 = tpu.dynamic_gather %add3A_1654[%gather3A_1659] in [0] : vector<16xf32>, vector<16xi32> -> vector<16xf32>
        %add3A_1661 = arith.addf %add3A_1654, %gather3A_1660 : vector<16xf32>
        %xor3A_1662 = arith.constant 1 : i32
        %xor3A_1663 = vector.broadcast %xor3A_1662 : i32 to vector<16xi32>
        %xor3A_1664 = arith.xori %iota3A_1640, %xor3A_1663 : vector<16xi32>
        %broadcast_in_dim3A_1665 = vector.shape_cast %xor3A_1664 : vector<16xi32> to vector<16x1xi32>
        %gather3A_1666 = vector.shape_cast %broadcast_in_dim3A_1665 : vector<16x1xi32> to vector<16xi32>
        %gather3A_1667 = tpu.dynamic_gather %add3A_1661[%gather3A_1666] in [0] : vector<16xf32>, vector<16xi32> -> vector<16xf32>
        %add3A_1668 = arith.addf %add3A_1661, %gather3A_1667 : vector<16xf32>
        %sub3A_1669 = arith.constant 1.000010e+00 : f32
        %sub3A_1670 = vector.broadcast %sub3A_1669 : f32 to vector<16xf32>
        %sub3A_1671 = arith.subf %sub3A_1670, %add3A_1668 : vector<16xf32>
        %div3A_1672 = arith.constant 2.000000e+00 : f32
        %div3A_1673 = vector.broadcast %div3A_1672 : f32 to vector<16xf32>
        %div3A_1674 = arith.divf %div3A_1673, %sub3A_1671 : vector<16xf32>
        %mul3A_1675 = arith.mulf %get3A_1611, %div3A_1674 : vector<16xf32>
        %swap3A_1676 = arith.constant 0 : i32
        %swap3A_1677 = arith.constant 0 : i32
        %swap3A_1678 = tpu.memref_slice %arg7[%select_n3A_173, %swap3A_1676, %swap3A_1677] : memref<2x128x64xf32, #tpu.memory_space<vmem>> -> memref<1x128x64xf32, #tpu.memory_space<vmem>>
        %swap3A_1679 = tpu.memref_squeeze %swap3A_1678 : memref<1x128x64xf32, #tpu.memory_space<vmem>> -> memref<128x64xf32, #tpu.memory_space<vmem>>
        %swap3A_1680 = arith.index_cast %scan3A_1604 : i32 to index
        %swap3A_1681 = arith.constant 0 : index
        %swap3A_1682 = tpu.vector_load %swap3A_1679[%swap3A_1680, %swap3A_1681] {strides = array<i32>} : memref<128x64xf32, #tpu.memory_space<vmem>>, vector<16xf32>,
        tpu.vector_store %swap3A_1679[%swap3A_1680, %swap3A_1681], %mul3A_1675 {strides = array<i32>} : memref<128x64xf32, #tpu.memory_space<vmem>>, vector<16xf32>,
        %mul3A_1683 = arith.mulf %get3A_1618, %div3A_1674 : vector<16xf32>
        %swap3A_1684 = arith.constant 0 : i32
        %swap3A_1685 = arith.constant 0 : i32
        %swap3A_1686 = tpu.memref_slice %arg7[%select_n3A_173, %swap3A_1684, %swap3A_1685] : memref<2x128x64xf32, #tpu.memory_space<vmem>> -> memref<1x128x64xf32, #tpu.memory_space<vmem>>
        %swap3A_1687 = tpu.memref_squeeze %swap3A_1686 : memref<1x128x64xf32, #tpu.memory_space<vmem>> -> memref<128x64xf32, #tpu.memory_space<vmem>>
        %swap3A_1688 = arith.index_cast %scan3A_1604 : i32 to index
        %swap3A_1689 = arith.constant 16 : index
        %swap3A_1690 = tpu.vector_load %swap3A_1687[%swap3A_1688, %swap3A_1689] {strides = array<i32>} : memref<128x64xf32, #tpu.memory_space<vmem>>, vector<16xf32>,
        tpu.vector_store %swap3A_1687[%swap3A_1688, %swap3A_1689], %mul3A_1683 {strides = array<i32>} : memref<128x64xf32, #tpu.memory_space<vmem>>, vector<16xf32>,
        %mul3A_1691 = arith.mulf %get3A_1625, %div3A_1674 : vector<16xf32>
        %swap3A_1692 = arith.constant 0 : i32
        %swap3A_1693 = arith.constant 0 : i32
        %swap3A_1694 = tpu.memref_slice %arg7[%select_n3A_173, %swap3A_1692, %swap3A_1693] : memref<2x128x64xf32, #tpu.memory_space<vmem>> -> memref<1x128x64xf32, #tpu.memory_space<vmem>>
        %swap3A_1695 = tpu.memref_squeeze %swap3A_1694 : memref<1x128x64xf32, #tpu.memory_space<vmem>> -> memref<128x64xf32, #tpu.memory_space<vmem>>
        %swap3A_1696 = arith.index_cast %scan3A_1604 : i32 to index
        %swap3A_1697 = arith.constant 32 : index
        %swap3A_1698 = tpu.vector_load %swap3A_1695[%swap3A_1696, %swap3A_1697] {strides = array<i32>} : memref<128x64xf32, #tpu.memory_space<vmem>>, vector<16xf32>,
        tpu.vector_store %swap3A_1695[%swap3A_1696, %swap3A_1697], %mul3A_1691 {strides = array<i32>} : memref<128x64xf32, #tpu.memory_space<vmem>>, vector<16xf32>,
        %mul3A_1699 = arith.mulf %get3A_1632, %div3A_1674 : vector<16xf32>
        %swap3A_1700 = arith.constant 0 : i32
        %swap3A_1701 = arith.constant 0 : i32
        %swap3A_1702 = tpu.memref_slice %arg7[%select_n3A_173, %swap3A_1700, %swap3A_1701] : memref<2x128x64xf32, #tpu.memory_space<vmem>> -> memref<1x128x64xf32, #tpu.memory_space<vmem>>
        %swap3A_1703 = tpu.memref_squeeze %swap3A_1702 : memref<1x128x64xf32, #tpu.memory_space<vmem>> -> memref<128x64xf32, #tpu.memory_space<vmem>>
        %swap3A_1704 = arith.index_cast %scan3A_1604 : i32 to index
        %swap3A_1705 = arith.constant 48 : index
        %swap3A_1706 = tpu.vector_load %swap3A_1703[%swap3A_1704, %swap3A_1705] {strides = array<i32>} : memref<128x64xf32, #tpu.memory_space<vmem>>, vector<16xf32>,
        tpu.vector_store %swap3A_1703[%swap3A_1704, %swap3A_1705], %mul3A_1699 {strides = array<i32>} : memref<128x64xf32, #tpu.memory_space<vmem>>, vector<16xf32>,
        %scan3A_1707 = arith.constant 14 : i32
        %scan3A_1708 = arith.addi %scan3A_258, %scan3A_1707 : i32
        %get3A_1709 = arith.constant 0 : i32
        %get3A_1710 = arith.constant 0 : i32
        %get3A_1711 = tpu.memref_slice %arg6[%select_n3A_231, %get3A_1709, %get3A_1710] : memref<4x128x128xf32, #tpu.memory_space<vmem>> -> memref<1x128x128xf32, #tpu.memory_space<vmem>>
        %get3A_1712 = tpu.memref_squeeze %get3A_1711 : memref<1x128x128xf32, #tpu.memory_space<vmem>> -> memref<128x128xf32, #tpu.memory_space<vmem>>
        %get3A_1713 = arith.index_cast %scan3A_1708 : i32 to index
        %get3A_1714 = arith.constant 0 : index
        %get3A_1715 = tpu.vector_load %get3A_1712[%get3A_1713, %get3A_1714] {strides = array<i32>} : memref<128x128xf32, #tpu.memory_space<vmem>>, vector<16xf32>,
        %get3A_1716 = arith.constant 0 : i32
        %get3A_1717 = arith.constant 0 : i32
        %get3A_1718 = tpu.memref_slice %arg6[%select_n3A_231, %get3A_1716, %get3A_1717] : memref<4x128x128xf32, #tpu.memory_space<vmem>> -> memref<1x128x128xf32, #tpu.memory_space<vmem>>
        %get3A_1719 = tpu.memref_squeeze %get3A_1718 : memref<1x128x128xf32, #tpu.memory_space<vmem>> -> memref<128x128xf32, #tpu.memory_space<vmem>>
        %get3A_1720 = arith.index_cast %scan3A_1708 : i32 to index
        %get3A_1721 = arith.constant 16 : index
        %get3A_1722 = tpu.vector_load %get3A_1719[%get3A_1720, %get3A_1721] {strides = array<i32>} : memref<128x128xf32, #tpu.memory_space<vmem>>, vector<16xf32>,
        %get3A_1723 = arith.constant 0 : i32
        %get3A_1724 = arith.constant 0 : i32
        %get3A_1725 = tpu.memref_slice %arg6[%select_n3A_231, %get3A_1723, %get3A_1724] : memref<4x128x128xf32, #tpu.memory_space<vmem>> -> memref<1x128x128xf32, #tpu.memory_space<vmem>>
        %get3A_1726 = tpu.memref_squeeze %get3A_1725 : memref<1x128x128xf32, #tpu.memory_space<vmem>> -> memref<128x128xf32, #tpu.memory_space<vmem>>
        %get3A_1727 = arith.index_cast %scan3A_1708 : i32 to index
        %get3A_1728 = arith.constant 32 : index
        %get3A_1729 = tpu.vector_load %get3A_1726[%get3A_1727, %get3A_1728] {strides = array<i32>} : memref<128x128xf32, #tpu.memory_space<vmem>>, vector<16xf32>,
        %get3A_1730 = arith.constant 0 : i32
        %get3A_1731 = arith.constant 0 : i32
        %get3A_1732 = tpu.memref_slice %arg6[%select_n3A_231, %get3A_1730, %get3A_1731] : memref<4x128x128xf32, #tpu.memory_space<vmem>> -> memref<1x128x128xf32, #tpu.memory_space<vmem>>
        %get3A_1733 = tpu.memref_squeeze %get3A_1732 : memref<1x128x128xf32, #tpu.memory_space<vmem>> -> memref<128x128xf32, #tpu.memory_space<vmem>>
        %get3A_1734 = arith.index_cast %scan3A_1708 : i32 to index
        %get3A_1735 = arith.constant 48 : index
        %get3A_1736 = tpu.vector_load %get3A_1733[%get3A_1734, %get3A_1735] {strides = array<i32>} : memref<128x128xf32, #tpu.memory_space<vmem>>, vector<16xf32>,
        %mul3A_1737 = arith.mulf %get3A_1715, %get3A_1715 : vector<16xf32>
        %mul3A_1738 = arith.mulf %get3A_1722, %get3A_1722 : vector<16xf32>
        %add3A_1739 = arith.addf %mul3A_1737, %mul3A_1738 : vector<16xf32>
        %mul3A_1740 = arith.mulf %get3A_1729, %get3A_1729 : vector<16xf32>
        %mul3A_1741 = arith.mulf %get3A_1736, %get3A_1736 : vector<16xf32>
        %add3A_1742 = arith.addf %mul3A_1740, %mul3A_1741 : vector<16xf32>
        %add3A_1743 = arith.addf %add3A_1739, %add3A_1742 : vector<16xf32>
        %iota3A_1744 = tpu.iota {dimensions = array<i32: 0>} : vector<16xi32>
        %xor3A_1745 = arith.constant 8 : i32
        %xor3A_1746 = vector.broadcast %xor3A_1745 : i32 to vector<16xi32>
        %xor3A_1747 = arith.xori %iota3A_1744, %xor3A_1746 : vector<16xi32>
        %broadcast_in_dim3A_1748 = vector.shape_cast %xor3A_1747 : vector<16xi32> to vector<16x1xi32>
        %gather3A_1749 = vector.shape_cast %broadcast_in_dim3A_1748 : vector<16x1xi32> to vector<16xi32>
        %gather3A_1750 = tpu.dynamic_gather %add3A_1743[%gather3A_1749] in [0] : vector<16xf32>, vector<16xi32> -> vector<16xf32>
        %add3A_1751 = arith.addf %add3A_1743, %gather3A_1750 : vector<16xf32>
        %xor3A_1752 = arith.constant 4 : i32
        %xor3A_1753 = vector.broadcast %xor3A_1752 : i32 to vector<16xi32>
        %xor3A_1754 = arith.xori %iota3A_1744, %xor3A_1753 : vector<16xi32>
        %broadcast_in_dim3A_1755 = vector.shape_cast %xor3A_1754 : vector<16xi32> to vector<16x1xi32>
        %gather3A_1756 = vector.shape_cast %broadcast_in_dim3A_1755 : vector<16x1xi32> to vector<16xi32>
        %gather3A_1757 = tpu.dynamic_gather %add3A_1751[%gather3A_1756] in [0] : vector<16xf32>, vector<16xi32> -> vector<16xf32>
        %add3A_1758 = arith.addf %add3A_1751, %gather3A_1757 : vector<16xf32>
        %xor3A_1759 = arith.constant 2 : i32
        %xor3A_1760 = vector.broadcast %xor3A_1759 : i32 to vector<16xi32>
        %xor3A_1761 = arith.xori %iota3A_1744, %xor3A_1760 : vector<16xi32>
        %broadcast_in_dim3A_1762 = vector.shape_cast %xor3A_1761 : vector<16xi32> to vector<16x1xi32>
        %gather3A_1763 = vector.shape_cast %broadcast_in_dim3A_1762 : vector<16x1xi32> to vector<16xi32>
        %gather3A_1764 = tpu.dynamic_gather %add3A_1758[%gather3A_1763] in [0] : vector<16xf32>, vector<16xi32> -> vector<16xf32>
        %add3A_1765 = arith.addf %add3A_1758, %gather3A_1764 : vector<16xf32>
        %xor3A_1766 = arith.constant 1 : i32
        %xor3A_1767 = vector.broadcast %xor3A_1766 : i32 to vector<16xi32>
        %xor3A_1768 = arith.xori %iota3A_1744, %xor3A_1767 : vector<16xi32>
        %broadcast_in_dim3A_1769 = vector.shape_cast %xor3A_1768 : vector<16xi32> to vector<16x1xi32>
        %gather3A_1770 = vector.shape_cast %broadcast_in_dim3A_1769 : vector<16x1xi32> to vector<16xi32>
        %gather3A_1771 = tpu.dynamic_gather %add3A_1765[%gather3A_1770] in [0] : vector<16xf32>, vector<16xi32> -> vector<16xf32>
        %add3A_1772 = arith.addf %add3A_1765, %gather3A_1771 : vector<16xf32>
        %sub3A_1773 = arith.constant 1.000010e+00 : f32
        %sub3A_1774 = vector.broadcast %sub3A_1773 : f32 to vector<16xf32>
        %sub3A_1775 = arith.subf %sub3A_1774, %add3A_1772 : vector<16xf32>
        %div3A_1776 = arith.constant 2.000000e+00 : f32
        %div3A_1777 = vector.broadcast %div3A_1776 : f32 to vector<16xf32>
        %div3A_1778 = arith.divf %div3A_1777, %sub3A_1775 : vector<16xf32>
        %mul3A_1779 = arith.mulf %get3A_1715, %div3A_1778 : vector<16xf32>
        %swap3A_1780 = arith.constant 0 : i32
        %swap3A_1781 = arith.constant 0 : i32
        %swap3A_1782 = tpu.memref_slice %arg7[%select_n3A_173, %swap3A_1780, %swap3A_1781] : memref<2x128x64xf32, #tpu.memory_space<vmem>> -> memref<1x128x64xf32, #tpu.memory_space<vmem>>
        %swap3A_1783 = tpu.memref_squeeze %swap3A_1782 : memref<1x128x64xf32, #tpu.memory_space<vmem>> -> memref<128x64xf32, #tpu.memory_space<vmem>>
        %swap3A_1784 = arith.index_cast %scan3A_1708 : i32 to index
        %swap3A_1785 = arith.constant 0 : index
        %swap3A_1786 = tpu.vector_load %swap3A_1783[%swap3A_1784, %swap3A_1785] {strides = array<i32>} : memref<128x64xf32, #tpu.memory_space<vmem>>, vector<16xf32>,
        tpu.vector_store %swap3A_1783[%swap3A_1784, %swap3A_1785], %mul3A_1779 {strides = array<i32>} : memref<128x64xf32, #tpu.memory_space<vmem>>, vector<16xf32>,
        %mul3A_1787 = arith.mulf %get3A_1722, %div3A_1778 : vector<16xf32>
        %swap3A_1788 = arith.constant 0 : i32
        %swap3A_1789 = arith.constant 0 : i32
        %swap3A_1790 = tpu.memref_slice %arg7[%select_n3A_173, %swap3A_1788, %swap3A_1789] : memref<2x128x64xf32, #tpu.memory_space<vmem>> -> memref<1x128x64xf32, #tpu.memory_space<vmem>>
        %swap3A_1791 = tpu.memref_squeeze %swap3A_1790 : memref<1x128x64xf32, #tpu.memory_space<vmem>> -> memref<128x64xf32, #tpu.memory_space<vmem>>
        %swap3A_1792 = arith.index_cast %scan3A_1708 : i32 to index
        %swap3A_1793 = arith.constant 16 : index
        %swap3A_1794 = tpu.vector_load %swap3A_1791[%swap3A_1792, %swap3A_1793] {strides = array<i32>} : memref<128x64xf32, #tpu.memory_space<vmem>>, vector<16xf32>,
        tpu.vector_store %swap3A_1791[%swap3A_1792, %swap3A_1793], %mul3A_1787 {strides = array<i32>} : memref<128x64xf32, #tpu.memory_space<vmem>>, vector<16xf32>,
        %mul3A_1795 = arith.mulf %get3A_1729, %div3A_1778 : vector<16xf32>
        %swap3A_1796 = arith.constant 0 : i32
        %swap3A_1797 = arith.constant 0 : i32
        %swap3A_1798 = tpu.memref_slice %arg7[%select_n3A_173, %swap3A_1796, %swap3A_1797] : memref<2x128x64xf32, #tpu.memory_space<vmem>> -> memref<1x128x64xf32, #tpu.memory_space<vmem>>
        %swap3A_1799 = tpu.memref_squeeze %swap3A_1798 : memref<1x128x64xf32, #tpu.memory_space<vmem>> -> memref<128x64xf32, #tpu.memory_space<vmem>>
        %swap3A_1800 = arith.index_cast %scan3A_1708 : i32 to index
        %swap3A_1801 = arith.constant 32 : index
        %swap3A_1802 = tpu.vector_load %swap3A_1799[%swap3A_1800, %swap3A_1801] {strides = array<i32>} : memref<128x64xf32, #tpu.memory_space<vmem>>, vector<16xf32>,
        tpu.vector_store %swap3A_1799[%swap3A_1800, %swap3A_1801], %mul3A_1795 {strides = array<i32>} : memref<128x64xf32, #tpu.memory_space<vmem>>, vector<16xf32>,
        %mul3A_1803 = arith.mulf %get3A_1736, %div3A_1778 : vector<16xf32>
        %swap3A_1804 = arith.constant 0 : i32
        %swap3A_1805 = arith.constant 0 : i32
        %swap3A_1806 = tpu.memref_slice %arg7[%select_n3A_173, %swap3A_1804, %swap3A_1805] : memref<2x128x64xf32, #tpu.memory_space<vmem>> -> memref<1x128x64xf32, #tpu.memory_space<vmem>>
        %swap3A_1807 = tpu.memref_squeeze %swap3A_1806 : memref<1x128x64xf32, #tpu.memory_space<vmem>> -> memref<128x64xf32, #tpu.memory_space<vmem>>
        %swap3A_1808 = arith.index_cast %scan3A_1708 : i32 to index
        %swap3A_1809 = arith.constant 48 : index
        %swap3A_1810 = tpu.vector_load %swap3A_1807[%swap3A_1808, %swap3A_1809] {strides = array<i32>} : memref<128x64xf32, #tpu.memory_space<vmem>>, vector<16xf32>,
        tpu.vector_store %swap3A_1807[%swap3A_1808, %swap3A_1809], %mul3A_1803 {strides = array<i32>} : memref<128x64xf32, #tpu.memory_space<vmem>>, vector<16xf32>,
        %scan3A_1811 = arith.constant 15 : i32
        %scan3A_1812 = arith.addi %scan3A_258, %scan3A_1811 : i32
        %get3A_1813 = arith.constant 0 : i32
        %get3A_1814 = arith.constant 0 : i32
        %get3A_1815 = tpu.memref_slice %arg6[%select_n3A_231, %get3A_1813, %get3A_1814] : memref<4x128x128xf32, #tpu.memory_space<vmem>> -> memref<1x128x128xf32, #tpu.memory_space<vmem>>
        %get3A_1816 = tpu.memref_squeeze %get3A_1815 : memref<1x128x128xf32, #tpu.memory_space<vmem>> -> memref<128x128xf32, #tpu.memory_space<vmem>>
        %get3A_1817 = arith.index_cast %scan3A_1812 : i32 to index
        %get3A_1818 = arith.constant 0 : index
        %get3A_1819 = tpu.vector_load %get3A_1816[%get3A_1817, %get3A_1818] {strides = array<i32>} : memref<128x128xf32, #tpu.memory_space<vmem>>, vector<16xf32>,
        %get3A_1820 = arith.constant 0 : i32
        %get3A_1821 = arith.constant 0 : i32
        %get3A_1822 = tpu.memref_slice %arg6[%select_n3A_231, %get3A_1820, %get3A_1821] : memref<4x128x128xf32, #tpu.memory_space<vmem>> -> memref<1x128x128xf32, #tpu.memory_space<vmem>>
        %get3A_1823 = tpu.memref_squeeze %get3A_1822 : memref<1x128x128xf32, #tpu.memory_space<vmem>> -> memref<128x128xf32, #tpu.memory_space<vmem>>
        %get3A_1824 = arith.index_cast %scan3A_1812 : i32 to index
        %get3A_1825 = arith.constant 16 : index
        %get3A_1826 = tpu.vector_load %get3A_1823[%get3A_1824, %get3A_1825] {strides = array<i32>} : memref<128x128xf32, #tpu.memory_space<vmem>>, vector<16xf32>,
        %get3A_1827 = arith.constant 0 : i32
        %get3A_1828 = arith.constant 0 : i32
        %get3A_1829 = tpu.memref_slice %arg6[%select_n3A_231, %get3A_1827, %get3A_1828] : memref<4x128x128xf32, #tpu.memory_space<vmem>> -> memref<1x128x128xf32, #tpu.memory_space<vmem>>
        %get3A_1830 = tpu.memref_squeeze %get3A_1829 : memref<1x128x128xf32, #tpu.memory_space<vmem>> -> memref<128x128xf32, #tpu.memory_space<vmem>>
        %get3A_1831 = arith.index_cast %scan3A_1812 : i32 to index
        %get3A_1832 = arith.constant 32 : index
        %get3A_1833 = tpu.vector_load %get3A_1830[%get3A_1831, %get3A_1832] {strides = array<i32>} : memref<128x128xf32, #tpu.memory_space<vmem>>, vector<16xf32>,
        %get3A_1834 = arith.constant 0 : i32
        %get3A_1835 = arith.constant 0 : i32
        %get3A_1836 = tpu.memref_slice %arg6[%select_n3A_231, %get3A_1834, %get3A_1835] : memref<4x128x128xf32, #tpu.memory_space<vmem>> -> memref<1x128x128xf32, #tpu.memory_space<vmem>>
        %get3A_1837 = tpu.memref_squeeze %get3A_1836 : memref<1x128x128xf32, #tpu.memory_space<vmem>> -> memref<128x128xf32, #tpu.memory_space<vmem>>
        %get3A_1838 = arith.index_cast %scan3A_1812 : i32 to index
        %get3A_1839 = arith.constant 48 : index
        %get3A_1840 = tpu.vector_load %get3A_1837[%get3A_1838, %get3A_1839] {strides = array<i32>} : memref<128x128xf32, #tpu.memory_space<vmem>>, vector<16xf32>,
        %mul3A_1841 = arith.mulf %get3A_1819, %get3A_1819 : vector<16xf32>
        %mul3A_1842 = arith.mulf %get3A_1826, %get3A_1826 : vector<16xf32>
        %add3A_1843 = arith.addf %mul3A_1841, %mul3A_1842 : vector<16xf32>
        %mul3A_1844 = arith.mulf %get3A_1833, %get3A_1833 : vector<16xf32>
        %mul3A_1845 = arith.mulf %get3A_1840, %get3A_1840 : vector<16xf32>
        %add3A_1846 = arith.addf %mul3A_1844, %mul3A_1845 : vector<16xf32>
        %add3A_1847 = arith.addf %add3A_1843, %add3A_1846 : vector<16xf32>
        %iota3A_1848 = tpu.iota {dimensions = array<i32: 0>} : vector<16xi32>
        %xor3A_1849 = arith.constant 8 : i32
        %xor3A_1850 = vector.broadcast %xor3A_1849 : i32 to vector<16xi32>
        %xor3A_1851 = arith.xori %iota3A_1848, %xor3A_1850 : vector<16xi32>
        %broadcast_in_dim3A_1852 = vector.shape_cast %xor3A_1851 : vector<16xi32> to vector<16x1xi32>
        %gather3A_1853 = vector.shape_cast %broadcast_in_dim3A_1852 : vector<16x1xi32> to vector<16xi32>
        %gather3A_1854 = tpu.dynamic_gather %add3A_1847[%gather3A_1853] in [0] : vector<16xf32>, vector<16xi32> -> vector<16xf32>
        %add3A_1855 = arith.addf %add3A_1847, %gather3A_1854 : vector<16xf32>
        %xor3A_1856 = arith.constant 4 : i32
        %xor3A_1857 = vector.broadcast %xor3A_1856 : i32 to vector<16xi32>
        %xor3A_1858 = arith.xori %iota3A_1848, %xor3A_1857 : vector<16xi32>
        %broadcast_in_dim3A_1859 = vector.shape_cast %xor3A_1858 : vector<16xi32> to vector<16x1xi32>
        %gather3A_1860 = vector.shape_cast %broadcast_in_dim3A_1859 : vector<16x1xi32> to vector<16xi32>
        %gather3A_1861 = tpu.dynamic_gather %add3A_1855[%gather3A_1860] in [0] : vector<16xf32>, vector<16xi32> -> vector<16xf32>
        %add3A_1862 = arith.addf %add3A_1855, %gather3A_1861 : vector<16xf32>
        %xor3A_1863 = arith.constant 2 : i32
        %xor3A_1864 = vector.broadcast %xor3A_1863 : i32 to vector<16xi32>
        %xor3A_1865 = arith.xori %iota3A_1848, %xor3A_1864 : vector<16xi32>
        %broadcast_in_dim3A_1866 = vector.shape_cast %xor3A_1865 : vector<16xi32> to vector<16x1xi32>
        %gather3A_1867 = vector.shape_cast %broadcast_in_dim3A_1866 : vector<16x1xi32> to vector<16xi32>
        %gather3A_1868 = tpu.dynamic_gather %add3A_1862[%gather3A_1867] in [0] : vector<16xf32>, vector<16xi32> -> vector<16xf32>
        %add3A_1869 = arith.addf %add3A_1862, %gather3A_1868 : vector<16xf32>
        %xor3A_1870 = arith.constant 1 : i32
        %xor3A_1871 = vector.broadcast %xor3A_1870 : i32 to vector<16xi32>
        %xor3A_1872 = arith.xori %iota3A_1848, %xor3A_1871 : vector<16xi32>
        %broadcast_in_dim3A_1873 = vector.shape_cast %xor3A_1872 : vector<16xi32> to vector<16x1xi32>
        %gather3A_1874 = vector.shape_cast %broadcast_in_dim3A_1873 : vector<16x1xi32> to vector<16xi32>
        %gather3A_1875 = tpu.dynamic_gather %add3A_1869[%gather3A_1874] in [0] : vector<16xf32>, vector<16xi32> -> vector<16xf32>
        %add3A_1876 = arith.addf %add3A_1869, %gather3A_1875 : vector<16xf32>
        %sub3A_1877 = arith.constant 1.000010e+00 : f32
        %sub3A_1878 = vector.broadcast %sub3A_1877 : f32 to vector<16xf32>
        %sub3A_1879 = arith.subf %sub3A_1878, %add3A_1876 : vector<16xf32>
        %div3A_1880 = arith.constant 2.000000e+00 : f32
        %div3A_1881 = vector.broadcast %div3A_1880 : f32 to vector<16xf32>
        %div3A_1882 = arith.divf %div3A_1881, %sub3A_1879 : vector<16xf32>
        %mul3A_1883 = arith.mulf %get3A_1819, %div3A_1882 : vector<16xf32>
        %swap3A_1884 = arith.constant 0 : i32
        %swap3A_1885 = arith.constant 0 : i32
        %swap3A_1886 = tpu.memref_slice %arg7[%select_n3A_173, %swap3A_1884, %swap3A_1885] : memref<2x128x64xf32, #tpu.memory_space<vmem>> -> memref<1x128x64xf32, #tpu.memory_space<vmem>>
        %swap3A_1887 = tpu.memref_squeeze %swap3A_1886 : memref<1x128x64xf32, #tpu.memory_space<vmem>> -> memref<128x64xf32, #tpu.memory_space<vmem>>
        %swap3A_1888 = arith.index_cast %scan3A_1812 : i32 to index
        %swap3A_1889 = arith.constant 0 : index
        %swap3A_1890 = tpu.vector_load %swap3A_1887[%swap3A_1888, %swap3A_1889] {strides = array<i32>} : memref<128x64xf32, #tpu.memory_space<vmem>>, vector<16xf32>,
        tpu.vector_store %swap3A_1887[%swap3A_1888, %swap3A_1889], %mul3A_1883 {strides = array<i32>} : memref<128x64xf32, #tpu.memory_space<vmem>>, vector<16xf32>,
        %mul3A_1891 = arith.mulf %get3A_1826, %div3A_1882 : vector<16xf32>
        %swap3A_1892 = arith.constant 0 : i32
        %swap3A_1893 = arith.constant 0 : i32
        %swap3A_1894 = tpu.memref_slice %arg7[%select_n3A_173, %swap3A_1892, %swap3A_1893] : memref<2x128x64xf32, #tpu.memory_space<vmem>> -> memref<1x128x64xf32, #tpu.memory_space<vmem>>
        %swap3A_1895 = tpu.memref_squeeze %swap3A_1894 : memref<1x128x64xf32, #tpu.memory_space<vmem>> -> memref<128x64xf32, #tpu.memory_space<vmem>>
        %swap3A_1896 = arith.index_cast %scan3A_1812 : i32 to index
        %swap3A_1897 = arith.constant 16 : index
        %swap3A_1898 = tpu.vector_load %swap3A_1895[%swap3A_1896, %swap3A_1897] {strides = array<i32>} : memref<128x64xf32, #tpu.memory_space<vmem>>, vector<16xf32>,
        tpu.vector_store %swap3A_1895[%swap3A_1896, %swap3A_1897], %mul3A_1891 {strides = array<i32>} : memref<128x64xf32, #tpu.memory_space<vmem>>, vector<16xf32>,
        %mul3A_1899 = arith.mulf %get3A_1833, %div3A_1882 : vector<16xf32>
        %swap3A_1900 = arith.constant 0 : i32
        %swap3A_1901 = arith.constant 0 : i32
        %swap3A_1902 = tpu.memref_slice %arg7[%select_n3A_173, %swap3A_1900, %swap3A_1901] : memref<2x128x64xf32, #tpu.memory_space<vmem>> -> memref<1x128x64xf32, #tpu.memory_space<vmem>>
        %swap3A_1903 = tpu.memref_squeeze %swap3A_1902 : memref<1x128x64xf32, #tpu.memory_space<vmem>> -> memref<128x64xf32, #tpu.memory_space<vmem>>
        %swap3A_1904 = arith.index_cast %scan3A_1812 : i32 to index
        %swap3A_1905 = arith.constant 32 : index
        %swap3A_1906 = tpu.vector_load %swap3A_1903[%swap3A_1904, %swap3A_1905] {strides = array<i32>} : memref<128x64xf32, #tpu.memory_space<vmem>>, vector<16xf32>,
        tpu.vector_store %swap3A_1903[%swap3A_1904, %swap3A_1905], %mul3A_1899 {strides = array<i32>} : memref<128x64xf32, #tpu.memory_space<vmem>>, vector<16xf32>,
        %mul3A_1907 = arith.mulf %get3A_1840, %div3A_1882 : vector<16xf32>
        %swap3A_1908 = arith.constant 0 : i32
        %swap3A_1909 = arith.constant 0 : i32
        %swap3A_1910 = tpu.memref_slice %arg7[%select_n3A_173, %swap3A_1908, %swap3A_1909] : memref<2x128x64xf32, #tpu.memory_space<vmem>> -> memref<1x128x64xf32, #tpu.memory_space<vmem>>
        %swap3A_1911 = tpu.memref_squeeze %swap3A_1910 : memref<1x128x64xf32, #tpu.memory_space<vmem>> -> memref<128x64xf32, #tpu.memory_space<vmem>>
        %swap3A_1912 = arith.index_cast %scan3A_1812 : i32 to index
        %swap3A_1913 = arith.constant 48 : index
        %swap3A_1914 = tpu.vector_load %swap3A_1911[%swap3A_1912, %swap3A_1913] {strides = array<i32>} : memref<128x64xf32, #tpu.memory_space<vmem>>, vector<16xf32>,
        tpu.vector_store %swap3A_1911[%swap3A_1912, %swap3A_1913], %mul3A_1907 {strides = array<i32>} : memref<128x64xf32, #tpu.memory_space<vmem>>, vector<16xf32>,
      }
      %scan3A_237 = arith.constant 128 : i32
      %ge3A = arith.constant 2 : i32
      %ge3A_238 = arith.cmpi sge, %scan3A_159, %ge3A : i32
      %convert_element_type3A_239 = arith.extui %ge3A_238 : i1 to i32
      %cond3A_240 = arith.constant 0 : i32
      %cond3A_241 = arith.cmpi ne, %convert_element_type3A_239, %cond3A_240 : i32
      scf.if %cond3A_241 {
        %sub3A_258 = arith.constant 2 : i32
        %sub3A_259 = arith.subi %scan3A_159, %sub3A_258 : i32
        %mul3A_260 = arith.constant 128 : i32
        %mul3A_261 = arith.muli %sub3A_259, %mul3A_260 : i32
        %add3A_262 = arith.addi %mul3A_2, %mul3A_261 : i32
        %multiple_of3A_263 = tpu.assume_multiple %add3A_262, 128 : i32
        %dma_wait3A_264 = arith.constant 0 : i32
        %dma_wait3A_265 = arith.constant 0 : i32
        %dma_wait3A_266 = tpu.memref_slice %arg7[%select_n3A_173, %dma_wait3A_264, %dma_wait3A_265] : memref<2x128x64xf32, #tpu.memory_space<vmem>> -> memref<1x128x64xf32, #tpu.memory_space<vmem>>
        %dma_wait3A_267 = tpu.memref_squeeze %dma_wait3A_266 : memref<1x128x64xf32, #tpu.memory_space<vmem>> -> memref<128x64xf32, #tpu.memory_space<vmem>>
        %dma_wait3A_268 = arith.constant 0 : i32
        %dma_wait3A_269 = tpu.memref_slice %arg4[%multiple_of3A_263, %dma_wait3A_268] : memref<819200x64xf32, #tpu.memory_space<hbm>> -> memref<128x64xf32, #tpu.memory_space<hbm>>
        %dma_wait3A_270 = arith.constant 0 : i32
        %dma_wait3A_271 = tpu.memref_slice %arg4[%multiple_of3A_263, %dma_wait3A_270] : memref<819200x64xf32, #tpu.memory_space<hbm>> -> memref<128x64xf32, #tpu.memory_space<hbm>>
        %dma_wait3A_272 = arith.constant 0 : i32
        %dma_wait3A_273 = arith.constant 0 : i32
        %dma_wait3A_274 = tpu.memref_slice %arg7[%select_n3A_173, %dma_wait3A_272, %dma_wait3A_273] : memref<2x128x64xf32, #tpu.memory_space<vmem>> -> memref<1x128x64xf32, #tpu.memory_space<vmem>>
        %dma_wait3A_275 = tpu.memref_squeeze %dma_wait3A_274 : memref<1x128x64xf32, #tpu.memory_space<vmem>> -> memref<128x64xf32, #tpu.memory_space<vmem>>
        tpu.wait_dma2 semaphore(%arg10 : memref<!tpu.dma_semaphore, #tpu.memory_space<semaphore_mem>>) src(%dma_wait3A_275 : memref<128x64xf32, #tpu.memory_space<vmem>>) dst(%dma_wait3A_271 : memref<128x64xf32, #tpu.memory_space<hbm>>)
      } else {
      }
      %mul3A_242 = arith.constant 128 : i32
      %mul3A_243 = arith.muli %scan3A_159, %mul3A_242 : i32
      %add3A_244 = arith.addi %mul3A_2, %mul3A_243 : i32
      %multiple_of3A_245 = tpu.assume_multiple %add3A_244, 128 : i32
      %dma_start3A_246 = arith.constant 0 : i32
      %dma_start3A_247 = arith.constant 0 : i32
      %dma_start3A_248 = tpu.memref_slice %arg7[%select_n3A_173, %dma_start3A_246, %dma_start3A_247] : memref<2x128x64xf32, #tpu.memory_space<vmem>> -> memref<1x128x64xf32, #tpu.memory_space<vmem>>
      %dma_start3A_249 = tpu.memref_squeeze %dma_start3A_248 : memref<1x128x64xf32, #tpu.memory_space<vmem>> -> memref<128x64xf32, #tpu.memory_space<vmem>>
      %dma_start3A_250 = arith.constant 0 : i32
      %dma_start3A_251 = tpu.memref_slice %arg4[%multiple_of3A_245, %dma_start3A_250] : memref<819200x64xf32, #tpu.memory_space<hbm>> -> memref<128x64xf32, #tpu.memory_space<hbm>>
      %dma_start3A_252 = arith.constant 0 : i32
      %dma_start3A_253 = tpu.memref_slice %arg4[%multiple_of3A_245, %dma_start3A_252] : memref<819200x64xf32, #tpu.memory_space<hbm>> -> memref<128x64xf32, #tpu.memory_space<hbm>>
      %dma_start3A_254 = arith.constant 0 : i32
      %dma_start3A_255 = arith.constant 0 : i32
      %dma_start3A_256 = tpu.memref_slice %arg7[%select_n3A_173, %dma_start3A_254, %dma_start3A_255] : memref<2x128x64xf32, #tpu.memory_space<vmem>> -> memref<1x128x64xf32, #tpu.memory_space<vmem>>
      %dma_start3A_257 = tpu.memref_squeeze %dma_start3A_256 : memref<1x128x64xf32, #tpu.memory_space<vmem>> -> memref<128x64xf32, #tpu.memory_space<vmem>>
      tpu.enqueue_dma source(%dma_start3A_257 : memref<128x64xf32, #tpu.memory_space<vmem>>) target(%dma_start3A_253 : memref<128x64xf32, #tpu.memory_space<hbm>>) target_semaphore(%arg10 : memref<!tpu.dma_semaphore, #tpu.memory_space<semaphore_mem>>)
    }
    %scan3A_126 = arith.constant 200 : i32
    %add3A_127 = arith.constant 25344 : i32
    %add3A_128 = arith.addi %mul3A_2, %add3A_127 : i32
    %multiple_of3A_129 = tpu.assume_multiple %add3A_128, 128 : i32
    %dma_wait3A_130 = arith.constant 0 : i32
    %dma_wait3A_131 = arith.constant 0 : i32
    %dma_wait3A_132 = arith.constant 0 : i32
    %dma_wait3A_133 = tpu.memref_slice %arg7[%dma_wait3A_130, %dma_wait3A_131, %dma_wait3A_132] : memref<2x128x64xf32, #tpu.memory_space<vmem>> -> memref<1x128x64xf32, #tpu.memory_space<vmem>>
    %dma_wait3A_134 = tpu.memref_squeeze %dma_wait3A_133 : memref<1x128x64xf32, #tpu.memory_space<vmem>> -> memref<128x64xf32, #tpu.memory_space<vmem>>
    %dma_wait3A_135 = arith.constant 0 : i32
    %dma_wait3A_136 = tpu.memref_slice %arg4[%multiple_of3A_129, %dma_wait3A_135] : memref<819200x64xf32, #tpu.memory_space<hbm>> -> memref<128x64xf32, #tpu.memory_space<hbm>>
    %dma_wait3A_137 = arith.constant 0 : i32
    %dma_wait3A_138 = tpu.memref_slice %arg4[%multiple_of3A_129, %dma_wait3A_137] : memref<819200x64xf32, #tpu.memory_space<hbm>> -> memref<128x64xf32, #tpu.memory_space<hbm>>
    %dma_wait3A_139 = arith.constant 0 : i32
    %dma_wait3A_140 = arith.constant 0 : i32
    %dma_wait3A_141 = tpu.memref_slice %arg7[%dma_wait3A_130, %dma_wait3A_139, %dma_wait3A_140] : memref<2x128x64xf32, #tpu.memory_space<vmem>> -> memref<1x128x64xf32, #tpu.memory_space<vmem>>
    %dma_wait3A_142 = tpu.memref_squeeze %dma_wait3A_141 : memref<1x128x64xf32, #tpu.memory_space<vmem>> -> memref<128x64xf32, #tpu.memory_space<vmem>>
    tpu.wait_dma2 semaphore(%arg10 : memref<!tpu.dma_semaphore, #tpu.memory_space<semaphore_mem>>) src(%dma_wait3A_142 : memref<128x64xf32, #tpu.memory_space<vmem>>) dst(%dma_wait3A_138 : memref<128x64xf32, #tpu.memory_space<hbm>>)
    %add3A_143 = arith.constant 25472 : i32
    %add3A_144 = arith.addi %mul3A_2, %add3A_143 : i32
    %multiple_of3A_145 = tpu.assume_multiple %add3A_144, 128 : i32
    %dma_wait3A_146 = arith.constant 1 : i32
    %dma_wait3A_147 = arith.constant 0 : i32
    %dma_wait3A_148 = arith.constant 0 : i32
    %dma_wait3A_149 = tpu.memref_slice %arg7[%dma_wait3A_146, %dma_wait3A_147, %dma_wait3A_148] : memref<2x128x64xf32, #tpu.memory_space<vmem>> -> memref<1x128x64xf32, #tpu.memory_space<vmem>>
    %dma_wait3A_150 = tpu.memref_squeeze %dma_wait3A_149 : memref<1x128x64xf32, #tpu.memory_space<vmem>> -> memref<128x64xf32, #tpu.memory_space<vmem>>
    %dma_wait3A_151 = arith.constant 0 : i32
    %dma_wait3A_152 = tpu.memref_slice %arg4[%multiple_of3A_145, %dma_wait3A_151] : memref<819200x64xf32, #tpu.memory_space<hbm>> -> memref<128x64xf32, #tpu.memory_space<hbm>>
    %dma_wait3A_153 = arith.constant 0 : i32
    %dma_wait3A_154 = tpu.memref_slice %arg4[%multiple_of3A_145, %dma_wait3A_153] : memref<819200x64xf32, #tpu.memory_space<hbm>> -> memref<128x64xf32, #tpu.memory_space<hbm>>
    %dma_wait3A_155 = arith.constant 0 : i32
    %dma_wait3A_156 = arith.constant 0 : i32
    %dma_wait3A_157 = tpu.memref_slice %arg7[%dma_wait3A_146, %dma_wait3A_155, %dma_wait3A_156] : memref<2x128x64xf32, #tpu.memory_space<vmem>> -> memref<1x128x64xf32, #tpu.memory_space<vmem>>
    %dma_wait3A_158 = tpu.memref_squeeze %dma_wait3A_157 : memref<1x128x64xf32, #tpu.memory_space<vmem>> -> memref<128x64xf32, #tpu.memory_space<vmem>>
    tpu.wait_dma2 semaphore(%arg10 : memref<!tpu.dma_semaphore, #tpu.memory_space<semaphore_mem>>) src(%dma_wait3A_158 : memref<128x64xf32, #tpu.memory_space<vmem>>) dst(%dma_wait3A_154 : memref<128x64xf32, #tpu.memory_space<hbm>>)
    return
  }
}

</mosaic_0001>

<sc_bundles>
// kernel: kernel.4.cloned.1.call-start
scs
__scs_entry_jumppad:
0x0: {  	(pc) =	sbr.rel $0x88, $3  }
0x1: {  	(tag) =	ssettag $0x0;
	lr =	simm.s32 $0x1  }
0x2: {  	[smem:$0x3F9F] =	sst lr;
	_ =	strace $0xD0000000  }
0x3: {  	_ = 	snop  }
0x4: {  	_ = 	snop  }
0x5: {  	_ = 	snop  }
0x6: {  	_ = 	snop  }
0x7: {  	_ = 	snop  }
__scs_overlays_trampoline_lowered:
0x8: {  	[smem:$0x3FAE] =	sst s0  }
0x9: {  	[smem:$0x3FAF] =	sst s1  }
0xa: {  	[smem:$0x3FB0] =	sst s2  }
0xb: {  	[smem:$0x3FB1] =	sst s3  }
0xc: {  	[smem:$0x3FB2] =	sst s4  }
0xd: {  	[smem:$0x3FB3] =	sst s5  }
0xe: {  	[smem:$0x3FB4] =	sst s6  }
0xf: {  	[smem:$0x3FB5] =	sst s7  }
0x10: {  	[smem:$0x3FB6] =	sst s8  }
0x11: {  	[smem:$0x3FB7] =	sst s9;
	s0 =	simm.s32 @!p0 $0x0  }
0x12: {  	s1 =	sld [smem:$0x3F9D];
	s0 =	simm.s32 @p0 $0x1  }
0x13: {  	[smem:$0x3FB8] =	sst s0;
	s0 =	simm.s32 @!p1 $0x0  }
0x14: {  	s2 =	sld [smem:$0x3F9C];
	s0 =	simm.s32 @p1 $0x1  }
0x15: {  	[smem:$0x3FB9] =	sst s0;
	s0 =	simm.s32 @!p2 $0x0  }
0x16: {  	s3 =	sld [smem:$0x3FDB];
	s0 =	simm.s32 @p2 $0x1  }
0x17: {  	s4 =	simm.s32 $0x1BF5;
	[smem:$0x3FBB] =	sst s0  }
0x18: {  	s0 =	sld [smem:$0x3F9E];
	_ =	swait.ge [sflag:s4], $0x0  }
0x19: {  	s7 =	sld [smem:$0x3F9F]  }
0x1a: {  	s8 =	sadd.s32 $0xFFFFE003, lr  }
0x1b: {  	s9 =	sadd.s32 $0xFFFFFEF7, lr;
	s5 =	simm.s32 $0xFFFFFFFF;
	p2 =	slt.u32 s8, $0xFFFFF086  }
0x1c: {  	p1 =	slt.u32 s9, $0xF7A;
	s5 =	simm.s32 @!p2 $0x0  }
0x1d: {  	s5 =	simm.s32 @p1 $0x1;
	p0 =	seq.s32 s7, s2  }
0x1e: {  	s7 =	smul.u32 @!p0 $0xF7A, s2;
	p2 =	seq.s32 @!p0 s5, $0x0  }
0x1f: {  	s9 =	smul.u32 $0xF7A, s1;
	s8 =	simm.s32 @!p0 $0x1BF5;
	p2 =	por !p2, p0  }
0x20: {  	[sflag:s8] =	ssyncset.s32 @!p0 $0xFFFFF086;
	s6 =	sadd.s32 @!p0 s3, s7;
	s7 =	simm.s32 @!p0 $0x108  }
0x21: {  	s3 =	sadd.s32 s3, s9;
	s6 =	sadd.s32 @!p0 $0x88, s6;
	s7 =	simm.s32 @p2 $0x1082  }
0x22: {  	[simem:s7], [sflag:s8] =	dma.local @!p0 [hbm:s6], $0xF7A  }
0x23: {  	s9 =	sor.u32 $0xD0000000, s2;
	s6 =	simm.s32 $0x108;
	_ =	swait.ge @!p0 [sflag:s8], $0x0  }
0x24: {  	s3 =	sadd.s32 $0x88, s3;
	s6 =	simm.s32 @!p1 $0x1082;
	[sflag:s4] =	ssyncset.s32 $0xFFFFF086  }
0x25: {  	[simem:s6], [sflag:s4] =	dma.local [hbm:s3], $0xF7A  }
0x26: {  	[smem:$0x3F9F] =	sst s1;
	(tag) =	ssettag s2;
	_ =	strace s9  }
0x27: {  	s1 =	sld [smem:$0x3FAF]  }
0x28: {  	s2 =	sld [smem:$0x3FB0]  }
0x29: {  	s4 =	sld [smem:$0x3FB2]  }
0x2a: {  	p0 =	seq.s32 s5, $0x0;
	s5 =	sld [smem:$0x3FB3]  }
0x2b: {  	s6 =	sld [smem:$0x3FB4]  }
0x2c: {  	s7 =	sld [smem:$0x3FB5]  }
0x2d: {  	s3 =	simm.s32 $0x108;
	s8 =	sld [smem:$0x3FB6]  }
0x2e: {  	s3 =	simm.s32 @!p0 $0x1082;
	s9 =	sld [smem:$0x3FB7]  }
0x2f: {  	lr =	sadd.s32 s0, s3;
	s0 =	sld [smem:$0x3FAE]  }
0x30: {  	s3 =	sld [smem:$0x3FB1]  }
0x31: {  	[smem:$0x3FBA] =	sst s10  }
0x32: {  	s10 =	sld [smem:$0x3FB8];
	_ =	sdelay $0x3  }
0x33: {  	p0 =	seq.s32 s10, $0x1;
	s10 =	sld [smem:$0x3FBA];
	_ =	sdelay $0x3  }
0x34: {  	[smem:$0x3FBA] =	sst s10  }
0x35: {  	s10 =	sld [smem:$0x3FB9];
	_ =	sdelay $0x3  }
0x36: {  	p1 =	seq.s32 s10, $0x1;
	s10 =	sld [smem:$0x3FBA];
	_ =	sdelay $0x3  }
0x37: {  	[smem:$0x3FBA] =	sst s10  }
0x38: {  	s10 =	sld [smem:$0x3FBB]  }
0x39: {  	_ = 	snop;
	(pc) =	sbr.ind lr, $3  }
0x3a: {  	_ = 	snop  }
0x3b: {  	_ = 	snop  }
0x3c: {  	p2 =	seq.s32 s10, $0x1;
	s10 =	sld [smem:$0x3FBA]  }
0x3d: {  	_ =	shalt  }
0x3e: {  	_ =	shalt  }
0x3f: {  	_ =	shalt  }
0x40: {  	_ =	shalt  }
0x41: {  	_ =	shalt  }
0x42: {  	_ =	shalt  }
0x43: {  	_ =	shalt  }
0x44: {  	_ =	shalt  }
0x45: {  	_ =	shalt  }
0x46: {  	_ =	shalt  }
0x47: {  	_ =	shalt  }
0x48: {  	_ =	shalt  }
0x49: {  	_ =	shalt  }
0x4a: {  	_ =	shalt  }
0x4b: {  	_ =	shalt  }
0x4c: {  	_ =	shalt  }
0x4d: {  	_ =	shalt  }
0x4e: {  	_ =	shalt  }
0x4f: {  	_ =	shalt  }
0x50: {  	_ =	shalt  }
0x51: {  	_ =	shalt  }
0x52: {  	_ =	shalt  }
0x53: {  	_ =	shalt  }
0x54: {  	_ =	shalt  }
0x55: {  	_ =	shalt  }
0x56: {  	_ =	shalt  }
0x57: {  	_ =	shalt  }
0x58: {  	_ =	shalt  }
0x59: {  	_ =	shalt  }
0x5a: {  	_ =	shalt  }
0x5b: {  	_ =	shalt  }
0x5c: {  	_ =	shalt  }
0x5d: {  	_ =	shalt  }
0x5e: {  	_ =	shalt  }
0x5f: {  	_ =	shalt  }
0x60: {  	_ =	shalt  }
0x61: {  	_ =	shalt  }
0x62: {  	_ =	shalt  }
0x63: {  	_ =	shalt  }
0x64: {  	_ =	shalt  }
0x65: {  	_ =	shalt  }
0x66: {  	_ =	shalt  }
0x67: {  	_ =	shalt  }
0x68: {  	_ =	shalt  }
0x69: {  	_ =	shalt  }
0x6a: {  	_ =	shalt  }
0x6b: {  	_ =	shalt  }
0x6c: {  	_ =	shalt  }
0x6d: {  	_ =	shalt  }
0x6e: {  	_ =	shalt  }
0x6f: {  	_ =	shalt  }
0x70: {  	_ =	shalt  }
0x71: {  	_ =	shalt  }
0x72: {  	_ =	shalt  }
0x73: {  	_ =	shalt  }
0x74: {  	_ =	shalt  }
0x75: {  	_ =	shalt  }
0x76: {  	_ =	shalt  }
0x77: {  	_ =	shalt  }
0x78: {  	_ =	shalt  }
0x79: {  	_ =	shalt  }
0x7a: {  	_ =	shalt  }
0x7b: {  	_ =	shalt  }
0x7c: {  	_ =	shalt  }
0x7d: {  	_ =	shalt  }
0x7e: {  	_ =	shalt  }
0x7f: {  	_ =	shalt  }
0x80: {  	_ =	shalt  }
0x81: {  	_ =	shalt  }
0x82: {  	_ =	shalt  }
0x83: {  	_ =	shalt  }
0x84: {  	_ =	shalt  }
0x85: {  	_ =	shalt  }
0x86: {  	_ =	shalt  }
0x87: {  	_ =	shalt  }
.Lfunc_end0:
.L_simem_size_0:
called_computation.1_lowered:
.L_overlay_start_0:
0x88: {  	s2 =	sld [smem:$0x3FD9]  }
0x89: {  	s3 =	sld [smem:$0x3FFE];
	_ =	sdelay $0x1  }
0x8a: {  	s1 =	srdreg.scid  }
0x8b: {  	s0 =	sand.u32 $0x1, s1  }
0x8c: {  	s17 =	sshll.u32 s0, $0xA;
	s2 =	sadd.s32 s3, s2  }
0x8d: {  	s2 =	sadd.s32 s2, s17  }
0x8e: {  	[smem:$0x3FC6] =	sst s2  }
0x8f: {  	_ = 	snop  }
0x90: {  	s2 =	sld [smem:$0x3FC8];
	(tm) =	ssettm $0x1  }
0x91: {  	s18 =	sld [smem:$0x3FFB];
	_ =	sdelay $0x3  }
0x92: {  	_ =	strace s18  }
0x93: {  	s3 =	sld [smem:$0x3FFC];
	_ =	sdelay $0x3  }
0x94: {  	_ =	strace s3  }
0x95: {  	s3 =	sld [smem:$0x3FFD];
	_ =	sdelay $0x3  }
0x96: {  	_ =	strace s3  }
0x97: {  	_ =	strace $0x8FFFFFFF  }
0x98: {  	s19 =	sld [smem:$0x3FDB];
	_ =	sdelay $0x1  }
0x99: {  	s4 =	simm.s32 $_scs_section_size  }
0x9a: {  	s5 =	simm.s32 $_size__tile_overlayer_lowered;
	s6 =	simm.s32 $_tile_overlayer_lowered  }
0x9b: {  	s22 =	simm.s32 $0x1BFF;
	s21 =	sshll.u32 s6, $0x1;
	s3 =	sadd.s32 s4, s19  }
0x9c: {  	s7 =	simm.s32 $0x0;
	s20 =	sshll.u32 s5, $0x1;
	s5 =	sadd.s32 s21, s3  }
0x9d: {  	[timem:s7], [sflag:s22] =	dma.local [hbm:s5], s20  }
0x9e: {  	_ =	swait.ge [sflag:s22], s20  }
0x9f: {  	s4 =	ssub.s32 $0x0, s20;
	[sflag:s22] =	ssyncset.done $0x0  }
0xa0: {  	[sflag:s22] =	ssyncadd.s32 s4;
	_ =	sdelay $0x1  }
0xa1: {  	s23 =	simm.s32 $0x1B8B  }
0xa2: {  	_ =	swait.ge [sflag:s23], $0x1  }
0xa3: {  	[sflag:s23] =	ssyncset.done $0x0  }
0xa4: {  	s25 =	simm.s32 $0x1B8E;
	s24 =	sld [smem:$0x3FFE];
	[sflag:s23] =	ssyncadd.s32 $0xFFFFFFFF  }
0xa5: {  	s26 =	simm.s32 $execute0_lowered;
	[smem:$0x3FD2] =	sst s25  }
0xa6: {  	s5 =	sshll.u32 s26, $0x1;
	_ =	strace $0x80000046;
	[dreg:$0x1] =	wrdreg $0xFFFFFFFF  }
0xa7: {  	s28 =	simm.s32 $_size_execute0_lowered;
	s3 =	sadd.s32 s3, s5;
	[dreg:$0x0] =	wrdreg $0x0  }
0xa8: {  	s5 =	sshll.u32 s28, $0x1;
	[dreg:$0x2] =	wrdreg s3  }
0xa9: {  	[dreg:$0x3] =	wrdreg s5  }
0xaa: {  	[dreg:$0x4] =	wrdreg $0xC0  }
0xab: {  	_ =	task [dreg:s7], $0x5FFFF  }
0xac: {  	[dreg:$0x1] =	wrdreg $0xFFFFFFFF  }
0xad: {  	[dreg:$0x0] =	wrdreg $0x60  }
0xae: {  	[dreg:$0x2] =	wrdreg s2  }
0xaf: {  	[dreg:$0x3] =	wrdreg s24  }
0xb0: {  	[dreg:$0x4] =	wrdreg $0x9  }
0xb1: {  	_ =	task.clear_ibuf [dreg:s7], $0x5FFFF;
	_ =	strace $0x90000046  }
0xb2: {  	s29 =	simm.s32 $0x9;
	_ =	strace $0x80000048  }
0xb3: {  	_ =	swait.ge [sflag:s29], $0x1  }
0xb4: {  	[sflag:s29] =	ssyncadd.s32 $0xFFFFFFFF  }
0xb5: {  	_ =	strace $0x90000048  }
0xb6: {  	_ =	sfence  }
0xb7: {  	s30 =	sld [smem:$0x0];
	_ =	sdelay $0x2  }
0xb8: {  	s31 =	sshll.u32 s1, $0xD;
	s1 =	sshrl.u32 s1, $0x2  }
0xb9: {  	s3 =	sand.u32 $0x4000, s31;
	s1 =	sadd.s32 s1, s30  }
0xba: {  	s0 =	sor.u32 s3, s0;
	s1 =	sshll.u32 s1, $0x11  }
0xbb: {  	s0 =	sor.u32 s1, s0  }
0xbc: {  	s0 =	sadd.s32 $0x8F2B, s0  }
0xbd: {  	[sflag:s0] =	ssyncadd.remote.s32 $0x1  }
0xbe: {  	_ =	sfence.sel $0xFFFF  }
0xbf: {  	[dreg:$0x0] =	wrdreg $0xFFFFFFFF;
	(pc) =	sbr.abs _section_cstart, $3  }
0xc0: {  	[dreg:$0x1] =	wrdreg $0xFFFFFFFF  }
0xc1: {  	_ =	task.clear_ibuf [dreg:s7], $0x2FFFF;
	_ =	strace $0x9FFFFFFF  }
0xc2: {  	(tm) =	ssettm $0x7FFFFFFF  }
0xc3: {  	_ =	shalt  }
tec
execute0_lowered:
.L_overlay_start_1:
0x0: {  	(tag) =	ssettag $0x1  }
0x1: {  	v0 =	vimm.s32 $0xEDCBA987  }
0x2: {  	vm0 =	vcmask $0xB08;
	vm1 =	vcmask $0x300;
	v1 =	vimm.s32 $0x6543210F  }
0x3: {  	v2 =	vimm.s32 $0xFEDCBA9;
	v3 =	vimm.s32 $0x87654321;
	v4 =	vimm.s32 $0xDCBA9876  }
0x4: {  	v5 =	vimm.s32 $0x543210FE;
	vm2 =	vcmask $0x1710;
	vm3 =	vcmask $0x700  }
0x5: {  	v6 =	vimm.s32 $0xBA987654;
	v7 =	vimm.s32 $0x3210FEDC;
	v0 =	vunpack.c.l.s4.s8 v0  }
0x6: {  	vm0 =	vmor vm1, vm0;
	vm1 =	vcmask $0x1310;
	v1 =	vunpack.c.l.s4.s8 v1  }
0x7: {  	v2 =	vunpack.c.l.s4.s8 v2;
	v3 =	vunpack.c.l.s4.s8 v3;
	v4 =	vunpack.c.l.s4.s8 v4  }
0x8: {  	v5 =	vunpack.c.l.s4.s8 v5;
	vm2 =	vmor vm3, vm2;
	vm3 =	vcmask $0x2720  }
0x9: {  	v6 =	vunpack.c.l.s4.s8 v6;
	vm0 =	vmor vm0, vm1;
	vm1 =	vcmask $0x1B18  }
0xa: {  	v7 =	vunpack.c.l.s4.s8 v7;
	v0 =	vunpack.c.0.s8.s32 v0;
	vm0 =	vmor vm0, vm1  }
0xb: {  	vm1 =	vcmask $0x2320;
	v1 =	vunpack.c.0.s8.s32 v1;
	v2 =	vunpack.c.0.s8.s32 v2  }
0xc: {  	v3 =	vunpack.c.0.s8.s32 v3;
	vm0 =	vmor vm0, vm1;
	vm1 =	vcmask $0x2B28  }
0xd: {  	vm2 =	vmor vm2, vm3;
	vm3 =	vcmask $0x3730;
	vm0 =	vmor vm0, vm1  }
0xe: {  	v0 =	vcombine.low v1, v0;
	v1 =	vcombine.low v3, v2;
	v2 =	vunpack.c.0.s8.s32 v4  }
0xf: {  	s7 =	rddreg [dreg:$0x0];
	v3 =	vunpack.c.0.s8.s32 v5;
	v4 =	vimm.s32 $0x10FEDCBA;
	v5 =	vimm.s32 $0x98765432  }
0x10: {  	s8 =	rddreg [dreg:$0x1];
	vm1 =	vcmask $0x3330;
	v4 =	vunpack.c.l.s4.s8 v4;
	v5 =	vunpack.c.l.s4.s8 v5  }
0x11: {  	s0 =	rddreg [dreg:$0x2];
	s2 =	simm.s32 $0x0;
	v6 =	vunpack.c.0.s8.s32 v6;
	v7 =	vunpack.c.0.s8.s32 v7;
	vm0 =	vmor vm0, vm1  }
0x12: {  	s3 =	srdreg.scid;
	s1 =	stileid.u32;
	s11 =	simm.s32 $0x7A1400;
	vm1 =	vcmask $0x3B38;
	v4 =	vunpack.c.0.s8.s32 v4;
	v5 =	vunpack.c.0.s8.s32 v5  }
0x13: {  	s12 =	simm.s32 $0x1;
	s13 =	simm.s32 $0x2;
	s14 =	simm.s32 $0xC000;
	vm0 =	vmor vm0, vm1;
	v2 =	vcombine.low v3, v2;
	vm1 =	vmor vm2, vm3  }
0x14: {  	s15 =	simm.s32 $0x4;
	s16 =	simm.s32 $0xE000;
	s17 =	simm.s32 $0x3;
	v3 =	vcombine.low v5, v4;
	v4 =	vcombine.low v7, v6;
	v5 =	vimm.s32 $0xFEDCBA98  }
0x15: {  	s18 =	simm.s32 $0x0;
	[smem:$0x7FF] =	sst s2;
	s3 =	sand.u32 $0x1, s3;
	v6 =	vcombine.low v6, v7;
	v7 =	vimm.s32 $0x76543210;
	v5 =	vunpack.c.l.s4.s8 v5  }
.Ltmp0:
0x16: {  	s4 =	sshll.u32 s1, $0x1;
	s5 =	sadd.s32 $0x1200, s8;
	vm2 =	vcmask $0x2F20;
	vm3 =	vcmask $0xF00;
	v7 =	vunpack.c.l.s4.s8 v7;
	(pc) =	sbr.rel .LBB2_1-.Ltmp0, $4  }
0x17: {  	_ =	strace $0x80000047;
	s6 =	ssub.s32 $0x2, s3;
	s3 =	sor.u32 s3, s4;
	v0 =	vand.u32 $0xF, v0;
	v1 =	vand.u32 $0xF, v1;
	v5 =	vunpack.c.0.s8.s32 v5  }
0x18: {  	s4 =	sadd.s32 $0xE00, s8;
	s9 =	sshrl.u32 s6, $0x1;
	s10 =	sshll.u32 s3, $0x7;
	vm2 =	vmor vm3, vm2;
	vm3 =	vmmov $0xff;
	v7 =	vunpack.c.0.s8.s32 v7  }
0x19: {  	s8 =	sadd.s32 $0xF43200, s8;
	s9 =	ssub.s32 s6, s9;
	s6 =	sadd.s32 s7, s10;
	v2 =	vand.u32 $0xF, v2;
	v3 =	vand.u32 $0xF, v3;
	v8 =	vand.u32 $0xF, v5  }
0x1a: {  	s7 =	sadd.s32 $0x1000, s7;
	s10 =	simm.s32 $0x400;
	s9 =	smax.u32 s9, $0x1;
	v4 =	vand.u32 $0xF, v4;
	v5 =	vand.u32 $0xF, v6;
	v6 =	vcombine.low v8, v7  }
.LBB2_11:
0x1b: {  	s18 =	sadd.s32 $0x1, s18  }
0x1c: {  	_ =	swait.ge [sflag:s13], $0x4000;
	p0 =	sne.s32 s18, s9  }
.Ltmp1:
0x1d: {  	[sflag:s13] =	ssyncset.done $0x0;
	(pc) =	sbr.rel @!p0 .LBB2_12-.Ltmp1, $4  }
0x1e: {  	[sflag:s13] =	ssyncadd.s32 $0xFFFFC000  }
0x1f: {  	_ =	swait.ge [sflag:s13], $0x4000  }
0x20: {  	[sflag:s13] =	ssyncset.done $0x0  }
0x21: {  	[sflag:s13] =	ssyncadd.s32 $0xFFFFC000  }
.LBB2_1:
.Ltmp2:
0x22: {  	(pc) =	sbr.rel .LBB2_2-.Ltmp2, $3  }
0x23: {  	_ =	sdelay $0x1  }
0x24: {  	[tilespmem:s2], [sflag:$0x1] =	stream.strided.gather [hbm4b:s6+s10], $0x2000, s11, s10, $0x38;
	[tilespmem:$0x10000] =	vst v63  }
0x25: {  	p0 =	por $0x0, $0x0;
	s19 =	simm.s32 $0x0  }
.LBB2_10:
0x26: {  	s19 =	sadd.s32 $0x1, s19  }
0x27: {  	p1 =	sne.s32 s19, $0xF5  }
.Ltmp3:
0x28: {  	_ = 	snop;
	(pc) =	sbr.rel @!p1 .LBB2_11-.Ltmp3, $2  }
0x29: {  	_ =	sdelay $0x2  }
0x2a: {  	p0 =	por !p0, !p0  }
.LBB2_2:
0x2b: {  	s20 =	sshll.u32 s19, $0x5  }
0x2c: {  	s20 =	sor.u32 s3, s20  }
0x2d: {  	p1 =	sgt.u32 s20, $0x1E83  }
.Ltmp4:
0x2e: {  	_ = 	snop;
	(pc) =	sbr.rel @p1 .LBB2_6-.Ltmp4, $1  }
0x2f: {  	_ =	sdelay $0x3  }
0x30: {  	p1 =	sgt.u32 s20, $0x1E63  }
0x31: {  	s21 =	sxor.u32 @!p1 $0xFFFFFFFF, s19  }
0x32: {  	s22 =	sshll.u32 @!p1 s20, $0x7;
	s23 =	simm.s32 @!p1 $0x400;
	s21 =	sshll.u32 @!p1 s21, $0xD  }
0x33: {  	s24 =	simm.s32 @!p1 $0x7A1400;
	s22 =	sadd.s32 @!p1 s22, s7;
	s21 =	sand.u32 @!p1 $0x2000, s21  }
0x34: {  	[tilespmem:s21], [sflag:$0x1] =	stream.strided.gather @!p1 [hbm4b:s22+s23], $0x2000, s24, s23, $0x38;
	[tilespmem:$0x10000] =	vst v63  }
0x35: {  	s21 =	simm.s32 $0x1  }
0x36: {  	_ =	swait.ge [sflag:s12], $0x2000;
	s21 =	simm.s32 @!p0 $0x0  }
0x37: {  	p1 =	slt.u32 s19, $0x2;
	[sflag:s12] =	ssyncset.done $0x0;
	s30 =	sshll.u32 s21, $0xD  }
0x38: {  	s22 =	simm.s32 @!p1 $0x2;
	[sflag:s12] =	ssyncadd.s32 $0xFFFFE000;
	v7 =	vmov s30  }
0x39: {  	s31 =	sand.u32 $0x1, s19;
	s21 =	sshll.u32 s21, $0xE;
	_ =	swait.ge @!p1 [sflag:s22], $0x4000  }
0x3a: {  	s23 =	sshll.u32 s31, $0xE;
	s21 =	sadd.s32 $0x4400, s21;
	[sflag:s22] =	ssyncset.done @!p1 $0x0  }
0x3b: {  	[sflag:s22] =	ssyncadd.s32 @!p1 $0xFFFFC000;
	s22 =	sadd.s32 $0x4000, s23;
	s23 =	simm.s32 $0x3E00  }
.LBB2_4:
0x3c: {  	s24 =	sshra.s32 s23, $0x2  }
0x3d: {  	v8 =	vld.idx.msk [tilespmem:v7+s24+$0xFFFFF080 ss:$0x1], $0xffff  }
0x3e: {  	v9 =	vld.idx.msk [tilespmem:v7+s24+$0xFFFFF100 ss:$0x1], $0xffff  }
0x3f: {  	v10 =	vld.idx.msk [tilespmem:v7+s24+$0xFFFFF180 ss:$0x1], $0xffff  }
0x40: {  	v11 =	vld.idx.msk [tilespmem:v7+s24+$0xFFFFF200 ss:$0x1], $0xffff  }
0x41: {  	v12 =	vld.idx.msk [tilespmem:v7+s24+$0xFFFFF280 ss:$0x1], $0xffff  }
0x42: {  	v13 =	vld.idx.msk [tilespmem:v7+s24+$0xFFFFF300 ss:$0x1], $0xffff  }
0x43: {  	v14 =	vld.idx.msk [tilespmem:v7+s24+$0xFFFFF380 ss:$0x1], $0xffff  }
0x44: {  	v15 =	vld.idx.msk [tilespmem:v7+s24+$0xFFFFF400 ss:$0x1], $0xffff  }
0x45: {  	v16 =	vld.idx.msk [tilespmem:v7+s24+$0xFFFFF480 ss:$0x1], $0xffff  }
0x46: {  	v17 =	vld.idx.msk [tilespmem:v7+s24+$0xFFFFF500 ss:$0x1], $0xffff  }
0x47: {  	v18 =	vld.idx.msk [tilespmem:v7+s24+$0xFFFFF580 ss:$0x1], $0xffff  }
0x48: {  	v19 =	vld.idx.msk [tilespmem:v7+s24+$0xFFFFF600 ss:$0x1], $0xffff  }
0x49: {  	v22 =	vld.idx.msk [tilespmem:v7+s24+$0xFFFFF680 ss:$0x1], $0xffff  }
0x4a: {  	v25 =	vld.idx.msk [tilespmem:v7+s24+$0xFFFFF700 ss:$0x1], $0xffff;
	v20 =	vperm.xlane v9, v0;
	v21 =	vperm.xlane v8, v1  }
0x4b: {  	v45 =	vld.idx.msk [tilespmem:v7+s24+$0xFFFFF780 ss:$0x1], $0xffff;
	v23 =	vperm.xlane v11, v0;
	v24 =	vperm.xlane v10, v1  }
0x4c: {  	v47 =	vld.idx.msk [tilespmem:v7+s24+$0xFFFFF800 ss:$0x1], $0xffff;
	v44 =	vperm.xlane v13, v0;
	v46 =	vperm.xlane v12, v1  }
0x4d: {  	v48 =	vperm.xlane v15, v0;
	v26 =	vperm.xlane v14, v1  }
0x4e: {  	v49 =	vperm.xlane v17, v0;
	v27 =	vperm.xlane v16, v1  }
0x4f: {  	v50 =	vperm.xlane v19, v0;
	v51 =	vperm.xlane v18, v1  }
0x50: {  	v52 =	vperm.xlane v25, v0;
	v53 =	vperm.xlane v22, v1  }
0x51: {  	v54 =	vperm.xlane v47, v0;
	v55 =	vperm.xlane v45, v1  }
0x52: {  	v8 =	vsel vm0, v8, v20;
	v9 =	vsel vm0, v21, v9;
	v10 =	vsel vm0, v10, v23  }
0x53: {  	v11 =	vsel vm0, v24, v11;
	v12 =	vsel vm0, v12, v44;
	v13 =	vsel vm0, v46, v13  }
0x54: {  	v14 =	vsel vm0, v14, v48;
	v15 =	vsel vm0, v26, v15;
	v16 =	vsel vm0, v16, v49  }
0x55: {  	v17 =	vsel vm0, v27, v17;
	v57 =	vperm.xlane v10, v2;
	v59 =	vperm.xlane v8, v3  }
0x56: {  	v18 =	vsel vm0, v18, v50;
	v60 =	vperm.xlane v11, v2;
	v61 =	vperm.xlane v9, v3  }
0x57: {  	v19 =	vsel vm0, v51, v19;
	v62 =	vperm.xlane v14, v2;
	v63 =	vperm.xlane v12, v3  }
0x58: {  	v20 =	vsel vm0, v22, v52;
	v30 =	vperm.xlane v15, v2;
	v31 =	vperm.xlane v13, v3  }
0x59: {  	v56 =	vsel vm0, v53, v25;
	v32 =	vperm.xlane v18, v2;
	v33 =	vperm.xlane v16, v3  }
0x5a: {  	v21 =	vsel vm0, v45, v54;
	v34 =	vperm.xlane v19, v2;
	v35 =	vperm.xlane v17, v3  }
0x5b: {  	v58 =	vsel vm0, v55, v47;
	v36 =	vperm.xlane v21, v2;
	v37 =	vperm.xlane v20, v3  }
0x5c: {  	v38 =	vperm.xlane v58, v2;
	v39 =	vperm.xlane v56, v3;
	v8 =	vsel vm1, v8, v57  }
0x5d: {  	v10 =	vsel vm1, v59, v10;
	v9 =	vsel vm1, v9, v60;
	v11 =	vsel vm1, v61, v11  }
0x5e: {  	v12 =	vsel vm1, v12, v62;
	v14 =	vsel vm1, v63, v14;
	v13 =	vsel vm1, v13, v30  }
0x5f: {  	v15 =	vsel vm1, v31, v15;
	v16 =	vsel vm1, v16, v32;
	v18 =	vsel vm1, v33, v18  }
0x60: {  	v17 =	vsel vm1, v17, v34;
	v40 =	vperm.xlane v12, v4;
	v41 =	vperm.xlane v8, v5  }
0x61: {  	v20 =	vsel vm1, v20, v36;
	v42 =	vperm.xlane v13, v4;
	v43 =	vperm.xlane v9, v5  }
0x62: {  	v22 =	vsel vm1, v56, v38;
	v44 =	vperm.xlane v14, v4;
	v45 =	vperm.xlane v20, v4  }
0x63: {  	v21 =	vsel vm1, v37, v21;
	v46 =	vperm.xlane v16, v5;
	v47 =	vperm.xlane v22, v4  }
0x64: {  	v23 =	vsel vm1, v39, v58;
	v48 =	vperm.xlane v17, v5;
	v28 =	vperm.xlane v21, v4  }
0x65: {  	v19 =	vsel vm1, v35, v19;
	v49 =	vperm.xlane v18, v5;
	v50 =	vperm.xlane v23, v4  }
0x66: {  	v51 =	vperm.xlane v19, v5;
	v53 =	vperm.xlane v15, v4;
	v8 =	vsel vm2, v8, v40  }
0x67: {  	v9 =	vsel vm2, v9, v42;
	v13 =	vsel vm2, v43, v13;
	v16 =	vsel vm2, v16, v45  }
0x68: {  	v20 =	vsel vm2, v46, v20;
	v17 =	vsel vm2, v17, v47;
	v22 =	vsel vm2, v48, v22  }
0x69: {  	v18 =	vsel vm2, v18, v28;
	v21 =	vsel vm2, v49, v21;
	v52 =	vperm.xlane v16, v6  }
0x6a: {  	v19 =	vsel vm2, v19, v50;
	v23 =	vsel vm2, v51, v23;
	v54 =	vperm.xlane v17, v6  }
0x6b: {  	v25 =	vsel vm2, v10, v44;
	v56 =	vperm.xlane v18, v6;
	v55 =	vsel vm3, v8, v52  }
0x6c: {  	v28 =	vsel vm2, v11, v53;
	v57 =	vperm.xlane v19, v6;
	v26 =	vsel vm3, v9, v54;
	[tilespmem:s21+$0xFFFFFC00] =	vst v55  }
0x6d: {  	v10 =	vperm.xlane v10, v5;
	v59 =	vperm.xlane v22, v6;
	v27 =	vsel vm3, v25, v56;
	[tilespmem:s21+$0xFFFFFC80] =	vst v26  }
0x6e: {  	v11 =	vperm.xlane v11, v5;
	v60 =	vperm.xlane v21, v6;
	v24 =	vsel vm3, v28, v57;
	[tilespmem:s21+$0xFFFFFD00] =	vst v27  }
0x6f: {  	v58 =	vperm.xlane v20, v6;
	v10 =	vsel vm2, v10, v14;
	v61 =	vsel vm3, v13, v59;
	[tilespmem:s21+$0xFFFFFD80] =	vst v24  }
0x70: {  	v12 =	vsel vm2, v41, v12;
	v62 =	vperm.xlane v23, v6;
	v63 =	vsel vm3, v10, v60;
	[tilespmem:s21+$0xFFFFFE80] =	vst v61  }
0x71: {  	v11 =	vsel vm2, v11, v15;
	v8 =	vperm.xlane v8, v6;
	v26 =	vsel vm3, v12, v58;
	[tilespmem:s21+$0xFFFFFF00] =	vst v63  }
0x72: {  	v9 =	vperm.xlane v9, v6;
	v24 =	vsel vm3, v11, v62;
	[tilespmem:s21+$0xFFFFFE00] =	vst v26  }
0x73: {  	v13 =	vperm.xlane v13, v6;
	v8 =	vsel vm3, v8, v16;
	[tilespmem:s21+$0xFFFFFF80] =	vst v24  }
0x74: {  	v27 =	vperm.xlane v28, v6;
	v9 =	vsel vm3, v9, v17;
	[tilespmem:s21+$0x0] =	vst v8  }
0x75: {  	v11 =	vperm.xlane v11, v6;
	v29 =	vsel vm3, v13, v22;
	[tilespmem:s21+$0x80] =	vst v9  }
0x76: {  	v26 =	vperm.xlane v25, v6;
	v28 =	vsel vm3, v27, v19;
	[tilespmem:s21+$0x280] =	vst v29  }
0x77: {  	v12 =	vperm.xlane v12, v6;
	v30 =	vsel vm3, v11, v23;
	[tilespmem:s21+$0x180] =	vst v28  }
0x78: {  	v10 =	vperm.xlane v10, v6;
	v8 =	vsel vm3, v26, v18;
	[tilespmem:s21+$0x380] =	vst v30  }
0x79: {  	[tilespmem:s21+$0x100] =	vst v8;
	v8 =	vsel vm3, v12, v20  }
0x7a: {  	[tilespmem:s21+$0x200] =	vst v8;
	v8 =	vsel vm3, v10, v21  }
0x7b: {  	[tilespmem:s21+$0x300] =	vst v8  }
0x7c: {  	v8 =	vld.idx.msk [tilespmem:v7+s24+$0xFFFFF880 ss:$0x1], $0xffff  }
0x7d: {  	v9 =	vld.idx.msk [tilespmem:v7+s24+$0xFFFFF900 ss:$0x1], $0xffff  }
0x7e: {  	v31 =	vld.idx.msk [tilespmem:v7+s24+$0xFFFFF980 ss:$0x1], $0xffff  }
0x7f: {  	v32 =	vld.idx.msk [tilespmem:v7+s24+$0xFFFFFA00 ss:$0x1], $0xffff  }
0x80: {  	v33 =	vld.idx.msk [tilespmem:v7+s24+$0xFFFFFA80 ss:$0x1], $0xffff  }
0x81: {  	v34 =	vld.idx.msk [tilespmem:v7+s24+$0xFFFFFB00 ss:$0x1], $0xffff  }
0x82: {  	v35 =	vld.idx.msk [tilespmem:v7+s24+$0xFFFFFB80 ss:$0x1], $0xffff  }
0x83: {  	v36 =	vld.idx.msk [tilespmem:v7+s24+$0xFFFFFC00 ss:$0x1], $0xffff  }
0x84: {  	v37 =	vld.idx.msk [tilespmem:v7+s24+$0xFFFFFC80 ss:$0x1], $0xffff  }
0x85: {  	v38 =	vld.idx.msk [tilespmem:v7+s24+$0xFFFFFD00 ss:$0x1], $0xffff  }
0x86: {  	v39 =	vld.idx.msk [tilespmem:v7+s24+$0xFFFFFD80 ss:$0x1], $0xffff  }
0x87: {  	v40 =	vld.idx.msk [tilespmem:v7+s24+$0xFFFFFE00 ss:$0x1], $0xffff  }
0x88: {  	v43 =	vld.idx.msk [tilespmem:v7+s24+$0xFFFFFE80 ss:$0x1], $0xffff  }
0x89: {  	v46 =	vld.idx.msk [tilespmem:v7+s24+$0xFFFFFF00 ss:$0x1], $0xffff;
	v41 =	vperm.xlane v9, v0;
	v42 =	vperm.xlane v8, v1  }
0x8a: {  	v48 =	vld.idx.msk [tilespmem:v7+s24+$0xFFFFFF80 ss:$0x1], $0xffff;
	v44 =	vperm.xlane v32, v0;
	v45 =	vperm.xlane v31, v1  }
0x8b: {  	v50 =	vld.idx.msk [tilespmem:v7+s24+$0x0 ss:$0x1], $0xffff;
	v47 =	vperm.xlane v34, v0;
	v49 =	vperm.xlane v33, v1  }
0x8c: {  	v51 =	vperm.xlane v36, v0;
	v52 =	vperm.xlane v35, v1  }
0x8d: {  	v53 =	vperm.xlane v38, v0;
	v54 =	vperm.xlane v37, v1  }
0x8e: {  	v55 =	vperm.xlane v40, v0;
	v56 =	vperm.xlane v39, v1  }
0x8f: {  	v57 =	vperm.xlane v46, v0;
	v58 =	vperm.xlane v43, v1  }
0x90: {  	v59 =	vperm.xlane v50, v0;
	v60 =	vperm.xlane v48, v1  }
0x91: {  	v8 =	vsel vm0, v8, v41;
	v9 =	vsel vm0, v42, v9;
	v10 =	vsel vm0, v31, v44  }
0x92: {  	v11 =	vsel vm0, v45, v32;
	v12 =	vsel vm0, v33, v47;
	v13 =	vsel vm0, v49, v34  }
0x93: {  	v14 =	vsel vm0, v35, v51;
	v15 =	vsel vm0, v52, v36;
	v16 =	vsel vm0, v37, v53  }
0x94: {  	v17 =	vsel vm0, v54, v38;
	v62 =	vperm.xlane v10, v2;
	v29 =	vperm.xlane v8, v3  }
0x95: {  	v18 =	vsel vm0, v39, v55;
	v30 =	vperm.xlane v11, v2;
	v31 =	vperm.xlane v9, v3  }
0x96: {  	v19 =	vsel vm0, v56, v40;
	v32 =	vperm.xlane v14, v2;
	v33 =	vperm.xlane v12, v3  }
0x97: {  	v20 =	vsel vm0, v43, v57;
	v34 =	vperm.xlane v15, v2;
	v35 =	vperm.xlane v13, v3  }
0x98: {  	v61 =	vsel vm0, v58, v46;
	v36 =	vperm.xlane v18, v2;
	v37 =	vperm.xlane v16, v3  }
0x99: {  	v21 =	vsel vm0, v48, v59;
	v38 =	vperm.xlane v19, v2;
	v39 =	vperm.xlane v17, v3  }
0x9a: {  	v63 =	vsel vm0, v60, v50;
	v40 =	vperm.xlane v21, v2;
	v41 =	vperm.xlane v20, v3  }
0x9b: {  	v42 =	vperm.xlane v63, v2;
	v43 =	vperm.xlane v61, v3;
	v8 =	vsel vm1, v8, v62  }
0x9c: {  	v10 =	vsel vm1, v29, v10;
	v9 =	vsel vm1, v9, v30;
	v11 =	vsel vm1, v31, v11  }
0x9d: {  	v12 =	vsel vm1, v12, v32;
	v14 =	vsel vm1, v33, v14;
	v13 =	vsel vm1, v13, v34  }
0x9e: {  	v15 =	vsel vm1, v35, v15;
	v16 =	vsel vm1, v16, v36;
	v18 =	vsel vm1, v37, v18  }
0x9f: {  	v17 =	vsel vm1, v17, v38;
	v44 =	vperm.xlane v12, v4;
	v45 =	vperm.xlane v8, v5  }
0xa0: {  	v20 =	vsel vm1, v20, v40;
	v46 =	vperm.xlane v13, v4;
	v47 =	vperm.xlane v9, v5  }
0xa1: {  	v22 =	vsel vm1, v61, v42;
	v48 =	vperm.xlane v14, v4;
	v49 =	vperm.xlane v20, v4  }
0xa2: {  	v21 =	vsel vm1, v41, v21;
	v50 =	vperm.xlane v16, v5;
	v51 =	vperm.xlane v22, v4  }
0xa3: {  	v23 =	vsel vm1, v43, v63;
	v52 =	vperm.xlane v17, v5;
	v53 =	vperm.xlane v21, v4  }
0xa4: {  	v19 =	vsel vm1, v39, v19;
	v54 =	vperm.xlane v18, v5;
	v55 =	vperm.xlane v23, v4  }
0xa5: {  	v56 =	vperm.xlane v19, v5;
	v58 =	vperm.xlane v15, v4;
	v8 =	vsel vm2, v8, v44  }
0xa6: {  	v9 =	vsel vm2, v9, v46;
	v13 =	vsel vm2, v47, v13;
	v16 =	vsel vm2, v16, v49  }
0xa7: {  	v20 =	vsel vm2, v50, v20;
	v17 =	vsel vm2, v17, v51;
	v22 =	vsel vm2, v52, v22  }
0xa8: {  	v18 =	vsel vm2, v18, v53;
	v21 =	vsel vm2, v54, v21;
	v57 =	vperm.xlane v16, v6  }
0xa9: {  	v19 =	vsel vm2, v19, v55;
	v23 =	vsel vm2, v56, v23;
	v59 =	vperm.xlane v17, v6  }
0xaa: {  	v25 =	vsel vm2, v10, v48;
	v61 =	vperm.xlane v18, v6;
	v60 =	vsel vm3, v8, v57  }
0xab: {  	v28 =	vsel vm2, v11, v58;
	v62 =	vperm.xlane v19, v6;
	v26 =	vsel vm3, v9, v59;
	[tilespmem:s21+$0xFFFFFC10] =	vst v60  }
0xac: {  	v10 =	vperm.xlane v10, v5;
	v30 =	vperm.xlane v22, v6;
	v27 =	vsel vm3, v25, v61;
	[tilespmem:s21+$0xFFFFFC90] =	vst v26  }
0xad: {  	v11 =	vperm.xlane v11, v5;
	v31 =	vperm.xlane v21, v6;
	v24 =	vsel vm3, v28, v62;
	[tilespmem:s21+$0xFFFFFD10] =	vst v27  }
0xae: {  	v33 =	vperm.xlane v23, v6;
	v10 =	vsel vm2, v10, v14;
	v32 =	vsel vm3, v13, v30;
	[tilespmem:s21+$0xFFFFFD90] =	vst v24  }
0xaf: {  	v37 =	vperm.xlane v28, v6;
	v11 =	vsel vm2, v11, v15;
	v34 =	vsel vm3, v10, v31;
	[tilespmem:s21+$0xFFFFFE90] =	vst v32  }
0xb0: {  	v63 =	vperm.xlane v20, v6;
	v35 =	vsel vm3, v11, v33;
	[tilespmem:s21+$0xFFFFFF10] =	vst v34  }
0xb1: {  	v12 =	vsel vm2, v45, v12;
	v8 =	vperm.xlane v8, v6;
	v38 =	vsel vm3, v37, v19;
	[tilespmem:s21+$0xFFFFFF90] =	vst v35  }
0xb2: {  	v9 =	vperm.xlane v9, v6;
	v26 =	vsel vm3, v12, v63;
	[tilespmem:s21+$0x190] =	vst v38  }
0xb3: {  	v13 =	vperm.xlane v13, v6;
	[tilespmem:s21+$0xFFFFFE10] =	vst v26;
	v8 =	vsel vm3, v8, v16  }
0xb4: {  	v11 =	vperm.xlane v11, v6;
	v9 =	vsel vm3, v9, v17;
	[tilespmem:s21+$0x10] =	vst v8  }
0xb5: {  	v36 =	vperm.xlane v25, v6;
	v39 =	vsel vm3, v13, v22;
	[tilespmem:s21+$0x90] =	vst v9  }
0xb6: {  	v12 =	vperm.xlane v12, v6;
	v40 =	vsel vm3, v11, v23;
	[tilespmem:s21+$0x290] =	vst v39  }
0xb7: {  	v10 =	vperm.xlane v10, v6;
	v8 =	vsel vm3, v36, v18;
	[tilespmem:s21+$0x390] =	vst v40  }
0xb8: {  	[tilespmem:s21+$0x110] =	vst v8;
	v8 =	vsel vm3, v12, v20  }
0xb9: {  	[tilespmem:s21+$0x210] =	vst v8;
	v8 =	vsel vm3, v10, v21  }
0xba: {  	[tilespmem:s21+$0x310] =	vst v8  }
0xbb: {  	v8 =	vld.idx.msk [tilespmem:v7+s24+$0x80 ss:$0x1], $0xffff  }
0xbc: {  	v9 =	vld.idx.msk [tilespmem:v7+s24+$0x100 ss:$0x1], $0xffff  }
0xbd: {  	v41 =	vld.idx.msk [tilespmem:v7+s24+$0x180 ss:$0x1], $0xffff  }
0xbe: {  	v42 =	vld.idx.msk [tilespmem:v7+s24+$0x200 ss:$0x1], $0xffff  }
0xbf: {  	v43 =	vld.idx.msk [tilespmem:v7+s24+$0x280 ss:$0x1], $0xffff  }
0xc0: {  	v44 =	vld.idx.msk [tilespmem:v7+s24+$0x300 ss:$0x1], $0xffff  }
0xc1: {  	v45 =	vld.idx.msk [tilespmem:v7+s24+$0x380 ss:$0x1], $0xffff  }
0xc2: {  	v46 =	vld.idx.msk [tilespmem:v7+s24+$0x400 ss:$0x1], $0xffff  }
0xc3: {  	v47 =	vld.idx.msk [tilespmem:v7+s24+$0x480 ss:$0x1], $0xffff  }
0xc4: {  	v48 =	vld.idx.msk [tilespmem:v7+s24+$0x500 ss:$0x1], $0xffff  }
0xc5: {  	v49 =	vld.idx.msk [tilespmem:v7+s24+$0x580 ss:$0x1], $0xffff  }
0xc6: {  	v50 =	vld.idx.msk [tilespmem:v7+s24+$0x600 ss:$0x1], $0xffff  }
0xc7: {  	v53 =	vld.idx.msk [tilespmem:v7+s24+$0x680 ss:$0x1], $0xffff  }
0xc8: {  	v56 =	vld.idx.msk [tilespmem:v7+s24+$0x700 ss:$0x1], $0xffff;
	v51 =	vperm.xlane v9, v0;
	v52 =	vperm.xlane v8, v1  }
0xc9: {  	v58 =	vld.idx.msk [tilespmem:v7+s24+$0x780 ss:$0x1], $0xffff;
	v54 =	vperm.xlane v42, v0;
	v55 =	vperm.xlane v41, v1  }
0xca: {  	v60 =	vld.idx.msk [tilespmem:v7+s24+$0x800 ss:$0x1], $0xffff;
	v57 =	vperm.xlane v44, v0;
	v59 =	vperm.xlane v43, v1  }
0xcb: {  	v61 =	vperm.xlane v46, v0;
	v62 =	vperm.xlane v45, v1  }
0xcc: {  	v63 =	vperm.xlane v48, v0;
	v30 =	vperm.xlane v47, v1  }
0xcd: {  	v31 =	vperm.xlane v50, v0;
	v32 =	vperm.xlane v49, v1  }
0xce: {  	v33 =	vperm.xlane v56, v0;
	v34 =	vperm.xlane v53, v1  }
0xcf: {  	v35 =	vperm.xlane v60, v0;
	v36 =	vperm.xlane v58, v1  }
0xd0: {  	v8 =	vsel vm0, v8, v51;
	v9 =	vsel vm0, v52, v9;
	v10 =	vsel vm0, v41, v54  }
0xd1: {  	v11 =	vsel vm0, v55, v42;
	v12 =	vsel vm0, v43, v57;
	v13 =	vsel vm0, v59, v44  }
0xd2: {  	v14 =	vsel vm0, v45, v61;
	v15 =	vsel vm0, v62, v46;
	v16 =	vsel vm0, v47, v63  }
0xd3: {  	v17 =	vsel vm0, v30, v48;
	v38 =	vperm.xlane v10, v2;
	v40 =	vperm.xlane v8, v3  }
0xd4: {  	v18 =	vsel vm0, v49, v31;
	v41 =	vperm.xlane v11, v2;
	v42 =	vperm.xlane v9, v3  }
0xd5: {  	v19 =	vsel vm0, v32, v50;
	v43 =	vperm.xlane v14, v2;
	v44 =	vperm.xlane v12, v3  }
0xd6: {  	v20 =	vsel vm0, v53, v33;
	v45 =	vperm.xlane v15, v2;
	v46 =	vperm.xlane v13, v3  }
0xd7: {  	v37 =	vsel vm0, v34, v56;
	v47 =	vperm.xlane v18, v2;
	v48 =	vperm.xlane v16, v3  }
0xd8: {  	v21 =	vsel vm0, v58, v35;
	v49 =	vperm.xlane v19, v2;
	v50 =	vperm.xlane v17, v3  }
0xd9: {  	v39 =	vsel vm0, v36, v60;
	v51 =	vperm.xlane v21, v2;
	v52 =	vperm.xlane v20, v3  }
0xda: {  	v53 =	vperm.xlane v39, v2;
	v54 =	vperm.xlane v37, v3;
	v8 =	vsel vm1, v8, v38  }
0xdb: {  	v10 =	vsel vm1, v40, v10;
	v9 =	vsel vm1, v9, v41;
	v11 =	vsel vm1, v42, v11  }
0xdc: {  	v12 =	vsel vm1, v12, v43;
	v14 =	vsel vm1, v44, v14;
	v13 =	vsel vm1, v13, v45  }
0xdd: {  	v15 =	vsel vm1, v46, v15;
	v16 =	vsel vm1, v16, v47;
	v18 =	vsel vm1, v48, v18  }
0xde: {  	v17 =	vsel vm1, v17, v49;
	v55 =	vperm.xlane v12, v4;
	v56 =	vperm.xlane v8, v5  }
0xdf: {  	v20 =	vsel vm1, v20, v51;
	v57 =	vperm.xlane v13, v4;
	v58 =	vperm.xlane v9, v5  }
0xe0: {  	v22 =	vsel vm1, v37, v53;
	v59 =	vperm.xlane v14, v4;
	v60 =	vperm.xlane v20, v4  }
0xe1: {  	v21 =	vsel vm1, v52, v21;
	v61 =	vperm.xlane v16, v5;
	v62 =	vperm.xlane v22, v4  }
0xe2: {  	v23 =	vsel vm1, v54, v39;
	v63 =	vperm.xlane v17, v5;
	v32 =	vperm.xlane v21, v4  }
0xe3: {  	v19 =	vsel vm1, v50, v19;
	v33 =	vperm.xlane v18, v5;
	v34 =	vperm.xlane v23, v4  }
0xe4: {  	v35 =	vperm.xlane v19, v5;
	v37 =	vperm.xlane v15, v4;
	v8 =	vsel vm2, v8, v55  }
0xe5: {  	v9 =	vsel vm2, v9, v57;
	v13 =	vsel vm2, v58, v13;
	v16 =	vsel vm2, v16, v60  }
0xe6: {  	v20 =	vsel vm2, v61, v20;
	v17 =	vsel vm2, v17, v62;
	v22 =	vsel vm2, v63, v22  }
0xe7: {  	v18 =	vsel vm2, v18, v32;
	v21 =	vsel vm2, v33, v21;
	v36 =	vperm.xlane v16, v6  }
0xe8: {  	v19 =	vsel vm2, v19, v34;
	v23 =	vsel vm2, v35, v23;
	v38 =	vperm.xlane v17, v6  }
0xe9: {  	v25 =	vsel vm2, v10, v59;
	v40 =	vperm.xlane v18, v6;
	v39 =	vsel vm3, v8, v36  }
0xea: {  	v28 =	vsel vm2, v11, v37;
	v41 =	vperm.xlane v19, v6;
	v26 =	vsel vm3, v9, v38;
	[tilespmem:s21+$0xFFFFFC20] =	vst v39  }
0xeb: {  	v10 =	vperm.xlane v10, v5;
	v43 =	vperm.xlane v22, v6;
	v27 =	vsel vm3, v25, v40;
	[tilespmem:s21+$0xFFFFFCA0] =	vst v26  }
0xec: {  	v11 =	vperm.xlane v11, v5;
	v44 =	vperm.xlane v21, v6;
	v24 =	vsel vm3, v28, v41;
	[tilespmem:s21+$0xFFFFFD20] =	vst v27  }
0xed: {  	v46 =	vperm.xlane v23, v6;
	v10 =	vsel vm2, v10, v14;
	v45 =	vsel vm3, v13, v43;
	[tilespmem:s21+$0xFFFFFDA0] =	vst v24  }
0xee: {  	v50 =	vperm.xlane v28, v6;
	v11 =	vsel vm2, v11, v15;
	v47 =	vsel vm3, v10, v44;
	[tilespmem:s21+$0xFFFFFEA0] =	vst v45  }
0xef: {  	v42 =	vperm.xlane v20, v6;
	v48 =	vsel vm3, v11, v46;
	[tilespmem:s21+$0xFFFFFF20] =	vst v47  }
0xf0: {  	v12 =	vsel vm2, v56, v12;
	v8 =	vperm.xlane v8, v6;
	v51 =	vsel vm3, v50, v19;
	[tilespmem:s21+$0xFFFFFFA0] =	vst v48  }
0xf1: {  	v9 =	vperm.xlane v9, v6;
	v26 =	vsel vm3, v12, v42;
	[tilespmem:s21+$0x1A0] =	vst v51  }
0xf2: {  	v13 =	vperm.xlane v13, v6;
	[tilespmem:s21+$0xFFFFFE20] =	vst v26;
	v8 =	vsel vm3, v8, v16  }
0xf3: {  	v11 =	vperm.xlane v11, v6;
	v9 =	vsel vm3, v9, v17;
	[tilespmem:s21+$0x20] =	vst v8  }
0xf4: {  	v49 =	vperm.xlane v25, v6;
	v52 =	vsel vm3, v13, v22;
	[tilespmem:s21+$0xA0] =	vst v9  }
0xf5: {  	v12 =	vperm.xlane v12, v6;
	v53 =	vsel vm3, v11, v23;
	[tilespmem:s21+$0x2A0] =	vst v52  }
0xf6: {  	v10 =	vperm.xlane v10, v6;
	v8 =	vsel vm3, v49, v18;
	[tilespmem:s21+$0x3A0] =	vst v53  }
0xf7: {  	[tilespmem:s21+$0x120] =	vst v8;
	v8 =	vsel vm3, v12, v20  }
0xf8: {  	[tilespmem:s21+$0x220] =	vst v8;
	v8 =	vsel vm3, v10, v21  }
0xf9: {  	[tilespmem:s21+$0x320] =	vst v8  }
0xfa: {  	v8 =	vld.idx.msk [tilespmem:v7+s24+$0x880 ss:$0x1], $0xffff  }
0xfb: {  	v9 =	vld.idx.msk [tilespmem:v7+s24+$0x900 ss:$0x1], $0xffff  }
0xfc: {  	v54 =	vld.idx.msk [tilespmem:v7+s24+$0x980 ss:$0x1], $0xffff  }
0xfd: {  	v55 =	vld.idx.msk [tilespmem:v7+s24+$0xA00 ss:$0x1], $0xffff  }
0xfe: {  	v56 =	vld.idx.msk [tilespmem:v7+s24+$0xA80 ss:$0x1], $0xffff  }
0xff: {  	v57 =	vld.idx.msk [tilespmem:v7+s24+$0xB00 ss:$0x1], $0xffff  }
0x100: {  	v58 =	vld.idx.msk [tilespmem:v7+s24+$0xB80 ss:$0x1], $0xffff  }
0x101: {  	v59 =	vld.idx.msk [tilespmem:v7+s24+$0xC00 ss:$0x1], $0xffff  }
0x102: {  	v60 =	vld.idx.msk [tilespmem:v7+s24+$0xC80 ss:$0x1], $0xffff  }
0x103: {  	v61 =	vld.idx.msk [tilespmem:v7+s24+$0xD00 ss:$0x1], $0xffff  }
0x104: {  	v62 =	vld.idx.msk [tilespmem:v7+s24+$0xD80 ss:$0x1], $0xffff  }
0x105: {  	v63 =	vld.idx.msk [tilespmem:v7+s24+$0xE00 ss:$0x1], $0xffff  }
0x106: {  	v32 =	vld.idx.msk [tilespmem:v7+s24+$0xE80 ss:$0x1], $0xffff  }
0x107: {  	v35 =	vld.idx.msk [tilespmem:v7+s24+$0xF00 ss:$0x1], $0xffff;
	v30 =	vperm.xlane v9, v0;
	v31 =	vperm.xlane v8, v1  }
0x108: {  	v37 =	vld.idx.msk [tilespmem:v7+s24+$0xF80 ss:$0x1], $0xffff;
	v33 =	vperm.xlane v55, v0;
	v34 =	vperm.xlane v54, v1  }
0x109: {  	v39 =	vld.idx.msk [tilespmem:v7+s24+$0x1000 ss:$0x1], $0xffff;
	v36 =	vperm.xlane v57, v0;
	v38 =	vperm.xlane v56, v1  }
0x10a: {  	v40 =	vperm.xlane v59, v0;
	v41 =	vperm.xlane v58, v1  }
0x10b: {  	v42 =	vperm.xlane v61, v0;
	v43 =	vperm.xlane v60, v1  }
0x10c: {  	v44 =	vperm.xlane v63, v0;
	v45 =	vperm.xlane v62, v1  }
0x10d: {  	v46 =	vperm.xlane v35, v0;
	v47 =	vperm.xlane v32, v1  }
0x10e: {  	v48 =	vperm.xlane v39, v0;
	v49 =	vperm.xlane v37, v1  }
0x10f: {  	v8 =	vsel vm0, v8, v30;
	v9 =	vsel vm0, v31, v9;
	v10 =	vsel vm0, v54, v33  }
0x110: {  	v11 =	vsel vm0, v34, v55;
	v12 =	vsel vm0, v56, v36;
	v13 =	vsel vm0, v38, v57  }
0x111: {  	v14 =	vsel vm0, v58, v40;
	v15 =	vsel vm0, v41, v59;
	v16 =	vsel vm0, v60, v42  }
0x112: {  	v17 =	vsel vm0, v43, v61;
	v51 =	vperm.xlane v10, v2;
	v53 =	vperm.xlane v8, v3  }
0x113: {  	v18 =	vsel vm0, v62, v44;
	v54 =	vperm.xlane v11, v2;
	v55 =	vperm.xlane v9, v3  }
0x114: {  	v19 =	vsel vm0, v45, v63;
	v56 =	vperm.xlane v14, v2;
	v57 =	vperm.xlane v12, v3  }
0x115: {  	v20 =	vsel vm0, v32, v46;
	v58 =	vperm.xlane v15, v2;
	v59 =	vperm.xlane v13, v3  }
0x116: {  	v50 =	vsel vm0, v47, v35;
	v60 =	vperm.xlane v18, v2;
	v61 =	vperm.xlane v16, v3  }
0x117: {  	v21 =	vsel vm0, v37, v48;
	v62 =	vperm.xlane v19, v2;
	v63 =	vperm.xlane v17, v3  }
0x118: {  	v52 =	vsel vm0, v49, v39;
	v29 =	vperm.xlane v21, v2;
	v30 =	vperm.xlane v20, v3  }
0x119: {  	v31 =	vperm.xlane v52, v2;
	v32 =	vperm.xlane v50, v3;
	v8 =	vsel vm1, v8, v51  }
0x11a: {  	v10 =	vsel vm1, v53, v10;
	v9 =	vsel vm1, v9, v54;
	v11 =	vsel vm1, v55, v11  }
0x11b: {  	v12 =	vsel vm1, v12, v56;
	v14 =	vsel vm1, v57, v14;
	v13 =	vsel vm1, v13, v58  }
0x11c: {  	v15 =	vsel vm1, v59, v15;
	v16 =	vsel vm1, v16, v60;
	v18 =	vsel vm1, v61, v18  }
0x11d: {  	v17 =	vsel vm1, v17, v62;
	v33 =	vperm.xlane v12, v4;
	v34 =	vperm.xlane v8, v5  }
0x11e: {  	v20 =	vsel vm1, v20, v29;
	v35 =	vperm.xlane v13, v4;
	v36 =	vperm.xlane v9, v5  }
0x11f: {  	v22 =	vsel vm1, v50, v31;
	v37 =	vperm.xlane v14, v4;
	v38 =	vperm.xlane v20, v4  }
0x120: {  	v21 =	vsel vm1, v30, v21;
	v39 =	vperm.xlane v16, v5;
	v40 =	vperm.xlane v22, v4  }
0x121: {  	v23 =	vsel vm1, v32, v52;
	v41 =	vperm.xlane v17, v5;
	v42 =	vperm.xlane v21, v4  }
0x122: {  	v19 =	vsel vm1, v63, v19;
	v43 =	vperm.xlane v18, v5;
	v44 =	vperm.xlane v23, v4  }
0x123: {  	v45 =	vperm.xlane v19, v5;
	v47 =	vperm.xlane v15, v4;
	v8 =	vsel vm2, v8, v33  }
0x124: {  	v9 =	vsel vm2, v9, v35;
	v13 =	vsel vm2, v36, v13;
	v16 =	vsel vm2, v16, v38  }
0x125: {  	v20 =	vsel vm2, v39, v20;
	v17 =	vsel vm2, v17, v40;
	v22 =	vsel vm2, v41, v22  }
0x126: {  	v18 =	vsel vm2, v18, v42;
	v21 =	vsel vm2, v43, v21;
	v46 =	vperm.xlane v16, v6  }
0x127: {  	v19 =	vsel vm2, v19, v44;
	v23 =	vsel vm2, v45, v23;
	v48 =	vperm.xlane v17, v6  }
0x128: {  	v25 =	vsel vm2, v10, v37;
	v50 =	vperm.xlane v18, v6;
	v49 =	vsel vm3, v8, v46  }
0x129: {  	v28 =	vsel vm2, v11, v47;
	v51 =	vperm.xlane v19, v6;
	v26 =	vsel vm3, v9, v48;
	[tilespmem:s21+$0xFFFFFC30] =	vst v49  }
0x12a: {  	v10 =	vperm.xlane v10, v5;
	v53 =	vperm.xlane v22, v6;
	v27 =	vsel vm3, v25, v50;
	[tilespmem:s21+$0xFFFFFCB0] =	vst v26  }
0x12b: {  	v11 =	vperm.xlane v11, v5;
	v54 =	vperm.xlane v21, v6;
	v24 =	vsel vm3, v28, v51;
	[tilespmem:s21+$0xFFFFFD30] =	vst v27  }
0x12c: {  	v56 =	vperm.xlane v23, v6;
	v10 =	vsel vm2, v10, v14;
	v55 =	vsel vm3, v13, v53;
	[tilespmem:s21+$0xFFFFFDB0] =	vst v24  }
0x12d: {  	v60 =	vperm.xlane v28, v6;
	v11 =	vsel vm2, v11, v15;
	v57 =	vsel vm3, v10, v54;
	[tilespmem:s21+$0xFFFFFEB0] =	vst v55  }
0x12e: {  	v52 =	vperm.xlane v20, v6;
	v58 =	vsel vm3, v11, v56;
	[tilespmem:s21+$0xFFFFFF30] =	vst v57  }
0x12f: {  	v12 =	vsel vm2, v34, v12;
	v8 =	vperm.xlane v8, v6;
	v61 =	vsel vm3, v60, v19;
	[tilespmem:s21+$0xFFFFFFB0] =	vst v58  }
0x130: {  	v9 =	vperm.xlane v9, v6;
	v26 =	vsel vm3, v12, v52;
	[tilespmem:s21+$0x1B0] =	vst v61  }
0x131: {  	v13 =	vperm.xlane v13, v6;
	[tilespmem:s21+$0xFFFFFE30] =	vst v26;
	v8 =	vsel vm3, v8, v16  }
0x132: {  	v11 =	vperm.xlane v11, v6;
	v9 =	vsel vm3, v9, v17;
	[tilespmem:s21+$0x30] =	vst v8  }
0x133: {  	p1 =	sne.s32 s23, $0x3FC0;
	v59 =	vperm.xlane v25, v6;
	v62 =	vsel vm3, v13, v22;
	[tilespmem:s21+$0xB0] =	vst v9  }
.Ltmp5:
0x134: {  	v12 =	vperm.xlane v12, v6;
	v63 =	vsel vm3, v11, v23;
	[tilespmem:s21+$0x2B0] =	vst v62;
	(pc) =	sbr.rel @p1 .LBB2_4-.Ltmp5, $4  }
0x135: {  	v10 =	vperm.xlane v10, v6;
	v8 =	vsel vm3, v59, v18;
	[tilespmem:s21+$0x3B0] =	vst v63  }
0x136: {  	[tilespmem:s21+$0x130] =	vst v8;
	v8 =	vsel vm3, v12, v20  }
0x137: {  	[tilespmem:s21+$0x230] =	vst v8;
	v8 =	vsel vm3, v10, v21  }
0x138: {  	s23 =	sadd.s32 $0x40, s23;
	[tilespmem:s21+$0x330] =	vst v8;
	s21 =	sadd.s32 $0x800, s21  }
.Ltmp6:
0x139: {  	(pc) =	sbr.rel .LBB2_10-.Ltmp6, $4  }
0x13a: {  	_ = 	snop  }
0x13b: {  	s20 =	sshll.u32 s20, $0xB  }
0x13c: {  	s20 =	sadd.s32 s5, s20  }
0x13d: {  	[hbm4b:s20+s2] =	stream.linear.scatter [tilespmem:s22], [sflag:$0x2], $0x4000, $0x38;
	[tilespmem:$0x10000] =	vst v63  }
.LBB2_6:
0x13e: {  	p1 =	sne.s32 s20, $0x1E84  }
.Ltmp7:
0x13f: {  	_ = 	snop;
	(pc) =	sbr.rel @p1 .LBB2_10-.Ltmp7, $1  }
0x140: {  	_ =	sdelay $0x3  }
0x141: {  	s20 =	simm.s32 $0x0  }
0x142: {  	[tilespmem:s14], [sflag:$0x4] =	stream.linear.gather [hbm4b:s4+s20], $0x2000, $0x38;
	[tilespmem:$0x10000] =	vst v63  }
0x143: {  	_ =	swait.ge [sflag:s15], $0x2000  }
0x144: {  	[sflag:s15] =	ssyncset.done $0x0  }
0x145: {  	s20 =	simm.s32 $0x0;
	[sflag:s15] =	ssyncadd.s32 $0xFFFFE000  }
0x146: {  	v7 =	vld [tilespmem:s20+$0xC030]  }
0x147: {  	v8 =	vld [tilespmem:s20+$0xC000]  }
0x148: {  	v9 =	vld [tilespmem:s20+$0xC010]  }
0x149: {  	s21 =	simm.s32 $0x200;
	v10 =	vld [tilespmem:s20+$0xC020]  }
.LBB2_8:
0x14a: {  	p1 =	sne.s32 s21, $0x7E00  }
.Ltmp8:
0x14b: {  	s22 =	sshra.s32 s21, $0x2;
	s21 =	sadd.s32 $0x200, s21;
	[tilespmem:s20+$0xE030] =	vst v7;
	(pc) =	sbr.rel @p1 .LBB2_8-.Ltmp8, $4  }
0x14c: {  	v7 =	vld [tilespmem:s22+$0xC030];
	[tilespmem:s20+$0xE000] =	vst v8  }
0x14d: {  	v8 =	vld [tilespmem:s22+$0xC000];
	[tilespmem:s20+$0xE010] =	vst v9  }
0x14e: {  	v9 =	vld [tilespmem:s22+$0xC010];
	[tilespmem:s20+$0xE020] =	vst v10;
	s20 =	smov.u32 s22  }
0x14f: {  	v10 =	vld [tilespmem:s20+$0xC020]  }
0x150: {  	_ = 	snop  }
0x151: {  	[tilespmem:s20+$0xE030] =	vst v7  }
0x152: {  	[tilespmem:s20+$0xE000] =	vst v8  }
0x153: {  	[tilespmem:s20+$0xE010] =	vst v9  }
.Ltmp9:
0x154: {  	[tilespmem:s20+$0xE020] =	vst v10;
	(pc) =	sbr.rel .LBB2_10-.Ltmp9, $4  }
0x155: {  	[hbm4b:s8+s2] =	stream.linear.scatter [tilespmem:s16], [sflag:$0x3], $0x2000, $0x38;
	[tilespmem:$0x10000] =	vst v63  }
0x156: {  	_ =	swait.ge [sflag:s17], $0x2000  }
0x157: {  	[sflag:s17] =	ssyncset.done $0x0  }
0x158: {  	[sflag:s17] =	ssyncadd.s32 $0xFFFFE000  }
.LBB2_12:
0x159: {  	_ =	sfence.sel $0x180000  }
0x15a: {  	[bflag:$0x0] =	sbarrier.arrive $0xFFFF  }
0x15b: {  	p0 =	sne.s32 s1, $0x0;
	_ =	strace $0x90000047  }
0x15c: {  	s0 =	sadd.s32 @!p0 $0x100000, s0;
	[bflag:$0x2] =	sbarrier.arrive $0xFFFF  }
0x15d: {  	[sflag:s0] =	ssyncadd.tile.s32 @!p0 $0x1;
	_ =	shalt  }
.Lfunc_end2:
_tile_overlayer_lowered:
.L_overlay_start_2:
0x15e: {  	(tag) =	ssettag $0x2  }
0x15f: {  	s0 =	rddreg [dreg:$0x0];
	s2 =	stileid.u32  }
0x160: {  	s1 =	rddreg [dreg:$0x1];
	p0 =	sne.s32 s2, $0x0  }
0x161: {  	s3 =	rddreg [dreg:$0x2];
	[bflag:$0x3] =	sbarrier.arrive $0xFFFF;
	s2 =	simm.s32 @!p0 $0x1C03  }
0x162: {  	[timem:s3], [sflag:s2] =	dma.local @!p0 [hbm:s0], s1  }
0x163: {  	s0 =	simm.s32 @!p0 $0x3  }
0x164: {  	_ =	swait.ge @!p0 [sflag:s0], s1  }
0x165: {  	s1 =	ssub.s32 @!p0 $0x0, s1;
	[sflag:s0] =	ssyncset.done @!p0 $0x0  }
0x166: {  	[sflag:s0] =	ssyncadd.s32 @!p0 s1  }
0x167: {  	[bflag:$0x3] =	sbarrier.arrive $0xFFFF  }
0x168: {  	_ =	shalt  }

// kernel: kernel.7.cloned.1.call-start
scs
__scs_entry_jumppad:
0x0: {  	(pc) =	sbr.rel $0x88, $3  }
0x1: {  	(tag) =	ssettag $0x0;
	lr =	simm.s32 $0x1  }
0x2: {  	[smem:$0x3F9F] =	sst lr;
	_ =	strace $0xD0000000  }
0x3: {  	_ = 	snop  }
0x4: {  	_ = 	snop  }
0x5: {  	_ = 	snop  }
0x6: {  	_ = 	snop  }
0x7: {  	_ = 	snop  }
__scs_overlays_trampoline_lowered:
0x8: {  	[smem:$0x3FAE] =	sst s0  }
0x9: {  	[smem:$0x3FAF] =	sst s1  }
0xa: {  	[smem:$0x3FB0] =	sst s2  }
0xb: {  	[smem:$0x3FB1] =	sst s3  }
0xc: {  	[smem:$0x3FB2] =	sst s4  }
0xd: {  	[smem:$0x3FB3] =	sst s5  }
0xe: {  	[smem:$0x3FB4] =	sst s6  }
0xf: {  	[smem:$0x3FB5] =	sst s7  }
0x10: {  	[smem:$0x3FB6] =	sst s8  }
0x11: {  	[smem:$0x3FB7] =	sst s9;
	s0 =	simm.s32 @!p0 $0x0  }
0x12: {  	s1 =	sld [smem:$0x3F9D];
	s0 =	simm.s32 @p0 $0x1  }
0x13: {  	[smem:$0x3FB8] =	sst s0;
	s0 =	simm.s32 @!p1 $0x0  }
0x14: {  	s2 =	sld [smem:$0x3F9C];
	s0 =	simm.s32 @p1 $0x1  }
0x15: {  	[smem:$0x3FB9] =	sst s0;
	s0 =	simm.s32 @!p2 $0x0  }
0x16: {  	s3 =	sld [smem:$0x3FDB];
	s0 =	simm.s32 @p2 $0x1  }
0x17: {  	s4 =	simm.s32 $0x1BF5;
	[smem:$0x3FBB] =	sst s0  }
0x18: {  	s0 =	sld [smem:$0x3F9E];
	_ =	swait.ge [sflag:s4], $0x0  }
0x19: {  	s7 =	sld [smem:$0x3F9F]  }
0x1a: {  	s8 =	sadd.s32 $0xFFFFE003, lr  }
0x1b: {  	s9 =	sadd.s32 $0xFFFFFEF7, lr;
	s5 =	simm.s32 $0xFFFFFFFF;
	p2 =	slt.u32 s8, $0xFFFFF086  }
0x1c: {  	p1 =	slt.u32 s9, $0xF7A;
	s5 =	simm.s32 @!p2 $0x0  }
0x1d: {  	s5 =	simm.s32 @p1 $0x1;
	p0 =	seq.s32 s7, s2  }
0x1e: {  	s7 =	smul.u32 @!p0 $0xF7A, s2;
	p2 =	seq.s32 @!p0 s5, $0x0  }
0x1f: {  	s9 =	smul.u32 $0xF7A, s1;
	s8 =	simm.s32 @!p0 $0x1BF5;
	p2 =	por !p2, p0  }
0x20: {  	[sflag:s8] =	ssyncset.s32 @!p0 $0xFFFFF086;
	s6 =	sadd.s32 @!p0 s3, s7;
	s7 =	simm.s32 @!p0 $0x108  }
0x21: {  	s3 =	sadd.s32 s3, s9;
	s6 =	sadd.s32 @!p0 $0x88, s6;
	s7 =	simm.s32 @p2 $0x1082  }
0x22: {  	[simem:s7], [sflag:s8] =	dma.local @!p0 [hbm:s6], $0xF7A  }
0x23: {  	s9 =	sor.u32 $0xD0000000, s2;
	s6 =	simm.s32 $0x108;
	_ =	swait.ge @!p0 [sflag:s8], $0x0  }
0x24: {  	s3 =	sadd.s32 $0x88, s3;
	s6 =	simm.s32 @!p1 $0x1082;
	[sflag:s4] =	ssyncset.s32 $0xFFFFF086  }
0x25: {  	[simem:s6], [sflag:s4] =	dma.local [hbm:s3], $0xF7A  }
0x26: {  	[smem:$0x3F9F] =	sst s1;
	(tag) =	ssettag s2;
	_ =	strace s9  }
0x27: {  	s1 =	sld [smem:$0x3FAF]  }
0x28: {  	s2 =	sld [smem:$0x3FB0]  }
0x29: {  	s4 =	sld [smem:$0x3FB2]  }
0x2a: {  	p0 =	seq.s32 s5, $0x0;
	s5 =	sld [smem:$0x3FB3]  }
0x2b: {  	s6 =	sld [smem:$0x3FB4]  }
0x2c: {  	s7 =	sld [smem:$0x3FB5]  }
0x2d: {  	s3 =	simm.s32 $0x108;
	s8 =	sld [smem:$0x3FB6]  }
0x2e: {  	s3 =	simm.s32 @!p0 $0x1082;
	s9 =	sld [smem:$0x3FB7]  }
0x2f: {  	lr =	sadd.s32 s0, s3;
	s0 =	sld [smem:$0x3FAE]  }
0x30: {  	s3 =	sld [smem:$0x3FB1]  }
0x31: {  	[smem:$0x3FBA] =	sst s10  }
0x32: {  	s10 =	sld [smem:$0x3FB8];
	_ =	sdelay $0x3  }
0x33: {  	p0 =	seq.s32 s10, $0x1;
	s10 =	sld [smem:$0x3FBA];
	_ =	sdelay $0x3  }
0x34: {  	[smem:$0x3FBA] =	sst s10  }
0x35: {  	s10 =	sld [smem:$0x3FB9];
	_ =	sdelay $0x3  }
0x36: {  	p1 =	seq.s32 s10, $0x1;
	s10 =	sld [smem:$0x3FBA];
	_ =	sdelay $0x3  }
0x37: {  	[smem:$0x3FBA] =	sst s10  }
0x38: {  	s10 =	sld [smem:$0x3FBB]  }
0x39: {  	_ = 	snop;
	(pc) =	sbr.ind lr, $3  }
0x3a: {  	_ = 	snop  }
0x3b: {  	_ = 	snop  }
0x3c: {  	p2 =	seq.s32 s10, $0x1;
	s10 =	sld [smem:$0x3FBA]  }
0x3d: {  	_ =	shalt  }
0x3e: {  	_ =	shalt  }
0x3f: {  	_ =	shalt  }
0x40: {  	_ =	shalt  }
0x41: {  	_ =	shalt  }
0x42: {  	_ =	shalt  }
0x43: {  	_ =	shalt  }
0x44: {  	_ =	shalt  }
0x45: {  	_ =	shalt  }
0x46: {  	_ =	shalt  }
0x47: {  	_ =	shalt  }
0x48: {  	_ =	shalt  }
0x49: {  	_ =	shalt  }
0x4a: {  	_ =	shalt  }
0x4b: {  	_ =	shalt  }
0x4c: {  	_ =	shalt  }
0x4d: {  	_ =	shalt  }
0x4e: {  	_ =	shalt  }
0x4f: {  	_ =	shalt  }
0x50: {  	_ =	shalt  }
0x51: {  	_ =	shalt  }
0x52: {  	_ =	shalt  }
0x53: {  	_ =	shalt  }
0x54: {  	_ =	shalt  }
0x55: {  	_ =	shalt  }
0x56: {  	_ =	shalt  }
0x57: {  	_ =	shalt  }
0x58: {  	_ =	shalt  }
0x59: {  	_ =	shalt  }
0x5a: {  	_ =	shalt  }
0x5b: {  	_ =	shalt  }
0x5c: {  	_ =	shalt  }
0x5d: {  	_ =	shalt  }
0x5e: {  	_ =	shalt  }
0x5f: {  	_ =	shalt  }
0x60: {  	_ =	shalt  }
0x61: {  	_ =	shalt  }
0x62: {  	_ =	shalt  }
0x63: {  	_ =	shalt  }
0x64: {  	_ =	shalt  }
0x65: {  	_ =	shalt  }
0x66: {  	_ =	shalt  }
0x67: {  	_ =	shalt  }
0x68: {  	_ =	shalt  }
0x69: {  	_ =	shalt  }
0x6a: {  	_ =	shalt  }
0x6b: {  	_ =	shalt  }
0x6c: {  	_ =	shalt  }
0x6d: {  	_ =	shalt  }
0x6e: {  	_ =	shalt  }
0x6f: {  	_ =	shalt  }
0x70: {  	_ =	shalt  }
0x71: {  	_ =	shalt  }
0x72: {  	_ =	shalt  }
0x73: {  	_ =	shalt  }
0x74: {  	_ =	shalt  }
0x75: {  	_ =	shalt  }
0x76: {  	_ =	shalt  }
0x77: {  	_ =	shalt  }
0x78: {  	_ =	shalt  }
0x79: {  	_ =	shalt  }
0x7a: {  	_ =	shalt  }
0x7b: {  	_ =	shalt  }
0x7c: {  	_ =	shalt  }
0x7d: {  	_ =	shalt  }
0x7e: {  	_ =	shalt  }
0x7f: {  	_ =	shalt  }
0x80: {  	_ =	shalt  }
0x81: {  	_ =	shalt  }
0x82: {  	_ =	shalt  }
0x83: {  	_ =	shalt  }
0x84: {  	_ =	shalt  }
0x85: {  	_ =	shalt  }
0x86: {  	_ =	shalt  }
0x87: {  	_ =	shalt  }
.Lfunc_end0:
.L_simem_size_0:
called_computation.2_lowered:
.L_overlay_start_0:
0x88: {  	s2 =	sld [smem:$0x3FD9]  }
0x89: {  	s3 =	sld [smem:$0x3FFE];
	_ =	sdelay $0x1  }
0x8a: {  	s1 =	srdreg.scid  }
0x8b: {  	s0 =	sand.u32 $0x1, s1  }
0x8c: {  	s17 =	sshll.u32 s0, $0xA;
	s2 =	sadd.s32 s3, s2  }
0x8d: {  	s2 =	sadd.s32 s2, s17  }
0x8e: {  	[smem:$0x3FC6] =	sst s2  }
0x8f: {  	_ = 	snop  }
0x90: {  	s2 =	sld [smem:$0x3FD0];
	(tm) =	ssettm $0x1  }
0x91: {  	s18 =	sld [smem:$0x3FFB];
	_ =	sdelay $0x3  }
0x92: {  	_ =	strace s18  }
0x93: {  	s3 =	sld [smem:$0x3FFC];
	_ =	sdelay $0x3  }
0x94: {  	_ =	strace s3  }
0x95: {  	s3 =	sld [smem:$0x3FFD];
	_ =	sdelay $0x3  }
0x96: {  	_ =	strace s3  }
0x97: {  	_ =	strace $0x8FFFFFFF  }
0x98: {  	s19 =	sld [smem:$0x3FDB];
	_ =	sdelay $0x1  }
0x99: {  	s4 =	simm.s32 $_scs_section_size  }
0x9a: {  	s5 =	simm.s32 $_size__tile_overlayer_lowered;
	s6 =	simm.s32 $_tile_overlayer_lowered  }
0x9b: {  	s22 =	simm.s32 $0x1BFF;
	s21 =	sshll.u32 s6, $0x1;
	s3 =	sadd.s32 s4, s19  }
0x9c: {  	s7 =	simm.s32 $0x0;
	s20 =	sshll.u32 s5, $0x1;
	s5 =	sadd.s32 s21, s3  }
0x9d: {  	[timem:s7], [sflag:s22] =	dma.local [hbm:s5], s20  }
0x9e: {  	_ =	swait.ge [sflag:s22], s20  }
0x9f: {  	s4 =	ssub.s32 $0x0, s20;
	[sflag:s22] =	ssyncset.done $0x0  }
0xa0: {  	[sflag:s22] =	ssyncadd.s32 s4;
	_ =	sdelay $0x1  }
0xa1: {  	s23 =	simm.s32 $0x1B8B  }
0xa2: {  	_ =	swait.ge [sflag:s23], $0x1  }
0xa3: {  	[sflag:s23] =	ssyncset.done $0x0  }
0xa4: {  	s25 =	simm.s32 $0x1B8E;
	s24 =	sld [smem:$0x3FFE];
	[sflag:s23] =	ssyncadd.s32 $0xFFFFFFFF  }
0xa5: {  	s26 =	simm.s32 $execute0_lowered;
	[smem:$0x3FD2] =	sst s25  }
0xa6: {  	s5 =	sshll.u32 s26, $0x1;
	_ =	strace $0x80000049;
	[dreg:$0x1] =	wrdreg $0xFFFFFFFF  }
0xa7: {  	s28 =	simm.s32 $_size_execute0_lowered;
	s3 =	sadd.s32 s3, s5;
	[dreg:$0x0] =	wrdreg $0x0  }
0xa8: {  	s5 =	sshll.u32 s28, $0x1;
	[dreg:$0x2] =	wrdreg s3  }
0xa9: {  	[dreg:$0x3] =	wrdreg s5  }
0xaa: {  	[dreg:$0x4] =	wrdreg $0xC0  }
0xab: {  	_ =	task [dreg:s7], $0x5FFFF  }
0xac: {  	[dreg:$0x1] =	wrdreg $0xFFFFFFFF  }
0xad: {  	[dreg:$0x0] =	wrdreg $0x60  }
0xae: {  	[dreg:$0x2] =	wrdreg s2  }
0xaf: {  	[dreg:$0x3] =	wrdreg s24  }
0xb0: {  	[dreg:$0x4] =	wrdreg $0x9  }
0xb1: {  	_ =	task.clear_ibuf [dreg:s7], $0x5FFFF;
	_ =	strace $0x90000049  }
0xb2: {  	s29 =	simm.s32 $0x9;
	_ =	strace $0x8000004B  }
0xb3: {  	_ =	swait.ge [sflag:s29], $0x1  }
0xb4: {  	[sflag:s29] =	ssyncadd.s32 $0xFFFFFFFF  }
0xb5: {  	_ =	strace $0x9000004B  }
0xb6: {  	_ =	sfence  }
0xb7: {  	s30 =	sld [smem:$0x0];
	_ =	sdelay $0x2  }
0xb8: {  	s31 =	sshll.u32 s1, $0xD;
	s1 =	sshrl.u32 s1, $0x2  }
0xb9: {  	s3 =	sand.u32 $0x4000, s31;
	s1 =	sadd.s32 s1, s30  }
0xba: {  	s0 =	sor.u32 s3, s0;
	s1 =	sshll.u32 s1, $0x11  }
0xbb: {  	s0 =	sor.u32 s1, s0  }
0xbc: {  	s0 =	sadd.s32 $0x8F2B, s0  }
0xbd: {  	[sflag:s0] =	ssyncadd.remote.s32 $0x1  }
0xbe: {  	_ =	sfence.sel $0xFFFF  }
0xbf: {  	[dreg:$0x0] =	wrdreg $0xFFFFFFFF;
	(pc) =	sbr.abs _section_cstart, $3  }
0xc0: {  	[dreg:$0x1] =	wrdreg $0xFFFFFFFF  }
0xc1: {  	_ =	task.clear_ibuf [dreg:s7], $0x2FFFF;
	_ =	strace $0x9FFFFFFF  }
0xc2: {  	(tm) =	ssettm $0x7FFFFFFF  }
0xc3: {  	_ =	shalt  }
tec
execute0_lowered:
.L_overlay_start_1:
0x0: {  	(tag) =	ssettag $0x1  }
0x1: {  	v0 =	vimm.s32 $0xFEDCBA98;
	v1 =	vimm.s32 $0x76543210  }
0x2: {  	s2 =	srdreg.scid;
	s1 =	rddreg [dreg:$0x0];
	v2 =	vimm.s32 $0xBA98FEDC;
	v3 =	vimm.s32 $0x32107654;
	v4 =	vimm.s32 $0xDCFE98BA  }
0x3: {  	s0 =	stileid.u32;
	s6 =	rddreg [dreg:$0x1];
	v5 =	vimm.s32 $0x54761032;
	v6 =	vimm.s32 $0xEFCDAB89;
	v7 =	vimm.s32 $0x67452301  }
0x4: {  	s12 =	simm.s32 $0x80;
	s13 =	simm.s32 $0x100;
	s14 =	simm.s32 $0x1;
	v0 =	vunpack.c.l.s4.s8 v0;
	v1 =	vunpack.c.l.s4.s8 v1;
	v2 =	vunpack.c.l.s4.s8 v2  }
0x5: {  	s15 =	simm.s32 $0x200;
	s16 =	simm.s32 $0x4200;
	s17 =	simm.s32 $0x2;
	v3 =	vunpack.c.l.s4.s8 v3;
	v4 =	vunpack.c.l.s4.s8 v4;
	v5 =	vunpack.c.l.s4.s8 v5  }
0x6: {  	s5 =	sand.u32 $0x1, s2;
	s3 =	sshll.u32 s0, $0x1;
	s2 =	simm.s32 $0x0;
	v6 =	vunpack.c.l.s4.s8 v6;
	v7 =	vunpack.c.l.s4.s8 v7;
	v0 =	vunpack.c.0.s8.s32 v0  }
0x7: {  	s18 =	simm.s32 $0x3;
	s10 =	sor.u32 s5, s3;
	[smem:$0x7FF] =	sst s2;
	v2 =	vunpack.c.0.s8.s32 v2;
	v3 =	vunpack.c.0.s8.s32 v3;
	v4 =	vunpack.c.0.s8.s32 v4  }
0x8: {  	s19 =	simm.s32 $0x0;
	s3 =	rddreg [dreg:$0x2];
	s4 =	smul.u32 $0x6400, s10;
	v5 =	vunpack.c.0.s8.s32 v5;
	v6 =	vunpack.c.0.s8.s32 v6;
	v7 =	vunpack.c.0.s8.s32 v7  }
0x9: {  	s7 =	ssub.s32 $0x2, s5;
	s5 =	sadd.s32 $0x1200, s6;
	s6 =	sadd.s32 $0xF43600, s6;
	v1 =	vunpack.c.0.s8.s32 v1;
	v2 =	vcombine.low v3, v2  }
0xa: {  	_ =	strace $0x8000004A;
	s8 =	sshrl.u32 s7, $0x1;
	s9 =	sshrl.u32 s4, $0x3;
	v3 =	vcombine.low v5, v4;
	v4 =	vcombine.low v7, v6;
	v0 =	vand.u32 $0xF, v0  }
0xb: {  	s10 =	smul.u32 $0x320000, s10;
	s11 =	ssub.s32 s7, s8;
	s7 =	sadd.s32 s1, s9;
	v0 =	vcombine.low v0, v1  }
0xc: {  	s11 =	smax.u32 s11, $0x1;
	s8 =	sadd.s32 $0x10, s7;
	s9 =	sadd.s32 $0x20, s7;
	v1 =	vand.u32 $0xF, v2;
	v2 =	vand.u32 $0xF, v3;
	v3 =	vand.u32 $0xF, v4  }
.LBB2_1:
0xd: {  	[tilespmem:s2], [sflag:$0x1] =	stream.linear.gather [hbm4b:s7+s2], $0x80, $0x38;
	[tilespmem:$0x18200] =	vst v63  }
0xe: {  	_ = 	snop  }
0xf: {  	[tilespmem:s12], [sflag:$0x1] =	stream.linear.gather [hbm4b:s8+s2], $0x80, $0x38;
	[tilespmem:$0x18200] =	vst v63  }
0x10: {  	_ = 	snop  }
0x11: {  	[tilespmem:s13], [sflag:$0x1] =	stream.linear.gather [hbm4b:s9+s2], $0x80, $0x38;
	[tilespmem:$0x18200] =	vst v63  }
0x12: {  	_ =	swait.ge [sflag:s14], $0x80  }
0x13: {  	[sflag:s14] =	ssyncset.done $0x0  }
0x14: {  	[sflag:s14] =	ssyncadd.s32 $0xFFFFFF80  }
0x15: {  	[tilespmem:s15], [sflag:$0x2] =	stream.indirect.gather [hbm4b:s5+s12], $0x80, s2, s12, $0xb8;
	[tilespmem:$0x18200] =	vst v63  }
0x16: {  	_ =	swait.ge [sflag:s14], $0x80  }
0x17: {  	p0 =	por $0x0, $0x0;
	[sflag:s14] =	ssyncset.done $0x0  }
0x18: {  	s20 =	simm.s32 $0x0;
	s21 =	simm.s32 $0x0;
	[sflag:s14] =	ssyncadd.s32 $0xFFFFFF80  }
0x19: {  	[tilespmem:s16], [sflag:$0x2] =	stream.indirect.gather [hbm4b:s5+s12], $0x80, s12, s12, $0xb8;
	[tilespmem:$0x18200] =	vst v63  }
.LBB2_2:
0x1a: {  	p1 =	sgt.u32 s21, $0xC5  }
0x1b: {  	s22 =	sand.u32 @!p1 $0x3, s21;
	s23 =	simm.s32 @!p1 $0x1  }
0x1c: {  	s22 =	sxor.u32 @!p1 $0x2, s22;
	_ =	swait.ge @!p1 [sflag:s23], $0x80  }
0x1d: {  	s24 =	sshll.u32 @!p1 s22, $0x7;
	[sflag:s23] =	ssyncset.done @!p1 $0x0;
	s22 =	sshll.u32 @!p1 s22, $0xE  }
0x1e: {  	[sflag:s23] =	ssyncadd.s32 @!p1 $0xFFFFFF80;
	s22 =	sor.u32 @!p1 $0x200, s22;
	s23 =	simm.s32 @!p1 $0x80  }
0x1f: {  	[tilespmem:s22], [sflag:$0x2] =	stream.indirect.gather @!p1 [hbm4b:s5+s23], $0x80, s24, s23, $0xb8;
	[tilespmem:$0x18200] =	vst v63  }
0x20: {  	s25 =	simm.s32 $0x1;
	p1 =	sgt.u32 s21, $0xC4  }
0x21: {  	s25 =	simm.s32 @!p0 $0x0;
	s22 =	sshll.u32 @!p1 s21, $0x7  }
0x22: {  	s29 =	sand.u32 $0x3, s20;
	s30 =	sshll.u32 s25, $0xE;
	s24 =	sadd.s32 @!p1 $0x180, s22  }
0x23: {  	s25 =	sor.u32 $0x10600, s30;
	s23 =	sshll.u32 s29, $0xE;
	s22 =	sadd.s32 @!p1 s4, s24  }
0x24: {  	_ =	swait.ge [sflag:s17], $0x4000;
	s26 =	sand.u32 @!p1 $0x380, s24;
	s22 =	sand.u32 @!p1 $0x1FFC00, s22  }
0x25: {  	s28 =	simm.s32 @!p1 $0x0;
	[sflag:s17] =	ssyncset.done $0x0;
	s26 =	sor.u32 @!p1 s26, s22  }
0x26: {  	[sflag:s17] =	ssyncadd.s32 $0xFFFFC000;
	s22 =	sshll.u32 s21, $0xE;
	s26 =	sshrl.u32 @!p1 s26, $0x3  }
0x27: {  	s24 =	sand.u32 @!p1 $0x180, s24;
	s31 =	sand.u32 $0x4000, s22;
	s26 =	sadd.s32 @!p1 s1, s26  }
0x28: {  	[tilespmem:s24], [sflag:$0x1] =	stream.linear.gather @!p1 [hbm4b:s26+s28], $0x80, $0x38;
	[tilespmem:$0x18200] =	vst v63  }
0x29: {  	s24 =	sor.u32 $0x600, s23;
	s23 =	sor.u32 $0x10200, s31;
	s26 =	simm.s32 $0xFFFFFFF0  }
.LBB2_3:
0x2a: {  	v4 =	vld [tilespmem:s24+$0xFFFFFC00]  }
0x2b: {  	v5 =	vld [tilespmem:s24+$0xFFFFFC10]  }
0x2c: {  	v6 =	vld [tilespmem:s24+$0xFFFFFC20]  }
0x2d: {  	v7 =	vld [tilespmem:s24+$0xFFFFFC30];
	_ =	sdelay $0x3  }
0x2e: {  	v8 =	vmul.f32 v4, v4;
	v9 =	vmul.f32 v5, v5  }
0x2f: {  	v10 =	vmul.f32 v6, v6;
	v11 =	vmul.f32 v7, v7;
	_ =	sdelay $0x1  }
0x30: {  	v8 =	vadd.f32 v9, v8;
	v62 =	vadd.f32 v11, v10;
	_ =	sdelay $0x1  }
0x31: {  	v8 =	vadd.f32 v62, v8;
	_ =	sdelay $0x1  }
0x32: {  	v9 =	vperm.xlane v8, v0;
	_ =	sdelay $0x1  }
0x33: {  	v8 =	vadd.f32 v8, v9;
	_ =	sdelay $0x1  }
0x34: {  	v9 =	vperm.xlane v8, v1;
	_ =	sdelay $0x1  }
0x35: {  	v8 =	vadd.f32 v8, v9;
	_ =	sdelay $0x1  }
0x36: {  	v9 =	vperm.xlane v8, v2;
	_ =	sdelay $0x1  }
0x37: {  	v8 =	vadd.f32 v8, v9;
	_ =	sdelay $0x1  }
0x38: {  	v9 =	vperm.xlane v8, v3;
	_ =	sdelay $0x1  }
0x39: {  	v8 =	vadd.f32 v8, v9;
	_ =	sdelay $0x1  }
0x3a: {  	v8 =	vsub.f32 $1.000010010e+00, v8;
	_ =	sdelay $0x1  }
0x3b: {  	(erf) = vrcp.f32 v8;
	_ =	sdelay $0x8  }
0x3c: {  	v8 =	vpop (erf)  }
0x3d: {  	v8 =	vadd.f32 v8, v8;
	_ =	sdelay $0x1  }
0x3e: {  	v4 =	vmul.f32 v8, v4  }
0x3f: {  	v5 =	vmul.f32 v8, v5  }
0x40: {  	[tilespmem:s25+$0xFFFFFC00] =	vst v4;
	v4 =	vmul.f32 v8, v6  }
0x41: {  	[tilespmem:s25+$0xFFFFFC10] =	vst v5;
	v5 =	vmul.f32 v8, v7  }
0x42: {  	[tilespmem:s25+$0xFFFFFC20] =	vst v4  }
0x43: {  	[tilespmem:s25+$0xFFFFFC30] =	vst v5  }
0x44: {  	v4 =	vld [tilespmem:s24+$0xFFFFFC80]  }
0x45: {  	v5 =	vld [tilespmem:s24+$0xFFFFFC90]  }
0x46: {  	v63 =	vld [tilespmem:s24+$0xFFFFFCA0]  }
0x47: {  	v12 =	vld [tilespmem:s24+$0xFFFFFCB0];
	_ =	sdelay $0x3  }
0x48: {  	v13 =	vmul.f32 v4, v4;
	v14 =	vmul.f32 v5, v5  }
0x49: {  	v15 =	vmul.f32 v63, v63;
	v16 =	vmul.f32 v12, v12;
	_ =	sdelay $0x1  }
0x4a: {  	v8 =	vadd.f32 v14, v13;
	v17 =	vadd.f32 v16, v15;
	_ =	sdelay $0x1  }
0x4b: {  	v8 =	vadd.f32 v17, v8;
	_ =	sdelay $0x1  }
0x4c: {  	v9 =	vperm.xlane v8, v0;
	_ =	sdelay $0x1  }
0x4d: {  	v8 =	vadd.f32 v8, v9;
	_ =	sdelay $0x1  }
0x4e: {  	v9 =	vperm.xlane v8, v1;
	_ =	sdelay $0x1  }
0x4f: {  	v8 =	vadd.f32 v8, v9;
	_ =	sdelay $0x1  }
0x50: {  	v9 =	vperm.xlane v8, v2;
	_ =	sdelay $0x1  }
0x51: {  	v8 =	vadd.f32 v8, v9;
	_ =	sdelay $0x1  }
0x52: {  	v9 =	vperm.xlane v8, v3;
	_ =	sdelay $0x1  }
0x53: {  	v8 =	vadd.f32 v8, v9;
	_ =	sdelay $0x1  }
0x54: {  	v8 =	vsub.f32 $1.000010010e+00, v8;
	_ =	sdelay $0x1  }
0x55: {  	(erf) = vrcp.f32 v8;
	_ =	sdelay $0x8  }
0x56: {  	v8 =	vpop (erf)  }
0x57: {  	v8 =	vadd.f32 v8, v8;
	_ =	sdelay $0x1  }
0x58: {  	v4 =	vmul.f32 v8, v4  }
0x59: {  	v5 =	vmul.f32 v8, v5  }
0x5a: {  	[tilespmem:s25+$0xFFFFFC80] =	vst v4;
	v4 =	vmul.f32 v8, v63  }
0x5b: {  	[tilespmem:s25+$0xFFFFFC90] =	vst v5;
	v5 =	vmul.f32 v8, v12  }
0x5c: {  	[tilespmem:s25+$0xFFFFFCA0] =	vst v4  }
0x5d: {  	[tilespmem:s25+$0xFFFFFCB0] =	vst v5  }
0x5e: {  	v4 =	vld [tilespmem:s24+$0xFFFFFD00]  }
0x5f: {  	v5 =	vld [tilespmem:s24+$0xFFFFFD10]  }
0x60: {  	v18 =	vld [tilespmem:s24+$0xFFFFFD20]  }
0x61: {  	v19 =	vld [tilespmem:s24+$0xFFFFFD30];
	_ =	sdelay $0x3  }
0x62: {  	v20 =	vmul.f32 v4, v4;
	v21 =	vmul.f32 v5, v5  }
0x63: {  	v22 =	vmul.f32 v18, v18;
	v23 =	vmul.f32 v19, v19;
	_ =	sdelay $0x1  }
0x64: {  	v8 =	vadd.f32 v21, v20;
	v24 =	vadd.f32 v23, v22;
	_ =	sdelay $0x1  }
0x65: {  	v8 =	vadd.f32 v24, v8;
	_ =	sdelay $0x1  }
0x66: {  	v9 =	vperm.xlane v8, v0;
	_ =	sdelay $0x1  }
0x67: {  	v8 =	vadd.f32 v8, v9;
	_ =	sdelay $0x1  }
0x68: {  	v9 =	vperm.xlane v8, v1;
	_ =	sdelay $0x1  }
0x69: {  	v8 =	vadd.f32 v8, v9;
	_ =	sdelay $0x1  }
0x6a: {  	v9 =	vperm.xlane v8, v2;
	_ =	sdelay $0x1  }
0x6b: {  	v8 =	vadd.f32 v8, v9;
	_ =	sdelay $0x1  }
0x6c: {  	v9 =	vperm.xlane v8, v3;
	_ =	sdelay $0x1  }
0x6d: {  	v8 =	vadd.f32 v8, v9;
	_ =	sdelay $0x1  }
0x6e: {  	v8 =	vsub.f32 $1.000010010e+00, v8;
	_ =	sdelay $0x1  }
0x6f: {  	(erf) = vrcp.f32 v8;
	_ =	sdelay $0x8  }
0x70: {  	v8 =	vpop (erf)  }
0x71: {  	v8 =	vadd.f32 v8, v8;
	_ =	sdelay $0x1  }
0x72: {  	v4 =	vmul.f32 v8, v4  }
0x73: {  	v5 =	vmul.f32 v8, v5  }
0x74: {  	[tilespmem:s25+$0xFFFFFD00] =	vst v4;
	v4 =	vmul.f32 v8, v18  }
0x75: {  	[tilespmem:s25+$0xFFFFFD10] =	vst v5;
	v5 =	vmul.f32 v8, v19  }
0x76: {  	[tilespmem:s25+$0xFFFFFD20] =	vst v4  }
0x77: {  	[tilespmem:s25+$0xFFFFFD30] =	vst v5  }
0x78: {  	v4 =	vld [tilespmem:s24+$0xFFFFFD80]  }
0x79: {  	v5 =	vld [tilespmem:s24+$0xFFFFFD90]  }
0x7a: {  	v25 =	vld [tilespmem:s24+$0xFFFFFDA0]  }
0x7b: {  	v26 =	vld [tilespmem:s24+$0xFFFFFDB0];
	_ =	sdelay $0x3  }
0x7c: {  	v27 =	vmul.f32 v4, v4;
	v28 =	vmul.f32 v5, v5  }
0x7d: {  	v29 =	vmul.f32 v25, v25;
	v30 =	vmul.f32 v26, v26;
	_ =	sdelay $0x1  }
0x7e: {  	v8 =	vadd.f32 v28, v27;
	v31 =	vadd.f32 v30, v29;
	_ =	sdelay $0x1  }
0x7f: {  	v8 =	vadd.f32 v31, v8;
	_ =	sdelay $0x1  }
0x80: {  	v9 =	vperm.xlane v8, v0;
	_ =	sdelay $0x1  }
0x81: {  	v8 =	vadd.f32 v8, v9;
	_ =	sdelay $0x1  }
0x82: {  	v9 =	vperm.xlane v8, v1;
	_ =	sdelay $0x1  }
0x83: {  	v8 =	vadd.f32 v8, v9;
	_ =	sdelay $0x1  }
0x84: {  	v9 =	vperm.xlane v8, v2;
	_ =	sdelay $0x1  }
0x85: {  	v8 =	vadd.f32 v8, v9;
	_ =	sdelay $0x1  }
0x86: {  	v9 =	vperm.xlane v8, v3;
	_ =	sdelay $0x1  }
0x87: {  	v8 =	vadd.f32 v8, v9;
	_ =	sdelay $0x1  }
0x88: {  	v8 =	vsub.f32 $1.000010010e+00, v8;
	_ =	sdelay $0x1  }
0x89: {  	(erf) = vrcp.f32 v8;
	_ =	sdelay $0x8  }
0x8a: {  	v8 =	vpop (erf)  }
0x8b: {  	v8 =	vadd.f32 v8, v8;
	_ =	sdelay $0x1  }
0x8c: {  	v4 =	vmul.f32 v8, v4  }
0x8d: {  	v5 =	vmul.f32 v8, v5  }
0x8e: {  	[tilespmem:s25+$0xFFFFFD80] =	vst v4;
	v4 =	vmul.f32 v8, v25  }
0x8f: {  	[tilespmem:s25+$0xFFFFFD90] =	vst v5;
	v5 =	vmul.f32 v8, v26  }
0x90: {  	[tilespmem:s25+$0xFFFFFDA0] =	vst v4  }
0x91: {  	[tilespmem:s25+$0xFFFFFDB0] =	vst v5  }
0x92: {  	v4 =	vld [tilespmem:s24+$0xFFFFFE00]  }
0x93: {  	v5 =	vld [tilespmem:s24+$0xFFFFFE10]  }
0x94: {  	v32 =	vld [tilespmem:s24+$0xFFFFFE20]  }
0x95: {  	v33 =	vld [tilespmem:s24+$0xFFFFFE30];
	_ =	sdelay $0x3  }
0x96: {  	v34 =	vmul.f32 v4, v4;
	v35 =	vmul.f32 v5, v5  }
0x97: {  	v36 =	vmul.f32 v32, v32;
	v37 =	vmul.f32 v33, v33;
	_ =	sdelay $0x1  }
0x98: {  	v8 =	vadd.f32 v35, v34;
	v38 =	vadd.f32 v37, v36;
	_ =	sdelay $0x1  }
0x99: {  	v8 =	vadd.f32 v38, v8;
	_ =	sdelay $0x1  }
0x9a: {  	v9 =	vperm.xlane v8, v0;
	_ =	sdelay $0x1  }
0x9b: {  	v8 =	vadd.f32 v8, v9;
	_ =	sdelay $0x1  }
0x9c: {  	v9 =	vperm.xlane v8, v1;
	_ =	sdelay $0x1  }
0x9d: {  	v8 =	vadd.f32 v8, v9;
	_ =	sdelay $0x1  }
0x9e: {  	v9 =	vperm.xlane v8, v2;
	_ =	sdelay $0x1  }
0x9f: {  	v8 =	vadd.f32 v8, v9;
	_ =	sdelay $0x1  }
0xa0: {  	v9 =	vperm.xlane v8, v3;
	_ =	sdelay $0x1  }
0xa1: {  	v8 =	vadd.f32 v8, v9;
	_ =	sdelay $0x1  }
0xa2: {  	v8 =	vsub.f32 $1.000010010e+00, v8;
	_ =	sdelay $0x1  }
0xa3: {  	(erf) = vrcp.f32 v8;
	_ =	sdelay $0x8  }
0xa4: {  	v8 =	vpop (erf)  }
0xa5: {  	v8 =	vadd.f32 v8, v8;
	_ =	sdelay $0x1  }
0xa6: {  	v4 =	vmul.f32 v8, v4  }
0xa7: {  	v5 =	vmul.f32 v8, v5  }
0xa8: {  	[tilespmem:s25+$0xFFFFFE00] =	vst v4;
	v4 =	vmul.f32 v8, v32  }
0xa9: {  	[tilespmem:s25+$0xFFFFFE10] =	vst v5;
	v5 =	vmul.f32 v8, v33  }
0xaa: {  	[tilespmem:s25+$0xFFFFFE20] =	vst v4  }
0xab: {  	[tilespmem:s25+$0xFFFFFE30] =	vst v5  }
0xac: {  	v4 =	vld [tilespmem:s24+$0xFFFFFE80]  }
0xad: {  	v5 =	vld [tilespmem:s24+$0xFFFFFE90]  }
0xae: {  	v39 =	vld [tilespmem:s24+$0xFFFFFEA0]  }
0xaf: {  	v40 =	vld [tilespmem:s24+$0xFFFFFEB0];
	_ =	sdelay $0x3  }
0xb0: {  	v41 =	vmul.f32 v4, v4;
	v42 =	vmul.f32 v5, v5  }
0xb1: {  	v43 =	vmul.f32 v39, v39;
	v44 =	vmul.f32 v40, v40;
	_ =	sdelay $0x1  }
0xb2: {  	v8 =	vadd.f32 v42, v41;
	v45 =	vadd.f32 v44, v43;
	_ =	sdelay $0x1  }
0xb3: {  	v8 =	vadd.f32 v45, v8;
	_ =	sdelay $0x1  }
0xb4: {  	v9 =	vperm.xlane v8, v0;
	_ =	sdelay $0x1  }
0xb5: {  	v8 =	vadd.f32 v8, v9;
	_ =	sdelay $0x1  }
0xb6: {  	v9 =	vperm.xlane v8, v1;
	_ =	sdelay $0x1  }
0xb7: {  	v8 =	vadd.f32 v8, v9;
	_ =	sdelay $0x1  }
0xb8: {  	v9 =	vperm.xlane v8, v2;
	_ =	sdelay $0x1  }
0xb9: {  	v8 =	vadd.f32 v8, v9;
	_ =	sdelay $0x1  }
0xba: {  	v9 =	vperm.xlane v8, v3;
	_ =	sdelay $0x1  }
0xbb: {  	v8 =	vadd.f32 v8, v9;
	_ =	sdelay $0x1  }
0xbc: {  	v8 =	vsub.f32 $1.000010010e+00, v8;
	_ =	sdelay $0x1  }
0xbd: {  	(erf) = vrcp.f32 v8;
	_ =	sdelay $0x8  }
0xbe: {  	v8 =	vpop (erf)  }
0xbf: {  	v8 =	vadd.f32 v8, v8;
	_ =	sdelay $0x1  }
0xc0: {  	v4 =	vmul.f32 v8, v4  }
0xc1: {  	v5 =	vmul.f32 v8, v5  }
0xc2: {  	[tilespmem:s25+$0xFFFFFE80] =	vst v4;
	v4 =	vmul.f32 v8, v39  }
0xc3: {  	[tilespmem:s25+$0xFFFFFE90] =	vst v5;
	v5 =	vmul.f32 v8, v40  }
0xc4: {  	[tilespmem:s25+$0xFFFFFEA0] =	vst v4  }
0xc5: {  	[tilespmem:s25+$0xFFFFFEB0] =	vst v5  }
0xc6: {  	v4 =	vld [tilespmem:s24+$0xFFFFFF00]  }
0xc7: {  	v5 =	vld [tilespmem:s24+$0xFFFFFF10]  }
0xc8: {  	v46 =	vld [tilespmem:s24+$0xFFFFFF20]  }
0xc9: {  	v47 =	vld [tilespmem:s24+$0xFFFFFF30];
	_ =	sdelay $0x3  }
0xca: {  	v48 =	vmul.f32 v4, v4;
	v49 =	vmul.f32 v5, v5  }
0xcb: {  	v50 =	vmul.f32 v46, v46;
	v51 =	vmul.f32 v47, v47;
	_ =	sdelay $0x1  }
0xcc: {  	v8 =	vadd.f32 v49, v48;
	v52 =	vadd.f32 v51, v50;
	_ =	sdelay $0x1  }
0xcd: {  	v8 =	vadd.f32 v52, v8;
	_ =	sdelay $0x1  }
0xce: {  	v9 =	vperm.xlane v8, v0;
	_ =	sdelay $0x1  }
0xcf: {  	v8 =	vadd.f32 v8, v9;
	_ =	sdelay $0x1  }
0xd0: {  	v9 =	vperm.xlane v8, v1;
	_ =	sdelay $0x1  }
0xd1: {  	v8 =	vadd.f32 v8, v9;
	_ =	sdelay $0x1  }
0xd2: {  	v9 =	vperm.xlane v8, v2;
	_ =	sdelay $0x1  }
0xd3: {  	v8 =	vadd.f32 v8, v9;
	_ =	sdelay $0x1  }
0xd4: {  	v9 =	vperm.xlane v8, v3;
	_ =	sdelay $0x1  }
0xd5: {  	v8 =	vadd.f32 v8, v9;
	_ =	sdelay $0x1  }
0xd6: {  	v8 =	vsub.f32 $1.000010010e+00, v8;
	_ =	sdelay $0x1  }
0xd7: {  	(erf) = vrcp.f32 v8;
	_ =	sdelay $0x8  }
0xd8: {  	v8 =	vpop (erf)  }
0xd9: {  	v8 =	vadd.f32 v8, v8;
	_ =	sdelay $0x1  }
0xda: {  	v4 =	vmul.f32 v8, v4  }
0xdb: {  	v5 =	vmul.f32 v8, v5  }
0xdc: {  	[tilespmem:s25+$0xFFFFFF00] =	vst v4;
	v4 =	vmul.f32 v8, v46  }
0xdd: {  	[tilespmem:s25+$0xFFFFFF10] =	vst v5;
	v5 =	vmul.f32 v8, v47  }
0xde: {  	[tilespmem:s25+$0xFFFFFF20] =	vst v4  }
0xdf: {  	[tilespmem:s25+$0xFFFFFF30] =	vst v5  }
0xe0: {  	v4 =	vld [tilespmem:s24+$0xFFFFFF80]  }
0xe1: {  	v5 =	vld [tilespmem:s24+$0xFFFFFF90]  }
0xe2: {  	v53 =	vld [tilespmem:s24+$0xFFFFFFA0]  }
0xe3: {  	v54 =	vld [tilespmem:s24+$0xFFFFFFB0];
	_ =	sdelay $0x3  }
0xe4: {  	v55 =	vmul.f32 v4, v4;
	v56 =	vmul.f32 v5, v5  }
0xe5: {  	v57 =	vmul.f32 v53, v53;
	v58 =	vmul.f32 v54, v54;
	_ =	sdelay $0x1  }
0xe6: {  	v8 =	vadd.f32 v56, v55;
	v59 =	vadd.f32 v58, v57;
	_ =	sdelay $0x1  }
0xe7: {  	v8 =	vadd.f32 v59, v8;
	_ =	sdelay $0x1  }
0xe8: {  	v9 =	vperm.xlane v8, v0;
	_ =	sdelay $0x1  }
0xe9: {  	v8 =	vadd.f32 v8, v9;
	_ =	sdelay $0x1  }
0xea: {  	v9 =	vperm.xlane v8, v1;
	_ =	sdelay $0x1  }
0xeb: {  	v8 =	vadd.f32 v8, v9;
	_ =	sdelay $0x1  }
0xec: {  	v9 =	vperm.xlane v8, v2;
	_ =	sdelay $0x1  }
0xed: {  	v8 =	vadd.f32 v8, v9;
	_ =	sdelay $0x1  }
0xee: {  	v9 =	vperm.xlane v8, v3;
	_ =	sdelay $0x1  }
0xef: {  	v8 =	vadd.f32 v8, v9;
	_ =	sdelay $0x1  }
0xf0: {  	v8 =	vsub.f32 $1.000010010e+00, v8;
	_ =	sdelay $0x1  }
0xf1: {  	(erf) = vrcp.f32 v8;
	_ =	sdelay $0x8  }
0xf2: {  	v8 =	vpop (erf)  }
0xf3: {  	v8 =	vadd.f32 v8, v8;
	_ =	sdelay $0x1  }
0xf4: {  	v4 =	vmul.f32 v8, v4  }
0xf5: {  	v5 =	vmul.f32 v8, v5  }
0xf6: {  	[tilespmem:s25+$0xFFFFFF80] =	vst v4;
	v4 =	vmul.f32 v8, v53  }
0xf7: {  	[tilespmem:s25+$0xFFFFFF90] =	vst v5;
	v5 =	vmul.f32 v8, v54  }
0xf8: {  	[tilespmem:s25+$0xFFFFFFA0] =	vst v4  }
0xf9: {  	[tilespmem:s25+$0xFFFFFFB0] =	vst v5  }
0xfa: {  	v4 =	vld [tilespmem:s24+$0x0]  }
0xfb: {  	v5 =	vld [tilespmem:s24+$0x10]  }
0xfc: {  	v60 =	vld [tilespmem:s24+$0x20]  }
0xfd: {  	v61 =	vld [tilespmem:s24+$0x30];
	_ =	sdelay $0x3  }
0xfe: {  	v62 =	vmul.f32 v4, v4;
	v63 =	vmul.f32 v5, v5  }
0xff: {  	v12 =	vmul.f32 v60, v60;
	v13 =	vmul.f32 v61, v61;
	_ =	sdelay $0x1  }
0x100: {  	v8 =	vadd.f32 v63, v62;
	v14 =	vadd.f32 v13, v12;
	_ =	sdelay $0x1  }
0x101: {  	v8 =	vadd.f32 v14, v8;
	_ =	sdelay $0x1  }
0x102: {  	v9 =	vperm.xlane v8, v0;
	_ =	sdelay $0x1  }
0x103: {  	v8 =	vadd.f32 v8, v9;
	_ =	sdelay $0x1  }
0x104: {  	v9 =	vperm.xlane v8, v1;
	_ =	sdelay $0x1  }
0x105: {  	v8 =	vadd.f32 v8, v9;
	_ =	sdelay $0x1  }
0x106: {  	v9 =	vperm.xlane v8, v2;
	_ =	sdelay $0x1  }
0x107: {  	v8 =	vadd.f32 v8, v9;
	_ =	sdelay $0x1  }
0x108: {  	v9 =	vperm.xlane v8, v3;
	_ =	sdelay $0x1  }
0x109: {  	v8 =	vadd.f32 v8, v9;
	_ =	sdelay $0x1  }
0x10a: {  	v8 =	vsub.f32 $1.000010010e+00, v8;
	_ =	sdelay $0x1  }
0x10b: {  	(erf) = vrcp.f32 v8;
	_ =	sdelay $0x8  }
0x10c: {  	v8 =	vpop (erf)  }
0x10d: {  	v8 =	vadd.f32 v8, v8;
	_ =	sdelay $0x1  }
0x10e: {  	v4 =	vmul.f32 v8, v4  }
0x10f: {  	v5 =	vmul.f32 v8, v5  }
0x110: {  	[tilespmem:s25+$0x0] =	vst v4;
	v4 =	vmul.f32 v8, v60  }
0x111: {  	[tilespmem:s25+$0x10] =	vst v5;
	v5 =	vmul.f32 v8, v61  }
0x112: {  	[tilespmem:s25+$0x20] =	vst v4  }
0x113: {  	[tilespmem:s25+$0x30] =	vst v5  }
0x114: {  	v4 =	vld [tilespmem:s24+$0x80]  }
0x115: {  	v5 =	vld [tilespmem:s24+$0x90]  }
0x116: {  	v15 =	vld [tilespmem:s24+$0xA0]  }
0x117: {  	v16 =	vld [tilespmem:s24+$0xB0];
	_ =	sdelay $0x3  }
0x118: {  	v17 =	vmul.f32 v4, v4;
	v18 =	vmul.f32 v5, v5  }
0x119: {  	v19 =	vmul.f32 v15, v15;
	v20 =	vmul.f32 v16, v16;
	_ =	sdelay $0x1  }
0x11a: {  	v8 =	vadd.f32 v18, v17;
	v21 =	vadd.f32 v20, v19;
	_ =	sdelay $0x1  }
0x11b: {  	v8 =	vadd.f32 v21, v8;
	_ =	sdelay $0x1  }
0x11c: {  	v9 =	vperm.xlane v8, v0;
	_ =	sdelay $0x1  }
0x11d: {  	v8 =	vadd.f32 v8, v9;
	_ =	sdelay $0x1  }
0x11e: {  	v9 =	vperm.xlane v8, v1;
	_ =	sdelay $0x1  }
0x11f: {  	v8 =	vadd.f32 v8, v9;
	_ =	sdelay $0x1  }
0x120: {  	v9 =	vperm.xlane v8, v2;
	_ =	sdelay $0x1  }
0x121: {  	v8 =	vadd.f32 v8, v9;
	_ =	sdelay $0x1  }
0x122: {  	v9 =	vperm.xlane v8, v3;
	_ =	sdelay $0x1  }
0x123: {  	v8 =	vadd.f32 v8, v9;
	_ =	sdelay $0x1  }
0x124: {  	v8 =	vsub.f32 $1.000010010e+00, v8;
	_ =	sdelay $0x1  }
0x125: {  	(erf) = vrcp.f32 v8;
	_ =	sdelay $0x8  }
0x126: {  	v8 =	vpop (erf)  }
0x127: {  	v8 =	vadd.f32 v8, v8;
	_ =	sdelay $0x1  }
0x128: {  	v4 =	vmul.f32 v8, v4  }
0x129: {  	v5 =	vmul.f32 v8, v5  }
0x12a: {  	[tilespmem:s25+$0x80] =	vst v4;
	v4 =	vmul.f32 v8, v15  }
0x12b: {  	[tilespmem:s25+$0x90] =	vst v5;
	v5 =	vmul.f32 v8, v16  }
0x12c: {  	[tilespmem:s25+$0xA0] =	vst v4  }
0x12d: {  	[tilespmem:s25+$0xB0] =	vst v5  }
0x12e: {  	v4 =	vld [tilespmem:s24+$0x100]  }
0x12f: {  	v5 =	vld [tilespmem:s24+$0x110]  }
0x130: {  	v22 =	vld [tilespmem:s24+$0x120]  }
0x131: {  	v23 =	vld [tilespmem:s24+$0x130];
	_ =	sdelay $0x3  }
0x132: {  	v24 =	vmul.f32 v4, v4;
	v25 =	vmul.f32 v5, v5  }
0x133: {  	v26 =	vmul.f32 v22, v22;
	v27 =	vmul.f32 v23, v23;
	_ =	sdelay $0x1  }
0x134: {  	v8 =	vadd.f32 v25, v24;
	v28 =	vadd.f32 v27, v26;
	_ =	sdelay $0x1  }
0x135: {  	v8 =	vadd.f32 v28, v8;
	_ =	sdelay $0x1  }
0x136: {  	v9 =	vperm.xlane v8, v0;
	_ =	sdelay $0x1  }
0x137: {  	v8 =	vadd.f32 v8, v9;
	_ =	sdelay $0x1  }
0x138: {  	v9 =	vperm.xlane v8, v1;
	_ =	sdelay $0x1  }
0x139: {  	v8 =	vadd.f32 v8, v9;
	_ =	sdelay $0x1  }
0x13a: {  	v9 =	vperm.xlane v8, v2;
	_ =	sdelay $0x1  }
0x13b: {  	v8 =	vadd.f32 v8, v9;
	_ =	sdelay $0x1  }
0x13c: {  	v9 =	vperm.xlane v8, v3;
	_ =	sdelay $0x1  }
0x13d: {  	v8 =	vadd.f32 v8, v9;
	_ =	sdelay $0x1  }
0x13e: {  	v8 =	vsub.f32 $1.000010010e+00, v8;
	_ =	sdelay $0x1  }
0x13f: {  	(erf) = vrcp.f32 v8;
	_ =	sdelay $0x8  }
0x140: {  	v8 =	vpop (erf)  }
0x141: {  	v8 =	vadd.f32 v8, v8;
	_ =	sdelay $0x1  }
0x142: {  	v4 =	vmul.f32 v8, v4  }
0x143: {  	v5 =	vmul.f32 v8, v5  }
0x144: {  	[tilespmem:s25+$0x100] =	vst v4;
	v4 =	vmul.f32 v8, v22  }
0x145: {  	[tilespmem:s25+$0x110] =	vst v5;
	v5 =	vmul.f32 v8, v23  }
0x146: {  	[tilespmem:s25+$0x120] =	vst v4  }
0x147: {  	[tilespmem:s25+$0x130] =	vst v5  }
0x148: {  	v4 =	vld [tilespmem:s24+$0x180]  }
0x149: {  	v5 =	vld [tilespmem:s24+$0x190]  }
0x14a: {  	v29 =	vld [tilespmem:s24+$0x1A0]  }
0x14b: {  	v30 =	vld [tilespmem:s24+$0x1B0];
	_ =	sdelay $0x3  }
0x14c: {  	v31 =	vmul.f32 v4, v4;
	v32 =	vmul.f32 v5, v5  }
0x14d: {  	v33 =	vmul.f32 v29, v29;
	v34 =	vmul.f32 v30, v30;
	_ =	sdelay $0x1  }
0x14e: {  	v8 =	vadd.f32 v32, v31;
	v35 =	vadd.f32 v34, v33;
	_ =	sdelay $0x1  }
0x14f: {  	v8 =	vadd.f32 v35, v8;
	_ =	sdelay $0x1  }
0x150: {  	v9 =	vperm.xlane v8, v0;
	_ =	sdelay $0x1  }
0x151: {  	v8 =	vadd.f32 v8, v9;
	_ =	sdelay $0x1  }
0x152: {  	v9 =	vperm.xlane v8, v1;
	_ =	sdelay $0x1  }
0x153: {  	v8 =	vadd.f32 v8, v9;
	_ =	sdelay $0x1  }
0x154: {  	v9 =	vperm.xlane v8, v2;
	_ =	sdelay $0x1  }
0x155: {  	v8 =	vadd.f32 v8, v9;
	_ =	sdelay $0x1  }
0x156: {  	v9 =	vperm.xlane v8, v3;
	_ =	sdelay $0x1  }
0x157: {  	v8 =	vadd.f32 v8, v9;
	_ =	sdelay $0x1  }
0x158: {  	v8 =	vsub.f32 $1.000010010e+00, v8;
	_ =	sdelay $0x1  }
0x159: {  	(erf) = vrcp.f32 v8;
	_ =	sdelay $0x8  }
0x15a: {  	v8 =	vpop (erf)  }
0x15b: {  	v8 =	vadd.f32 v8, v8;
	_ =	sdelay $0x1  }
0x15c: {  	v4 =	vmul.f32 v8, v4  }
0x15d: {  	v5 =	vmul.f32 v8, v5  }
0x15e: {  	[tilespmem:s25+$0x180] =	vst v4;
	v4 =	vmul.f32 v8, v29  }
0x15f: {  	[tilespmem:s25+$0x190] =	vst v5;
	v5 =	vmul.f32 v8, v30  }
0x160: {  	[tilespmem:s25+$0x1A0] =	vst v4  }
0x161: {  	[tilespmem:s25+$0x1B0] =	vst v5  }
0x162: {  	v4 =	vld [tilespmem:s24+$0x200]  }
0x163: {  	v5 =	vld [tilespmem:s24+$0x210]  }
0x164: {  	v36 =	vld [tilespmem:s24+$0x220]  }
0x165: {  	v37 =	vld [tilespmem:s24+$0x230];
	_ =	sdelay $0x3  }
0x166: {  	v38 =	vmul.f32 v4, v4;
	v39 =	vmul.f32 v5, v5  }
0x167: {  	v40 =	vmul.f32 v36, v36;
	v41 =	vmul.f32 v37, v37;
	_ =	sdelay $0x1  }
0x168: {  	v8 =	vadd.f32 v39, v38;
	v42 =	vadd.f32 v41, v40;
	_ =	sdelay $0x1  }
0x169: {  	v8 =	vadd.f32 v42, v8;
	_ =	sdelay $0x1  }
0x16a: {  	v9 =	vperm.xlane v8, v0;
	_ =	sdelay $0x1  }
0x16b: {  	v8 =	vadd.f32 v8, v9;
	_ =	sdelay $0x1  }
0x16c: {  	v9 =	vperm.xlane v8, v1;
	_ =	sdelay $0x1  }
0x16d: {  	v8 =	vadd.f32 v8, v9;
	_ =	sdelay $0x1  }
0x16e: {  	v9 =	vperm.xlane v8, v2;
	_ =	sdelay $0x1  }
0x16f: {  	v8 =	vadd.f32 v8, v9;
	_ =	sdelay $0x1  }
0x170: {  	v9 =	vperm.xlane v8, v3;
	_ =	sdelay $0x1  }
0x171: {  	v8 =	vadd.f32 v8, v9;
	_ =	sdelay $0x1  }
0x172: {  	v8 =	vsub.f32 $1.000010010e+00, v8;
	_ =	sdelay $0x1  }
0x173: {  	(erf) = vrcp.f32 v8;
	_ =	sdelay $0x8  }
0x174: {  	v8 =	vpop (erf)  }
0x175: {  	v8 =	vadd.f32 v8, v8;
	_ =	sdelay $0x1  }
0x176: {  	v4 =	vmul.f32 v8, v4  }
0x177: {  	v5 =	vmul.f32 v8, v5  }
0x178: {  	[tilespmem:s25+$0x200] =	vst v4;
	v4 =	vmul.f32 v8, v36  }
0x179: {  	[tilespmem:s25+$0x210] =	vst v5;
	v5 =	vmul.f32 v8, v37  }
0x17a: {  	[tilespmem:s25+$0x220] =	vst v4  }
0x17b: {  	[tilespmem:s25+$0x230] =	vst v5  }
0x17c: {  	v4 =	vld [tilespmem:s24+$0x280]  }
0x17d: {  	v5 =	vld [tilespmem:s24+$0x290]  }
0x17e: {  	v43 =	vld [tilespmem:s24+$0x2A0]  }
0x17f: {  	v44 =	vld [tilespmem:s24+$0x2B0];
	_ =	sdelay $0x3  }
0x180: {  	v45 =	vmul.f32 v4, v4;
	v46 =	vmul.f32 v5, v5  }
0x181: {  	v47 =	vmul.f32 v43, v43;
	v48 =	vmul.f32 v44, v44;
	_ =	sdelay $0x1  }
0x182: {  	v8 =	vadd.f32 v46, v45;
	v49 =	vadd.f32 v48, v47;
	_ =	sdelay $0x1  }
0x183: {  	v8 =	vadd.f32 v49, v8;
	_ =	sdelay $0x1  }
0x184: {  	v9 =	vperm.xlane v8, v0;
	_ =	sdelay $0x1  }
0x185: {  	v8 =	vadd.f32 v8, v9;
	_ =	sdelay $0x1  }
0x186: {  	v9 =	vperm.xlane v8, v1;
	_ =	sdelay $0x1  }
0x187: {  	v8 =	vadd.f32 v8, v9;
	_ =	sdelay $0x1  }
0x188: {  	v9 =	vperm.xlane v8, v2;
	_ =	sdelay $0x1  }
0x189: {  	v8 =	vadd.f32 v8, v9;
	_ =	sdelay $0x1  }
0x18a: {  	v9 =	vperm.xlane v8, v3;
	_ =	sdelay $0x1  }
0x18b: {  	v8 =	vadd.f32 v8, v9;
	_ =	sdelay $0x1  }
0x18c: {  	v8 =	vsub.f32 $1.000010010e+00, v8;
	_ =	sdelay $0x1  }
0x18d: {  	(erf) = vrcp.f32 v8;
	_ =	sdelay $0x8  }
0x18e: {  	v8 =	vpop (erf)  }
0x18f: {  	v8 =	vadd.f32 v8, v8;
	_ =	sdelay $0x1  }
0x190: {  	v4 =	vmul.f32 v8, v4  }
0x191: {  	v5 =	vmul.f32 v8, v5  }
0x192: {  	[tilespmem:s25+$0x280] =	vst v4;
	v4 =	vmul.f32 v8, v43  }
0x193: {  	[tilespmem:s25+$0x290] =	vst v5;
	v5 =	vmul.f32 v8, v44  }
0x194: {  	[tilespmem:s25+$0x2A0] =	vst v4  }
0x195: {  	[tilespmem:s25+$0x2B0] =	vst v5  }
0x196: {  	v4 =	vld [tilespmem:s24+$0x300]  }
0x197: {  	v5 =	vld [tilespmem:s24+$0x310]  }
0x198: {  	v50 =	vld [tilespmem:s24+$0x320]  }
0x199: {  	v51 =	vld [tilespmem:s24+$0x330];
	_ =	sdelay $0x3  }
0x19a: {  	v52 =	vmul.f32 v4, v4;
	v53 =	vmul.f32 v5, v5  }
0x19b: {  	v54 =	vmul.f32 v50, v50;
	v55 =	vmul.f32 v51, v51;
	_ =	sdelay $0x1  }
0x19c: {  	v8 =	vadd.f32 v53, v52;
	v56 =	vadd.f32 v55, v54;
	_ =	sdelay $0x1  }
0x19d: {  	v8 =	vadd.f32 v56, v8;
	_ =	sdelay $0x1  }
0x19e: {  	v9 =	vperm.xlane v8, v0;
	_ =	sdelay $0x1  }
0x19f: {  	v8 =	vadd.f32 v8, v9;
	_ =	sdelay $0x1  }
0x1a0: {  	v9 =	vperm.xlane v8, v1;
	_ =	sdelay $0x1  }
0x1a1: {  	v8 =	vadd.f32 v8, v9;
	_ =	sdelay $0x1  }
0x1a2: {  	v9 =	vperm.xlane v8, v2;
	_ =	sdelay $0x1  }
0x1a3: {  	v8 =	vadd.f32 v8, v9;
	_ =	sdelay $0x1  }
0x1a4: {  	v9 =	vperm.xlane v8, v3;
	_ =	sdelay $0x1  }
0x1a5: {  	v8 =	vadd.f32 v8, v9;
	_ =	sdelay $0x1  }
0x1a6: {  	v8 =	vsub.f32 $1.000010010e+00, v8;
	_ =	sdelay $0x1  }
0x1a7: {  	(erf) = vrcp.f32 v8;
	_ =	sdelay $0x8  }
0x1a8: {  	v8 =	vpop (erf)  }
0x1a9: {  	v8 =	vadd.f32 v8, v8;
	_ =	sdelay $0x1  }
0x1aa: {  	v4 =	vmul.f32 v8, v4  }
0x1ab: {  	v5 =	vmul.f32 v8, v5  }
0x1ac: {  	[tilespmem:s25+$0x300] =	vst v4;
	v4 =	vmul.f32 v8, v50  }
0x1ad: {  	[tilespmem:s25+$0x310] =	vst v5;
	v5 =	vmul.f32 v8, v51  }
0x1ae: {  	[tilespmem:s25+$0x320] =	vst v4  }
0x1af: {  	[tilespmem:s25+$0x330] =	vst v5  }
0x1b0: {  	v4 =	vld [tilespmem:s24+$0x380]  }
0x1b1: {  	v5 =	vld [tilespmem:s24+$0x390]  }
0x1b2: {  	v57 =	vld [tilespmem:s24+$0x3A0]  }
0x1b3: {  	v58 =	vld [tilespmem:s24+$0x3B0];
	_ =	sdelay $0x3  }
0x1b4: {  	v59 =	vmul.f32 v4, v4;
	v60 =	vmul.f32 v5, v5  }
0x1b5: {  	v61 =	vmul.f32 v57, v57;
	v62 =	vmul.f32 v58, v58;
	_ =	sdelay $0x1  }
0x1b6: {  	v8 =	vadd.f32 v60, v59;
	v63 =	vadd.f32 v62, v61;
	_ =	sdelay $0x1  }
0x1b7: {  	v8 =	vadd.f32 v63, v8;
	_ =	sdelay $0x1  }
0x1b8: {  	v9 =	vperm.xlane v8, v0;
	_ =	sdelay $0x1  }
0x1b9: {  	v8 =	vadd.f32 v8, v9;
	_ =	sdelay $0x1  }
0x1ba: {  	v9 =	vperm.xlane v8, v1;
	_ =	sdelay $0x1  }
0x1bb: {  	v8 =	vadd.f32 v8, v9;
	_ =	sdelay $0x1  }
0x1bc: {  	v9 =	vperm.xlane v8, v2;
	_ =	sdelay $0x1  }
0x1bd: {  	v8 =	vadd.f32 v8, v9;
	_ =	sdelay $0x1  }
0x1be: {  	v9 =	vperm.xlane v8, v3;
	_ =	sdelay $0x1  }
0x1bf: {  	v8 =	vadd.f32 v8, v9;
	_ =	sdelay $0x1  }
0x1c0: {  	v8 =	vsub.f32 $1.000010010e+00, v8;
	_ =	sdelay $0x1  }
0x1c1: {  	(erf) = vrcp.f32 v8;
	_ =	sdelay $0x8  }
0x1c2: {  	v8 =	vpop (erf)  }
0x1c3: {  	v8 =	vadd.f32 v8, v8  }
0x1c4: {  	s26 =	sadd.s32 $0x10, s26  }
0x1c5: {  	p1 =	slt.u32 s26, $0x70;
	v4 =	vmul.f32 v8, v4  }
.Ltmp0:
0x1c6: {  	v5 =	vmul.f32 v8, v5;
	(pc) =	sbr.rel @p1 .LBB2_3-.Ltmp0, $4  }
0x1c7: {  	[tilespmem:s25+$0x380] =	vst v4;
	v4 =	vmul.f32 v8, v57  }
0x1c8: {  	[tilespmem:s25+$0x390] =	vst v5;
	v5 =	vmul.f32 v8, v58  }
0x1c9: {  	[tilespmem:s25+$0x3A0] =	vst v4  }
0x1ca: {  	s24 =	sadd.s32 $0x800, s24;
	[tilespmem:s25+$0x3B0] =	vst v5;
	s25 =	sadd.s32 $0x800, s25  }
0x1cb: {  	p1 =	slt.u32 s21, $0x2  }
0x1cc: {  	s24 =	simm.s32 @!p1 $0x3  }
0x1cd: {  	_ =	swait.ge @!p1 [sflag:s24], $0x4000  }
0x1ce: {  	s21 =	sadd.s32 $0x1, s21;
	[sflag:s24] =	ssyncset.done @!p1 $0x0  }
0x1cf: {  	[sflag:s24] =	ssyncadd.s32 @!p1 $0xFFFFC000;
	p1 =	sne.s32 s21, $0xC8  }
.Ltmp1:
0x1d0: {  	_ = 	snop;
	(pc) =	sbr.rel @p1 .LBB2_2-.Ltmp1, $4  }
0x1d1: {  	s22 =	sadd.s32 s10, s22  }
0x1d2: {  	s22 =	sshrl.u32 s22, $0x3  }
0x1d3: {  	s20 =	sadd.s32 $0x1, s20;
	p0 =	por !p0, !p0;
	s22 =	sadd.s32 s6, s22  }
0x1d4: {  	[hbm4b:s22+s2] =	stream.linear.scatter [tilespmem:s23], [sflag:$0x3], $0x4000, $0x38;
	[tilespmem:$0x18200] =	vst v63  }
0x1d5: {  	s19 =	sadd.s32 $0x1, s19  }
0x1d6: {  	_ =	swait.ge [sflag:s18], $0x4000;
	p0 =	sne.s32 s19, s11  }
.Ltmp2:
0x1d7: {  	[sflag:s18] =	ssyncset.done $0x0;
	(pc) =	sbr.rel @p0 .LBB2_1-.Ltmp2, $4  }
0x1d8: {  	[sflag:s18] =	ssyncadd.s32 $0xFFFFC000  }
0x1d9: {  	_ =	swait.ge [sflag:s18], $0x4000  }
0x1da: {  	[sflag:s18] =	ssyncset.done $0x0  }
0x1db: {  	[sflag:s18] =	ssyncadd.s32 $0xFFFFC000  }
0x1dc: {  	_ =	sfence.sel $0x180000  }
0x1dd: {  	[bflag:$0x0] =	sbarrier.arrive $0xFFFF  }
0x1de: {  	p0 =	sne.s32 s0, $0x0;
	_ =	strace $0x9000004A  }
0x1df: {  	s0 =	sadd.s32 @!p0 $0x100000, s3;
	[bflag:$0x2] =	sbarrier.arrive $0xFFFF  }
0x1e0: {  	[sflag:s0] =	ssyncadd.tile.s32 @!p0 $0x1;
	_ =	shalt  }
.Lfunc_end2:
_tile_overlayer_lowered:
.L_overlay_start_2:
0x1e1: {  	(tag) =	ssettag $0x2  }
0x1e2: {  	s0 =	rddreg [dreg:$0x0];
	s2 =	stileid.u32  }
0x1e3: {  	s1 =	rddreg [dreg:$0x1];
	p0 =	sne.s32 s2, $0x0  }
0x1e4: {  	s3 =	rddreg [dreg:$0x2];
	[bflag:$0x3] =	sbarrier.arrive $0xFFFF;
	s2 =	simm.s32 @!p0 $0x1C04  }
0x1e5: {  	[timem:s3], [sflag:s2] =	dma.local @!p0 [hbm:s0], s1  }
0x1e6: {  	s0 =	simm.s32 @!p0 $0x4  }
0x1e7: {  	_ =	swait.ge @!p0 [sflag:s0], s1  }
0x1e8: {  	s1 =	ssub.s32 @!p0 $0x0, s1;
	[sflag:s0] =	ssyncset.done @!p0 $0x0  }
0x1e9: {  	[sflag:s0] =	ssyncadd.s32 @!p0 s1  }
0x1ea: {  	[bflag:$0x3] =	sbarrier.arrive $0xFFFF  }
0x1eb: {  	_ =	shalt  }

// kernel: sparse-core-data-format-call.cloned.1.call-start
scs
called_computation_lowered:
.L_overlay_start_0:
0x0: {  	s2 =	sld [smem:$0x3FD9]  }
0x1: {  	s3 =	sld [smem:$0x3FFE];
	_ =	sdelay $0x1  }
0x2: {  	s1 =	srdreg.scid  }
0x3: {  	s0 =	sand.u32 $0x1, s1  }
0x4: {  	s18 =	sshll.u32 s0, $0xA;
	s2 =	sadd.s32 s3, s2  }
0x5: {  	s2 =	sadd.s32 s2, s18  }
0x6: {  	[smem:$0x3FC6] =	sst s2  }
0x7: {  	_ = 	snop  }
0x8: {  	s2 =	sld [smem:$0x3FD0];
	(tm) =	ssettm $0x1  }
0x9: {  	s19 =	sld [smem:$0x3FFB];
	_ =	sdelay $0x3  }
0xa: {  	_ =	strace s19  }
0xb: {  	s3 =	sld [smem:$0x3FFC];
	_ =	sdelay $0x3  }
0xc: {  	_ =	strace s3  }
0xd: {  	s3 =	sld [smem:$0x3FFD];
	_ =	sdelay $0x3  }
0xe: {  	_ =	strace s3  }
0xf: {  	_ =	strace $0x8FFFFFFF  }
0x10: {  	s20 =	sld [smem:$0x3FDB];
	_ =	sdelay $0x1  }
0x11: {  	s4 =	simm.s32 $_scs_section_size  }
0x12: {  	s5 =	simm.s32 $_size__tile_overlayer_lowered;
	s6 =	simm.s32 $_tile_overlayer_lowered  }
0x13: {  	s23 =	simm.s32 $0x1BFF;
	s22 =	sshll.u32 s6, $0x1;
	s3 =	sadd.s32 s4, s20  }
0x14: {  	s7 =	simm.s32 $0x0;
	s21 =	sshll.u32 s5, $0x1;
	s5 =	sadd.s32 s22, s3  }
0x15: {  	[timem:s7], [sflag:s23] =	dma.local [hbm:s5], s21  }
0x16: {  	_ =	swait.ge [sflag:s23], s21  }
0x17: {  	s4 =	ssub.s32 $0x0, s21;
	[sflag:s23] =	ssyncset.done $0x0  }
0x18: {  	[sflag:s23] =	ssyncadd.s32 s4;
	_ =	sdelay $0x1  }
0x19: {  	s24 =	simm.s32 $0x1B8B  }
0x1a: {  	_ =	swait.ge [sflag:s24], $0x1  }
0x1b: {  	[sflag:s24] =	ssyncset.done $0x0  }
0x1c: {  	s26 =	simm.s32 $0x1B8E;
	s25 =	sld [smem:$0x3FFE];
	[sflag:s24] =	ssyncadd.s32 $0xFFFFFFFF  }
0x1d: {  	s27 =	simm.s32 $execute0_lowered;
	[smem:$0x3FD2] =	sst s26  }
0x1e: {  	s5 =	sshll.u32 s27, $0x1;
	_ =	strace $0x8000004C;
	[dreg:$0x1] =	wrdreg $0xFFFFFFFF  }
0x1f: {  	s28 =	simm.s32 $_size_execute0_lowered;
	s3 =	sadd.s32 s3, s5;
	[dreg:$0x0] =	wrdreg $0x0  }
0x20: {  	s5 =	sshll.u32 s28, $0x1;
	[dreg:$0x2] =	wrdreg s3  }
0x21: {  	[dreg:$0x3] =	wrdreg s5  }
0x22: {  	[dreg:$0x4] =	wrdreg $0xC0  }
0x23: {  	_ =	task [dreg:s7], $0x5FFFF  }
0x24: {  	[dreg:$0x1] =	wrdreg $0xFFFFFFFF  }
0x25: {  	[dreg:$0x0] =	wrdreg $0x60  }
0x26: {  	[dreg:$0x2] =	wrdreg s25  }
0x27: {  	[dreg:$0x3] =	wrdreg s2  }
0x28: {  	[dreg:$0x4] =	wrdreg $0x9  }
0x29: {  	_ =	task.clear_ibuf [dreg:s7], $0x5FFFF;
	_ =	strace $0x9000004C  }
0x2a: {  	s29 =	simm.s32 $0x9;
	_ =	strace $0x8000004E  }
0x2b: {  	_ =	swait.ge [sflag:s29], $0x1  }
0x2c: {  	[sflag:s29] =	ssyncadd.s32 $0xFFFFFFFF  }
0x2d: {  	_ =	strace $0x9000004E  }
0x2e: {  	_ =	sfence  }
0x2f: {  	s30 =	sld [smem:$0x0];
	_ =	sdelay $0x2  }
0x30: {  	s31 =	sshll.u32 s1, $0xD;
	s1 =	sshrl.u32 s1, $0x2  }
0x31: {  	s3 =	sand.u32 $0x4000, s31;
	s1 =	sadd.s32 s1, s30  }
0x32: {  	s0 =	sor.u32 s3, s0;
	s1 =	sshll.u32 s1, $0x11  }
0x33: {  	s0 =	sor.u32 s1, s0  }
0x34: {  	s0 =	sadd.s32 $0x8F2B, s0  }
0x35: {  	[sflag:s0] =	ssyncadd.remote.s32 $0x1  }
0x36: {  	_ =	sfence.sel $0xFFFF  }
0x37: {  	[dreg:$0x0] =	wrdreg $0xFFFFFFFF;
	(pc) =	sbr.abs _section_cstart, $3  }
0x38: {  	[dreg:$0x1] =	wrdreg $0xFFFFFFFF  }
0x39: {  	_ =	task.clear_ibuf [dreg:s7], $0x2FFFF;
	_ =	strace $0x9FFFFFFF  }
0x3a: {  	(tm) =	ssettm $0x7FFFFFFF  }
0x3b: {  	_ =	shalt  }
tec
execute0_lowered:
.L_overlay_start_1:
0x0: {  	(tag) =	ssettag $0x1  }
0x1: {  	s0 =	srdreg.scid  }
0x2: {  	s1 =	sshll.u32 s0, $0x4  }
0x3: {  	s0 =	stileid.u32;
	s1 =	sand.u32 $0x10, s1  }
0x4: {  	s1 =	sor.u32 s0, s1  }
0x5: {  	s6 =	rddreg [dreg:$0x0];
	s4 =	simm.s32 $0x1;
	s2 =	sshll.u32 s1, $0x7  }
0x6: {  	s7 =	simm.s32 $0x2;
	s12 =	simm.s32 $0x0;
	s1 =	ssub.s32 $0x1000, s2  }
0x7: {  	s8 =	simm.s32 $0x8000;
	s13 =	simm.s32 $0x0;
	s3 =	sand.u32 $0xF80, s1  }
0x8: {  	s9 =	simm.s32 $0x0;
	s5 =	sshrl.u32 s1, $0xC;
	p0 =	sne.s32 s3, $0x0  }
.Ltmp0:
0x9: {  	s1 =	rddreg [dreg:$0x2];
	s4 =	simm.s32 @!p0 $0x0;
	(pc) =	sbr.rel .LBB1_1-.Ltmp0, $4  }
0xa: {  	s11 =	simm.s32 $0x0;
	s3 =	rddreg [dreg:$0x1];
	s5 =	sadd.s32 s4, s5  }
0xb: {  	_ =	strace $0x8000004D;
	s4 =	simm.s32 $0x1;
	s5 =	smul.u32 $0xC8, s5  }
0xc: {  	s6 =	sadd.s32 $0xF43600, s6;
	s10 =	smov.u32 s2;
	[sflag:s4] =	ssyncpa.u1 $0x0  }
0xd: {  	p0 =	por $0x0, $0x0;
	[sflag:s7] =	ssyncpa.u1 $0x0;
	s7 =	sor.u32 $0x1, s5  }
.LBB1_4:
0xe: {  	s16 =	sshll.u32 s13, $0x3;
	s17 =	sand.u32 $0x78, s13  }
0xf: {  	s30 =	sand.u32 $0x7E00, s13;
	s12 =	sshll.u32 s12, $0xF;
	s16 =	sand.u32 $0xC00, s16  }
0x10: {  	[tilespmem:s15+$0x810 ss:$0x81] =	vst.msk $0xffff, v2;
	s31 =	sand.u32 $0x7, s13;
	s16 =	sor.u32 s17, s16;
	s17 =	sadd.s32 s3, s30  }
0x11: {  	[tilespmem:s15+$0x1020 ss:$0x81] =	vst.msk $0xffff, v0;
	s13 =	sshll.u32 s31, $0x12;
	s12 =	sadd.s32 s12, s17;
	s16 =	sshrl.u32 s16, $0x3  }
0x12: {  	[tilespmem:s15+$0x0 ss:$0x81] =	vst.msk $0xffff, v1;
	s13 =	sor.u32 $0x400, s13;
	s12 =	sadd.s32 s16, s12  }
0x13: {  	[hbm4b:s12+s13] =	stream.strided.scatter [tilespmem:s14], [sflag:$0x2], $0x2000, s8, s13, $0x20;
	[tilespmem:$0x8080] =	vst v63  }
.LBB1_5:
0x14: {  	s14 =	sadd.s32 $0x1, s9  }
0x15: {  	s12 =	sadd.s32 $0x1000, s10;
	s16 =	smov.u32 s10;
	p2 =	sgt.s32 s14, $0xC7  }
0x16: {  	s16 =	smov.u32 @p2 s12  }
0x17: {  	s14 =	simm.s32 @p2 $0x0;
	p2 =	sgt.s32 s16, $0xFFF  }
0x18: {  	s16 =	smov.u32 @p2 s2;
	p2 =	sne.s32 s11, s7  }
.Ltmp1:
0x19: {  	p1 =	slt.u32 s11, $0x2;
	(pc) =	sbr.rel @!p2 .LBB1_6-.Ltmp1, $4  }
0x1a: {  	s15 =	simm.s32 @!p1 $0x2  }
0x1b: {  	s13 =	smov.u32 s10;
	p0 =	por !p0, !p0;
	_ =	swait.ge @!p1 [sflag:s15], $0x2000  }
0x1c: {  	s12 =	smov.u32 s9;
	[sflag:s15] =	ssyncset.done @!p1 $0x0;
	s9 =	smov.u32 s14  }
0x1d: {  	s11 =	sadd.s32 $0x1, s11;
	[sflag:s15] =	ssyncadd.s32 @!p1 $0xFFFFE000;
	s10 =	smov.u32 s16  }
.LBB1_1:
0x1e: {  	p1 =	sge.u32 s11, s5  }
0x1f: {  	s14 =	sand.u32 @!p1 $0x1FFFFFF, s9  }
0x20: {  	s15 =	smulhi.u32 @!p1 $0x147AE15, s14;
	_ =	sdelay $0x1  }
0x21: {  	s15 =	smul.u32 @!p1 $0xC8, s15  }
0x22: {  	s16 =	sxor.u32 @!p1 $0xFFFFFFFF, s11;
	s17 =	smul.u32 @!p1 $0xC80, s10  }
0x23: {  	s31 =	sadd.s32 $0xFFFFFFFF, s11;
	s16 =	sshll.u32 @!p1 s16, $0xD;
	s14 =	ssub.s32 @!p1 s14, s15  }
0x24: {  	s15 =	sand.u32 @!p1 $0x2000, s16;
	s16 =	sadd.s32 @!p1 s6, s17;
	s14 =	sshll.u32 @!p1 s14, $0x4  }
0x25: {  	s17 =	simm.s32 @!p1 $0x6400;
	s14 =	sadd.s32 @!p1 s14, s16;
	s16 =	simm.s32 @!p1 $0x40  }
0x26: {  	[tilespmem:s15], [sflag:$0x1] =	stream.strided.gather @!p1 [hbm4b:s14+s16], $0x2000, s17, s16, $0x38;
	[tilespmem:$0x8080] =	vst v63  }
0x27: {  	p1 =	sge.u32 s31, s5  }
.Ltmp2:
0x28: {  	_ = 	snop;
	(pc) =	sbr.rel @p1 .LBB1_5-.Ltmp2, $1  }
0x29: {  	_ =	sdelay $0x3  }
0x2a: {  	s14 =	simm.s32 $0x1  }
0x2b: {  	_ =	swait.ge [sflag:s4], $0x2000;
	s14 =	simm.s32 @!p0 $0x0  }
0x2c: {  	[sflag:s4] =	ssyncset.done $0x0;
	s15 =	sshll.u32 s14, $0xD  }
0x2d: {  	[sflag:s4] =	ssyncadd.s32 $0xFFFFE000;
	s18 =	sor.u32 $0x20, s15  }
0x2e: {  	s14 =	smul.u32 $0x8100, s14;
	v3 =	vld [tilespmem:s18+$0x10]  }
0x2f: {  	s30 =	sand.u32 $0x1, s11;
	v2 =	vld [tilespmem:s18+$0xFFFFFFF0]  }
0x30: {  	s15 =	smul.u32 $0x8100, s30;
	s14 =	sshrl.u32 s14, $0x2;
	v0 =	vld [tilespmem:s18+$0x0]  }
0x31: {  	v1 =	vld [tilespmem:s18+$0xFFFFFFE0];
	s16 =	sor.u32 $0x4000, s14  }
0x32: {  	s31 =	sshrl.u32 s15, $0x2;
	s15 =	sadd.s32 $0x0, s16  }
0x33: {  	s17 =	simm.s32 $0x4;
	s18 =	sadd.s32 $0x40, s18;
	s14 =	sor.u32 $0x4000, s31;
	[tilespmem:s15+$0x1830 ss:$0x81] =	vst.msk $0xffff, v3  }
.LBB1_3:
0x34: {  	v3 =	vld [tilespmem:s18+$0x10];
	p1 =	sne.s32 s17, $0x1FC;
	[tilespmem:s15+$0x810 ss:$0x81] =	vst.msk $0xffff, v2;
	s19 =	smov.u32 s17;
	s17 =	sadd.s32 $0x4, s17  }
.Ltmp3:
0x35: {  	v2 =	vld [tilespmem:s18+$0xFFFFFFF0];
	[tilespmem:s15+$0x1020 ss:$0x81] =	vst.msk $0xffff, v0;
	(pc) =	sbr.rel @p1 .LBB1_3-.Ltmp3, $4  }
0x36: {  	v0 =	vld [tilespmem:s18+$0x0];
	[tilespmem:s15+$0x0 ss:$0x81] =	vst.msk $0xffff, v1  }
0x37: {  	s15 =	sshra.s32 s19, $0x2;
	v1 =	vld [tilespmem:s18+$0xFFFFFFE0]  }
0x38: {  	s15 =	sadd.s32 s15, s16  }
0x39: {  	s18 =	sadd.s32 $0x40, s18;
	[tilespmem:s15+$0x1830 ss:$0x81] =	vst.msk $0xffff, v3  }
.Ltmp4:
0x3a: {  	_ = 	snop;
	(pc) =	sbr.rel .LBB1_4-.Ltmp4, $1  }
0x3b: {  	_ =	sdelay $0x3  }
.LBB1_6:
0x3c: {  	_ =	sfence.sel $0x180000  }
0x3d: {  	s2 =	simm.s32 $0x1;
	[bflag:$0x0] =	sbarrier.arrive $0xFFFF  }
0x3e: {  	s31 =	simm.s32 $0x2;
	[sflag:s2] =	ssyncpa.u1 $0x1  }
0x3f: {  	[sflag:s31] =	ssyncpa.u1 $0x1  }
0x40: {  	p0 =	sne.s32 s0, $0x0;
	_ =	strace $0x9000004D  }
0x41: {  	s0 =	sadd.s32 @!p0 $0x100000, s1;
	[bflag:$0x2] =	sbarrier.arrive $0xFFFF  }
0x42: {  	[sflag:s0] =	ssyncadd.tile.s32 @!p0 $0x1;
	_ =	shalt  }
.Lfunc_end1:
_tile_overlayer_lowered:
.L_overlay_start_2:
0x43: {  	(tag) =	ssettag $0x2  }
0x44: {  	s0 =	rddreg [dreg:$0x0];
	s2 =	stileid.u32  }
0x45: {  	s1 =	rddreg [dreg:$0x1];
	p0 =	sne.s32 s2, $0x0  }
0x46: {  	s3 =	rddreg [dreg:$0x2];
	[bflag:$0x3] =	sbarrier.arrive $0xFFFF;
	s2 =	simm.s32 @!p0 $0x1C01  }
0x47: {  	[timem:s3], [sflag:s2] =	dma.local @!p0 [hbm:s0], s1  }
0x48: {  	s0 =	simm.s32 @!p0 $0x1  }
0x49: {  	_ =	swait.ge @!p0 [sflag:s0], s1  }
0x4a: {  	s1 =	ssub.s32 @!p0 $0x0, s1;
	[sflag:s0] =	ssyncset.done @!p0 $0x0  }
0x4b: {  	[sflag:s0] =	ssyncadd.s32 @!p0 s1  }
0x4c: {  	[bflag:$0x3] =	sbarrier.arrive $0xFFFF  }
0x4d: {  	_ =	shalt  }

</sc_bundles>
